<compile_context>
chip_gen: v7x
topology: tpu7x:2x2x1
jax: 0.10.2.dev20260603
libtpu: 0.0.44.dev20260713+nightly
codegen_flags: <defaults>
</compile_context>

<pallas_src>
import functools

import jax
import jax.numpy as jnp
from jax import lax
from jax.experimental import pallas as pl
from jax.experimental.pallas import tpu as pltpu
from jax.experimental.pallas import tpu_sc as plsc

_B = 16384
_D = 128
_GAMMA = 12.0
_NC = 2
_NS = 16
_NW = _NC * _NS
_BPW = _B // _NW
_CH = 128
_CHUNKS = (32, 128, 128, 128, 64, 32)


def _tec_body(hid_hbm, rid_hbm, tid_hbm, ent_hbm, rel_hbm, out_hbm,
              ih_v, ir_v, it_v, h_v, r_v, t_v, part_v, out_v, sem0, sem1):
    wid = lax.axis_index("s") * _NC + lax.axis_index("c")
    base = wid * _BPW

    lane = lax.broadcasted_iota(jnp.int32, (16,), 0)

    cps = (
        pltpu.async_copy(hid_hbm.at[pl.ds(base, _BPW)], ih_v, sem0),
        pltpu.async_copy(rid_hbm.at[pl.ds(base, _BPW)], ir_v, sem0),
        pltpu.async_copy(tid_hbm.at[pl.ds(base, _BPW)], it_v, sem0),
    )
    for cp in cps:
        cp.wait()

    offs = []
    o = 0
    for n in _CHUNKS:
        offs.append(o)
        o += n
    sems = (sem0, sem1)

    def issue(ck):
        b = ck % 2
        n = _CHUNKS[ck]
        cbase = offs[ck]
        sem = sems[b]
        return (
            pltpu.async_copy(ent_hbm.at[ih_v.at[pl.ds(cbase, n)]],
                             h_v.at[b, pl.ds(0, n)], sem),
            pltpu.async_copy(rel_hbm.at[ir_v.at[pl.ds(cbase, n)]],
                             r_v.at[b, pl.ds(0, n)], sem),
            pltpu.async_copy(ent_hbm.at[it_v.at[pl.ds(cbase, n)]],
                             t_v.at[b, pl.ds(0, n)], sem),
        )

    pending = issue(0)
    for ck, n in enumerate(_CHUNKS):
        b = ck % 2
        nxt = issue(ck + 1) if ck + 1 < len(_CHUNKS) else None
        for cp in pending:
            cp.wait()
        pending = nxt

        def row_fn(rr, carry):
            acc = None
            for c in range(_D // 16):
                hv = h_v[b, rr, pl.ds(c * 16, 16)]
                rv = r_v[b, rr, pl.ds(c * 16, 16)]
                tv = t_v[b, rr, pl.ds(c * 16, 16)]
                term = jnp.abs(hv + rv - tv)
                acc = term if acc is None else acc + term
            part_v[pl.ds(rr * 16, 16)] = acc
            return carry

        lax.fori_loop(0, n, row_fn, 0, unroll=False)

        def grp_fn(g, carry):
            vec = jnp.zeros((16,), jnp.float32)
            for j in range(16):
                pj = part_v[pl.ds(g * 256 + j * 16, 16)]
                sj = jnp.sum(pj)
                vec = jnp.where(lane == j, _GAMMA - sj, vec)
            out_v[pl.ds(offs[ck] + g * 16, 16)] = vec
            return carry

        lax.fori_loop(0, n // 16, grp_fn, 0, unroll=False)

    pltpu.sync_copy(out_v, out_hbm.at[pl.ds(base, _BPW)])


@functools.partial(
    pl.kernel,
    out_type=jax.ShapeDtypeStruct((_B,), jnp.float32),
    mesh=plsc.VectorSubcoreMesh(core_axis_name="c", subcore_axis_name="s"),
    compiler_params=pltpu.CompilerParams(needs_layout_passes=False),
    scratch_types=[
        pltpu.VMEM((_BPW,), jnp.int32),
        pltpu.VMEM((_BPW,), jnp.int32),
        pltpu.VMEM((_BPW,), jnp.int32),
        pltpu.VMEM((2, _CH, _D), jnp.float32),
        pltpu.VMEM((2, _CH, _D), jnp.float32),
        pltpu.VMEM((2, _CH, _D), jnp.float32),
        pltpu.VMEM((_CH * 16,), jnp.float32),
        pltpu.VMEM((_BPW,), jnp.float32),
        pltpu.SemaphoreType.DMA,
        pltpu.SemaphoreType.DMA,
    ],
)
def _score_sc(hid_hbm, rid_hbm, tid_hbm, ent_hbm, rel_hbm, out_hbm, *scratch):
    _tec_body(hid_hbm, rid_hbm, tid_hbm, ent_hbm, rel_hbm, out_hbm, *scratch)


@jax.jit
def _run(sample, entity_embedding, relation_embedding):
    out = _score_sc(sample[:, 0], sample[:, 1], sample[:, 2],
                    entity_embedding, relation_embedding)
    return out.reshape(_B, 1)


def kernel(idx, sample, entity_embedding, relation_embedding):
    return _run(sample, entity_embedding, relation_embedding)

# --- scband reference (transcript-rebuilt; emitter-appended) ---
"""Pipeline reference for scband-kgemodel-76046690943629 (READ-ONLY COPY).

The authoritative reference and input builder live on the scoring server;
editing this copy changes nothing except your own understanding.
"""

import jax, jax.numpy as jnp
import numpy as np

NENTITY = 1000000
NREL = 100000
HID = 128
GAMMA = 12.0
EPSILON = 2.0
ERANGE = (GAMMA + EPSILON) / HID  # embedding_range for TransE (ent_dim = rel_dim = hidden_dim)
BATCH = 16384


def setup_inputs(seed: int = 0) -> dict:
    key = jax.random.key(seed)
    k1, k2, k3 = jax.random.split(key, 3)
    sample = jax.random.randint(k1, (BATCH, 3), 0, NREL, dtype=jnp.int32)
    entity_embedding = jax.random.uniform(k2, (NENTITY, HID), dtype=jnp.float32, minval=-ERANGE, maxval=ERANGE)
    relation_embedding = jax.random.uniform(k3, (NREL, HID), dtype=jnp.float32, minval=-ERANGE, maxval=ERANGE)
    return {"idx": 1, "sample": sample, "entity_embedding": entity_embedding, "relation_embedding": relation_embedding}


def reference(idx, sample, entity_embedding, relation_embedding):
    # mode == 'single': sample is [B, 3] of (head, relation, tail) indices
    head = jnp.take(entity_embedding, sample[:, 0], axis=0)[:, None, :]   # [B, 1, D]
    relation = jnp.take(relation_embedding, sample[:, 1], axis=0)[:, None, :]  # [B, 1, D]
    tail = jnp.take(entity_embedding, sample[:, 2], axis=0)[:, None, :]   # [B, 1, D]
    # TransE score: gamma - || h + r - t ||_1
    score = GAMMA - jnp.sum(jnp.abs(head + relation - tail), axis=2)      # [B, 1]
    return score

if __name__ == "__main__":
    import jax
    _d = setup_inputs()
    print(jax.jit(kernel)(*tuple(_d.values())))

</pallas_src>

<mosaic_0001>
#map = affine_map<(d0, d1) -> (0)>
#map1 = affine_map<(d0, d1) -> (0, 0)>
module attributes {stable_mosaic.version = 14 : i64} {
  func.func @_score_sc(%arg0: i32, %arg1: i32, %arg2: memref<16384xi32, #tpu.memory_space<hbm>>, %arg3: memref<16384xi32, #tpu.memory_space<hbm>>, %arg4: memref<16384xi32, #tpu.memory_space<hbm>>, %arg5: memref<1000000x128xf32, #tpu.memory_space<hbm>>, %arg6: memref<100000x128xf32, #tpu.memory_space<hbm>>, %arg7: memref<16384xf32, #tpu.memory_space<hbm>>, %arg8: memref<512xi32, #tpu.memory_space<vmem>>, %arg9: memref<512xi32, #tpu.memory_space<vmem>>, %arg10: memref<512xi32, #tpu.memory_space<vmem>>, %arg11: memref<2x128x128xf32, #tpu.memory_space<vmem>>, %arg12: memref<2x128x128xf32, #tpu.memory_space<vmem>>, %arg13: memref<2x128x128xf32, #tpu.memory_space<vmem>>, %arg14: memref<2048xf32, #tpu.memory_space<vmem>>, %arg15: memref<512xf32, #tpu.memory_space<vmem>>, %arg16: memref<!tpu.dma_semaphore, #tpu.memory_space<semaphore_mem>>, %arg17: memref<!tpu.dma_semaphore, #tpu.memory_space<semaphore_mem>>) attributes {dimension_semantics = [#tpu.dimension_semantics<core_parallel>, #tpu.dimension_semantics<subcore_parallel>], iteration_bounds = array<i64: 2, 16>, scalar_prefetch = 0 : i64, scratch_operands = 10 : i64, tpu.core_type = #tpu.core_type<sc_vector_subcore>, window_params = [{transform_indices = #map}, {transform_indices = #map}, {transform_indices = #map}, {transform_indices = #map1}, {transform_indices = #map1}, {transform_indices = #map}]} {
    %mul3A = arith.constant 2 : i32
    %mul3A_0 = arith.muli %arg1, %mul3A : i32
    %add3A = arith.addi %mul3A_0, %arg0 : i32
    %mul3A_1 = arith.constant 512 : i32
    %mul3A_2 = arith.muli %add3A, %mul3A_1 : i32
    %iota3A = tpu.iota {dimensions = array<i32: 0>} : vector<16xi32>
    %dma_start3A = tpu.memref_slice %arg2[%mul3A_2] : memref<16384xi32, #tpu.memory_space<hbm>> -> memref<512xi32, #tpu.memory_space<hbm>>
    %dma_start3A_3 = tpu.memref_slice %arg2[%mul3A_2] : memref<16384xi32, #tpu.memory_space<hbm>> -> memref<512xi32, #tpu.memory_space<hbm>>
    tpu.enqueue_dma source(%dma_start3A_3 : memref<512xi32, #tpu.memory_space<hbm>>) target(%arg8 : memref<512xi32, #tpu.memory_space<vmem>>) target_semaphore(%arg16 : memref<!tpu.dma_semaphore, #tpu.memory_space<semaphore_mem>>)
    %dma_start3A_4 = tpu.memref_slice %arg3[%mul3A_2] : memref<16384xi32, #tpu.memory_space<hbm>> -> memref<512xi32, #tpu.memory_space<hbm>>
    %dma_start3A_5 = tpu.memref_slice %arg3[%mul3A_2] : memref<16384xi32, #tpu.memory_space<hbm>> -> memref<512xi32, #tpu.memory_space<hbm>>
    tpu.enqueue_dma source(%dma_start3A_5 : memref<512xi32, #tpu.memory_space<hbm>>) target(%arg9 : memref<512xi32, #tpu.memory_space<vmem>>) target_semaphore(%arg16 : memref<!tpu.dma_semaphore, #tpu.memory_space<semaphore_mem>>)
    %dma_start3A_6 = tpu.memref_slice %arg4[%mul3A_2] : memref<16384xi32, #tpu.memory_space<hbm>> -> memref<512xi32, #tpu.memory_space<hbm>>
    %dma_start3A_7 = tpu.memref_slice %arg4[%mul3A_2] : memref<16384xi32, #tpu.memory_space<hbm>> -> memref<512xi32, #tpu.memory_space<hbm>>
    tpu.enqueue_dma source(%dma_start3A_7 : memref<512xi32, #tpu.memory_space<hbm>>) target(%arg10 : memref<512xi32, #tpu.memory_space<vmem>>) target_semaphore(%arg16 : memref<!tpu.dma_semaphore, #tpu.memory_space<semaphore_mem>>)
    %dma_wait3A = tpu.memref_slice %arg2[%mul3A_2] : memref<16384xi32, #tpu.memory_space<hbm>> -> memref<512xi32, #tpu.memory_space<hbm>>
    %dma_wait3A_8 = tpu.memref_slice %arg2[%mul3A_2] : memref<16384xi32, #tpu.memory_space<hbm>> -> memref<512xi32, #tpu.memory_space<hbm>>
    tpu.wait_dma2 semaphore(%arg16 : memref<!tpu.dma_semaphore, #tpu.memory_space<semaphore_mem>>) src(%dma_wait3A_8 : memref<512xi32, #tpu.memory_space<hbm>>) dst(%arg8 : memref<512xi32, #tpu.memory_space<vmem>>)
    %dma_wait3A_9 = tpu.memref_slice %arg3[%mul3A_2] : memref<16384xi32, #tpu.memory_space<hbm>> -> memref<512xi32, #tpu.memory_space<hbm>>
    %dma_wait3A_10 = tpu.memref_slice %arg3[%mul3A_2] : memref<16384xi32, #tpu.memory_space<hbm>> -> memref<512xi32, #tpu.memory_space<hbm>>
    tpu.wait_dma2 semaphore(%arg16 : memref<!tpu.dma_semaphore, #tpu.memory_space<semaphore_mem>>) src(%dma_wait3A_10 : memref<512xi32, #tpu.memory_space<hbm>>) dst(%arg9 : memref<512xi32, #tpu.memory_space<vmem>>)
    %dma_wait3A_11 = tpu.memref_slice %arg4[%mul3A_2] : memref<16384xi32, #tpu.memory_space<hbm>> -> memref<512xi32, #tpu.memory_space<hbm>>
    %dma_wait3A_12 = tpu.memref_slice %arg4[%mul3A_2] : memref<16384xi32, #tpu.memory_space<hbm>> -> memref<512xi32, #tpu.memory_space<hbm>>
    tpu.wait_dma2 semaphore(%arg16 : memref<!tpu.dma_semaphore, #tpu.memory_space<semaphore_mem>>) src(%dma_wait3A_12 : memref<512xi32, #tpu.memory_space<hbm>>) dst(%arg10 : memref<512xi32, #tpu.memory_space<vmem>>)
    %dma_start3A_13 = arith.constant 0 : i32
    %dma_start3A_14 = arith.constant 0 : i32
    %dma_start3A_15 = arith.constant 0 : i32
    %dma_start3A_16 = tpu.memref_slice %arg11[%dma_start3A_13, %dma_start3A_14, %dma_start3A_15] : memref<2x128x128xf32, #tpu.memory_space<vmem>> -> memref<1x32x128xf32, #tpu.memory_space<vmem>>
    %dma_start3A_17 = tpu.memref_squeeze %dma_start3A_16 : memref<1x32x128xf32, #tpu.memory_space<vmem>> -> memref<32x128xf32, #tpu.memory_space<vmem>>
    %dma_start3A_18 = arith.constant 0 : i32
    %dma_start3A_19 = tpu.memref_slice %arg8[%dma_start3A_18] : memref<512xi32, #tpu.memory_space<vmem>> -> memref<32xi32, #tpu.memory_space<vmem>>
    %dma_start3A_20 = arith.constant 0 : i32
    %dma_start3A_21 = arith.constant 0 : i32
    %dma_start3A_22 = tpu.memref_slice %arg5[%dma_start3A_20, %dma_start3A_21] : memref<1000000x128xf32, #tpu.memory_space<hbm>> -> memref<1000000x128xf32, #tpu.memory_space<hbm>>
    tpu.enqueue_indirect_dma source(%dma_start3A_22 : memref<1000000x128xf32, #tpu.memory_space<hbm>>) target(%dma_start3A_17 : memref<32x128xf32, #tpu.memory_space<vmem>>) offsets(%dma_start3A_19 : memref<32xi32, #tpu.memory_space<vmem>>) semaphore(%arg16 : memref<!tpu.dma_semaphore, #tpu.memory_space<semaphore_mem>>)
    %dma_start3A_23 = arith.constant 0 : i32
    %dma_start3A_24 = arith.constant 0 : i32
    %dma_start3A_25 = arith.constant 0 : i32
    %dma_start3A_26 = tpu.memref_slice %arg12[%dma_start3A_23, %dma_start3A_24, %dma_start3A_25] : memref<2x128x128xf32, #tpu.memory_space<vmem>> -> memref<1x32x128xf32, #tpu.memory_space<vmem>>
    %dma_start3A_27 = tpu.memref_squeeze %dma_start3A_26 : memref<1x32x128xf32, #tpu.memory_space<vmem>> -> memref<32x128xf32, #tpu.memory_space<vmem>>
    %dma_start3A_28 = arith.constant 0 : i32
    %dma_start3A_29 = tpu.memref_slice %arg9[%dma_start3A_28] : memref<512xi32, #tpu.memory_space<vmem>> -> memref<32xi32, #tpu.memory_space<vmem>>
    %dma_start3A_30 = arith.constant 0 : i32
    %dma_start3A_31 = arith.constant 0 : i32
    %dma_start3A_32 = tpu.memref_slice %arg6[%dma_start3A_30, %dma_start3A_31] : memref<100000x128xf32, #tpu.memory_space<hbm>> -> memref<100000x128xf32, #tpu.memory_space<hbm>>
    tpu.enqueue_indirect_dma source(%dma_start3A_32 : memref<100000x128xf32, #tpu.memory_space<hbm>>) target(%dma_start3A_27 : memref<32x128xf32, #tpu.memory_space<vmem>>) offsets(%dma_start3A_29 : memref<32xi32, #tpu.memory_space<vmem>>) semaphore(%arg16 : memref<!tpu.dma_semaphore, #tpu.memory_space<semaphore_mem>>)
    %dma_start3A_33 = arith.constant 0 : i32
    %dma_start3A_34 = arith.constant 0 : i32
    %dma_start3A_35 = arith.constant 0 : i32
    %dma_start3A_36 = tpu.memref_slice %arg13[%dma_start3A_33, %dma_start3A_34, %dma_start3A_35] : memref<2x128x128xf32, #tpu.memory_space<vmem>> -> memref<1x32x128xf32, #tpu.memory_space<vmem>>
    %dma_start3A_37 = tpu.memref_squeeze %dma_start3A_36 : memref<1x32x128xf32, #tpu.memory_space<vmem>> -> memref<32x128xf32, #tpu.memory_space<vmem>>
    %dma_start3A_38 = arith.constant 0 : i32
    %dma_start3A_39 = tpu.memref_slice %arg10[%dma_start3A_38] : memref<512xi32, #tpu.memory_space<vmem>> -> memref<32xi32, #tpu.memory_space<vmem>>
    %dma_start3A_40 = arith.constant 0 : i32
    %dma_start3A_41 = arith.constant 0 : i32
    %dma_start3A_42 = tpu.memref_slice %arg5[%dma_start3A_40, %dma_start3A_41] : memref<1000000x128xf32, #tpu.memory_space<hbm>> -> memref<1000000x128xf32, #tpu.memory_space<hbm>>
    tpu.enqueue_indirect_dma source(%dma_start3A_42 : memref<1000000x128xf32, #tpu.memory_space<hbm>>) target(%dma_start3A_37 : memref<32x128xf32, #tpu.memory_space<vmem>>) offsets(%dma_start3A_39 : memref<32xi32, #tpu.memory_space<vmem>>) semaphore(%arg16 : memref<!tpu.dma_semaphore, #tpu.memory_space<semaphore_mem>>)
    %dma_start3A_43 = arith.constant 1 : i32
    %dma_start3A_44 = arith.constant 0 : i32
    %dma_start3A_45 = arith.constant 0 : i32
    %dma_start3A_46 = tpu.memref_slice %arg11[%dma_start3A_43, %dma_start3A_44, %dma_start3A_45] : memref<2x128x128xf32, #tpu.memory_space<vmem>> -> memref<1x128x128xf32, #tpu.memory_space<vmem>>
    %dma_start3A_47 = tpu.memref_squeeze %dma_start3A_46 : memref<1x128x128xf32, #tpu.memory_space<vmem>> -> memref<128x128xf32, #tpu.memory_space<vmem>>
    %dma_start3A_48 = arith.constant 32 : i32
    %dma_start3A_49 = tpu.memref_slice %arg8[%dma_start3A_48] : memref<512xi32, #tpu.memory_space<vmem>> -> memref<128xi32, #tpu.memory_space<vmem>>
    %dma_start3A_50 = arith.constant 0 : i32
    %dma_start3A_51 = arith.constant 0 : i32
    %dma_start3A_52 = tpu.memref_slice %arg5[%dma_start3A_50, %dma_start3A_51] : memref<1000000x128xf32, #tpu.memory_space<hbm>> -> memref<1000000x128xf32, #tpu.memory_space<hbm>>
    tpu.enqueue_indirect_dma source(%dma_start3A_52 : memref<1000000x128xf32, #tpu.memory_space<hbm>>) target(%dma_start3A_47 : memref<128x128xf32, #tpu.memory_space<vmem>>) offsets(%dma_start3A_49 : memref<128xi32, #tpu.memory_space<vmem>>) semaphore(%arg17 : memref<!tpu.dma_semaphore, #tpu.memory_space<semaphore_mem>>)
    %dma_start3A_53 = arith.constant 1 : i32
    %dma_start3A_54 = arith.constant 0 : i32
    %dma_start3A_55 = arith.constant 0 : i32
    %dma_start3A_56 = tpu.memref_slice %arg12[%dma_start3A_53, %dma_start3A_54, %dma_start3A_55] : memref<2x128x128xf32, #tpu.memory_space<vmem>> -> memref<1x128x128xf32, #tpu.memory_space<vmem>>
    %dma_start3A_57 = tpu.memref_squeeze %dma_start3A_56 : memref<1x128x128xf32, #tpu.memory_space<vmem>> -> memref<128x128xf32, #tpu.memory_space<vmem>>
    %dma_start3A_58 = arith.constant 32 : i32
    %dma_start3A_59 = tpu.memref_slice %arg9[%dma_start3A_58] : memref<512xi32, #tpu.memory_space<vmem>> -> memref<128xi32, #tpu.memory_space<vmem>>
    %dma_start3A_60 = arith.constant 0 : i32
    %dma_start3A_61 = arith.constant 0 : i32
    %dma_start3A_62 = tpu.memref_slice %arg6[%dma_start3A_60, %dma_start3A_61] : memref<100000x128xf32, #tpu.memory_space<hbm>> -> memref<100000x128xf32, #tpu.memory_space<hbm>>
    tpu.enqueue_indirect_dma source(%dma_start3A_62 : memref<100000x128xf32, #tpu.memory_space<hbm>>) target(%dma_start3A_57 : memref<128x128xf32, #tpu.memory_space<vmem>>) offsets(%dma_start3A_59 : memref<128xi32, #tpu.memory_space<vmem>>) semaphore(%arg17 : memref<!tpu.dma_semaphore, #tpu.memory_space<semaphore_mem>>)
    %dma_start3A_63 = arith.constant 1 : i32
    %dma_start3A_64 = arith.constant 0 : i32
    %dma_start3A_65 = arith.constant 0 : i32
    %dma_start3A_66 = tpu.memref_slice %arg13[%dma_start3A_63, %dma_start3A_64, %dma_start3A_65] : memref<2x128x128xf32, #tpu.memory_space<vmem>> -> memref<1x128x128xf32, #tpu.memory_space<vmem>>
    %dma_start3A_67 = tpu.memref_squeeze %dma_start3A_66 : memref<1x128x128xf32, #tpu.memory_space<vmem>> -> memref<128x128xf32, #tpu.memory_space<vmem>>
    %dma_start3A_68 = arith.constant 32 : i32
    %dma_start3A_69 = tpu.memref_slice %arg10[%dma_start3A_68] : memref<512xi32, #tpu.memory_space<vmem>> -> memref<128xi32, #tpu.memory_space<vmem>>
    %dma_start3A_70 = arith.constant 0 : i32
    %dma_start3A_71 = arith.constant 0 : i32
    %dma_start3A_72 = tpu.memref_slice %arg5[%dma_start3A_70, %dma_start3A_71] : memref<1000000x128xf32, #tpu.memory_space<hbm>> -> memref<1000000x128xf32, #tpu.memory_space<hbm>>
    tpu.enqueue_indirect_dma source(%dma_start3A_72 : memref<1000000x128xf32, #tpu.memory_space<hbm>>) target(%dma_start3A_67 : memref<128x128xf32, #tpu.memory_space<vmem>>) offsets(%dma_start3A_69 : memref<128xi32, #tpu.memory_space<vmem>>) semaphore(%arg17 : memref<!tpu.dma_semaphore, #tpu.memory_space<semaphore_mem>>)
    %dma_wait3A_73 = arith.constant 0 : i32
    %dma_wait3A_74 = arith.constant 0 : i32
    %dma_wait3A_75 = arith.constant 0 : i32
    %dma_wait3A_76 = tpu.memref_slice %arg11[%dma_wait3A_73, %dma_wait3A_74, %dma_wait3A_75] : memref<2x128x128xf32, #tpu.memory_space<vmem>> -> memref<1x32x128xf32, #tpu.memory_space<vmem>>
    %dma_wait3A_77 = tpu.memref_squeeze %dma_wait3A_76 : memref<1x32x128xf32, #tpu.memory_space<vmem>> -> memref<32x128xf32, #tpu.memory_space<vmem>>
    %dma_wait3A_78 = arith.constant 0 : i32
    %dma_wait3A_79 = tpu.memref_slice %arg8[%dma_wait3A_78] : memref<512xi32, #tpu.memory_space<vmem>> -> memref<32xi32, #tpu.memory_space<vmem>>
    %dma_wait3A_80 = arith.constant 0 : i32
    %dma_wait3A_81 = arith.constant 0 : i32
    %dma_wait3A_82 = tpu.memref_slice %arg5[%dma_wait3A_80, %dma_wait3A_81] : memref<1000000x128xf32, #tpu.memory_space<hbm>> -> memref<1000000x128xf32, #tpu.memory_space<hbm>>
    tpu.wait_indirect_dma semaphore(%arg16 : memref<!tpu.dma_semaphore, #tpu.memory_space<semaphore_mem>>) src(%dma_wait3A_82 : memref<1000000x128xf32, #tpu.memory_space<hbm>>) dst(%dma_wait3A_77 : memref<32x128xf32, #tpu.memory_space<vmem>>)
    %dma_wait3A_83 = arith.constant 0 : i32
    %dma_wait3A_84 = arith.constant 0 : i32
    %dma_wait3A_85 = arith.constant 0 : i32
    %dma_wait3A_86 = tpu.memref_slice %arg12[%dma_wait3A_83, %dma_wait3A_84, %dma_wait3A_85] : memref<2x128x128xf32, #tpu.memory_space<vmem>> -> memref<1x32x128xf32, #tpu.memory_space<vmem>>
    %dma_wait3A_87 = tpu.memref_squeeze %dma_wait3A_86 : memref<1x32x128xf32, #tpu.memory_space<vmem>> -> memref<32x128xf32, #tpu.memory_space<vmem>>
    %dma_wait3A_88 = arith.constant 0 : i32
    %dma_wait3A_89 = tpu.memref_slice %arg9[%dma_wait3A_88] : memref<512xi32, #tpu.memory_space<vmem>> -> memref<32xi32, #tpu.memory_space<vmem>>
    %dma_wait3A_90 = arith.constant 0 : i32
    %dma_wait3A_91 = arith.constant 0 : i32
    %dma_wait3A_92 = tpu.memref_slice %arg6[%dma_wait3A_90, %dma_wait3A_91] : memref<100000x128xf32, #tpu.memory_space<hbm>> -> memref<100000x128xf32, #tpu.memory_space<hbm>>
    tpu.wait_indirect_dma semaphore(%arg16 : memref<!tpu.dma_semaphore, #tpu.memory_space<semaphore_mem>>) src(%dma_wait3A_92 : memref<100000x128xf32, #tpu.memory_space<hbm>>) dst(%dma_wait3A_87 : memref<32x128xf32, #tpu.memory_space<vmem>>)
    %dma_wait3A_93 = arith.constant 0 : i32
    %dma_wait3A_94 = arith.constant 0 : i32
    %dma_wait3A_95 = arith.constant 0 : i32
    %dma_wait3A_96 = tpu.memref_slice %arg13[%dma_wait3A_93, %dma_wait3A_94, %dma_wait3A_95] : memref<2x128x128xf32, #tpu.memory_space<vmem>> -> memref<1x32x128xf32, #tpu.memory_space<vmem>>
    %dma_wait3A_97 = tpu.memref_squeeze %dma_wait3A_96 : memref<1x32x128xf32, #tpu.memory_space<vmem>> -> memref<32x128xf32, #tpu.memory_space<vmem>>
    %dma_wait3A_98 = arith.constant 0 : i32
    %dma_wait3A_99 = tpu.memref_slice %arg10[%dma_wait3A_98] : memref<512xi32, #tpu.memory_space<vmem>> -> memref<32xi32, #tpu.memory_space<vmem>>
    %dma_wait3A_100 = arith.constant 0 : i32
    %dma_wait3A_101 = arith.constant 0 : i32
    %dma_wait3A_102 = tpu.memref_slice %arg5[%dma_wait3A_100, %dma_wait3A_101] : memref<1000000x128xf32, #tpu.memory_space<hbm>> -> memref<1000000x128xf32, #tpu.memory_space<hbm>>
    tpu.wait_indirect_dma semaphore(%arg16 : memref<!tpu.dma_semaphore, #tpu.memory_space<semaphore_mem>>) src(%dma_wait3A_102 : memref<1000000x128xf32, #tpu.memory_space<hbm>>) dst(%dma_wait3A_97 : memref<32x128xf32, #tpu.memory_space<vmem>>)
    %scan3A = arith.constant 0 : i32
    %scan3A_103 = arith.constant 0 : i32
    %scan3A_104 = arith.constant 32 : i32
    %scan3A_105 = arith.addi %scan3A_103, %scan3A_104 : i32
    %scan3A_106 = arith.constant 1 : i32
    scf.for %scan3A_444 = %scan3A_103 to %scan3A_105 step %scan3A_106  : i32 {
      %get3A = arith.constant 0 : i32
      %get3A_445 = arith.index_cast %get3A : i32 to index
      %get3A_446 = arith.index_cast %scan3A_444 : i32 to index
      %get3A_447 = arith.constant 0 : index
      %get3A_448 = tpu.vector_load %arg11[%get3A_445, %get3A_446, %get3A_447] {strides = array<i32>} : memref<2x128x128xf32, #tpu.memory_space<vmem>>, vector<16xf32>,
      %get3A_449 = arith.constant 0 : i32
      %get3A_450 = arith.index_cast %get3A_449 : i32 to index
      %get3A_451 = arith.index_cast %scan3A_444 : i32 to index
      %get3A_452 = arith.constant 0 : index
      %get3A_453 = tpu.vector_load %arg12[%get3A_450, %get3A_451, %get3A_452] {strides = array<i32>} : memref<2x128x128xf32, #tpu.memory_space<vmem>>, vector<16xf32>,
      %get3A_454 = arith.constant 0 : i32
      %get3A_455 = arith.index_cast %get3A_454 : i32 to index
      %get3A_456 = arith.index_cast %scan3A_444 : i32 to index
      %get3A_457 = arith.constant 0 : index
      %get3A_458 = tpu.vector_load %arg13[%get3A_455, %get3A_456, %get3A_457] {strides = array<i32>} : memref<2x128x128xf32, #tpu.memory_space<vmem>>, vector<16xf32>,
      %add3A_459 = arith.addf %get3A_448, %get3A_453 : vector<16xf32>
      %sub3A = arith.subf %add3A_459, %get3A_458 : vector<16xf32>
      %abs3A = math.absf %sub3A : vector<16xf32>
      %get3A_460 = arith.constant 0 : i32
      %get3A_461 = arith.index_cast %get3A_460 : i32 to index
      %get3A_462 = arith.index_cast %scan3A_444 : i32 to index
      %get3A_463 = arith.constant 16 : index
      %get3A_464 = tpu.vector_load %arg11[%get3A_461, %get3A_462, %get3A_463] {strides = array<i32>} : memref<2x128x128xf32, #tpu.memory_space<vmem>>, vector<16xf32>,
      %get3A_465 = arith.constant 0 : i32
      %get3A_466 = arith.index_cast %get3A_465 : i32 to index
      %get3A_467 = arith.index_cast %scan3A_444 : i32 to index
      %get3A_468 = arith.constant 16 : index
      %get3A_469 = tpu.vector_load %arg12[%get3A_466, %get3A_467, %get3A_468] {strides = array<i32>} : memref<2x128x128xf32, #tpu.memory_space<vmem>>, vector<16xf32>,
      %get3A_470 = arith.constant 0 : i32
      %get3A_471 = arith.index_cast %get3A_470 : i32 to index
      %get3A_472 = arith.index_cast %scan3A_444 : i32 to index
      %get3A_473 = arith.constant 16 : index
      %get3A_474 = tpu.vector_load %arg13[%get3A_471, %get3A_472, %get3A_473] {strides = array<i32>} : memref<2x128x128xf32, #tpu.memory_space<vmem>>, vector<16xf32>,
      %add3A_475 = arith.addf %get3A_464, %get3A_469 : vector<16xf32>
      %sub3A_476 = arith.subf %add3A_475, %get3A_474 : vector<16xf32>
      %abs3A_477 = math.absf %sub3A_476 : vector<16xf32>
      %add3A_478 = arith.addf %abs3A, %abs3A_477 : vector<16xf32>
      %get3A_479 = arith.constant 0 : i32
      %get3A_480 = arith.index_cast %get3A_479 : i32 to index
      %get3A_481 = arith.index_cast %scan3A_444 : i32 to index
      %get3A_482 = arith.constant 32 : index
      %get3A_483 = tpu.vector_load %arg11[%get3A_480, %get3A_481, %get3A_482] {strides = array<i32>} : memref<2x128x128xf32, #tpu.memory_space<vmem>>, vector<16xf32>,
      %get3A_484 = arith.constant 0 : i32
      %get3A_485 = arith.index_cast %get3A_484 : i32 to index
      %get3A_486 = arith.index_cast %scan3A_444 : i32 to index
      %get3A_487 = arith.constant 32 : index
      %get3A_488 = tpu.vector_load %arg12[%get3A_485, %get3A_486, %get3A_487] {strides = array<i32>} : memref<2x128x128xf32, #tpu.memory_space<vmem>>, vector<16xf32>,
      %get3A_489 = arith.constant 0 : i32
      %get3A_490 = arith.index_cast %get3A_489 : i32 to index
      %get3A_491 = arith.index_cast %scan3A_444 : i32 to index
      %get3A_492 = arith.constant 32 : index
      %get3A_493 = tpu.vector_load %arg13[%get3A_490, %get3A_491, %get3A_492] {strides = array<i32>} : memref<2x128x128xf32, #tpu.memory_space<vmem>>, vector<16xf32>,
      %add3A_494 = arith.addf %get3A_483, %get3A_488 : vector<16xf32>
      %sub3A_495 = arith.subf %add3A_494, %get3A_493 : vector<16xf32>
      %abs3A_496 = math.absf %sub3A_495 : vector<16xf32>
      %add3A_497 = arith.addf %add3A_478, %abs3A_496 : vector<16xf32>
      %get3A_498 = arith.constant 0 : i32
      %get3A_499 = arith.index_cast %get3A_498 : i32 to index
      %get3A_500 = arith.index_cast %scan3A_444 : i32 to index
      %get3A_501 = arith.constant 48 : index
      %get3A_502 = tpu.vector_load %arg11[%get3A_499, %get3A_500, %get3A_501] {strides = array<i32>} : memref<2x128x128xf32, #tpu.memory_space<vmem>>, vector<16xf32>,
      %get3A_503 = arith.constant 0 : i32
      %get3A_504 = arith.index_cast %get3A_503 : i32 to index
      %get3A_505 = arith.index_cast %scan3A_444 : i32 to index
      %get3A_506 = arith.constant 48 : index
      %get3A_507 = tpu.vector_load %arg12[%get3A_504, %get3A_505, %get3A_506] {strides = array<i32>} : memref<2x128x128xf32, #tpu.memory_space<vmem>>, vector<16xf32>,
      %get3A_508 = arith.constant 0 : i32
      %get3A_509 = arith.index_cast %get3A_508 : i32 to index
      %get3A_510 = arith.index_cast %scan3A_444 : i32 to index
      %get3A_511 = arith.constant 48 : index
      %get3A_512 = tpu.vector_load %arg13[%get3A_509, %get3A_510, %get3A_511] {strides = array<i32>} : memref<2x128x128xf32, #tpu.memory_space<vmem>>, vector<16xf32>,
      %add3A_513 = arith.addf %get3A_502, %get3A_507 : vector<16xf32>
      %sub3A_514 = arith.subf %add3A_513, %get3A_512 : vector<16xf32>
      %abs3A_515 = math.absf %sub3A_514 : vector<16xf32>
      %add3A_516 = arith.addf %add3A_497, %abs3A_515 : vector<16xf32>
      %get3A_517 = arith.constant 0 : i32
      %get3A_518 = arith.index_cast %get3A_517 : i32 to index
      %get3A_519 = arith.index_cast %scan3A_444 : i32 to index
      %get3A_520 = arith.constant 64 : index
      %get3A_521 = tpu.vector_load %arg11[%get3A_518, %get3A_519, %get3A_520] {strides = array<i32>} : memref<2x128x128xf32, #tpu.memory_space<vmem>>, vector<16xf32>,
      %get3A_522 = arith.constant 0 : i32
      %get3A_523 = arith.index_cast %get3A_522 : i32 to index
      %get3A_524 = arith.index_cast %scan3A_444 : i32 to index
      %get3A_525 = arith.constant 64 : index
      %get3A_526 = tpu.vector_load %arg12[%get3A_523, %get3A_524, %get3A_525] {strides = array<i32>} : memref<2x128x128xf32, #tpu.memory_space<vmem>>, vector<16xf32>,
      %get3A_527 = arith.constant 0 : i32
      %get3A_528 = arith.index_cast %get3A_527 : i32 to index
      %get3A_529 = arith.index_cast %scan3A_444 : i32 to index
      %get3A_530 = arith.constant 64 : index
      %get3A_531 = tpu.vector_load %arg13[%get3A_528, %get3A_529, %get3A_530] {strides = array<i32>} : memref<2x128x128xf32, #tpu.memory_space<vmem>>, vector<16xf32>,
      %add3A_532 = arith.addf %get3A_521, %get3A_526 : vector<16xf32>
      %sub3A_533 = arith.subf %add3A_532, %get3A_531 : vector<16xf32>
      %abs3A_534 = math.absf %sub3A_533 : vector<16xf32>
      %add3A_535 = arith.addf %add3A_516, %abs3A_534 : vector<16xf32>
      %get3A_536 = arith.constant 0 : i32
      %get3A_537 = arith.index_cast %get3A_536 : i32 to index
      %get3A_538 = arith.index_cast %scan3A_444 : i32 to index
      %get3A_539 = arith.constant 80 : index
      %get3A_540 = tpu.vector_load %arg11[%get3A_537, %get3A_538, %get3A_539] {strides = array<i32>} : memref<2x128x128xf32, #tpu.memory_space<vmem>>, vector<16xf32>,
      %get3A_541 = arith.constant 0 : i32
      %get3A_542 = arith.index_cast %get3A_541 : i32 to index
      %get3A_543 = arith.index_cast %scan3A_444 : i32 to index
      %get3A_544 = arith.constant 80 : index
      %get3A_545 = tpu.vector_load %arg12[%get3A_542, %get3A_543, %get3A_544] {strides = array<i32>} : memref<2x128x128xf32, #tpu.memory_space<vmem>>, vector<16xf32>,
      %get3A_546 = arith.constant 0 : i32
      %get3A_547 = arith.index_cast %get3A_546 : i32 to index
      %get3A_548 = arith.index_cast %scan3A_444 : i32 to index
      %get3A_549 = arith.constant 80 : index
      %get3A_550 = tpu.vector_load %arg13[%get3A_547, %get3A_548, %get3A_549] {strides = array<i32>} : memref<2x128x128xf32, #tpu.memory_space<vmem>>, vector<16xf32>,
      %add3A_551 = arith.addf %get3A_540, %get3A_545 : vector<16xf32>
      %sub3A_552 = arith.subf %add3A_551, %get3A_550 : vector<16xf32>
      %abs3A_553 = math.absf %sub3A_552 : vector<16xf32>
      %add3A_554 = arith.addf %add3A_535, %abs3A_553 : vector<16xf32>
      %get3A_555 = arith.constant 0 : i32
      %get3A_556 = arith.index_cast %get3A_555 : i32 to index
      %get3A_557 = arith.index_cast %scan3A_444 : i32 to index
      %get3A_558 = arith.constant 96 : index
      %get3A_559 = tpu.vector_load %arg11[%get3A_556, %get3A_557, %get3A_558] {strides = array<i32>} : memref<2x128x128xf32, #tpu.memory_space<vmem>>, vector<16xf32>,
      %get3A_560 = arith.constant 0 : i32
      %get3A_561 = arith.index_cast %get3A_560 : i32 to index
      %get3A_562 = arith.index_cast %scan3A_444 : i32 to index
      %get3A_563 = arith.constant 96 : index
      %get3A_564 = tpu.vector_load %arg12[%get3A_561, %get3A_562, %get3A_563] {strides = array<i32>} : memref<2x128x128xf32, #tpu.memory_space<vmem>>, vector<16xf32>,
      %get3A_565 = arith.constant 0 : i32
      %get3A_566 = arith.index_cast %get3A_565 : i32 to index
      %get3A_567 = arith.index_cast %scan3A_444 : i32 to index
      %get3A_568 = arith.constant 96 : index
      %get3A_569 = tpu.vector_load %arg13[%get3A_566, %get3A_567, %get3A_568] {strides = array<i32>} : memref<2x128x128xf32, #tpu.memory_space<vmem>>, vector<16xf32>,
      %add3A_570 = arith.addf %get3A_559, %get3A_564 : vector<16xf32>
      %sub3A_571 = arith.subf %add3A_570, %get3A_569 : vector<16xf32>
      %abs3A_572 = math.absf %sub3A_571 : vector<16xf32>
      %add3A_573 = arith.addf %add3A_554, %abs3A_572 : vector<16xf32>
      %get3A_574 = arith.constant 0 : i32
      %get3A_575 = arith.index_cast %get3A_574 : i32 to index
      %get3A_576 = arith.index_cast %scan3A_444 : i32 to index
      %get3A_577 = arith.constant 112 : index
      %get3A_578 = tpu.vector_load %arg11[%get3A_575, %get3A_576, %get3A_577] {strides = array<i32>} : memref<2x128x128xf32, #tpu.memory_space<vmem>>, vector<16xf32>,
      %get3A_579 = arith.constant 0 : i32
      %get3A_580 = arith.index_cast %get3A_579 : i32 to index
      %get3A_581 = arith.index_cast %scan3A_444 : i32 to index
      %get3A_582 = arith.constant 112 : index
      %get3A_583 = tpu.vector_load %arg12[%get3A_580, %get3A_581, %get3A_582] {strides = array<i32>} : memref<2x128x128xf32, #tpu.memory_space<vmem>>, vector<16xf32>,
      %get3A_584 = arith.constant 0 : i32
      %get3A_585 = arith.index_cast %get3A_584 : i32 to index
      %get3A_586 = arith.index_cast %scan3A_444 : i32 to index
      %get3A_587 = arith.constant 112 : index
      %get3A_588 = tpu.vector_load %arg13[%get3A_585, %get3A_586, %get3A_587] {strides = array<i32>} : memref<2x128x128xf32, #tpu.memory_space<vmem>>, vector<16xf32>,
      %add3A_589 = arith.addf %get3A_578, %get3A_583 : vector<16xf32>
      %sub3A_590 = arith.subf %add3A_589, %get3A_588 : vector<16xf32>
      %abs3A_591 = math.absf %sub3A_590 : vector<16xf32>
      %add3A_592 = arith.addf %add3A_573, %abs3A_591 : vector<16xf32>
      %mul3A_593 = arith.constant 16 : i32
      %mul3A_594 = arith.muli %scan3A_444, %mul3A_593 : i32
      %swap3A = arith.index_cast %mul3A_594 : i32 to index
      %swap3A_595 = tpu.vector_load %arg14[%swap3A] {strides = array<i32>} : memref<2048xf32, #tpu.memory_space<vmem>>, vector<16xf32>,
      tpu.vector_store %arg14[%swap3A], %add3A_592 {strides = array<i32>} : memref<2048xf32, #tpu.memory_space<vmem>>, vector<16xf32>,
    }
    %scan3A_107 = arith.constant 32 : i32
    %scan3A_108 = arith.constant 0 : i32
    %scan3A_109 = arith.constant 0 : i32
    %scan3A_110 = arith.constant 2 : i32
    %scan3A_111 = arith.addi %scan3A_109, %scan3A_110 : i32
    %scan3A_112 = arith.constant 1 : i32
    scf.for %scan3A_444 = %scan3A_109 to %scan3A_111 step %scan3A_112  : i32 {
      %broadcast_in_dim3A = arith.constant 0.000000e+00 : f32
      %broadcast_in_dim3A_445 = vector.broadcast %broadcast_in_dim3A : f32 to vector<16xf32>
      %mul3A_446 = arith.constant 256 : i32
      %mul3A_447 = arith.muli %scan3A_444, %mul3A_446 : i32
      %add3A_448 = arith.constant 0 : i32
      %add3A_449 = arith.addi %mul3A_447, %add3A_448 : i32
      %get3A = arith.index_cast %add3A_449 : i32 to index
      %get3A_450 = tpu.vector_load %arg14[%get3A] {strides = array<i32>} : memref<2048xf32, #tpu.memory_space<vmem>>, vector<16xf32>,
      %reduce_sum3A = arith.constant true
      %reduce_sum3A_451 = vector.broadcast %reduce_sum3A : i1 to vector<16xi1>
      %reduce_sum3A_452 = tpu.scan <sum>, %get3A_450 masked %reduce_sum3A_451 : vector<16xf32>, vector<16xi1> -> vector<16xf32>
      %reduce_sum3A_453 = vector.extract %reduce_sum3A_452[15] : f32 from vector<16xf32>
      %eq3A = arith.constant 0 : i32
      %eq3A_454 = vector.broadcast %eq3A : i32 to vector<16xi32>
      %eq3A_455 = arith.cmpi eq, %iota3A, %eq3A_454 : vector<16xi32>
      %sub3A = arith.constant 1.200000e+01 : f32
      %sub3A_456 = arith.subf %sub3A, %reduce_sum3A_453 : f32
      %broadcast_in_dim3A_457 = vector.broadcast %sub3A_456 : f32 to vector<16xf32>
      %select_n3A = arith.select %eq3A_455, %broadcast_in_dim3A_457, %broadcast_in_dim3A_445 : vector<16xi1>, vector<16xf32>
      %mul3A_458 = arith.constant 256 : i32
      %mul3A_459 = arith.muli %scan3A_444, %mul3A_458 : i32
      %add3A_460 = arith.constant 16 : i32
      %add3A_461 = arith.addi %mul3A_459, %add3A_460 : i32
      %get3A_462 = arith.index_cast %add3A_461 : i32 to index
      %get3A_463 = tpu.vector_load %arg14[%get3A_462] {strides = array<i32>} : memref<2048xf32, #tpu.memory_space<vmem>>, vector<16xf32>,
      %reduce_sum3A_464 = arith.constant true
      %reduce_sum3A_465 = vector.broadcast %reduce_sum3A_464 : i1 to vector<16xi1>
      %reduce_sum3A_466 = tpu.scan <sum>, %get3A_463 masked %reduce_sum3A_465 : vector<16xf32>, vector<16xi1> -> vector<16xf32>
      %reduce_sum3A_467 = vector.extract %reduce_sum3A_466[15] : f32 from vector<16xf32>
      %eq3A_468 = arith.constant 1 : i32
      %eq3A_469 = vector.broadcast %eq3A_468 : i32 to vector<16xi32>
      %eq3A_470 = arith.cmpi eq, %iota3A, %eq3A_469 : vector<16xi32>
      %sub3A_471 = arith.constant 1.200000e+01 : f32
      %sub3A_472 = arith.subf %sub3A_471, %reduce_sum3A_467 : f32
      %broadcast_in_dim3A_473 = vector.broadcast %sub3A_472 : f32 to vector<16xf32>
      %select_n3A_474 = arith.select %eq3A_470, %broadcast_in_dim3A_473, %select_n3A : vector<16xi1>, vector<16xf32>
      %mul3A_475 = arith.constant 256 : i32
      %mul3A_476 = arith.muli %scan3A_444, %mul3A_475 : i32
      %add3A_477 = arith.constant 32 : i32
      %add3A_478 = arith.addi %mul3A_476, %add3A_477 : i32
      %get3A_479 = arith.index_cast %add3A_478 : i32 to index
      %get3A_480 = tpu.vector_load %arg14[%get3A_479] {strides = array<i32>} : memref<2048xf32, #tpu.memory_space<vmem>>, vector<16xf32>,
      %reduce_sum3A_481 = arith.constant true
      %reduce_sum3A_482 = vector.broadcast %reduce_sum3A_481 : i1 to vector<16xi1>
      %reduce_sum3A_483 = tpu.scan <sum>, %get3A_480 masked %reduce_sum3A_482 : vector<16xf32>, vector<16xi1> -> vector<16xf32>
      %reduce_sum3A_484 = vector.extract %reduce_sum3A_483[15] : f32 from vector<16xf32>
      %eq3A_485 = arith.constant 2 : i32
      %eq3A_486 = vector.broadcast %eq3A_485 : i32 to vector<16xi32>
      %eq3A_487 = arith.cmpi eq, %iota3A, %eq3A_486 : vector<16xi32>
      %sub3A_488 = arith.constant 1.200000e+01 : f32
      %sub3A_489 = arith.subf %sub3A_488, %reduce_sum3A_484 : f32
      %broadcast_in_dim3A_490 = vector.broadcast %sub3A_489 : f32 to vector<16xf32>
      %select_n3A_491 = arith.select %eq3A_487, %broadcast_in_dim3A_490, %select_n3A_474 : vector<16xi1>, vector<16xf32>
      %mul3A_492 = arith.constant 256 : i32
      %mul3A_493 = arith.muli %scan3A_444, %mul3A_492 : i32
      %add3A_494 = arith.constant 48 : i32
      %add3A_495 = arith.addi %mul3A_493, %add3A_494 : i32
      %get3A_496 = arith.index_cast %add3A_495 : i32 to index
      %get3A_497 = tpu.vector_load %arg14[%get3A_496] {strides = array<i32>} : memref<2048xf32, #tpu.memory_space<vmem>>, vector<16xf32>,
      %reduce_sum3A_498 = arith.constant true
      %reduce_sum3A_499 = vector.broadcast %reduce_sum3A_498 : i1 to vector<16xi1>
      %reduce_sum3A_500 = tpu.scan <sum>, %get3A_497 masked %reduce_sum3A_499 : vector<16xf32>, vector<16xi1> -> vector<16xf32>
      %reduce_sum3A_501 = vector.extract %reduce_sum3A_500[15] : f32 from vector<16xf32>
      %eq3A_502 = arith.constant 3 : i32
      %eq3A_503 = vector.broadcast %eq3A_502 : i32 to vector<16xi32>
      %eq3A_504 = arith.cmpi eq, %iota3A, %eq3A_503 : vector<16xi32>
      %sub3A_505 = arith.constant 1.200000e+01 : f32
      %sub3A_506 = arith.subf %sub3A_505, %reduce_sum3A_501 : f32
      %broadcast_in_dim3A_507 = vector.broadcast %sub3A_506 : f32 to vector<16xf32>
      %select_n3A_508 = arith.select %eq3A_504, %broadcast_in_dim3A_507, %select_n3A_491 : vector<16xi1>, vector<16xf32>
      %mul3A_509 = arith.constant 256 : i32
      %mul3A_510 = arith.muli %scan3A_444, %mul3A_509 : i32
      %add3A_511 = arith.constant 64 : i32
      %add3A_512 = arith.addi %mul3A_510, %add3A_511 : i32
      %get3A_513 = arith.index_cast %add3A_512 : i32 to index
      %get3A_514 = tpu.vector_load %arg14[%get3A_513] {strides = array<i32>} : memref<2048xf32, #tpu.memory_space<vmem>>, vector<16xf32>,
      %reduce_sum3A_515 = arith.constant true
      %reduce_sum3A_516 = vector.broadcast %reduce_sum3A_515 : i1 to vector<16xi1>
      %reduce_sum3A_517 = tpu.scan <sum>, %get3A_514 masked %reduce_sum3A_516 : vector<16xf32>, vector<16xi1> -> vector<16xf32>
      %reduce_sum3A_518 = vector.extract %reduce_sum3A_517[15] : f32 from vector<16xf32>
      %eq3A_519 = arith.constant 4 : i32
      %eq3A_520 = vector.broadcast %eq3A_519 : i32 to vector<16xi32>
      %eq3A_521 = arith.cmpi eq, %iota3A, %eq3A_520 : vector<16xi32>
      %sub3A_522 = arith.constant 1.200000e+01 : f32
      %sub3A_523 = arith.subf %sub3A_522, %reduce_sum3A_518 : f32
      %broadcast_in_dim3A_524 = vector.broadcast %sub3A_523 : f32 to vector<16xf32>
      %select_n3A_525 = arith.select %eq3A_521, %broadcast_in_dim3A_524, %select_n3A_508 : vector<16xi1>, vector<16xf32>
      %mul3A_526 = arith.constant 256 : i32
      %mul3A_527 = arith.muli %scan3A_444, %mul3A_526 : i32
      %add3A_528 = arith.constant 80 : i32
      %add3A_529 = arith.addi %mul3A_527, %add3A_528 : i32
      %get3A_530 = arith.index_cast %add3A_529 : i32 to index
      %get3A_531 = tpu.vector_load %arg14[%get3A_530] {strides = array<i32>} : memref<2048xf32, #tpu.memory_space<vmem>>, vector<16xf32>,
      %reduce_sum3A_532 = arith.constant true
      %reduce_sum3A_533 = vector.broadcast %reduce_sum3A_532 : i1 to vector<16xi1>
      %reduce_sum3A_534 = tpu.scan <sum>, %get3A_531 masked %reduce_sum3A_533 : vector<16xf32>, vector<16xi1> -> vector<16xf32>
      %reduce_sum3A_535 = vector.extract %reduce_sum3A_534[15] : f32 from vector<16xf32>
      %eq3A_536 = arith.constant 5 : i32
      %eq3A_537 = vector.broadcast %eq3A_536 : i32 to vector<16xi32>
      %eq3A_538 = arith.cmpi eq, %iota3A, %eq3A_537 : vector<16xi32>
      %sub3A_539 = arith.constant 1.200000e+01 : f32
      %sub3A_540 = arith.subf %sub3A_539, %reduce_sum3A_535 : f32
      %broadcast_in_dim3A_541 = vector.broadcast %sub3A_540 : f32 to vector<16xf32>
      %select_n3A_542 = arith.select %eq3A_538, %broadcast_in_dim3A_541, %select_n3A_525 : vector<16xi1>, vector<16xf32>
      %mul3A_543 = arith.constant 256 : i32
      %mul3A_544 = arith.muli %scan3A_444, %mul3A_543 : i32
      %add3A_545 = arith.constant 96 : i32
      %add3A_546 = arith.addi %mul3A_544, %add3A_545 : i32
      %get3A_547 = arith.index_cast %add3A_546 : i32 to index
      %get3A_548 = tpu.vector_load %arg14[%get3A_547] {strides = array<i32>} : memref<2048xf32, #tpu.memory_space<vmem>>, vector<16xf32>,
      %reduce_sum3A_549 = arith.constant true
      %reduce_sum3A_550 = vector.broadcast %reduce_sum3A_549 : i1 to vector<16xi1>
      %reduce_sum3A_551 = tpu.scan <sum>, %get3A_548 masked %reduce_sum3A_550 : vector<16xf32>, vector<16xi1> -> vector<16xf32>
      %reduce_sum3A_552 = vector.extract %reduce_sum3A_551[15] : f32 from vector<16xf32>
      %eq3A_553 = arith.constant 6 : i32
      %eq3A_554 = vector.broadcast %eq3A_553 : i32 to vector<16xi32>
      %eq3A_555 = arith.cmpi eq, %iota3A, %eq3A_554 : vector<16xi32>
      %sub3A_556 = arith.constant 1.200000e+01 : f32
      %sub3A_557 = arith.subf %sub3A_556, %reduce_sum3A_552 : f32
      %broadcast_in_dim3A_558 = vector.broadcast %sub3A_557 : f32 to vector<16xf32>
      %select_n3A_559 = arith.select %eq3A_555, %broadcast_in_dim3A_558, %select_n3A_542 : vector<16xi1>, vector<16xf32>
      %mul3A_560 = arith.constant 256 : i32
      %mul3A_561 = arith.muli %scan3A_444, %mul3A_560 : i32
      %add3A_562 = arith.constant 112 : i32
      %add3A_563 = arith.addi %mul3A_561, %add3A_562 : i32
      %get3A_564 = arith.index_cast %add3A_563 : i32 to index
      %get3A_565 = tpu.vector_load %arg14[%get3A_564] {strides = array<i32>} : memref<2048xf32, #tpu.memory_space<vmem>>, vector<16xf32>,
      %reduce_sum3A_566 = arith.constant true
      %reduce_sum3A_567 = vector.broadcast %reduce_sum3A_566 : i1 to vector<16xi1>
      %reduce_sum3A_568 = tpu.scan <sum>, %get3A_565 masked %reduce_sum3A_567 : vector<16xf32>, vector<16xi1> -> vector<16xf32>
      %reduce_sum3A_569 = vector.extract %reduce_sum3A_568[15] : f32 from vector<16xf32>
      %eq3A_570 = arith.constant 7 : i32
      %eq3A_571 = vector.broadcast %eq3A_570 : i32 to vector<16xi32>
      %eq3A_572 = arith.cmpi eq, %iota3A, %eq3A_571 : vector<16xi32>
      %sub3A_573 = arith.constant 1.200000e+01 : f32
      %sub3A_574 = arith.subf %sub3A_573, %reduce_sum3A_569 : f32
      %broadcast_in_dim3A_575 = vector.broadcast %sub3A_574 : f32 to vector<16xf32>
      %select_n3A_576 = arith.select %eq3A_572, %broadcast_in_dim3A_575, %select_n3A_559 : vector<16xi1>, vector<16xf32>
      %mul3A_577 = arith.constant 256 : i32
      %mul3A_578 = arith.muli %scan3A_444, %mul3A_577 : i32
      %add3A_579 = arith.constant 128 : i32
      %add3A_580 = arith.addi %mul3A_578, %add3A_579 : i32
      %get3A_581 = arith.index_cast %add3A_580 : i32 to index
      %get3A_582 = tpu.vector_load %arg14[%get3A_581] {strides = array<i32>} : memref<2048xf32, #tpu.memory_space<vmem>>, vector<16xf32>,
      %reduce_sum3A_583 = arith.constant true
      %reduce_sum3A_584 = vector.broadcast %reduce_sum3A_583 : i1 to vector<16xi1>
      %reduce_sum3A_585 = tpu.scan <sum>, %get3A_582 masked %reduce_sum3A_584 : vector<16xf32>, vector<16xi1> -> vector<16xf32>
      %reduce_sum3A_586 = vector.extract %reduce_sum3A_585[15] : f32 from vector<16xf32>
      %eq3A_587 = arith.constant 8 : i32
      %eq3A_588 = vector.broadcast %eq3A_587 : i32 to vector<16xi32>
      %eq3A_589 = arith.cmpi eq, %iota3A, %eq3A_588 : vector<16xi32>
      %sub3A_590 = arith.constant 1.200000e+01 : f32
      %sub3A_591 = arith.subf %sub3A_590, %reduce_sum3A_586 : f32
      %broadcast_in_dim3A_592 = vector.broadcast %sub3A_591 : f32 to vector<16xf32>
      %select_n3A_593 = arith.select %eq3A_589, %broadcast_in_dim3A_592, %select_n3A_576 : vector<16xi1>, vector<16xf32>
      %mul3A_594 = arith.constant 256 : i32
      %mul3A_595 = arith.muli %scan3A_444, %mul3A_594 : i32
      %add3A_596 = arith.constant 144 : i32
      %add3A_597 = arith.addi %mul3A_595, %add3A_596 : i32
      %get3A_598 = arith.index_cast %add3A_597 : i32 to index
      %get3A_599 = tpu.vector_load %arg14[%get3A_598] {strides = array<i32>} : memref<2048xf32, #tpu.memory_space<vmem>>, vector<16xf32>,
      %reduce_sum3A_600 = arith.constant true
      %reduce_sum3A_601 = vector.broadcast %reduce_sum3A_600 : i1 to vector<16xi1>
      %reduce_sum3A_602 = tpu.scan <sum>, %get3A_599 masked %reduce_sum3A_601 : vector<16xf32>, vector<16xi1> -> vector<16xf32>
      %reduce_sum3A_603 = vector.extract %reduce_sum3A_602[15] : f32 from vector<16xf32>
      %eq3A_604 = arith.constant 9 : i32
      %eq3A_605 = vector.broadcast %eq3A_604 : i32 to vector<16xi32>
      %eq3A_606 = arith.cmpi eq, %iota3A, %eq3A_605 : vector<16xi32>
      %sub3A_607 = arith.constant 1.200000e+01 : f32
      %sub3A_608 = arith.subf %sub3A_607, %reduce_sum3A_603 : f32
      %broadcast_in_dim3A_609 = vector.broadcast %sub3A_608 : f32 to vector<16xf32>
      %select_n3A_610 = arith.select %eq3A_606, %broadcast_in_dim3A_609, %select_n3A_593 : vector<16xi1>, vector<16xf32>
      %mul3A_611 = arith.constant 256 : i32
      %mul3A_612 = arith.muli %scan3A_444, %mul3A_611 : i32
      %add3A_613 = arith.constant 160 : i32
      %add3A_614 = arith.addi %mul3A_612, %add3A_613 : i32
      %get3A_615 = arith.index_cast %add3A_614 : i32 to index
      %get3A_616 = tpu.vector_load %arg14[%get3A_615] {strides = array<i32>} : memref<2048xf32, #tpu.memory_space<vmem>>, vector<16xf32>,
      %reduce_sum3A_617 = arith.constant true
      %reduce_sum3A_618 = vector.broadcast %reduce_sum3A_617 : i1 to vector<16xi1>
      %reduce_sum3A_619 = tpu.scan <sum>, %get3A_616 masked %reduce_sum3A_618 : vector<16xf32>, vector<16xi1> -> vector<16xf32>
      %reduce_sum3A_620 = vector.extract %reduce_sum3A_619[15] : f32 from vector<16xf32>
      %eq3A_621 = arith.constant 10 : i32
      %eq3A_622 = vector.broadcast %eq3A_621 : i32 to vector<16xi32>
      %eq3A_623 = arith.cmpi eq, %iota3A, %eq3A_622 : vector<16xi32>
      %sub3A_624 = arith.constant 1.200000e+01 : f32
      %sub3A_625 = arith.subf %sub3A_624, %reduce_sum3A_620 : f32
      %broadcast_in_dim3A_626 = vector.broadcast %sub3A_625 : f32 to vector<16xf32>
      %select_n3A_627 = arith.select %eq3A_623, %broadcast_in_dim3A_626, %select_n3A_610 : vector<16xi1>, vector<16xf32>
      %mul3A_628 = arith.constant 256 : i32
      %mul3A_629 = arith.muli %scan3A_444, %mul3A_628 : i32
      %add3A_630 = arith.constant 176 : i32
      %add3A_631 = arith.addi %mul3A_629, %add3A_630 : i32
      %get3A_632 = arith.index_cast %add3A_631 : i32 to index
      %get3A_633 = tpu.vector_load %arg14[%get3A_632] {strides = array<i32>} : memref<2048xf32, #tpu.memory_space<vmem>>, vector<16xf32>,
      %reduce_sum3A_634 = arith.constant true
      %reduce_sum3A_635 = vector.broadcast %reduce_sum3A_634 : i1 to vector<16xi1>
      %reduce_sum3A_636 = tpu.scan <sum>, %get3A_633 masked %reduce_sum3A_635 : vector<16xf32>, vector<16xi1> -> vector<16xf32>
      %reduce_sum3A_637 = vector.extract %reduce_sum3A_636[15] : f32 from vector<16xf32>
      %eq3A_638 = arith.constant 11 : i32
      %eq3A_639 = vector.broadcast %eq3A_638 : i32 to vector<16xi32>
      %eq3A_640 = arith.cmpi eq, %iota3A, %eq3A_639 : vector<16xi32>
      %sub3A_641 = arith.constant 1.200000e+01 : f32
      %sub3A_642 = arith.subf %sub3A_641, %reduce_sum3A_637 : f32
      %broadcast_in_dim3A_643 = vector.broadcast %sub3A_642 : f32 to vector<16xf32>
      %select_n3A_644 = arith.select %eq3A_640, %broadcast_in_dim3A_643, %select_n3A_627 : vector<16xi1>, vector<16xf32>
      %mul3A_645 = arith.constant 256 : i32
      %mul3A_646 = arith.muli %scan3A_444, %mul3A_645 : i32
      %add3A_647 = arith.constant 192 : i32
      %add3A_648 = arith.addi %mul3A_646, %add3A_647 : i32
      %get3A_649 = arith.index_cast %add3A_648 : i32 to index
      %get3A_650 = tpu.vector_load %arg14[%get3A_649] {strides = array<i32>} : memref<2048xf32, #tpu.memory_space<vmem>>, vector<16xf32>,
      %reduce_sum3A_651 = arith.constant true
      %reduce_sum3A_652 = vector.broadcast %reduce_sum3A_651 : i1 to vector<16xi1>
      %reduce_sum3A_653 = tpu.scan <sum>, %get3A_650 masked %reduce_sum3A_652 : vector<16xf32>, vector<16xi1> -> vector<16xf32>
      %reduce_sum3A_654 = vector.extract %reduce_sum3A_653[15] : f32 from vector<16xf32>
      %eq3A_655 = arith.constant 12 : i32
      %eq3A_656 = vector.broadcast %eq3A_655 : i32 to vector<16xi32>
      %eq3A_657 = arith.cmpi eq, %iota3A, %eq3A_656 : vector<16xi32>
      %sub3A_658 = arith.constant 1.200000e+01 : f32
      %sub3A_659 = arith.subf %sub3A_658, %reduce_sum3A_654 : f32
      %broadcast_in_dim3A_660 = vector.broadcast %sub3A_659 : f32 to vector<16xf32>
      %select_n3A_661 = arith.select %eq3A_657, %broadcast_in_dim3A_660, %select_n3A_644 : vector<16xi1>, vector<16xf32>
      %mul3A_662 = arith.constant 256 : i32
      %mul3A_663 = arith.muli %scan3A_444, %mul3A_662 : i32
      %add3A_664 = arith.constant 208 : i32
      %add3A_665 = arith.addi %mul3A_663, %add3A_664 : i32
      %get3A_666 = arith.index_cast %add3A_665 : i32 to index
      %get3A_667 = tpu.vector_load %arg14[%get3A_666] {strides = array<i32>} : memref<2048xf32, #tpu.memory_space<vmem>>, vector<16xf32>,
      %reduce_sum3A_668 = arith.constant true
      %reduce_sum3A_669 = vector.broadcast %reduce_sum3A_668 : i1 to vector<16xi1>
      %reduce_sum3A_670 = tpu.scan <sum>, %get3A_667 masked %reduce_sum3A_669 : vector<16xf32>, vector<16xi1> -> vector<16xf32>
      %reduce_sum3A_671 = vector.extract %reduce_sum3A_670[15] : f32 from vector<16xf32>
      %eq3A_672 = arith.constant 13 : i32
      %eq3A_673 = vector.broadcast %eq3A_672 : i32 to vector<16xi32>
      %eq3A_674 = arith.cmpi eq, %iota3A, %eq3A_673 : vector<16xi32>
      %sub3A_675 = arith.constant 1.200000e+01 : f32
      %sub3A_676 = arith.subf %sub3A_675, %reduce_sum3A_671 : f32
      %broadcast_in_dim3A_677 = vector.broadcast %sub3A_676 : f32 to vector<16xf32>
      %select_n3A_678 = arith.select %eq3A_674, %broadcast_in_dim3A_677, %select_n3A_661 : vector<16xi1>, vector<16xf32>
      %mul3A_679 = arith.constant 256 : i32
      %mul3A_680 = arith.muli %scan3A_444, %mul3A_679 : i32
      %add3A_681 = arith.constant 224 : i32
      %add3A_682 = arith.addi %mul3A_680, %add3A_681 : i32
      %get3A_683 = arith.index_cast %add3A_682 : i32 to index
      %get3A_684 = tpu.vector_load %arg14[%get3A_683] {strides = array<i32>} : memref<2048xf32, #tpu.memory_space<vmem>>, vector<16xf32>,
      %reduce_sum3A_685 = arith.constant true
      %reduce_sum3A_686 = vector.broadcast %reduce_sum3A_685 : i1 to vector<16xi1>
      %reduce_sum3A_687 = tpu.scan <sum>, %get3A_684 masked %reduce_sum3A_686 : vector<16xf32>, vector<16xi1> -> vector<16xf32>
      %reduce_sum3A_688 = vector.extract %reduce_sum3A_687[15] : f32 from vector<16xf32>
      %eq3A_689 = arith.constant 14 : i32
      %eq3A_690 = vector.broadcast %eq3A_689 : i32 to vector<16xi32>
      %eq3A_691 = arith.cmpi eq, %iota3A, %eq3A_690 : vector<16xi32>
      %sub3A_692 = arith.constant 1.200000e+01 : f32
      %sub3A_693 = arith.subf %sub3A_692, %reduce_sum3A_688 : f32
      %broadcast_in_dim3A_694 = vector.broadcast %sub3A_693 : f32 to vector<16xf32>
      %select_n3A_695 = arith.select %eq3A_691, %broadcast_in_dim3A_694, %select_n3A_678 : vector<16xi1>, vector<16xf32>
      %mul3A_696 = arith.constant 256 : i32
      %mul3A_697 = arith.muli %scan3A_444, %mul3A_696 : i32
      %add3A_698 = arith.constant 240 : i32
      %add3A_699 = arith.addi %mul3A_697, %add3A_698 : i32
      %get3A_700 = arith.index_cast %add3A_699 : i32 to index
      %get3A_701 = tpu.vector_load %arg14[%get3A_700] {strides = array<i32>} : memref<2048xf32, #tpu.memory_space<vmem>>, vector<16xf32>,
      %reduce_sum3A_702 = arith.constant true
      %reduce_sum3A_703 = vector.broadcast %reduce_sum3A_702 : i1 to vector<16xi1>
      %reduce_sum3A_704 = tpu.scan <sum>, %get3A_701 masked %reduce_sum3A_703 : vector<16xf32>, vector<16xi1> -> vector<16xf32>
      %reduce_sum3A_705 = vector.extract %reduce_sum3A_704[15] : f32 from vector<16xf32>
      %eq3A_706 = arith.constant 15 : i32
      %eq3A_707 = vector.broadcast %eq3A_706 : i32 to vector<16xi32>
      %eq3A_708 = arith.cmpi eq, %iota3A, %eq3A_707 : vector<16xi32>
      %sub3A_709 = arith.constant 1.200000e+01 : f32
      %sub3A_710 = arith.subf %sub3A_709, %reduce_sum3A_705 : f32
      %broadcast_in_dim3A_711 = vector.broadcast %sub3A_710 : f32 to vector<16xf32>
      %select_n3A_712 = arith.select %eq3A_708, %broadcast_in_dim3A_711, %select_n3A_695 : vector<16xi1>, vector<16xf32>
      %mul3A_713 = arith.constant 16 : i32
      %mul3A_714 = arith.muli %scan3A_444, %mul3A_713 : i32
      %add3A_715 = arith.constant 0 : i32
      %add3A_716 = arith.addi %add3A_715, %mul3A_714 : i32
      %swap3A = arith.index_cast %add3A_716 : i32 to index
      %swap3A_717 = tpu.vector_load %arg15[%swap3A] {strides = array<i32>} : memref<512xf32, #tpu.memory_space<vmem>>, vector<16xf32>,
      tpu.vector_store %arg15[%swap3A], %select_n3A_712 {strides = array<i32>} : memref<512xf32, #tpu.memory_space<vmem>>, vector<16xf32>,
    }
    %scan3A_113 = arith.constant 2 : i32
    %dma_start3A_114 = arith.constant 0 : i32
    %dma_start3A_115 = arith.constant 0 : i32
    %dma_start3A_116 = arith.constant 0 : i32
    %dma_start3A_117 = tpu.memref_slice %arg11[%dma_start3A_114, %dma_start3A_115, %dma_start3A_116] : memref<2x128x128xf32, #tpu.memory_space<vmem>> -> memref<1x128x128xf32, #tpu.memory_space<vmem>>
    %dma_start3A_118 = tpu.memref_squeeze %dma_start3A_117 : memref<1x128x128xf32, #tpu.memory_space<vmem>> -> memref<128x128xf32, #tpu.memory_space<vmem>>
    %dma_start3A_119 = arith.constant 160 : i32
    %dma_start3A_120 = tpu.memref_slice %arg8[%dma_start3A_119] : memref<512xi32, #tpu.memory_space<vmem>> -> memref<128xi32, #tpu.memory_space<vmem>>
    %dma_start3A_121 = arith.constant 0 : i32
    %dma_start3A_122 = arith.constant 0 : i32
    %dma_start3A_123 = tpu.memref_slice %arg5[%dma_start3A_121, %dma_start3A_122] : memref<1000000x128xf32, #tpu.memory_space<hbm>> -> memref<1000000x128xf32, #tpu.memory_space<hbm>>
    tpu.enqueue_indirect_dma source(%dma_start3A_123 : memref<1000000x128xf32, #tpu.memory_space<hbm>>) target(%dma_start3A_118 : memref<128x128xf32, #tpu.memory_space<vmem>>) offsets(%dma_start3A_120 : memref<128xi32, #tpu.memory_space<vmem>>) semaphore(%arg16 : memref<!tpu.dma_semaphore, #tpu.memory_space<semaphore_mem>>)
    %dma_start3A_124 = arith.constant 0 : i32
    %dma_start3A_125 = arith.constant 0 : i32
    %dma_start3A_126 = arith.constant 0 : i32
    %dma_start3A_127 = tpu.memref_slice %arg12[%dma_start3A_124, %dma_start3A_125, %dma_start3A_126] : memref<2x128x128xf32, #tpu.memory_space<vmem>> -> memref<1x128x128xf32, #tpu.memory_space<vmem>>
    %dma_start3A_128 = tpu.memref_squeeze %dma_start3A_127 : memref<1x128x128xf32, #tpu.memory_space<vmem>> -> memref<128x128xf32, #tpu.memory_space<vmem>>
    %dma_start3A_129 = arith.constant 160 : i32
    %dma_start3A_130 = tpu.memref_slice %arg9[%dma_start3A_129] : memref<512xi32, #tpu.memory_space<vmem>> -> memref<128xi32, #tpu.memory_space<vmem>>
    %dma_start3A_131 = arith.constant 0 : i32
    %dma_start3A_132 = arith.constant 0 : i32
    %dma_start3A_133 = tpu.memref_slice %arg6[%dma_start3A_131, %dma_start3A_132] : memref<100000x128xf32, #tpu.memory_space<hbm>> -> memref<100000x128xf32, #tpu.memory_space<hbm>>
    tpu.enqueue_indirect_dma source(%dma_start3A_133 : memref<100000x128xf32, #tpu.memory_space<hbm>>) target(%dma_start3A_128 : memref<128x128xf32, #tpu.memory_space<vmem>>) offsets(%dma_start3A_130 : memref<128xi32, #tpu.memory_space<vmem>>) semaphore(%arg16 : memref<!tpu.dma_semaphore, #tpu.memory_space<semaphore_mem>>)
    %dma_start3A_134 = arith.constant 0 : i32
    %dma_start3A_135 = arith.constant 0 : i32
    %dma_start3A_136 = arith.constant 0 : i32
    %dma_start3A_137 = tpu.memref_slice %arg13[%dma_start3A_134, %dma_start3A_135, %dma_start3A_136] : memref<2x128x128xf32, #tpu.memory_space<vmem>> -> memref<1x128x128xf32, #tpu.memory_space<vmem>>
    %dma_start3A_138 = tpu.memref_squeeze %dma_start3A_137 : memref<1x128x128xf32, #tpu.memory_space<vmem>> -> memref<128x128xf32, #tpu.memory_space<vmem>>
    %dma_start3A_139 = arith.constant 160 : i32
    %dma_start3A_140 = tpu.memref_slice %arg10[%dma_start3A_139] : memref<512xi32, #tpu.memory_space<vmem>> -> memref<128xi32, #tpu.memory_space<vmem>>
    %dma_start3A_141 = arith.constant 0 : i32
    %dma_start3A_142 = arith.constant 0 : i32
    %dma_start3A_143 = tpu.memref_slice %arg5[%dma_start3A_141, %dma_start3A_142] : memref<1000000x128xf32, #tpu.memory_space<hbm>> -> memref<1000000x128xf32, #tpu.memory_space<hbm>>
    tpu.enqueue_indirect_dma source(%dma_start3A_143 : memref<1000000x128xf32, #tpu.memory_space<hbm>>) target(%dma_start3A_138 : memref<128x128xf32, #tpu.memory_space<vmem>>) offsets(%dma_start3A_140 : memref<128xi32, #tpu.memory_space<vmem>>) semaphore(%arg16 : memref<!tpu.dma_semaphore, #tpu.memory_space<semaphore_mem>>)
    %dma_wait3A_144 = arith.constant 1 : i32
    %dma_wait3A_145 = arith.constant 0 : i32
    %dma_wait3A_146 = arith.constant 0 : i32
    %dma_wait3A_147 = tpu.memref_slice %arg11[%dma_wait3A_144, %dma_wait3A_145, %dma_wait3A_146] : memref<2x128x128xf32, #tpu.memory_space<vmem>> -> memref<1x128x128xf32, #tpu.memory_space<vmem>>
    %dma_wait3A_148 = tpu.memref_squeeze %dma_wait3A_147 : memref<1x128x128xf32, #tpu.memory_space<vmem>> -> memref<128x128xf32, #tpu.memory_space<vmem>>
    %dma_wait3A_149 = arith.constant 32 : i32
    %dma_wait3A_150 = tpu.memref_slice %arg8[%dma_wait3A_149] : memref<512xi32, #tpu.memory_space<vmem>> -> memref<128xi32, #tpu.memory_space<vmem>>
    %dma_wait3A_151 = arith.constant 0 : i32
    %dma_wait3A_152 = arith.constant 0 : i32
    %dma_wait3A_153 = tpu.memref_slice %arg5[%dma_wait3A_151, %dma_wait3A_152] : memref<1000000x128xf32, #tpu.memory_space<hbm>> -> memref<1000000x128xf32, #tpu.memory_space<hbm>>
    tpu.wait_indirect_dma semaphore(%arg17 : memref<!tpu.dma_semaphore, #tpu.memory_space<semaphore_mem>>) src(%dma_wait3A_153 : memref<1000000x128xf32, #tpu.memory_space<hbm>>) dst(%dma_wait3A_148 : memref<128x128xf32, #tpu.memory_space<vmem>>)
    %dma_wait3A_154 = arith.constant 1 : i32
    %dma_wait3A_155 = arith.constant 0 : i32
    %dma_wait3A_156 = arith.constant 0 : i32
    %dma_wait3A_157 = tpu.memref_slice %arg12[%dma_wait3A_154, %dma_wait3A_155, %dma_wait3A_156] : memref<2x128x128xf32, #tpu.memory_space<vmem>> -> memref<1x128x128xf32, #tpu.memory_space<vmem>>
    %dma_wait3A_158 = tpu.memref_squeeze %dma_wait3A_157 : memref<1x128x128xf32, #tpu.memory_space<vmem>> -> memref<128x128xf32, #tpu.memory_space<vmem>>
    %dma_wait3A_159 = arith.constant 32 : i32
    %dma_wait3A_160 = tpu.memref_slice %arg9[%dma_wait3A_159] : memref<512xi32, #tpu.memory_space<vmem>> -> memref<128xi32, #tpu.memory_space<vmem>>
    %dma_wait3A_161 = arith.constant 0 : i32
    %dma_wait3A_162 = arith.constant 0 : i32
    %dma_wait3A_163 = tpu.memref_slice %arg6[%dma_wait3A_161, %dma_wait3A_162] : memref<100000x128xf32, #tpu.memory_space<hbm>> -> memref<100000x128xf32, #tpu.memory_space<hbm>>
    tpu.wait_indirect_dma semaphore(%arg17 : memref<!tpu.dma_semaphore, #tpu.memory_space<semaphore_mem>>) src(%dma_wait3A_163 : memref<100000x128xf32, #tpu.memory_space<hbm>>) dst(%dma_wait3A_158 : memref<128x128xf32, #tpu.memory_space<vmem>>)
    %dma_wait3A_164 = arith.constant 1 : i32
    %dma_wait3A_165 = arith.constant 0 : i32
    %dma_wait3A_166 = arith.constant 0 : i32
    %dma_wait3A_167 = tpu.memref_slice %arg13[%dma_wait3A_164, %dma_wait3A_165, %dma_wait3A_166] : memref<2x128x128xf32, #tpu.memory_space<vmem>> -> memref<1x128x128xf32, #tpu.memory_space<vmem>>
    %dma_wait3A_168 = tpu.memref_squeeze %dma_wait3A_167 : memref<1x128x128xf32, #tpu.memory_space<vmem>> -> memref<128x128xf32, #tpu.memory_space<vmem>>
    %dma_wait3A_169 = arith.constant 32 : i32
    %dma_wait3A_170 = tpu.memref_slice %arg10[%dma_wait3A_169] : memref<512xi32, #tpu.memory_space<vmem>> -> memref<128xi32, #tpu.memory_space<vmem>>
    %dma_wait3A_171 = arith.constant 0 : i32
    %dma_wait3A_172 = arith.constant 0 : i32
    %dma_wait3A_173 = tpu.memref_slice %arg5[%dma_wait3A_171, %dma_wait3A_172] : memref<1000000x128xf32, #tpu.memory_space<hbm>> -> memref<1000000x128xf32, #tpu.memory_space<hbm>>
    tpu.wait_indirect_dma semaphore(%arg17 : memref<!tpu.dma_semaphore, #tpu.memory_space<semaphore_mem>>) src(%dma_wait3A_173 : memref<1000000x128xf32, #tpu.memory_space<hbm>>) dst(%dma_wait3A_168 : memref<128x128xf32, #tpu.memory_space<vmem>>)
    %scan3A_174 = arith.constant 0 : i32
    %scan3A_175 = arith.constant 0 : i32
    %scan3A_176 = arith.constant 128 : i32
    %scan3A_177 = arith.addi %scan3A_175, %scan3A_176 : i32
    %scan3A_178 = arith.constant 1 : i32
    scf.for %scan3A_444 = %scan3A_175 to %scan3A_177 step %scan3A_178  : i32 {
      %get3A = arith.constant 1 : i32
      %get3A_445 = arith.index_cast %get3A : i32 to index
      %get3A_446 = arith.index_cast %scan3A_444 : i32 to index
      %get3A_447 = arith.constant 0 : index
      %get3A_448 = tpu.vector_load %arg11[%get3A_445, %get3A_446, %get3A_447] {strides = array<i32>} : memref<2x128x128xf32, #tpu.memory_space<vmem>>, vector<16xf32>,
      %get3A_449 = arith.constant 1 : i32
      %get3A_450 = arith.index_cast %get3A_449 : i32 to index
      %get3A_451 = arith.index_cast %scan3A_444 : i32 to index
      %get3A_452 = arith.constant 0 : index
      %get3A_453 = tpu.vector_load %arg12[%get3A_450, %get3A_451, %get3A_452] {strides = array<i32>} : memref<2x128x128xf32, #tpu.memory_space<vmem>>, vector<16xf32>,
      %get3A_454 = arith.constant 1 : i32
      %get3A_455 = arith.index_cast %get3A_454 : i32 to index
      %get3A_456 = arith.index_cast %scan3A_444 : i32 to index
      %get3A_457 = arith.constant 0 : index
      %get3A_458 = tpu.vector_load %arg13[%get3A_455, %get3A_456, %get3A_457] {strides = array<i32>} : memref<2x128x128xf32, #tpu.memory_space<vmem>>, vector<16xf32>,
      %add3A_459 = arith.addf %get3A_448, %get3A_453 : vector<16xf32>
      %sub3A = arith.subf %add3A_459, %get3A_458 : vector<16xf32>
      %abs3A = math.absf %sub3A : vector<16xf32>
      %get3A_460 = arith.constant 1 : i32
      %get3A_461 = arith.index_cast %get3A_460 : i32 to index
      %get3A_462 = arith.index_cast %scan3A_444 : i32 to index
      %get3A_463 = arith.constant 16 : index
      %get3A_464 = tpu.vector_load %arg11[%get3A_461, %get3A_462, %get3A_463] {strides = array<i32>} : memref<2x128x128xf32, #tpu.memory_space<vmem>>, vector<16xf32>,
      %get3A_465 = arith.constant 1 : i32
      %get3A_466 = arith.index_cast %get3A_465 : i32 to index
      %get3A_467 = arith.index_cast %scan3A_444 : i32 to index
      %get3A_468 = arith.constant 16 : index
      %get3A_469 = tpu.vector_load %arg12[%get3A_466, %get3A_467, %get3A_468] {strides = array<i32>} : memref<2x128x128xf32, #tpu.memory_space<vmem>>, vector<16xf32>,
      %get3A_470 = arith.constant 1 : i32
      %get3A_471 = arith.index_cast %get3A_470 : i32 to index
      %get3A_472 = arith.index_cast %scan3A_444 : i32 to index
      %get3A_473 = arith.constant 16 : index
      %get3A_474 = tpu.vector_load %arg13[%get3A_471, %get3A_472, %get3A_473] {strides = array<i32>} : memref<2x128x128xf32, #tpu.memory_space<vmem>>, vector<16xf32>,
      %add3A_475 = arith.addf %get3A_464, %get3A_469 : vector<16xf32>
      %sub3A_476 = arith.subf %add3A_475, %get3A_474 : vector<16xf32>
      %abs3A_477 = math.absf %sub3A_476 : vector<16xf32>
      %add3A_478 = arith.addf %abs3A, %abs3A_477 : vector<16xf32>
      %get3A_479 = arith.constant 1 : i32
      %get3A_480 = arith.index_cast %get3A_479 : i32 to index
      %get3A_481 = arith.index_cast %scan3A_444 : i32 to index
      %get3A_482 = arith.constant 32 : index
      %get3A_483 = tpu.vector_load %arg11[%get3A_480, %get3A_481, %get3A_482] {strides = array<i32>} : memref<2x128x128xf32, #tpu.memory_space<vmem>>, vector<16xf32>,
      %get3A_484 = arith.constant 1 : i32
      %get3A_485 = arith.index_cast %get3A_484 : i32 to index
      %get3A_486 = arith.index_cast %scan3A_444 : i32 to index
      %get3A_487 = arith.constant 32 : index
      %get3A_488 = tpu.vector_load %arg12[%get3A_485, %get3A_486, %get3A_487] {strides = array<i32>} : memref<2x128x128xf32, #tpu.memory_space<vmem>>, vector<16xf32>,
      %get3A_489 = arith.constant 1 : i32
      %get3A_490 = arith.index_cast %get3A_489 : i32 to index
      %get3A_491 = arith.index_cast %scan3A_444 : i32 to index
      %get3A_492 = arith.constant 32 : index
      %get3A_493 = tpu.vector_load %arg13[%get3A_490, %get3A_491, %get3A_492] {strides = array<i32>} : memref<2x128x128xf32, #tpu.memory_space<vmem>>, vector<16xf32>,
      %add3A_494 = arith.addf %get3A_483, %get3A_488 : vector<16xf32>
      %sub3A_495 = arith.subf %add3A_494, %get3A_493 : vector<16xf32>
      %abs3A_496 = math.absf %sub3A_495 : vector<16xf32>
      %add3A_497 = arith.addf %add3A_478, %abs3A_496 : vector<16xf32>
      %get3A_498 = arith.constant 1 : i32
      %get3A_499 = arith.index_cast %get3A_498 : i32 to index
      %get3A_500 = arith.index_cast %scan3A_444 : i32 to index
      %get3A_501 = arith.constant 48 : index
      %get3A_502 = tpu.vector_load %arg11[%get3A_499, %get3A_500, %get3A_501] {strides = array<i32>} : memref<2x128x128xf32, #tpu.memory_space<vmem>>, vector<16xf32>,
      %get3A_503 = arith.constant 1 : i32
      %get3A_504 = arith.index_cast %get3A_503 : i32 to index
      %get3A_505 = arith.index_cast %scan3A_444 : i32 to index
      %get3A_506 = arith.constant 48 : index
      %get3A_507 = tpu.vector_load %arg12[%get3A_504, %get3A_505, %get3A_506] {strides = array<i32>} : memref<2x128x128xf32, #tpu.memory_space<vmem>>, vector<16xf32>,
      %get3A_508 = arith.constant 1 : i32
      %get3A_509 = arith.index_cast %get3A_508 : i32 to index
      %get3A_510 = arith.index_cast %scan3A_444 : i32 to index
      %get3A_511 = arith.constant 48 : index
      %get3A_512 = tpu.vector_load %arg13[%get3A_509, %get3A_510, %get3A_511] {strides = array<i32>} : memref<2x128x128xf32, #tpu.memory_space<vmem>>, vector<16xf32>,
      %add3A_513 = arith.addf %get3A_502, %get3A_507 : vector<16xf32>
      %sub3A_514 = arith.subf %add3A_513, %get3A_512 : vector<16xf32>
      %abs3A_515 = math.absf %sub3A_514 : vector<16xf32>
      %add3A_516 = arith.addf %add3A_497, %abs3A_515 : vector<16xf32>
      %get3A_517 = arith.constant 1 : i32
      %get3A_518 = arith.index_cast %get3A_517 : i32 to index
      %get3A_519 = arith.index_cast %scan3A_444 : i32 to index
      %get3A_520 = arith.constant 64 : index
      %get3A_521 = tpu.vector_load %arg11[%get3A_518, %get3A_519, %get3A_520] {strides = array<i32>} : memref<2x128x128xf32, #tpu.memory_space<vmem>>, vector<16xf32>,
      %get3A_522 = arith.constant 1 : i32
      %get3A_523 = arith.index_cast %get3A_522 : i32 to index
      %get3A_524 = arith.index_cast %scan3A_444 : i32 to index
      %get3A_525 = arith.constant 64 : index
      %get3A_526 = tpu.vector_load %arg12[%get3A_523, %get3A_524, %get3A_525] {strides = array<i32>} : memref<2x128x128xf32, #tpu.memory_space<vmem>>, vector<16xf32>,
      %get3A_527 = arith.constant 1 : i32
      %get3A_528 = arith.index_cast %get3A_527 : i32 to index
      %get3A_529 = arith.index_cast %scan3A_444 : i32 to index
      %get3A_530 = arith.constant 64 : index
      %get3A_531 = tpu.vector_load %arg13[%get3A_528, %get3A_529, %get3A_530] {strides = array<i32>} : memref<2x128x128xf32, #tpu.memory_space<vmem>>, vector<16xf32>,
      %add3A_532 = arith.addf %get3A_521, %get3A_526 : vector<16xf32>
      %sub3A_533 = arith.subf %add3A_532, %get3A_531 : vector<16xf32>
      %abs3A_534 = math.absf %sub3A_533 : vector<16xf32>
      %add3A_535 = arith.addf %add3A_516, %abs3A_534 : vector<16xf32>
      %get3A_536 = arith.constant 1 : i32
      %get3A_537 = arith.index_cast %get3A_536 : i32 to index
      %get3A_538 = arith.index_cast %scan3A_444 : i32 to index
      %get3A_539 = arith.constant 80 : index
      %get3A_540 = tpu.vector_load %arg11[%get3A_537, %get3A_538, %get3A_539] {strides = array<i32>} : memref<2x128x128xf32, #tpu.memory_space<vmem>>, vector<16xf32>,
      %get3A_541 = arith.constant 1 : i32
      %get3A_542 = arith.index_cast %get3A_541 : i32 to index
      %get3A_543 = arith.index_cast %scan3A_444 : i32 to index
      %get3A_544 = arith.constant 80 : index
      %get3A_545 = tpu.vector_load %arg12[%get3A_542, %get3A_543, %get3A_544] {strides = array<i32>} : memref<2x128x128xf32, #tpu.memory_space<vmem>>, vector<16xf32>,
      %get3A_546 = arith.constant 1 : i32
      %get3A_547 = arith.index_cast %get3A_546 : i32 to index
      %get3A_548 = arith.index_cast %scan3A_444 : i32 to index
      %get3A_549 = arith.constant 80 : index
      %get3A_550 = tpu.vector_load %arg13[%get3A_547, %get3A_548, %get3A_549] {strides = array<i32>} : memref<2x128x128xf32, #tpu.memory_space<vmem>>, vector<16xf32>,
      %add3A_551 = arith.addf %get3A_540, %get3A_545 : vector<16xf32>
      %sub3A_552 = arith.subf %add3A_551, %get3A_550 : vector<16xf32>
      %abs3A_553 = math.absf %sub3A_552 : vector<16xf32>
      %add3A_554 = arith.addf %add3A_535, %abs3A_553 : vector<16xf32>
      %get3A_555 = arith.constant 1 : i32
      %get3A_556 = arith.index_cast %get3A_555 : i32 to index
      %get3A_557 = arith.index_cast %scan3A_444 : i32 to index
      %get3A_558 = arith.constant 96 : index
      %get3A_559 = tpu.vector_load %arg11[%get3A_556, %get3A_557, %get3A_558] {strides = array<i32>} : memref<2x128x128xf32, #tpu.memory_space<vmem>>, vector<16xf32>,
      %get3A_560 = arith.constant 1 : i32
      %get3A_561 = arith.index_cast %get3A_560 : i32 to index
      %get3A_562 = arith.index_cast %scan3A_444 : i32 to index
      %get3A_563 = arith.constant 96 : index
      %get3A_564 = tpu.vector_load %arg12[%get3A_561, %get3A_562, %get3A_563] {strides = array<i32>} : memref<2x128x128xf32, #tpu.memory_space<vmem>>, vector<16xf32>,
      %get3A_565 = arith.constant 1 : i32
      %get3A_566 = arith.index_cast %get3A_565 : i32 to index
      %get3A_567 = arith.index_cast %scan3A_444 : i32 to index
      %get3A_568 = arith.constant 96 : index
      %get3A_569 = tpu.vector_load %arg13[%get3A_566, %get3A_567, %get3A_568] {strides = array<i32>} : memref<2x128x128xf32, #tpu.memory_space<vmem>>, vector<16xf32>,
      %add3A_570 = arith.addf %get3A_559, %get3A_564 : vector<16xf32>
      %sub3A_571 = arith.subf %add3A_570, %get3A_569 : vector<16xf32>
      %abs3A_572 = math.absf %sub3A_571 : vector<16xf32>
      %add3A_573 = arith.addf %add3A_554, %abs3A_572 : vector<16xf32>
      %get3A_574 = arith.constant 1 : i32
      %get3A_575 = arith.index_cast %get3A_574 : i32 to index
      %get3A_576 = arith.index_cast %scan3A_444 : i32 to index
      %get3A_577 = arith.constant 112 : index
      %get3A_578 = tpu.vector_load %arg11[%get3A_575, %get3A_576, %get3A_577] {strides = array<i32>} : memref<2x128x128xf32, #tpu.memory_space<vmem>>, vector<16xf32>,
      %get3A_579 = arith.constant 1 : i32
      %get3A_580 = arith.index_cast %get3A_579 : i32 to index
      %get3A_581 = arith.index_cast %scan3A_444 : i32 to index
      %get3A_582 = arith.constant 112 : index
      %get3A_583 = tpu.vector_load %arg12[%get3A_580, %get3A_581, %get3A_582] {strides = array<i32>} : memref<2x128x128xf32, #tpu.memory_space<vmem>>, vector<16xf32>,
      %get3A_584 = arith.constant 1 : i32
      %get3A_585 = arith.index_cast %get3A_584 : i32 to index
      %get3A_586 = arith.index_cast %scan3A_444 : i32 to index
      %get3A_587 = arith.constant 112 : index
      %get3A_588 = tpu.vector_load %arg13[%get3A_585, %get3A_586, %get3A_587] {strides = array<i32>} : memref<2x128x128xf32, #tpu.memory_space<vmem>>, vector<16xf32>,
      %add3A_589 = arith.addf %get3A_578, %get3A_583 : vector<16xf32>
      %sub3A_590 = arith.subf %add3A_589, %get3A_588 : vector<16xf32>
      %abs3A_591 = math.absf %sub3A_590 : vector<16xf32>
      %add3A_592 = arith.addf %add3A_573, %abs3A_591 : vector<16xf32>
      %mul3A_593 = arith.constant 16 : i32
      %mul3A_594 = arith.muli %scan3A_444, %mul3A_593 : i32
      %swap3A = arith.index_cast %mul3A_594 : i32 to index
      %swap3A_595 = tpu.vector_load %arg14[%swap3A] {strides = array<i32>} : memref<2048xf32, #tpu.memory_space<vmem>>, vector<16xf32>,
      tpu.vector_store %arg14[%swap3A], %add3A_592 {strides = array<i32>} : memref<2048xf32, #tpu.memory_space<vmem>>, vector<16xf32>,
    }
    %scan3A_179 = arith.constant 128 : i32
    %scan3A_180 = arith.constant 0 : i32
    %scan3A_181 = arith.constant 0 : i32
    %scan3A_182 = arith.constant 8 : i32
    %scan3A_183 = arith.addi %scan3A_181, %scan3A_182 : i32
    %scan3A_184 = arith.constant 1 : i32
    scf.for %scan3A_444 = %scan3A_181 to %scan3A_183 step %scan3A_184  : i32 {
      %broadcast_in_dim3A = arith.constant 0.000000e+00 : f32
      %broadcast_in_dim3A_445 = vector.broadcast %broadcast_in_dim3A : f32 to vector<16xf32>
      %mul3A_446 = arith.constant 256 : i32
      %mul3A_447 = arith.muli %scan3A_444, %mul3A_446 : i32
      %add3A_448 = arith.constant 0 : i32
      %add3A_449 = arith.addi %mul3A_447, %add3A_448 : i32
      %get3A = arith.index_cast %add3A_449 : i32 to index
      %get3A_450 = tpu.vector_load %arg14[%get3A] {strides = array<i32>} : memref<2048xf32, #tpu.memory_space<vmem>>, vector<16xf32>,
      %reduce_sum3A = arith.constant true
      %reduce_sum3A_451 = vector.broadcast %reduce_sum3A : i1 to vector<16xi1>
      %reduce_sum3A_452 = tpu.scan <sum>, %get3A_450 masked %reduce_sum3A_451 : vector<16xf32>, vector<16xi1> -> vector<16xf32>
      %reduce_sum3A_453 = vector.extract %reduce_sum3A_452[15] : f32 from vector<16xf32>
      %eq3A = arith.constant 0 : i32
      %eq3A_454 = vector.broadcast %eq3A : i32 to vector<16xi32>
      %eq3A_455 = arith.cmpi eq, %iota3A, %eq3A_454 : vector<16xi32>
      %sub3A = arith.constant 1.200000e+01 : f32
      %sub3A_456 = arith.subf %sub3A, %reduce_sum3A_453 : f32
      %broadcast_in_dim3A_457 = vector.broadcast %sub3A_456 : f32 to vector<16xf32>
      %select_n3A = arith.select %eq3A_455, %broadcast_in_dim3A_457, %broadcast_in_dim3A_445 : vector<16xi1>, vector<16xf32>
      %mul3A_458 = arith.constant 256 : i32
      %mul3A_459 = arith.muli %scan3A_444, %mul3A_458 : i32
      %add3A_460 = arith.constant 16 : i32
      %add3A_461 = arith.addi %mul3A_459, %add3A_460 : i32
      %get3A_462 = arith.index_cast %add3A_461 : i32 to index
      %get3A_463 = tpu.vector_load %arg14[%get3A_462] {strides = array<i32>} : memref<2048xf32, #tpu.memory_space<vmem>>, vector<16xf32>,
      %reduce_sum3A_464 = arith.constant true
      %reduce_sum3A_465 = vector.broadcast %reduce_sum3A_464 : i1 to vector<16xi1>
      %reduce_sum3A_466 = tpu.scan <sum>, %get3A_463 masked %reduce_sum3A_465 : vector<16xf32>, vector<16xi1> -> vector<16xf32>
      %reduce_sum3A_467 = vector.extract %reduce_sum3A_466[15] : f32 from vector<16xf32>
      %eq3A_468 = arith.constant 1 : i32
      %eq3A_469 = vector.broadcast %eq3A_468 : i32 to vector<16xi32>
      %eq3A_470 = arith.cmpi eq, %iota3A, %eq3A_469 : vector<16xi32>
      %sub3A_471 = arith.constant 1.200000e+01 : f32
      %sub3A_472 = arith.subf %sub3A_471, %reduce_sum3A_467 : f32
      %broadcast_in_dim3A_473 = vector.broadcast %sub3A_472 : f32 to vector<16xf32>
      %select_n3A_474 = arith.select %eq3A_470, %broadcast_in_dim3A_473, %select_n3A : vector<16xi1>, vector<16xf32>
      %mul3A_475 = arith.constant 256 : i32
      %mul3A_476 = arith.muli %scan3A_444, %mul3A_475 : i32
      %add3A_477 = arith.constant 32 : i32
      %add3A_478 = arith.addi %mul3A_476, %add3A_477 : i32
      %get3A_479 = arith.index_cast %add3A_478 : i32 to index
      %get3A_480 = tpu.vector_load %arg14[%get3A_479] {strides = array<i32>} : memref<2048xf32, #tpu.memory_space<vmem>>, vector<16xf32>,
      %reduce_sum3A_481 = arith.constant true
      %reduce_sum3A_482 = vector.broadcast %reduce_sum3A_481 : i1 to vector<16xi1>
      %reduce_sum3A_483 = tpu.scan <sum>, %get3A_480 masked %reduce_sum3A_482 : vector<16xf32>, vector<16xi1> -> vector<16xf32>
      %reduce_sum3A_484 = vector.extract %reduce_sum3A_483[15] : f32 from vector<16xf32>
      %eq3A_485 = arith.constant 2 : i32
      %eq3A_486 = vector.broadcast %eq3A_485 : i32 to vector<16xi32>
      %eq3A_487 = arith.cmpi eq, %iota3A, %eq3A_486 : vector<16xi32>
      %sub3A_488 = arith.constant 1.200000e+01 : f32
      %sub3A_489 = arith.subf %sub3A_488, %reduce_sum3A_484 : f32
      %broadcast_in_dim3A_490 = vector.broadcast %sub3A_489 : f32 to vector<16xf32>
      %select_n3A_491 = arith.select %eq3A_487, %broadcast_in_dim3A_490, %select_n3A_474 : vector<16xi1>, vector<16xf32>
      %mul3A_492 = arith.constant 256 : i32
      %mul3A_493 = arith.muli %scan3A_444, %mul3A_492 : i32
      %add3A_494 = arith.constant 48 : i32
      %add3A_495 = arith.addi %mul3A_493, %add3A_494 : i32
      %get3A_496 = arith.index_cast %add3A_495 : i32 to index
      %get3A_497 = tpu.vector_load %arg14[%get3A_496] {strides = array<i32>} : memref<2048xf32, #tpu.memory_space<vmem>>, vector<16xf32>,
      %reduce_sum3A_498 = arith.constant true
      %reduce_sum3A_499 = vector.broadcast %reduce_sum3A_498 : i1 to vector<16xi1>
      %reduce_sum3A_500 = tpu.scan <sum>, %get3A_497 masked %reduce_sum3A_499 : vector<16xf32>, vector<16xi1> -> vector<16xf32>
      %reduce_sum3A_501 = vector.extract %reduce_sum3A_500[15] : f32 from vector<16xf32>
      %eq3A_502 = arith.constant 3 : i32
      %eq3A_503 = vector.broadcast %eq3A_502 : i32 to vector<16xi32>
      %eq3A_504 = arith.cmpi eq, %iota3A, %eq3A_503 : vector<16xi32>
      %sub3A_505 = arith.constant 1.200000e+01 : f32
      %sub3A_506 = arith.subf %sub3A_505, %reduce_sum3A_501 : f32
      %broadcast_in_dim3A_507 = vector.broadcast %sub3A_506 : f32 to vector<16xf32>
      %select_n3A_508 = arith.select %eq3A_504, %broadcast_in_dim3A_507, %select_n3A_491 : vector<16xi1>, vector<16xf32>
      %mul3A_509 = arith.constant 256 : i32
      %mul3A_510 = arith.muli %scan3A_444, %mul3A_509 : i32
      %add3A_511 = arith.constant 64 : i32
      %add3A_512 = arith.addi %mul3A_510, %add3A_511 : i32
      %get3A_513 = arith.index_cast %add3A_512 : i32 to index
      %get3A_514 = tpu.vector_load %arg14[%get3A_513] {strides = array<i32>} : memref<2048xf32, #tpu.memory_space<vmem>>, vector<16xf32>,
      %reduce_sum3A_515 = arith.constant true
      %reduce_sum3A_516 = vector.broadcast %reduce_sum3A_515 : i1 to vector<16xi1>
      %reduce_sum3A_517 = tpu.scan <sum>, %get3A_514 masked %reduce_sum3A_516 : vector<16xf32>, vector<16xi1> -> vector<16xf32>
      %reduce_sum3A_518 = vector.extract %reduce_sum3A_517[15] : f32 from vector<16xf32>
      %eq3A_519 = arith.constant 4 : i32
      %eq3A_520 = vector.broadcast %eq3A_519 : i32 to vector<16xi32>
      %eq3A_521 = arith.cmpi eq, %iota3A, %eq3A_520 : vector<16xi32>
      %sub3A_522 = arith.constant 1.200000e+01 : f32
      %sub3A_523 = arith.subf %sub3A_522, %reduce_sum3A_518 : f32
      %broadcast_in_dim3A_524 = vector.broadcast %sub3A_523 : f32 to vector<16xf32>
      %select_n3A_525 = arith.select %eq3A_521, %broadcast_in_dim3A_524, %select_n3A_508 : vector<16xi1>, vector<16xf32>
      %mul3A_526 = arith.constant 256 : i32
      %mul3A_527 = arith.muli %scan3A_444, %mul3A_526 : i32
      %add3A_528 = arith.constant 80 : i32
      %add3A_529 = arith.addi %mul3A_527, %add3A_528 : i32
      %get3A_530 = arith.index_cast %add3A_529 : i32 to index
      %get3A_531 = tpu.vector_load %arg14[%get3A_530] {strides = array<i32>} : memref<2048xf32, #tpu.memory_space<vmem>>, vector<16xf32>,
      %reduce_sum3A_532 = arith.constant true
      %reduce_sum3A_533 = vector.broadcast %reduce_sum3A_532 : i1 to vector<16xi1>
      %reduce_sum3A_534 = tpu.scan <sum>, %get3A_531 masked %reduce_sum3A_533 : vector<16xf32>, vector<16xi1> -> vector<16xf32>
      %reduce_sum3A_535 = vector.extract %reduce_sum3A_534[15] : f32 from vector<16xf32>
      %eq3A_536 = arith.constant 5 : i32
      %eq3A_537 = vector.broadcast %eq3A_536 : i32 to vector<16xi32>
      %eq3A_538 = arith.cmpi eq, %iota3A, %eq3A_537 : vector<16xi32>
      %sub3A_539 = arith.constant 1.200000e+01 : f32
      %sub3A_540 = arith.subf %sub3A_539, %reduce_sum3A_535 : f32
      %broadcast_in_dim3A_541 = vector.broadcast %sub3A_540 : f32 to vector<16xf32>
      %select_n3A_542 = arith.select %eq3A_538, %broadcast_in_dim3A_541, %select_n3A_525 : vector<16xi1>, vector<16xf32>
      %mul3A_543 = arith.constant 256 : i32
      %mul3A_544 = arith.muli %scan3A_444, %mul3A_543 : i32
      %add3A_545 = arith.constant 96 : i32
      %add3A_546 = arith.addi %mul3A_544, %add3A_545 : i32
      %get3A_547 = arith.index_cast %add3A_546 : i32 to index
      %get3A_548 = tpu.vector_load %arg14[%get3A_547] {strides = array<i32>} : memref<2048xf32, #tpu.memory_space<vmem>>, vector<16xf32>,
      %reduce_sum3A_549 = arith.constant true
      %reduce_sum3A_550 = vector.broadcast %reduce_sum3A_549 : i1 to vector<16xi1>
      %reduce_sum3A_551 = tpu.scan <sum>, %get3A_548 masked %reduce_sum3A_550 : vector<16xf32>, vector<16xi1> -> vector<16xf32>
      %reduce_sum3A_552 = vector.extract %reduce_sum3A_551[15] : f32 from vector<16xf32>
      %eq3A_553 = arith.constant 6 : i32
      %eq3A_554 = vector.broadcast %eq3A_553 : i32 to vector<16xi32>
      %eq3A_555 = arith.cmpi eq, %iota3A, %eq3A_554 : vector<16xi32>
      %sub3A_556 = arith.constant 1.200000e+01 : f32
      %sub3A_557 = arith.subf %sub3A_556, %reduce_sum3A_552 : f32
      %broadcast_in_dim3A_558 = vector.broadcast %sub3A_557 : f32 to vector<16xf32>
      %select_n3A_559 = arith.select %eq3A_555, %broadcast_in_dim3A_558, %select_n3A_542 : vector<16xi1>, vector<16xf32>
      %mul3A_560 = arith.constant 256 : i32
      %mul3A_561 = arith.muli %scan3A_444, %mul3A_560 : i32
      %add3A_562 = arith.constant 112 : i32
      %add3A_563 = arith.addi %mul3A_561, %add3A_562 : i32
      %get3A_564 = arith.index_cast %add3A_563 : i32 to index
      %get3A_565 = tpu.vector_load %arg14[%get3A_564] {strides = array<i32>} : memref<2048xf32, #tpu.memory_space<vmem>>, vector<16xf32>,
      %reduce_sum3A_566 = arith.constant true
      %reduce_sum3A_567 = vector.broadcast %reduce_sum3A_566 : i1 to vector<16xi1>
      %reduce_sum3A_568 = tpu.scan <sum>, %get3A_565 masked %reduce_sum3A_567 : vector<16xf32>, vector<16xi1> -> vector<16xf32>
      %reduce_sum3A_569 = vector.extract %reduce_sum3A_568[15] : f32 from vector<16xf32>
      %eq3A_570 = arith.constant 7 : i32
      %eq3A_571 = vector.broadcast %eq3A_570 : i32 to vector<16xi32>
      %eq3A_572 = arith.cmpi eq, %iota3A, %eq3A_571 : vector<16xi32>
      %sub3A_573 = arith.constant 1.200000e+01 : f32
      %sub3A_574 = arith.subf %sub3A_573, %reduce_sum3A_569 : f32
      %broadcast_in_dim3A_575 = vector.broadcast %sub3A_574 : f32 to vector<16xf32>
      %select_n3A_576 = arith.select %eq3A_572, %broadcast_in_dim3A_575, %select_n3A_559 : vector<16xi1>, vector<16xf32>
      %mul3A_577 = arith.constant 256 : i32
      %mul3A_578 = arith.muli %scan3A_444, %mul3A_577 : i32
      %add3A_579 = arith.constant 128 : i32
      %add3A_580 = arith.addi %mul3A_578, %add3A_579 : i32
      %get3A_581 = arith.index_cast %add3A_580 : i32 to index
      %get3A_582 = tpu.vector_load %arg14[%get3A_581] {strides = array<i32>} : memref<2048xf32, #tpu.memory_space<vmem>>, vector<16xf32>,
      %reduce_sum3A_583 = arith.constant true
      %reduce_sum3A_584 = vector.broadcast %reduce_sum3A_583 : i1 to vector<16xi1>
      %reduce_sum3A_585 = tpu.scan <sum>, %get3A_582 masked %reduce_sum3A_584 : vector<16xf32>, vector<16xi1> -> vector<16xf32>
      %reduce_sum3A_586 = vector.extract %reduce_sum3A_585[15] : f32 from vector<16xf32>
      %eq3A_587 = arith.constant 8 : i32
      %eq3A_588 = vector.broadcast %eq3A_587 : i32 to vector<16xi32>
      %eq3A_589 = arith.cmpi eq, %iota3A, %eq3A_588 : vector<16xi32>
      %sub3A_590 = arith.constant 1.200000e+01 : f32
      %sub3A_591 = arith.subf %sub3A_590, %reduce_sum3A_586 : f32
      %broadcast_in_dim3A_592 = vector.broadcast %sub3A_591 : f32 to vector<16xf32>
      %select_n3A_593 = arith.select %eq3A_589, %broadcast_in_dim3A_592, %select_n3A_576 : vector<16xi1>, vector<16xf32>
      %mul3A_594 = arith.constant 256 : i32
      %mul3A_595 = arith.muli %scan3A_444, %mul3A_594 : i32
      %add3A_596 = arith.constant 144 : i32
      %add3A_597 = arith.addi %mul3A_595, %add3A_596 : i32
      %get3A_598 = arith.index_cast %add3A_597 : i32 to index
      %get3A_599 = tpu.vector_load %arg14[%get3A_598] {strides = array<i32>} : memref<2048xf32, #tpu.memory_space<vmem>>, vector<16xf32>,
      %reduce_sum3A_600 = arith.constant true
      %reduce_sum3A_601 = vector.broadcast %reduce_sum3A_600 : i1 to vector<16xi1>
      %reduce_sum3A_602 = tpu.scan <sum>, %get3A_599 masked %reduce_sum3A_601 : vector<16xf32>, vector<16xi1> -> vector<16xf32>
      %reduce_sum3A_603 = vector.extract %reduce_sum3A_602[15] : f32 from vector<16xf32>
      %eq3A_604 = arith.constant 9 : i32
      %eq3A_605 = vector.broadcast %eq3A_604 : i32 to vector<16xi32>
      %eq3A_606 = arith.cmpi eq, %iota3A, %eq3A_605 : vector<16xi32>
      %sub3A_607 = arith.constant 1.200000e+01 : f32
      %sub3A_608 = arith.subf %sub3A_607, %reduce_sum3A_603 : f32
      %broadcast_in_dim3A_609 = vector.broadcast %sub3A_608 : f32 to vector<16xf32>
      %select_n3A_610 = arith.select %eq3A_606, %broadcast_in_dim3A_609, %select_n3A_593 : vector<16xi1>, vector<16xf32>
      %mul3A_611 = arith.constant 256 : i32
      %mul3A_612 = arith.muli %scan3A_444, %mul3A_611 : i32
      %add3A_613 = arith.constant 160 : i32
      %add3A_614 = arith.addi %mul3A_612, %add3A_613 : i32
      %get3A_615 = arith.index_cast %add3A_614 : i32 to index
      %get3A_616 = tpu.vector_load %arg14[%get3A_615] {strides = array<i32>} : memref<2048xf32, #tpu.memory_space<vmem>>, vector<16xf32>,
      %reduce_sum3A_617 = arith.constant true
      %reduce_sum3A_618 = vector.broadcast %reduce_sum3A_617 : i1 to vector<16xi1>
      %reduce_sum3A_619 = tpu.scan <sum>, %get3A_616 masked %reduce_sum3A_618 : vector<16xf32>, vector<16xi1> -> vector<16xf32>
      %reduce_sum3A_620 = vector.extract %reduce_sum3A_619[15] : f32 from vector<16xf32>
      %eq3A_621 = arith.constant 10 : i32
      %eq3A_622 = vector.broadcast %eq3A_621 : i32 to vector<16xi32>
      %eq3A_623 = arith.cmpi eq, %iota3A, %eq3A_622 : vector<16xi32>
      %sub3A_624 = arith.constant 1.200000e+01 : f32
      %sub3A_625 = arith.subf %sub3A_624, %reduce_sum3A_620 : f32
      %broadcast_in_dim3A_626 = vector.broadcast %sub3A_625 : f32 to vector<16xf32>
      %select_n3A_627 = arith.select %eq3A_623, %broadcast_in_dim3A_626, %select_n3A_610 : vector<16xi1>, vector<16xf32>
      %mul3A_628 = arith.constant 256 : i32
      %mul3A_629 = arith.muli %scan3A_444, %mul3A_628 : i32
      %add3A_630 = arith.constant 176 : i32
      %add3A_631 = arith.addi %mul3A_629, %add3A_630 : i32
      %get3A_632 = arith.index_cast %add3A_631 : i32 to index
      %get3A_633 = tpu.vector_load %arg14[%get3A_632] {strides = array<i32>} : memref<2048xf32, #tpu.memory_space<vmem>>, vector<16xf32>,
      %reduce_sum3A_634 = arith.constant true
      %reduce_sum3A_635 = vector.broadcast %reduce_sum3A_634 : i1 to vector<16xi1>
      %reduce_sum3A_636 = tpu.scan <sum>, %get3A_633 masked %reduce_sum3A_635 : vector<16xf32>, vector<16xi1> -> vector<16xf32>
      %reduce_sum3A_637 = vector.extract %reduce_sum3A_636[15] : f32 from vector<16xf32>
      %eq3A_638 = arith.constant 11 : i32
      %eq3A_639 = vector.broadcast %eq3A_638 : i32 to vector<16xi32>
      %eq3A_640 = arith.cmpi eq, %iota3A, %eq3A_639 : vector<16xi32>
      %sub3A_641 = arith.constant 1.200000e+01 : f32
      %sub3A_642 = arith.subf %sub3A_641, %reduce_sum3A_637 : f32
      %broadcast_in_dim3A_643 = vector.broadcast %sub3A_642 : f32 to vector<16xf32>
      %select_n3A_644 = arith.select %eq3A_640, %broadcast_in_dim3A_643, %select_n3A_627 : vector<16xi1>, vector<16xf32>
      %mul3A_645 = arith.constant 256 : i32
      %mul3A_646 = arith.muli %scan3A_444, %mul3A_645 : i32
      %add3A_647 = arith.constant 192 : i32
      %add3A_648 = arith.addi %mul3A_646, %add3A_647 : i32
      %get3A_649 = arith.index_cast %add3A_648 : i32 to index
      %get3A_650 = tpu.vector_load %arg14[%get3A_649] {strides = array<i32>} : memref<2048xf32, #tpu.memory_space<vmem>>, vector<16xf32>,
      %reduce_sum3A_651 = arith.constant true
      %reduce_sum3A_652 = vector.broadcast %reduce_sum3A_651 : i1 to vector<16xi1>
      %reduce_sum3A_653 = tpu.scan <sum>, %get3A_650 masked %reduce_sum3A_652 : vector<16xf32>, vector<16xi1> -> vector<16xf32>
      %reduce_sum3A_654 = vector.extract %reduce_sum3A_653[15] : f32 from vector<16xf32>
      %eq3A_655 = arith.constant 12 : i32
      %eq3A_656 = vector.broadcast %eq3A_655 : i32 to vector<16xi32>
      %eq3A_657 = arith.cmpi eq, %iota3A, %eq3A_656 : vector<16xi32>
      %sub3A_658 = arith.constant 1.200000e+01 : f32
      %sub3A_659 = arith.subf %sub3A_658, %reduce_sum3A_654 : f32
      %broadcast_in_dim3A_660 = vector.broadcast %sub3A_659 : f32 to vector<16xf32>
      %select_n3A_661 = arith.select %eq3A_657, %broadcast_in_dim3A_660, %select_n3A_644 : vector<16xi1>, vector<16xf32>
      %mul3A_662 = arith.constant 256 : i32
      %mul3A_663 = arith.muli %scan3A_444, %mul3A_662 : i32
      %add3A_664 = arith.constant 208 : i32
      %add3A_665 = arith.addi %mul3A_663, %add3A_664 : i32
      %get3A_666 = arith.index_cast %add3A_665 : i32 to index
      %get3A_667 = tpu.vector_load %arg14[%get3A_666] {strides = array<i32>} : memref<2048xf32, #tpu.memory_space<vmem>>, vector<16xf32>,
      %reduce_sum3A_668 = arith.constant true
      %reduce_sum3A_669 = vector.broadcast %reduce_sum3A_668 : i1 to vector<16xi1>
      %reduce_sum3A_670 = tpu.scan <sum>, %get3A_667 masked %reduce_sum3A_669 : vector<16xf32>, vector<16xi1> -> vector<16xf32>
      %reduce_sum3A_671 = vector.extract %reduce_sum3A_670[15] : f32 from vector<16xf32>
      %eq3A_672 = arith.constant 13 : i32
      %eq3A_673 = vector.broadcast %eq3A_672 : i32 to vector<16xi32>
      %eq3A_674 = arith.cmpi eq, %iota3A, %eq3A_673 : vector<16xi32>
      %sub3A_675 = arith.constant 1.200000e+01 : f32
      %sub3A_676 = arith.subf %sub3A_675, %reduce_sum3A_671 : f32
      %broadcast_in_dim3A_677 = vector.broadcast %sub3A_676 : f32 to vector<16xf32>
      %select_n3A_678 = arith.select %eq3A_674, %broadcast_in_dim3A_677, %select_n3A_661 : vector<16xi1>, vector<16xf32>
      %mul3A_679 = arith.constant 256 : i32
      %mul3A_680 = arith.muli %scan3A_444, %mul3A_679 : i32
      %add3A_681 = arith.constant 224 : i32
      %add3A_682 = arith.addi %mul3A_680, %add3A_681 : i32
      %get3A_683 = arith.index_cast %add3A_682 : i32 to index
      %get3A_684 = tpu.vector_load %arg14[%get3A_683] {strides = array<i32>} : memref<2048xf32, #tpu.memory_space<vmem>>, vector<16xf32>,
      %reduce_sum3A_685 = arith.constant true
      %reduce_sum3A_686 = vector.broadcast %reduce_sum3A_685 : i1 to vector<16xi1>
      %reduce_sum3A_687 = tpu.scan <sum>, %get3A_684 masked %reduce_sum3A_686 : vector<16xf32>, vector<16xi1> -> vector<16xf32>
      %reduce_sum3A_688 = vector.extract %reduce_sum3A_687[15] : f32 from vector<16xf32>
      %eq3A_689 = arith.constant 14 : i32
      %eq3A_690 = vector.broadcast %eq3A_689 : i32 to vector<16xi32>
      %eq3A_691 = arith.cmpi eq, %iota3A, %eq3A_690 : vector<16xi32>
      %sub3A_692 = arith.constant 1.200000e+01 : f32
      %sub3A_693 = arith.subf %sub3A_692, %reduce_sum3A_688 : f32
      %broadcast_in_dim3A_694 = vector.broadcast %sub3A_693 : f32 to vector<16xf32>
      %select_n3A_695 = arith.select %eq3A_691, %broadcast_in_dim3A_694, %select_n3A_678 : vector<16xi1>, vector<16xf32>
      %mul3A_696 = arith.constant 256 : i32
      %mul3A_697 = arith.muli %scan3A_444, %mul3A_696 : i32
      %add3A_698 = arith.constant 240 : i32
      %add3A_699 = arith.addi %mul3A_697, %add3A_698 : i32
      %get3A_700 = arith.index_cast %add3A_699 : i32 to index
      %get3A_701 = tpu.vector_load %arg14[%get3A_700] {strides = array<i32>} : memref<2048xf32, #tpu.memory_space<vmem>>, vector<16xf32>,
      %reduce_sum3A_702 = arith.constant true
      %reduce_sum3A_703 = vector.broadcast %reduce_sum3A_702 : i1 to vector<16xi1>
      %reduce_sum3A_704 = tpu.scan <sum>, %get3A_701 masked %reduce_sum3A_703 : vector<16xf32>, vector<16xi1> -> vector<16xf32>
      %reduce_sum3A_705 = vector.extract %reduce_sum3A_704[15] : f32 from vector<16xf32>
      %eq3A_706 = arith.constant 15 : i32
      %eq3A_707 = vector.broadcast %eq3A_706 : i32 to vector<16xi32>
      %eq3A_708 = arith.cmpi eq, %iota3A, %eq3A_707 : vector<16xi32>
      %sub3A_709 = arith.constant 1.200000e+01 : f32
      %sub3A_710 = arith.subf %sub3A_709, %reduce_sum3A_705 : f32
      %broadcast_in_dim3A_711 = vector.broadcast %sub3A_710 : f32 to vector<16xf32>
      %select_n3A_712 = arith.select %eq3A_708, %broadcast_in_dim3A_711, %select_n3A_695 : vector<16xi1>, vector<16xf32>
      %mul3A_713 = arith.constant 16 : i32
      %mul3A_714 = arith.muli %scan3A_444, %mul3A_713 : i32
      %add3A_715 = arith.constant 32 : i32
      %add3A_716 = arith.addi %add3A_715, %mul3A_714 : i32
      %swap3A = arith.index_cast %add3A_716 : i32 to index
      %swap3A_717 = tpu.vector_load %arg15[%swap3A] {strides = array<i32>} : memref<512xf32, #tpu.memory_space<vmem>>, vector<16xf32>,
      tpu.vector_store %arg15[%swap3A], %select_n3A_712 {strides = array<i32>} : memref<512xf32, #tpu.memory_space<vmem>>, vector<16xf32>,
    }
    %scan3A_185 = arith.constant 8 : i32
    %dma_start3A_186 = arith.constant 1 : i32
    %dma_start3A_187 = arith.constant 0 : i32
    %dma_start3A_188 = arith.constant 0 : i32
    %dma_start3A_189 = tpu.memref_slice %arg11[%dma_start3A_186, %dma_start3A_187, %dma_start3A_188] : memref<2x128x128xf32, #tpu.memory_space<vmem>> -> memref<1x128x128xf32, #tpu.memory_space<vmem>>
    %dma_start3A_190 = tpu.memref_squeeze %dma_start3A_189 : memref<1x128x128xf32, #tpu.memory_space<vmem>> -> memref<128x128xf32, #tpu.memory_space<vmem>>
    %dma_start3A_191 = arith.constant 288 : i32
    %dma_start3A_192 = tpu.memref_slice %arg8[%dma_start3A_191] : memref<512xi32, #tpu.memory_space<vmem>> -> memref<128xi32, #tpu.memory_space<vmem>>
    %dma_start3A_193 = arith.constant 0 : i32
    %dma_start3A_194 = arith.constant 0 : i32
    %dma_start3A_195 = tpu.memref_slice %arg5[%dma_start3A_193, %dma_start3A_194] : memref<1000000x128xf32, #tpu.memory_space<hbm>> -> memref<1000000x128xf32, #tpu.memory_space<hbm>>
    tpu.enqueue_indirect_dma source(%dma_start3A_195 : memref<1000000x128xf32, #tpu.memory_space<hbm>>) target(%dma_start3A_190 : memref<128x128xf32, #tpu.memory_space<vmem>>) offsets(%dma_start3A_192 : memref<128xi32, #tpu.memory_space<vmem>>) semaphore(%arg17 : memref<!tpu.dma_semaphore, #tpu.memory_space<semaphore_mem>>)
    %dma_start3A_196 = arith.constant 1 : i32
    %dma_start3A_197 = arith.constant 0 : i32
    %dma_start3A_198 = arith.constant 0 : i32
    %dma_start3A_199 = tpu.memref_slice %arg12[%dma_start3A_196, %dma_start3A_197, %dma_start3A_198] : memref<2x128x128xf32, #tpu.memory_space<vmem>> -> memref<1x128x128xf32, #tpu.memory_space<vmem>>
    %dma_start3A_200 = tpu.memref_squeeze %dma_start3A_199 : memref<1x128x128xf32, #tpu.memory_space<vmem>> -> memref<128x128xf32, #tpu.memory_space<vmem>>
    %dma_start3A_201 = arith.constant 288 : i32
    %dma_start3A_202 = tpu.memref_slice %arg9[%dma_start3A_201] : memref<512xi32, #tpu.memory_space<vmem>> -> memref<128xi32, #tpu.memory_space<vmem>>
    %dma_start3A_203 = arith.constant 0 : i32
    %dma_start3A_204 = arith.constant 0 : i32
    %dma_start3A_205 = tpu.memref_slice %arg6[%dma_start3A_203, %dma_start3A_204] : memref<100000x128xf32, #tpu.memory_space<hbm>> -> memref<100000x128xf32, #tpu.memory_space<hbm>>
    tpu.enqueue_indirect_dma source(%dma_start3A_205 : memref<100000x128xf32, #tpu.memory_space<hbm>>) target(%dma_start3A_200 : memref<128x128xf32, #tpu.memory_space<vmem>>) offsets(%dma_start3A_202 : memref<128xi32, #tpu.memory_space<vmem>>) semaphore(%arg17 : memref<!tpu.dma_semaphore, #tpu.memory_space<semaphore_mem>>)
    %dma_start3A_206 = arith.constant 1 : i32
    %dma_start3A_207 = arith.constant 0 : i32
    %dma_start3A_208 = arith.constant 0 : i32
    %dma_start3A_209 = tpu.memref_slice %arg13[%dma_start3A_206, %dma_start3A_207, %dma_start3A_208] : memref<2x128x128xf32, #tpu.memory_space<vmem>> -> memref<1x128x128xf32, #tpu.memory_space<vmem>>
    %dma_start3A_210 = tpu.memref_squeeze %dma_start3A_209 : memref<1x128x128xf32, #tpu.memory_space<vmem>> -> memref<128x128xf32, #tpu.memory_space<vmem>>
    %dma_start3A_211 = arith.constant 288 : i32
    %dma_start3A_212 = tpu.memref_slice %arg10[%dma_start3A_211] : memref<512xi32, #tpu.memory_space<vmem>> -> memref<128xi32, #tpu.memory_space<vmem>>
    %dma_start3A_213 = arith.constant 0 : i32
    %dma_start3A_214 = arith.constant 0 : i32
    %dma_start3A_215 = tpu.memref_slice %arg5[%dma_start3A_213, %dma_start3A_214] : memref<1000000x128xf32, #tpu.memory_space<hbm>> -> memref<1000000x128xf32, #tpu.memory_space<hbm>>
    tpu.enqueue_indirect_dma source(%dma_start3A_215 : memref<1000000x128xf32, #tpu.memory_space<hbm>>) target(%dma_start3A_210 : memref<128x128xf32, #tpu.memory_space<vmem>>) offsets(%dma_start3A_212 : memref<128xi32, #tpu.memory_space<vmem>>) semaphore(%arg17 : memref<!tpu.dma_semaphore, #tpu.memory_space<semaphore_mem>>)
    %dma_wait3A_216 = arith.constant 0 : i32
    %dma_wait3A_217 = arith.constant 0 : i32
    %dma_wait3A_218 = arith.constant 0 : i32
    %dma_wait3A_219 = tpu.memref_slice %arg11[%dma_wait3A_216, %dma_wait3A_217, %dma_wait3A_218] : memref<2x128x128xf32, #tpu.memory_space<vmem>> -> memref<1x128x128xf32, #tpu.memory_space<vmem>>
    %dma_wait3A_220 = tpu.memref_squeeze %dma_wait3A_219 : memref<1x128x128xf32, #tpu.memory_space<vmem>> -> memref<128x128xf32, #tpu.memory_space<vmem>>
    %dma_wait3A_221 = arith.constant 160 : i32
    %dma_wait3A_222 = tpu.memref_slice %arg8[%dma_wait3A_221] : memref<512xi32, #tpu.memory_space<vmem>> -> memref<128xi32, #tpu.memory_space<vmem>>
    %dma_wait3A_223 = arith.constant 0 : i32
    %dma_wait3A_224 = arith.constant 0 : i32
    %dma_wait3A_225 = tpu.memref_slice %arg5[%dma_wait3A_223, %dma_wait3A_224] : memref<1000000x128xf32, #tpu.memory_space<hbm>> -> memref<1000000x128xf32, #tpu.memory_space<hbm>>
    tpu.wait_indirect_dma semaphore(%arg16 : memref<!tpu.dma_semaphore, #tpu.memory_space<semaphore_mem>>) src(%dma_wait3A_225 : memref<1000000x128xf32, #tpu.memory_space<hbm>>) dst(%dma_wait3A_220 : memref<128x128xf32, #tpu.memory_space<vmem>>)
    %dma_wait3A_226 = arith.constant 0 : i32
    %dma_wait3A_227 = arith.constant 0 : i32
    %dma_wait3A_228 = arith.constant 0 : i32
    %dma_wait3A_229 = tpu.memref_slice %arg12[%dma_wait3A_226, %dma_wait3A_227, %dma_wait3A_228] : memref<2x128x128xf32, #tpu.memory_space<vmem>> -> memref<1x128x128xf32, #tpu.memory_space<vmem>>
    %dma_wait3A_230 = tpu.memref_squeeze %dma_wait3A_229 : memref<1x128x128xf32, #tpu.memory_space<vmem>> -> memref<128x128xf32, #tpu.memory_space<vmem>>
    %dma_wait3A_231 = arith.constant 160 : i32
    %dma_wait3A_232 = tpu.memref_slice %arg9[%dma_wait3A_231] : memref<512xi32, #tpu.memory_space<vmem>> -> memref<128xi32, #tpu.memory_space<vmem>>
    %dma_wait3A_233 = arith.constant 0 : i32
    %dma_wait3A_234 = arith.constant 0 : i32
    %dma_wait3A_235 = tpu.memref_slice %arg6[%dma_wait3A_233, %dma_wait3A_234] : memref<100000x128xf32, #tpu.memory_space<hbm>> -> memref<100000x128xf32, #tpu.memory_space<hbm>>
    tpu.wait_indirect_dma semaphore(%arg16 : memref<!tpu.dma_semaphore, #tpu.memory_space<semaphore_mem>>) src(%dma_wait3A_235 : memref<100000x128xf32, #tpu.memory_space<hbm>>) dst(%dma_wait3A_230 : memref<128x128xf32, #tpu.memory_space<vmem>>)
    %dma_wait3A_236 = arith.constant 0 : i32
    %dma_wait3A_237 = arith.constant 0 : i32
    %dma_wait3A_238 = arith.constant 0 : i32
    %dma_wait3A_239 = tpu.memref_slice %arg13[%dma_wait3A_236, %dma_wait3A_237, %dma_wait3A_238] : memref<2x128x128xf32, #tpu.memory_space<vmem>> -> memref<1x128x128xf32, #tpu.memory_space<vmem>>
    %dma_wait3A_240 = tpu.memref_squeeze %dma_wait3A_239 : memref<1x128x128xf32, #tpu.memory_space<vmem>> -> memref<128x128xf32, #tpu.memory_space<vmem>>
    %dma_wait3A_241 = arith.constant 160 : i32
    %dma_wait3A_242 = tpu.memref_slice %arg10[%dma_wait3A_241] : memref<512xi32, #tpu.memory_space<vmem>> -> memref<128xi32, #tpu.memory_space<vmem>>
    %dma_wait3A_243 = arith.constant 0 : i32
    %dma_wait3A_244 = arith.constant 0 : i32
    %dma_wait3A_245 = tpu.memref_slice %arg5[%dma_wait3A_243, %dma_wait3A_244] : memref<1000000x128xf32, #tpu.memory_space<hbm>> -> memref<1000000x128xf32, #tpu.memory_space<hbm>>
    tpu.wait_indirect_dma semaphore(%arg16 : memref<!tpu.dma_semaphore, #tpu.memory_space<semaphore_mem>>) src(%dma_wait3A_245 : memref<1000000x128xf32, #tpu.memory_space<hbm>>) dst(%dma_wait3A_240 : memref<128x128xf32, #tpu.memory_space<vmem>>)
    %scan3A_246 = arith.constant 0 : i32
    %scan3A_247 = arith.constant 0 : i32
    %scan3A_248 = arith.constant 128 : i32
    %scan3A_249 = arith.addi %scan3A_247, %scan3A_248 : i32
    %scan3A_250 = arith.constant 1 : i32
    scf.for %scan3A_444 = %scan3A_247 to %scan3A_249 step %scan3A_250  : i32 {
      %get3A = arith.constant 0 : i32
      %get3A_445 = arith.index_cast %get3A : i32 to index
      %get3A_446 = arith.index_cast %scan3A_444 : i32 to index
      %get3A_447 = arith.constant 0 : index
      %get3A_448 = tpu.vector_load %arg11[%get3A_445, %get3A_446, %get3A_447] {strides = array<i32>} : memref<2x128x128xf32, #tpu.memory_space<vmem>>, vector<16xf32>,
      %get3A_449 = arith.constant 0 : i32
      %get3A_450 = arith.index_cast %get3A_449 : i32 to index
      %get3A_451 = arith.index_cast %scan3A_444 : i32 to index
      %get3A_452 = arith.constant 0 : index
      %get3A_453 = tpu.vector_load %arg12[%get3A_450, %get3A_451, %get3A_452] {strides = array<i32>} : memref<2x128x128xf32, #tpu.memory_space<vmem>>, vector<16xf32>,
      %get3A_454 = arith.constant 0 : i32
      %get3A_455 = arith.index_cast %get3A_454 : i32 to index
      %get3A_456 = arith.index_cast %scan3A_444 : i32 to index
      %get3A_457 = arith.constant 0 : index
      %get3A_458 = tpu.vector_load %arg13[%get3A_455, %get3A_456, %get3A_457] {strides = array<i32>} : memref<2x128x128xf32, #tpu.memory_space<vmem>>, vector<16xf32>,
      %add3A_459 = arith.addf %get3A_448, %get3A_453 : vector<16xf32>
      %sub3A = arith.subf %add3A_459, %get3A_458 : vector<16xf32>
      %abs3A = math.absf %sub3A : vector<16xf32>
      %get3A_460 = arith.constant 0 : i32
      %get3A_461 = arith.index_cast %get3A_460 : i32 to index
      %get3A_462 = arith.index_cast %scan3A_444 : i32 to index
      %get3A_463 = arith.constant 16 : index
      %get3A_464 = tpu.vector_load %arg11[%get3A_461, %get3A_462, %get3A_463] {strides = array<i32>} : memref<2x128x128xf32, #tpu.memory_space<vmem>>, vector<16xf32>,
      %get3A_465 = arith.constant 0 : i32
      %get3A_466 = arith.index_cast %get3A_465 : i32 to index
      %get3A_467 = arith.index_cast %scan3A_444 : i32 to index
      %get3A_468 = arith.constant 16 : index
      %get3A_469 = tpu.vector_load %arg12[%get3A_466, %get3A_467, %get3A_468] {strides = array<i32>} : memref<2x128x128xf32, #tpu.memory_space<vmem>>, vector<16xf32>,
      %get3A_470 = arith.constant 0 : i32
      %get3A_471 = arith.index_cast %get3A_470 : i32 to index
      %get3A_472 = arith.index_cast %scan3A_444 : i32 to index
      %get3A_473 = arith.constant 16 : index
      %get3A_474 = tpu.vector_load %arg13[%get3A_471, %get3A_472, %get3A_473] {strides = array<i32>} : memref<2x128x128xf32, #tpu.memory_space<vmem>>, vector<16xf32>,
      %add3A_475 = arith.addf %get3A_464, %get3A_469 : vector<16xf32>
      %sub3A_476 = arith.subf %add3A_475, %get3A_474 : vector<16xf32>
      %abs3A_477 = math.absf %sub3A_476 : vector<16xf32>
      %add3A_478 = arith.addf %abs3A, %abs3A_477 : vector<16xf32>
      %get3A_479 = arith.constant 0 : i32
      %get3A_480 = arith.index_cast %get3A_479 : i32 to index
      %get3A_481 = arith.index_cast %scan3A_444 : i32 to index
      %get3A_482 = arith.constant 32 : index
      %get3A_483 = tpu.vector_load %arg11[%get3A_480, %get3A_481, %get3A_482] {strides = array<i32>} : memref<2x128x128xf32, #tpu.memory_space<vmem>>, vector<16xf32>,
      %get3A_484 = arith.constant 0 : i32
      %get3A_485 = arith.index_cast %get3A_484 : i32 to index
      %get3A_486 = arith.index_cast %scan3A_444 : i32 to index
      %get3A_487 = arith.constant 32 : index
      %get3A_488 = tpu.vector_load %arg12[%get3A_485, %get3A_486, %get3A_487] {strides = array<i32>} : memref<2x128x128xf32, #tpu.memory_space<vmem>>, vector<16xf32>,
      %get3A_489 = arith.constant 0 : i32
      %get3A_490 = arith.index_cast %get3A_489 : i32 to index
      %get3A_491 = arith.index_cast %scan3A_444 : i32 to index
      %get3A_492 = arith.constant 32 : index
      %get3A_493 = tpu.vector_load %arg13[%get3A_490, %get3A_491, %get3A_492] {strides = array<i32>} : memref<2x128x128xf32, #tpu.memory_space<vmem>>, vector<16xf32>,
      %add3A_494 = arith.addf %get3A_483, %get3A_488 : vector<16xf32>
      %sub3A_495 = arith.subf %add3A_494, %get3A_493 : vector<16xf32>
      %abs3A_496 = math.absf %sub3A_495 : vector<16xf32>
      %add3A_497 = arith.addf %add3A_478, %abs3A_496 : vector<16xf32>
      %get3A_498 = arith.constant 0 : i32
      %get3A_499 = arith.index_cast %get3A_498 : i32 to index
      %get3A_500 = arith.index_cast %scan3A_444 : i32 to index
      %get3A_501 = arith.constant 48 : index
      %get3A_502 = tpu.vector_load %arg11[%get3A_499, %get3A_500, %get3A_501] {strides = array<i32>} : memref<2x128x128xf32, #tpu.memory_space<vmem>>, vector<16xf32>,
      %get3A_503 = arith.constant 0 : i32
      %get3A_504 = arith.index_cast %get3A_503 : i32 to index
      %get3A_505 = arith.index_cast %scan3A_444 : i32 to index
      %get3A_506 = arith.constant 48 : index
      %get3A_507 = tpu.vector_load %arg12[%get3A_504, %get3A_505, %get3A_506] {strides = array<i32>} : memref<2x128x128xf32, #tpu.memory_space<vmem>>, vector<16xf32>,
      %get3A_508 = arith.constant 0 : i32
      %get3A_509 = arith.index_cast %get3A_508 : i32 to index
      %get3A_510 = arith.index_cast %scan3A_444 : i32 to index
      %get3A_511 = arith.constant 48 : index
      %get3A_512 = tpu.vector_load %arg13[%get3A_509, %get3A_510, %get3A_511] {strides = array<i32>} : memref<2x128x128xf32, #tpu.memory_space<vmem>>, vector<16xf32>,
      %add3A_513 = arith.addf %get3A_502, %get3A_507 : vector<16xf32>
      %sub3A_514 = arith.subf %add3A_513, %get3A_512 : vector<16xf32>
      %abs3A_515 = math.absf %sub3A_514 : vector<16xf32>
      %add3A_516 = arith.addf %add3A_497, %abs3A_515 : vector<16xf32>
      %get3A_517 = arith.constant 0 : i32
      %get3A_518 = arith.index_cast %get3A_517 : i32 to index
      %get3A_519 = arith.index_cast %scan3A_444 : i32 to index
      %get3A_520 = arith.constant 64 : index
      %get3A_521 = tpu.vector_load %arg11[%get3A_518, %get3A_519, %get3A_520] {strides = array<i32>} : memref<2x128x128xf32, #tpu.memory_space<vmem>>, vector<16xf32>,
      %get3A_522 = arith.constant 0 : i32
      %get3A_523 = arith.index_cast %get3A_522 : i32 to index
      %get3A_524 = arith.index_cast %scan3A_444 : i32 to index
      %get3A_525 = arith.constant 64 : index
      %get3A_526 = tpu.vector_load %arg12[%get3A_523, %get3A_524, %get3A_525] {strides = array<i32>} : memref<2x128x128xf32, #tpu.memory_space<vmem>>, vector<16xf32>,
      %get3A_527 = arith.constant 0 : i32
      %get3A_528 = arith.index_cast %get3A_527 : i32 to index
      %get3A_529 = arith.index_cast %scan3A_444 : i32 to index
      %get3A_530 = arith.constant 64 : index
      %get3A_531 = tpu.vector_load %arg13[%get3A_528, %get3A_529, %get3A_530] {strides = array<i32>} : memref<2x128x128xf32, #tpu.memory_space<vmem>>, vector<16xf32>,
      %add3A_532 = arith.addf %get3A_521, %get3A_526 : vector<16xf32>
      %sub3A_533 = arith.subf %add3A_532, %get3A_531 : vector<16xf32>
      %abs3A_534 = math.absf %sub3A_533 : vector<16xf32>
      %add3A_535 = arith.addf %add3A_516, %abs3A_534 : vector<16xf32>
      %get3A_536 = arith.constant 0 : i32
      %get3A_537 = arith.index_cast %get3A_536 : i32 to index
      %get3A_538 = arith.index_cast %scan3A_444 : i32 to index
      %get3A_539 = arith.constant 80 : index
      %get3A_540 = tpu.vector_load %arg11[%get3A_537, %get3A_538, %get3A_539] {strides = array<i32>} : memref<2x128x128xf32, #tpu.memory_space<vmem>>, vector<16xf32>,
      %get3A_541 = arith.constant 0 : i32
      %get3A_542 = arith.index_cast %get3A_541 : i32 to index
      %get3A_543 = arith.index_cast %scan3A_444 : i32 to index
      %get3A_544 = arith.constant 80 : index
      %get3A_545 = tpu.vector_load %arg12[%get3A_542, %get3A_543, %get3A_544] {strides = array<i32>} : memref<2x128x128xf32, #tpu.memory_space<vmem>>, vector<16xf32>,
      %get3A_546 = arith.constant 0 : i32
      %get3A_547 = arith.index_cast %get3A_546 : i32 to index
      %get3A_548 = arith.index_cast %scan3A_444 : i32 to index
      %get3A_549 = arith.constant 80 : index
      %get3A_550 = tpu.vector_load %arg13[%get3A_547, %get3A_548, %get3A_549] {strides = array<i32>} : memref<2x128x128xf32, #tpu.memory_space<vmem>>, vector<16xf32>,
      %add3A_551 = arith.addf %get3A_540, %get3A_545 : vector<16xf32>
      %sub3A_552 = arith.subf %add3A_551, %get3A_550 : vector<16xf32>
      %abs3A_553 = math.absf %sub3A_552 : vector<16xf32>
      %add3A_554 = arith.addf %add3A_535, %abs3A_553 : vector<16xf32>
      %get3A_555 = arith.constant 0 : i32
      %get3A_556 = arith.index_cast %get3A_555 : i32 to index
      %get3A_557 = arith.index_cast %scan3A_444 : i32 to index
      %get3A_558 = arith.constant 96 : index
      %get3A_559 = tpu.vector_load %arg11[%get3A_556, %get3A_557, %get3A_558] {strides = array<i32>} : memref<2x128x128xf32, #tpu.memory_space<vmem>>, vector<16xf32>,
      %get3A_560 = arith.constant 0 : i32
      %get3A_561 = arith.index_cast %get3A_560 : i32 to index
      %get3A_562 = arith.index_cast %scan3A_444 : i32 to index
      %get3A_563 = arith.constant 96 : index
      %get3A_564 = tpu.vector_load %arg12[%get3A_561, %get3A_562, %get3A_563] {strides = array<i32>} : memref<2x128x128xf32, #tpu.memory_space<vmem>>, vector<16xf32>,
      %get3A_565 = arith.constant 0 : i32
      %get3A_566 = arith.index_cast %get3A_565 : i32 to index
      %get3A_567 = arith.index_cast %scan3A_444 : i32 to index
      %get3A_568 = arith.constant 96 : index
      %get3A_569 = tpu.vector_load %arg13[%get3A_566, %get3A_567, %get3A_568] {strides = array<i32>} : memref<2x128x128xf32, #tpu.memory_space<vmem>>, vector<16xf32>,
      %add3A_570 = arith.addf %get3A_559, %get3A_564 : vector<16xf32>
      %sub3A_571 = arith.subf %add3A_570, %get3A_569 : vector<16xf32>
      %abs3A_572 = math.absf %sub3A_571 : vector<16xf32>
      %add3A_573 = arith.addf %add3A_554, %abs3A_572 : vector<16xf32>
      %get3A_574 = arith.constant 0 : i32
      %get3A_575 = arith.index_cast %get3A_574 : i32 to index
      %get3A_576 = arith.index_cast %scan3A_444 : i32 to index
      %get3A_577 = arith.constant 112 : index
      %get3A_578 = tpu.vector_load %arg11[%get3A_575, %get3A_576, %get3A_577] {strides = array<i32>} : memref<2x128x128xf32, #tpu.memory_space<vmem>>, vector<16xf32>,
      %get3A_579 = arith.constant 0 : i32
      %get3A_580 = arith.index_cast %get3A_579 : i32 to index
      %get3A_581 = arith.index_cast %scan3A_444 : i32 to index
      %get3A_582 = arith.constant 112 : index
      %get3A_583 = tpu.vector_load %arg12[%get3A_580, %get3A_581, %get3A_582] {strides = array<i32>} : memref<2x128x128xf32, #tpu.memory_space<vmem>>, vector<16xf32>,
      %get3A_584 = arith.constant 0 : i32
      %get3A_585 = arith.index_cast %get3A_584 : i32 to index
      %get3A_586 = arith.index_cast %scan3A_444 : i32 to index
      %get3A_587 = arith.constant 112 : index
      %get3A_588 = tpu.vector_load %arg13[%get3A_585, %get3A_586, %get3A_587] {strides = array<i32>} : memref<2x128x128xf32, #tpu.memory_space<vmem>>, vector<16xf32>,
      %add3A_589 = arith.addf %get3A_578, %get3A_583 : vector<16xf32>
      %sub3A_590 = arith.subf %add3A_589, %get3A_588 : vector<16xf32>
      %abs3A_591 = math.absf %sub3A_590 : vector<16xf32>
      %add3A_592 = arith.addf %add3A_573, %abs3A_591 : vector<16xf32>
      %mul3A_593 = arith.constant 16 : i32
      %mul3A_594 = arith.muli %scan3A_444, %mul3A_593 : i32
      %swap3A = arith.index_cast %mul3A_594 : i32 to index
      %swap3A_595 = tpu.vector_load %arg14[%swap3A] {strides = array<i32>} : memref<2048xf32, #tpu.memory_space<vmem>>, vector<16xf32>,
      tpu.vector_store %arg14[%swap3A], %add3A_592 {strides = array<i32>} : memref<2048xf32, #tpu.memory_space<vmem>>, vector<16xf32>,
    }
    %scan3A_251 = arith.constant 128 : i32
    %scan3A_252 = arith.constant 0 : i32
    %scan3A_253 = arith.constant 0 : i32
    %scan3A_254 = arith.constant 8 : i32
    %scan3A_255 = arith.addi %scan3A_253, %scan3A_254 : i32
    %scan3A_256 = arith.constant 1 : i32
    scf.for %scan3A_444 = %scan3A_253 to %scan3A_255 step %scan3A_256  : i32 {
      %broadcast_in_dim3A = arith.constant 0.000000e+00 : f32
      %broadcast_in_dim3A_445 = vector.broadcast %broadcast_in_dim3A : f32 to vector<16xf32>
      %mul3A_446 = arith.constant 256 : i32
      %mul3A_447 = arith.muli %scan3A_444, %mul3A_446 : i32
      %add3A_448 = arith.constant 0 : i32
      %add3A_449 = arith.addi %mul3A_447, %add3A_448 : i32
      %get3A = arith.index_cast %add3A_449 : i32 to index
      %get3A_450 = tpu.vector_load %arg14[%get3A] {strides = array<i32>} : memref<2048xf32, #tpu.memory_space<vmem>>, vector<16xf32>,
      %reduce_sum3A = arith.constant true
      %reduce_sum3A_451 = vector.broadcast %reduce_sum3A : i1 to vector<16xi1>
      %reduce_sum3A_452 = tpu.scan <sum>, %get3A_450 masked %reduce_sum3A_451 : vector<16xf32>, vector<16xi1> -> vector<16xf32>
      %reduce_sum3A_453 = vector.extract %reduce_sum3A_452[15] : f32 from vector<16xf32>
      %eq3A = arith.constant 0 : i32
      %eq3A_454 = vector.broadcast %eq3A : i32 to vector<16xi32>
      %eq3A_455 = arith.cmpi eq, %iota3A, %eq3A_454 : vector<16xi32>
      %sub3A = arith.constant 1.200000e+01 : f32
      %sub3A_456 = arith.subf %sub3A, %reduce_sum3A_453 : f32
      %broadcast_in_dim3A_457 = vector.broadcast %sub3A_456 : f32 to vector<16xf32>
      %select_n3A = arith.select %eq3A_455, %broadcast_in_dim3A_457, %broadcast_in_dim3A_445 : vector<16xi1>, vector<16xf32>
      %mul3A_458 = arith.constant 256 : i32
      %mul3A_459 = arith.muli %scan3A_444, %mul3A_458 : i32
      %add3A_460 = arith.constant 16 : i32
      %add3A_461 = arith.addi %mul3A_459, %add3A_460 : i32
      %get3A_462 = arith.index_cast %add3A_461 : i32 to index
      %get3A_463 = tpu.vector_load %arg14[%get3A_462] {strides = array<i32>} : memref<2048xf32, #tpu.memory_space<vmem>>, vector<16xf32>,
      %reduce_sum3A_464 = arith.constant true
      %reduce_sum3A_465 = vector.broadcast %reduce_sum3A_464 : i1 to vector<16xi1>
      %reduce_sum3A_466 = tpu.scan <sum>, %get3A_463 masked %reduce_sum3A_465 : vector<16xf32>, vector<16xi1> -> vector<16xf32>
      %reduce_sum3A_467 = vector.extract %reduce_sum3A_466[15] : f32 from vector<16xf32>
      %eq3A_468 = arith.constant 1 : i32
      %eq3A_469 = vector.broadcast %eq3A_468 : i32 to vector<16xi32>
      %eq3A_470 = arith.cmpi eq, %iota3A, %eq3A_469 : vector<16xi32>
      %sub3A_471 = arith.constant 1.200000e+01 : f32
      %sub3A_472 = arith.subf %sub3A_471, %reduce_sum3A_467 : f32
      %broadcast_in_dim3A_473 = vector.broadcast %sub3A_472 : f32 to vector<16xf32>
      %select_n3A_474 = arith.select %eq3A_470, %broadcast_in_dim3A_473, %select_n3A : vector<16xi1>, vector<16xf32>
      %mul3A_475 = arith.constant 256 : i32
      %mul3A_476 = arith.muli %scan3A_444, %mul3A_475 : i32
      %add3A_477 = arith.constant 32 : i32
      %add3A_478 = arith.addi %mul3A_476, %add3A_477 : i32
      %get3A_479 = arith.index_cast %add3A_478 : i32 to index
      %get3A_480 = tpu.vector_load %arg14[%get3A_479] {strides = array<i32>} : memref<2048xf32, #tpu.memory_space<vmem>>, vector<16xf32>,
      %reduce_sum3A_481 = arith.constant true
      %reduce_sum3A_482 = vector.broadcast %reduce_sum3A_481 : i1 to vector<16xi1>
      %reduce_sum3A_483 = tpu.scan <sum>, %get3A_480 masked %reduce_sum3A_482 : vector<16xf32>, vector<16xi1> -> vector<16xf32>
      %reduce_sum3A_484 = vector.extract %reduce_sum3A_483[15] : f32 from vector<16xf32>
      %eq3A_485 = arith.constant 2 : i32
      %eq3A_486 = vector.broadcast %eq3A_485 : i32 to vector<16xi32>
      %eq3A_487 = arith.cmpi eq, %iota3A, %eq3A_486 : vector<16xi32>
      %sub3A_488 = arith.constant 1.200000e+01 : f32
      %sub3A_489 = arith.subf %sub3A_488, %reduce_sum3A_484 : f32
      %broadcast_in_dim3A_490 = vector.broadcast %sub3A_489 : f32 to vector<16xf32>
      %select_n3A_491 = arith.select %eq3A_487, %broadcast_in_dim3A_490, %select_n3A_474 : vector<16xi1>, vector<16xf32>
      %mul3A_492 = arith.constant 256 : i32
      %mul3A_493 = arith.muli %scan3A_444, %mul3A_492 : i32
      %add3A_494 = arith.constant 48 : i32
      %add3A_495 = arith.addi %mul3A_493, %add3A_494 : i32
      %get3A_496 = arith.index_cast %add3A_495 : i32 to index
      %get3A_497 = tpu.vector_load %arg14[%get3A_496] {strides = array<i32>} : memref<2048xf32, #tpu.memory_space<vmem>>, vector<16xf32>,
      %reduce_sum3A_498 = arith.constant true
      %reduce_sum3A_499 = vector.broadcast %reduce_sum3A_498 : i1 to vector<16xi1>
      %reduce_sum3A_500 = tpu.scan <sum>, %get3A_497 masked %reduce_sum3A_499 : vector<16xf32>, vector<16xi1> -> vector<16xf32>
      %reduce_sum3A_501 = vector.extract %reduce_sum3A_500[15] : f32 from vector<16xf32>
      %eq3A_502 = arith.constant 3 : i32
      %eq3A_503 = vector.broadcast %eq3A_502 : i32 to vector<16xi32>
      %eq3A_504 = arith.cmpi eq, %iota3A, %eq3A_503 : vector<16xi32>
      %sub3A_505 = arith.constant 1.200000e+01 : f32
      %sub3A_506 = arith.subf %sub3A_505, %reduce_sum3A_501 : f32
      %broadcast_in_dim3A_507 = vector.broadcast %sub3A_506 : f32 to vector<16xf32>
      %select_n3A_508 = arith.select %eq3A_504, %broadcast_in_dim3A_507, %select_n3A_491 : vector<16xi1>, vector<16xf32>
      %mul3A_509 = arith.constant 256 : i32
      %mul3A_510 = arith.muli %scan3A_444, %mul3A_509 : i32
      %add3A_511 = arith.constant 64 : i32
      %add3A_512 = arith.addi %mul3A_510, %add3A_511 : i32
      %get3A_513 = arith.index_cast %add3A_512 : i32 to index
      %get3A_514 = tpu.vector_load %arg14[%get3A_513] {strides = array<i32>} : memref<2048xf32, #tpu.memory_space<vmem>>, vector<16xf32>,
      %reduce_sum3A_515 = arith.constant true
      %reduce_sum3A_516 = vector.broadcast %reduce_sum3A_515 : i1 to vector<16xi1>
      %reduce_sum3A_517 = tpu.scan <sum>, %get3A_514 masked %reduce_sum3A_516 : vector<16xf32>, vector<16xi1> -> vector<16xf32>
      %reduce_sum3A_518 = vector.extract %reduce_sum3A_517[15] : f32 from vector<16xf32>
      %eq3A_519 = arith.constant 4 : i32
      %eq3A_520 = vector.broadcast %eq3A_519 : i32 to vector<16xi32>
      %eq3A_521 = arith.cmpi eq, %iota3A, %eq3A_520 : vector<16xi32>
      %sub3A_522 = arith.constant 1.200000e+01 : f32
      %sub3A_523 = arith.subf %sub3A_522, %reduce_sum3A_518 : f32
      %broadcast_in_dim3A_524 = vector.broadcast %sub3A_523 : f32 to vector<16xf32>
      %select_n3A_525 = arith.select %eq3A_521, %broadcast_in_dim3A_524, %select_n3A_508 : vector<16xi1>, vector<16xf32>
      %mul3A_526 = arith.constant 256 : i32
      %mul3A_527 = arith.muli %scan3A_444, %mul3A_526 : i32
      %add3A_528 = arith.constant 80 : i32
      %add3A_529 = arith.addi %mul3A_527, %add3A_528 : i32
      %get3A_530 = arith.index_cast %add3A_529 : i32 to index
      %get3A_531 = tpu.vector_load %arg14[%get3A_530] {strides = array<i32>} : memref<2048xf32, #tpu.memory_space<vmem>>, vector<16xf32>,
      %reduce_sum3A_532 = arith.constant true
      %reduce_sum3A_533 = vector.broadcast %reduce_sum3A_532 : i1 to vector<16xi1>
      %reduce_sum3A_534 = tpu.scan <sum>, %get3A_531 masked %reduce_sum3A_533 : vector<16xf32>, vector<16xi1> -> vector<16xf32>
      %reduce_sum3A_535 = vector.extract %reduce_sum3A_534[15] : f32 from vector<16xf32>
      %eq3A_536 = arith.constant 5 : i32
      %eq3A_537 = vector.broadcast %eq3A_536 : i32 to vector<16xi32>
      %eq3A_538 = arith.cmpi eq, %iota3A, %eq3A_537 : vector<16xi32>
      %sub3A_539 = arith.constant 1.200000e+01 : f32
      %sub3A_540 = arith.subf %sub3A_539, %reduce_sum3A_535 : f32
      %broadcast_in_dim3A_541 = vector.broadcast %sub3A_540 : f32 to vector<16xf32>
      %select_n3A_542 = arith.select %eq3A_538, %broadcast_in_dim3A_541, %select_n3A_525 : vector<16xi1>, vector<16xf32>
      %mul3A_543 = arith.constant 256 : i32
      %mul3A_544 = arith.muli %scan3A_444, %mul3A_543 : i32
      %add3A_545 = arith.constant 96 : i32
      %add3A_546 = arith.addi %mul3A_544, %add3A_545 : i32
      %get3A_547 = arith.index_cast %add3A_546 : i32 to index
      %get3A_548 = tpu.vector_load %arg14[%get3A_547] {strides = array<i32>} : memref<2048xf32, #tpu.memory_space<vmem>>, vector<16xf32>,
      %reduce_sum3A_549 = arith.constant true
      %reduce_sum3A_550 = vector.broadcast %reduce_sum3A_549 : i1 to vector<16xi1>
      %reduce_sum3A_551 = tpu.scan <sum>, %get3A_548 masked %reduce_sum3A_550 : vector<16xf32>, vector<16xi1> -> vector<16xf32>
      %reduce_sum3A_552 = vector.extract %reduce_sum3A_551[15] : f32 from vector<16xf32>
      %eq3A_553 = arith.constant 6 : i32
      %eq3A_554 = vector.broadcast %eq3A_553 : i32 to vector<16xi32>
      %eq3A_555 = arith.cmpi eq, %iota3A, %eq3A_554 : vector<16xi32>
      %sub3A_556 = arith.constant 1.200000e+01 : f32
      %sub3A_557 = arith.subf %sub3A_556, %reduce_sum3A_552 : f32
      %broadcast_in_dim3A_558 = vector.broadcast %sub3A_557 : f32 to vector<16xf32>
      %select_n3A_559 = arith.select %eq3A_555, %broadcast_in_dim3A_558, %select_n3A_542 : vector<16xi1>, vector<16xf32>
      %mul3A_560 = arith.constant 256 : i32
      %mul3A_561 = arith.muli %scan3A_444, %mul3A_560 : i32
      %add3A_562 = arith.constant 112 : i32
      %add3A_563 = arith.addi %mul3A_561, %add3A_562 : i32
      %get3A_564 = arith.index_cast %add3A_563 : i32 to index
      %get3A_565 = tpu.vector_load %arg14[%get3A_564] {strides = array<i32>} : memref<2048xf32, #tpu.memory_space<vmem>>, vector<16xf32>,
      %reduce_sum3A_566 = arith.constant true
      %reduce_sum3A_567 = vector.broadcast %reduce_sum3A_566 : i1 to vector<16xi1>
      %reduce_sum3A_568 = tpu.scan <sum>, %get3A_565 masked %reduce_sum3A_567 : vector<16xf32>, vector<16xi1> -> vector<16xf32>
      %reduce_sum3A_569 = vector.extract %reduce_sum3A_568[15] : f32 from vector<16xf32>
      %eq3A_570 = arith.constant 7 : i32
      %eq3A_571 = vector.broadcast %eq3A_570 : i32 to vector<16xi32>
      %eq3A_572 = arith.cmpi eq, %iota3A, %eq3A_571 : vector<16xi32>
      %sub3A_573 = arith.constant 1.200000e+01 : f32
      %sub3A_574 = arith.subf %sub3A_573, %reduce_sum3A_569 : f32
      %broadcast_in_dim3A_575 = vector.broadcast %sub3A_574 : f32 to vector<16xf32>
      %select_n3A_576 = arith.select %eq3A_572, %broadcast_in_dim3A_575, %select_n3A_559 : vector<16xi1>, vector<16xf32>
      %mul3A_577 = arith.constant 256 : i32
      %mul3A_578 = arith.muli %scan3A_444, %mul3A_577 : i32
      %add3A_579 = arith.constant 128 : i32
      %add3A_580 = arith.addi %mul3A_578, %add3A_579 : i32
      %get3A_581 = arith.index_cast %add3A_580 : i32 to index
      %get3A_582 = tpu.vector_load %arg14[%get3A_581] {strides = array<i32>} : memref<2048xf32, #tpu.memory_space<vmem>>, vector<16xf32>,
      %reduce_sum3A_583 = arith.constant true
      %reduce_sum3A_584 = vector.broadcast %reduce_sum3A_583 : i1 to vector<16xi1>
      %reduce_sum3A_585 = tpu.scan <sum>, %get3A_582 masked %reduce_sum3A_584 : vector<16xf32>, vector<16xi1> -> vector<16xf32>
      %reduce_sum3A_586 = vector.extract %reduce_sum3A_585[15] : f32 from vector<16xf32>
      %eq3A_587 = arith.constant 8 : i32
      %eq3A_588 = vector.broadcast %eq3A_587 : i32 to vector<16xi32>
      %eq3A_589 = arith.cmpi eq, %iota3A, %eq3A_588 : vector<16xi32>
      %sub3A_590 = arith.constant 1.200000e+01 : f32
      %sub3A_591 = arith.subf %sub3A_590, %reduce_sum3A_586 : f32
      %broadcast_in_dim3A_592 = vector.broadcast %sub3A_591 : f32 to vector<16xf32>
      %select_n3A_593 = arith.select %eq3A_589, %broadcast_in_dim3A_592, %select_n3A_576 : vector<16xi1>, vector<16xf32>
      %mul3A_594 = arith.constant 256 : i32
      %mul3A_595 = arith.muli %scan3A_444, %mul3A_594 : i32
      %add3A_596 = arith.constant 144 : i32
      %add3A_597 = arith.addi %mul3A_595, %add3A_596 : i32
      %get3A_598 = arith.index_cast %add3A_597 : i32 to index
      %get3A_599 = tpu.vector_load %arg14[%get3A_598] {strides = array<i32>} : memref<2048xf32, #tpu.memory_space<vmem>>, vector<16xf32>,
      %reduce_sum3A_600 = arith.constant true
      %reduce_sum3A_601 = vector.broadcast %reduce_sum3A_600 : i1 to vector<16xi1>
      %reduce_sum3A_602 = tpu.scan <sum>, %get3A_599 masked %reduce_sum3A_601 : vector<16xf32>, vector<16xi1> -> vector<16xf32>
      %reduce_sum3A_603 = vector.extract %reduce_sum3A_602[15] : f32 from vector<16xf32>
      %eq3A_604 = arith.constant 9 : i32
      %eq3A_605 = vector.broadcast %eq3A_604 : i32 to vector<16xi32>
      %eq3A_606 = arith.cmpi eq, %iota3A, %eq3A_605 : vector<16xi32>
      %sub3A_607 = arith.constant 1.200000e+01 : f32
      %sub3A_608 = arith.subf %sub3A_607, %reduce_sum3A_603 : f32
      %broadcast_in_dim3A_609 = vector.broadcast %sub3A_608 : f32 to vector<16xf32>
      %select_n3A_610 = arith.select %eq3A_606, %broadcast_in_dim3A_609, %select_n3A_593 : vector<16xi1>, vector<16xf32>
      %mul3A_611 = arith.constant 256 : i32
      %mul3A_612 = arith.muli %scan3A_444, %mul3A_611 : i32
      %add3A_613 = arith.constant 160 : i32
      %add3A_614 = arith.addi %mul3A_612, %add3A_613 : i32
      %get3A_615 = arith.index_cast %add3A_614 : i32 to index
      %get3A_616 = tpu.vector_load %arg14[%get3A_615] {strides = array<i32>} : memref<2048xf32, #tpu.memory_space<vmem>>, vector<16xf32>,
      %reduce_sum3A_617 = arith.constant true
      %reduce_sum3A_618 = vector.broadcast %reduce_sum3A_617 : i1 to vector<16xi1>
      %reduce_sum3A_619 = tpu.scan <sum>, %get3A_616 masked %reduce_sum3A_618 : vector<16xf32>, vector<16xi1> -> vector<16xf32>
      %reduce_sum3A_620 = vector.extract %reduce_sum3A_619[15] : f32 from vector<16xf32>
      %eq3A_621 = arith.constant 10 : i32
      %eq3A_622 = vector.broadcast %eq3A_621 : i32 to vector<16xi32>
      %eq3A_623 = arith.cmpi eq, %iota3A, %eq3A_622 : vector<16xi32>
      %sub3A_624 = arith.constant 1.200000e+01 : f32
      %sub3A_625 = arith.subf %sub3A_624, %reduce_sum3A_620 : f32
      %broadcast_in_dim3A_626 = vector.broadcast %sub3A_625 : f32 to vector<16xf32>
      %select_n3A_627 = arith.select %eq3A_623, %broadcast_in_dim3A_626, %select_n3A_610 : vector<16xi1>, vector<16xf32>
      %mul3A_628 = arith.constant 256 : i32
      %mul3A_629 = arith.muli %scan3A_444, %mul3A_628 : i32
      %add3A_630 = arith.constant 176 : i32
      %add3A_631 = arith.addi %mul3A_629, %add3A_630 : i32
      %get3A_632 = arith.index_cast %add3A_631 : i32 to index
      %get3A_633 = tpu.vector_load %arg14[%get3A_632] {strides = array<i32>} : memref<2048xf32, #tpu.memory_space<vmem>>, vector<16xf32>,
      %reduce_sum3A_634 = arith.constant true
      %reduce_sum3A_635 = vector.broadcast %reduce_sum3A_634 : i1 to vector<16xi1>
      %reduce_sum3A_636 = tpu.scan <sum>, %get3A_633 masked %reduce_sum3A_635 : vector<16xf32>, vector<16xi1> -> vector<16xf32>
      %reduce_sum3A_637 = vector.extract %reduce_sum3A_636[15] : f32 from vector<16xf32>
      %eq3A_638 = arith.constant 11 : i32
      %eq3A_639 = vector.broadcast %eq3A_638 : i32 to vector<16xi32>
      %eq3A_640 = arith.cmpi eq, %iota3A, %eq3A_639 : vector<16xi32>
      %sub3A_641 = arith.constant 1.200000e+01 : f32
      %sub3A_642 = arith.subf %sub3A_641, %reduce_sum3A_637 : f32
      %broadcast_in_dim3A_643 = vector.broadcast %sub3A_642 : f32 to vector<16xf32>
      %select_n3A_644 = arith.select %eq3A_640, %broadcast_in_dim3A_643, %select_n3A_627 : vector<16xi1>, vector<16xf32>
      %mul3A_645 = arith.constant 256 : i32
      %mul3A_646 = arith.muli %scan3A_444, %mul3A_645 : i32
      %add3A_647 = arith.constant 192 : i32
      %add3A_648 = arith.addi %mul3A_646, %add3A_647 : i32
      %get3A_649 = arith.index_cast %add3A_648 : i32 to index
      %get3A_650 = tpu.vector_load %arg14[%get3A_649] {strides = array<i32>} : memref<2048xf32, #tpu.memory_space<vmem>>, vector<16xf32>,
      %reduce_sum3A_651 = arith.constant true
      %reduce_sum3A_652 = vector.broadcast %reduce_sum3A_651 : i1 to vector<16xi1>
      %reduce_sum3A_653 = tpu.scan <sum>, %get3A_650 masked %reduce_sum3A_652 : vector<16xf32>, vector<16xi1> -> vector<16xf32>
      %reduce_sum3A_654 = vector.extract %reduce_sum3A_653[15] : f32 from vector<16xf32>
      %eq3A_655 = arith.constant 12 : i32
      %eq3A_656 = vector.broadcast %eq3A_655 : i32 to vector<16xi32>
      %eq3A_657 = arith.cmpi eq, %iota3A, %eq3A_656 : vector<16xi32>
      %sub3A_658 = arith.constant 1.200000e+01 : f32
      %sub3A_659 = arith.subf %sub3A_658, %reduce_sum3A_654 : f32
      %broadcast_in_dim3A_660 = vector.broadcast %sub3A_659 : f32 to vector<16xf32>
      %select_n3A_661 = arith.select %eq3A_657, %broadcast_in_dim3A_660, %select_n3A_644 : vector<16xi1>, vector<16xf32>
      %mul3A_662 = arith.constant 256 : i32
      %mul3A_663 = arith.muli %scan3A_444, %mul3A_662 : i32
      %add3A_664 = arith.constant 208 : i32
      %add3A_665 = arith.addi %mul3A_663, %add3A_664 : i32
      %get3A_666 = arith.index_cast %add3A_665 : i32 to index
      %get3A_667 = tpu.vector_load %arg14[%get3A_666] {strides = array<i32>} : memref<2048xf32, #tpu.memory_space<vmem>>, vector<16xf32>,
      %reduce_sum3A_668 = arith.constant true
      %reduce_sum3A_669 = vector.broadcast %reduce_sum3A_668 : i1 to vector<16xi1>
      %reduce_sum3A_670 = tpu.scan <sum>, %get3A_667 masked %reduce_sum3A_669 : vector<16xf32>, vector<16xi1> -> vector<16xf32>
      %reduce_sum3A_671 = vector.extract %reduce_sum3A_670[15] : f32 from vector<16xf32>
      %eq3A_672 = arith.constant 13 : i32
      %eq3A_673 = vector.broadcast %eq3A_672 : i32 to vector<16xi32>
      %eq3A_674 = arith.cmpi eq, %iota3A, %eq3A_673 : vector<16xi32>
      %sub3A_675 = arith.constant 1.200000e+01 : f32
      %sub3A_676 = arith.subf %sub3A_675, %reduce_sum3A_671 : f32
      %broadcast_in_dim3A_677 = vector.broadcast %sub3A_676 : f32 to vector<16xf32>
      %select_n3A_678 = arith.select %eq3A_674, %broadcast_in_dim3A_677, %select_n3A_661 : vector<16xi1>, vector<16xf32>
      %mul3A_679 = arith.constant 256 : i32
      %mul3A_680 = arith.muli %scan3A_444, %mul3A_679 : i32
      %add3A_681 = arith.constant 224 : i32
      %add3A_682 = arith.addi %mul3A_680, %add3A_681 : i32
      %get3A_683 = arith.index_cast %add3A_682 : i32 to index
      %get3A_684 = tpu.vector_load %arg14[%get3A_683] {strides = array<i32>} : memref<2048xf32, #tpu.memory_space<vmem>>, vector<16xf32>,
      %reduce_sum3A_685 = arith.constant true
      %reduce_sum3A_686 = vector.broadcast %reduce_sum3A_685 : i1 to vector<16xi1>
      %reduce_sum3A_687 = tpu.scan <sum>, %get3A_684 masked %reduce_sum3A_686 : vector<16xf32>, vector<16xi1> -> vector<16xf32>
      %reduce_sum3A_688 = vector.extract %reduce_sum3A_687[15] : f32 from vector<16xf32>
      %eq3A_689 = arith.constant 14 : i32
      %eq3A_690 = vector.broadcast %eq3A_689 : i32 to vector<16xi32>
      %eq3A_691 = arith.cmpi eq, %iota3A, %eq3A_690 : vector<16xi32>
      %sub3A_692 = arith.constant 1.200000e+01 : f32
      %sub3A_693 = arith.subf %sub3A_692, %reduce_sum3A_688 : f32
      %broadcast_in_dim3A_694 = vector.broadcast %sub3A_693 : f32 to vector<16xf32>
      %select_n3A_695 = arith.select %eq3A_691, %broadcast_in_dim3A_694, %select_n3A_678 : vector<16xi1>, vector<16xf32>
      %mul3A_696 = arith.constant 256 : i32
      %mul3A_697 = arith.muli %scan3A_444, %mul3A_696 : i32
      %add3A_698 = arith.constant 240 : i32
      %add3A_699 = arith.addi %mul3A_697, %add3A_698 : i32
      %get3A_700 = arith.index_cast %add3A_699 : i32 to index
      %get3A_701 = tpu.vector_load %arg14[%get3A_700] {strides = array<i32>} : memref<2048xf32, #tpu.memory_space<vmem>>, vector<16xf32>,
      %reduce_sum3A_702 = arith.constant true
      %reduce_sum3A_703 = vector.broadcast %reduce_sum3A_702 : i1 to vector<16xi1>
      %reduce_sum3A_704 = tpu.scan <sum>, %get3A_701 masked %reduce_sum3A_703 : vector<16xf32>, vector<16xi1> -> vector<16xf32>
      %reduce_sum3A_705 = vector.extract %reduce_sum3A_704[15] : f32 from vector<16xf32>
      %eq3A_706 = arith.constant 15 : i32
      %eq3A_707 = vector.broadcast %eq3A_706 : i32 to vector<16xi32>
      %eq3A_708 = arith.cmpi eq, %iota3A, %eq3A_707 : vector<16xi32>
      %sub3A_709 = arith.constant 1.200000e+01 : f32
      %sub3A_710 = arith.subf %sub3A_709, %reduce_sum3A_705 : f32
      %broadcast_in_dim3A_711 = vector.broadcast %sub3A_710 : f32 to vector<16xf32>
      %select_n3A_712 = arith.select %eq3A_708, %broadcast_in_dim3A_711, %select_n3A_695 : vector<16xi1>, vector<16xf32>
      %mul3A_713 = arith.constant 16 : i32
      %mul3A_714 = arith.muli %scan3A_444, %mul3A_713 : i32
      %add3A_715 = arith.constant 160 : i32
      %add3A_716 = arith.addi %add3A_715, %mul3A_714 : i32
      %swap3A = arith.index_cast %add3A_716 : i32 to index
      %swap3A_717 = tpu.vector_load %arg15[%swap3A] {strides = array<i32>} : memref<512xf32, #tpu.memory_space<vmem>>, vector<16xf32>,
      tpu.vector_store %arg15[%swap3A], %select_n3A_712 {strides = array<i32>} : memref<512xf32, #tpu.memory_space<vmem>>, vector<16xf32>,
    }
    %scan3A_257 = arith.constant 8 : i32
    %dma_start3A_258 = arith.constant 0 : i32
    %dma_start3A_259 = arith.constant 0 : i32
    %dma_start3A_260 = arith.constant 0 : i32
    %dma_start3A_261 = tpu.memref_slice %arg11[%dma_start3A_258, %dma_start3A_259, %dma_start3A_260] : memref<2x128x128xf32, #tpu.memory_space<vmem>> -> memref<1x64x128xf32, #tpu.memory_space<vmem>>
    %dma_start3A_262 = tpu.memref_squeeze %dma_start3A_261 : memref<1x64x128xf32, #tpu.memory_space<vmem>> -> memref<64x128xf32, #tpu.memory_space<vmem>>
    %dma_start3A_263 = arith.constant 416 : i32
    %dma_start3A_264 = tpu.memref_slice %arg8[%dma_start3A_263] : memref<512xi32, #tpu.memory_space<vmem>> -> memref<64xi32, #tpu.memory_space<vmem>>
    %dma_start3A_265 = arith.constant 0 : i32
    %dma_start3A_266 = arith.constant 0 : i32
    %dma_start3A_267 = tpu.memref_slice %arg5[%dma_start3A_265, %dma_start3A_266] : memref<1000000x128xf32, #tpu.memory_space<hbm>> -> memref<1000000x128xf32, #tpu.memory_space<hbm>>
    tpu.enqueue_indirect_dma source(%dma_start3A_267 : memref<1000000x128xf32, #tpu.memory_space<hbm>>) target(%dma_start3A_262 : memref<64x128xf32, #tpu.memory_space<vmem>>) offsets(%dma_start3A_264 : memref<64xi32, #tpu.memory_space<vmem>>) semaphore(%arg16 : memref<!tpu.dma_semaphore, #tpu.memory_space<semaphore_mem>>)
    %dma_start3A_268 = arith.constant 0 : i32
    %dma_start3A_269 = arith.constant 0 : i32
    %dma_start3A_270 = arith.constant 0 : i32
    %dma_start3A_271 = tpu.memref_slice %arg12[%dma_start3A_268, %dma_start3A_269, %dma_start3A_270] : memref<2x128x128xf32, #tpu.memory_space<vmem>> -> memref<1x64x128xf32, #tpu.memory_space<vmem>>
    %dma_start3A_272 = tpu.memref_squeeze %dma_start3A_271 : memref<1x64x128xf32, #tpu.memory_space<vmem>> -> memref<64x128xf32, #tpu.memory_space<vmem>>
    %dma_start3A_273 = arith.constant 416 : i32
    %dma_start3A_274 = tpu.memref_slice %arg9[%dma_start3A_273] : memref<512xi32, #tpu.memory_space<vmem>> -> memref<64xi32, #tpu.memory_space<vmem>>
    %dma_start3A_275 = arith.constant 0 : i32
    %dma_start3A_276 = arith.constant 0 : i32
    %dma_start3A_277 = tpu.memref_slice %arg6[%dma_start3A_275, %dma_start3A_276] : memref<100000x128xf32, #tpu.memory_space<hbm>> -> memref<100000x128xf32, #tpu.memory_space<hbm>>
    tpu.enqueue_indirect_dma source(%dma_start3A_277 : memref<100000x128xf32, #tpu.memory_space<hbm>>) target(%dma_start3A_272 : memref<64x128xf32, #tpu.memory_space<vmem>>) offsets(%dma_start3A_274 : memref<64xi32, #tpu.memory_space<vmem>>) semaphore(%arg16 : memref<!tpu.dma_semaphore, #tpu.memory_space<semaphore_mem>>)
    %dma_start3A_278 = arith.constant 0 : i32
    %dma_start3A_279 = arith.constant 0 : i32
    %dma_start3A_280 = arith.constant 0 : i32
    %dma_start3A_281 = tpu.memref_slice %arg13[%dma_start3A_278, %dma_start3A_279, %dma_start3A_280] : memref<2x128x128xf32, #tpu.memory_space<vmem>> -> memref<1x64x128xf32, #tpu.memory_space<vmem>>
    %dma_start3A_282 = tpu.memref_squeeze %dma_start3A_281 : memref<1x64x128xf32, #tpu.memory_space<vmem>> -> memref<64x128xf32, #tpu.memory_space<vmem>>
    %dma_start3A_283 = arith.constant 416 : i32
    %dma_start3A_284 = tpu.memref_slice %arg10[%dma_start3A_283] : memref<512xi32, #tpu.memory_space<vmem>> -> memref<64xi32, #tpu.memory_space<vmem>>
    %dma_start3A_285 = arith.constant 0 : i32
    %dma_start3A_286 = arith.constant 0 : i32
    %dma_start3A_287 = tpu.memref_slice %arg5[%dma_start3A_285, %dma_start3A_286] : memref<1000000x128xf32, #tpu.memory_space<hbm>> -> memref<1000000x128xf32, #tpu.memory_space<hbm>>
    tpu.enqueue_indirect_dma source(%dma_start3A_287 : memref<1000000x128xf32, #tpu.memory_space<hbm>>) target(%dma_start3A_282 : memref<64x128xf32, #tpu.memory_space<vmem>>) offsets(%dma_start3A_284 : memref<64xi32, #tpu.memory_space<vmem>>) semaphore(%arg16 : memref<!tpu.dma_semaphore, #tpu.memory_space<semaphore_mem>>)
    %dma_wait3A_288 = arith.constant 1 : i32
    %dma_wait3A_289 = arith.constant 0 : i32
    %dma_wait3A_290 = arith.constant 0 : i32
    %dma_wait3A_291 = tpu.memref_slice %arg11[%dma_wait3A_288, %dma_wait3A_289, %dma_wait3A_290] : memref<2x128x128xf32, #tpu.memory_space<vmem>> -> memref<1x128x128xf32, #tpu.memory_space<vmem>>
    %dma_wait3A_292 = tpu.memref_squeeze %dma_wait3A_291 : memref<1x128x128xf32, #tpu.memory_space<vmem>> -> memref<128x128xf32, #tpu.memory_space<vmem>>
    %dma_wait3A_293 = arith.constant 288 : i32
    %dma_wait3A_294 = tpu.memref_slice %arg8[%dma_wait3A_293] : memref<512xi32, #tpu.memory_space<vmem>> -> memref<128xi32, #tpu.memory_space<vmem>>
    %dma_wait3A_295 = arith.constant 0 : i32
    %dma_wait3A_296 = arith.constant 0 : i32
    %dma_wait3A_297 = tpu.memref_slice %arg5[%dma_wait3A_295, %dma_wait3A_296] : memref<1000000x128xf32, #tpu.memory_space<hbm>> -> memref<1000000x128xf32, #tpu.memory_space<hbm>>
    tpu.wait_indirect_dma semaphore(%arg17 : memref<!tpu.dma_semaphore, #tpu.memory_space<semaphore_mem>>) src(%dma_wait3A_297 : memref<1000000x128xf32, #tpu.memory_space<hbm>>) dst(%dma_wait3A_292 : memref<128x128xf32, #tpu.memory_space<vmem>>)
    %dma_wait3A_298 = arith.constant 1 : i32
    %dma_wait3A_299 = arith.constant 0 : i32
    %dma_wait3A_300 = arith.constant 0 : i32
    %dma_wait3A_301 = tpu.memref_slice %arg12[%dma_wait3A_298, %dma_wait3A_299, %dma_wait3A_300] : memref<2x128x128xf32, #tpu.memory_space<vmem>> -> memref<1x128x128xf32, #tpu.memory_space<vmem>>
    %dma_wait3A_302 = tpu.memref_squeeze %dma_wait3A_301 : memref<1x128x128xf32, #tpu.memory_space<vmem>> -> memref<128x128xf32, #tpu.memory_space<vmem>>
    %dma_wait3A_303 = arith.constant 288 : i32
    %dma_wait3A_304 = tpu.memref_slice %arg9[%dma_wait3A_303] : memref<512xi32, #tpu.memory_space<vmem>> -> memref<128xi32, #tpu.memory_space<vmem>>
    %dma_wait3A_305 = arith.constant 0 : i32
    %dma_wait3A_306 = arith.constant 0 : i32
    %dma_wait3A_307 = tpu.memref_slice %arg6[%dma_wait3A_305, %dma_wait3A_306] : memref<100000x128xf32, #tpu.memory_space<hbm>> -> memref<100000x128xf32, #tpu.memory_space<hbm>>
    tpu.wait_indirect_dma semaphore(%arg17 : memref<!tpu.dma_semaphore, #tpu.memory_space<semaphore_mem>>) src(%dma_wait3A_307 : memref<100000x128xf32, #tpu.memory_space<hbm>>) dst(%dma_wait3A_302 : memref<128x128xf32, #tpu.memory_space<vmem>>)
    %dma_wait3A_308 = arith.constant 1 : i32
    %dma_wait3A_309 = arith.constant 0 : i32
    %dma_wait3A_310 = arith.constant 0 : i32
    %dma_wait3A_311 = tpu.memref_slice %arg13[%dma_wait3A_308, %dma_wait3A_309, %dma_wait3A_310] : memref<2x128x128xf32, #tpu.memory_space<vmem>> -> memref<1x128x128xf32, #tpu.memory_space<vmem>>
    %dma_wait3A_312 = tpu.memref_squeeze %dma_wait3A_311 : memref<1x128x128xf32, #tpu.memory_space<vmem>> -> memref<128x128xf32, #tpu.memory_space<vmem>>
    %dma_wait3A_313 = arith.constant 288 : i32
    %dma_wait3A_314 = tpu.memref_slice %arg10[%dma_wait3A_313] : memref<512xi32, #tpu.memory_space<vmem>> -> memref<128xi32, #tpu.memory_space<vmem>>
    %dma_wait3A_315 = arith.constant 0 : i32
    %dma_wait3A_316 = arith.constant 0 : i32
    %dma_wait3A_317 = tpu.memref_slice %arg5[%dma_wait3A_315, %dma_wait3A_316] : memref<1000000x128xf32, #tpu.memory_space<hbm>> -> memref<1000000x128xf32, #tpu.memory_space<hbm>>
    tpu.wait_indirect_dma semaphore(%arg17 : memref<!tpu.dma_semaphore, #tpu.memory_space<semaphore_mem>>) src(%dma_wait3A_317 : memref<1000000x128xf32, #tpu.memory_space<hbm>>) dst(%dma_wait3A_312 : memref<128x128xf32, #tpu.memory_space<vmem>>)
    %scan3A_318 = arith.constant 0 : i32
    %scan3A_319 = arith.constant 0 : i32
    %scan3A_320 = arith.constant 128 : i32
    %scan3A_321 = arith.addi %scan3A_319, %scan3A_320 : i32
    %scan3A_322 = arith.constant 1 : i32
    scf.for %scan3A_444 = %scan3A_319 to %scan3A_321 step %scan3A_322  : i32 {
      %get3A = arith.constant 1 : i32
      %get3A_445 = arith.index_cast %get3A : i32 to index
      %get3A_446 = arith.index_cast %scan3A_444 : i32 to index
      %get3A_447 = arith.constant 0 : index
      %get3A_448 = tpu.vector_load %arg11[%get3A_445, %get3A_446, %get3A_447] {strides = array<i32>} : memref<2x128x128xf32, #tpu.memory_space<vmem>>, vector<16xf32>,
      %get3A_449 = arith.constant 1 : i32
      %get3A_450 = arith.index_cast %get3A_449 : i32 to index
      %get3A_451 = arith.index_cast %scan3A_444 : i32 to index
      %get3A_452 = arith.constant 0 : index
      %get3A_453 = tpu.vector_load %arg12[%get3A_450, %get3A_451, %get3A_452] {strides = array<i32>} : memref<2x128x128xf32, #tpu.memory_space<vmem>>, vector<16xf32>,
      %get3A_454 = arith.constant 1 : i32
      %get3A_455 = arith.index_cast %get3A_454 : i32 to index
      %get3A_456 = arith.index_cast %scan3A_444 : i32 to index
      %get3A_457 = arith.constant 0 : index
      %get3A_458 = tpu.vector_load %arg13[%get3A_455, %get3A_456, %get3A_457] {strides = array<i32>} : memref<2x128x128xf32, #tpu.memory_space<vmem>>, vector<16xf32>,
      %add3A_459 = arith.addf %get3A_448, %get3A_453 : vector<16xf32>
      %sub3A = arith.subf %add3A_459, %get3A_458 : vector<16xf32>
      %abs3A = math.absf %sub3A : vector<16xf32>
      %get3A_460 = arith.constant 1 : i32
      %get3A_461 = arith.index_cast %get3A_460 : i32 to index
      %get3A_462 = arith.index_cast %scan3A_444 : i32 to index
      %get3A_463 = arith.constant 16 : index
      %get3A_464 = tpu.vector_load %arg11[%get3A_461, %get3A_462, %get3A_463] {strides = array<i32>} : memref<2x128x128xf32, #tpu.memory_space<vmem>>, vector<16xf32>,
      %get3A_465 = arith.constant 1 : i32
      %get3A_466 = arith.index_cast %get3A_465 : i32 to index
      %get3A_467 = arith.index_cast %scan3A_444 : i32 to index
      %get3A_468 = arith.constant 16 : index
      %get3A_469 = tpu.vector_load %arg12[%get3A_466, %get3A_467, %get3A_468] {strides = array<i32>} : memref<2x128x128xf32, #tpu.memory_space<vmem>>, vector<16xf32>,
      %get3A_470 = arith.constant 1 : i32
      %get3A_471 = arith.index_cast %get3A_470 : i32 to index
      %get3A_472 = arith.index_cast %scan3A_444 : i32 to index
      %get3A_473 = arith.constant 16 : index
      %get3A_474 = tpu.vector_load %arg13[%get3A_471, %get3A_472, %get3A_473] {strides = array<i32>} : memref<2x128x128xf32, #tpu.memory_space<vmem>>, vector<16xf32>,
      %add3A_475 = arith.addf %get3A_464, %get3A_469 : vector<16xf32>
      %sub3A_476 = arith.subf %add3A_475, %get3A_474 : vector<16xf32>
      %abs3A_477 = math.absf %sub3A_476 : vector<16xf32>
      %add3A_478 = arith.addf %abs3A, %abs3A_477 : vector<16xf32>
      %get3A_479 = arith.constant 1 : i32
      %get3A_480 = arith.index_cast %get3A_479 : i32 to index
      %get3A_481 = arith.index_cast %scan3A_444 : i32 to index
      %get3A_482 = arith.constant 32 : index
      %get3A_483 = tpu.vector_load %arg11[%get3A_480, %get3A_481, %get3A_482] {strides = array<i32>} : memref<2x128x128xf32, #tpu.memory_space<vmem>>, vector<16xf32>,
      %get3A_484 = arith.constant 1 : i32
      %get3A_485 = arith.index_cast %get3A_484 : i32 to index
      %get3A_486 = arith.index_cast %scan3A_444 : i32 to index
      %get3A_487 = arith.constant 32 : index
      %get3A_488 = tpu.vector_load %arg12[%get3A_485, %get3A_486, %get3A_487] {strides = array<i32>} : memref<2x128x128xf32, #tpu.memory_space<vmem>>, vector<16xf32>,
      %get3A_489 = arith.constant 1 : i32
      %get3A_490 = arith.index_cast %get3A_489 : i32 to index
      %get3A_491 = arith.index_cast %scan3A_444 : i32 to index
      %get3A_492 = arith.constant 32 : index
      %get3A_493 = tpu.vector_load %arg13[%get3A_490, %get3A_491, %get3A_492] {strides = array<i32>} : memref<2x128x128xf32, #tpu.memory_space<vmem>>, vector<16xf32>,
      %add3A_494 = arith.addf %get3A_483, %get3A_488 : vector<16xf32>
      %sub3A_495 = arith.subf %add3A_494, %get3A_493 : vector<16xf32>
      %abs3A_496 = math.absf %sub3A_495 : vector<16xf32>
      %add3A_497 = arith.addf %add3A_478, %abs3A_496 : vector<16xf32>
      %get3A_498 = arith.constant 1 : i32
      %get3A_499 = arith.index_cast %get3A_498 : i32 to index
      %get3A_500 = arith.index_cast %scan3A_444 : i32 to index
      %get3A_501 = arith.constant 48 : index
      %get3A_502 = tpu.vector_load %arg11[%get3A_499, %get3A_500, %get3A_501] {strides = array<i32>} : memref<2x128x128xf32, #tpu.memory_space<vmem>>, vector<16xf32>,
      %get3A_503 = arith.constant 1 : i32
      %get3A_504 = arith.index_cast %get3A_503 : i32 to index
      %get3A_505 = arith.index_cast %scan3A_444 : i32 to index
      %get3A_506 = arith.constant 48 : index
      %get3A_507 = tpu.vector_load %arg12[%get3A_504, %get3A_505, %get3A_506] {strides = array<i32>} : memref<2x128x128xf32, #tpu.memory_space<vmem>>, vector<16xf32>,
      %get3A_508 = arith.constant 1 : i32
      %get3A_509 = arith.index_cast %get3A_508 : i32 to index
      %get3A_510 = arith.index_cast %scan3A_444 : i32 to index
      %get3A_511 = arith.constant 48 : index
      %get3A_512 = tpu.vector_load %arg13[%get3A_509, %get3A_510, %get3A_511] {strides = array<i32>} : memref<2x128x128xf32, #tpu.memory_space<vmem>>, vector<16xf32>,
      %add3A_513 = arith.addf %get3A_502, %get3A_507 : vector<16xf32>
      %sub3A_514 = arith.subf %add3A_513, %get3A_512 : vector<16xf32>
      %abs3A_515 = math.absf %sub3A_514 : vector<16xf32>
      %add3A_516 = arith.addf %add3A_497, %abs3A_515 : vector<16xf32>
      %get3A_517 = arith.constant 1 : i32
      %get3A_518 = arith.index_cast %get3A_517 : i32 to index
      %get3A_519 = arith.index_cast %scan3A_444 : i32 to index
      %get3A_520 = arith.constant 64 : index
      %get3A_521 = tpu.vector_load %arg11[%get3A_518, %get3A_519, %get3A_520] {strides = array<i32>} : memref<2x128x128xf32, #tpu.memory_space<vmem>>, vector<16xf32>,
      %get3A_522 = arith.constant 1 : i32
      %get3A_523 = arith.index_cast %get3A_522 : i32 to index
      %get3A_524 = arith.index_cast %scan3A_444 : i32 to index
      %get3A_525 = arith.constant 64 : index
      %get3A_526 = tpu.vector_load %arg12[%get3A_523, %get3A_524, %get3A_525] {strides = array<i32>} : memref<2x128x128xf32, #tpu.memory_space<vmem>>, vector<16xf32>,
      %get3A_527 = arith.constant 1 : i32
      %get3A_528 = arith.index_cast %get3A_527 : i32 to index
      %get3A_529 = arith.index_cast %scan3A_444 : i32 to index
      %get3A_530 = arith.constant 64 : index
      %get3A_531 = tpu.vector_load %arg13[%get3A_528, %get3A_529, %get3A_530] {strides = array<i32>} : memref<2x128x128xf32, #tpu.memory_space<vmem>>, vector<16xf32>,
      %add3A_532 = arith.addf %get3A_521, %get3A_526 : vector<16xf32>
      %sub3A_533 = arith.subf %add3A_532, %get3A_531 : vector<16xf32>
      %abs3A_534 = math.absf %sub3A_533 : vector<16xf32>
      %add3A_535 = arith.addf %add3A_516, %abs3A_534 : vector<16xf32>
      %get3A_536 = arith.constant 1 : i32
      %get3A_537 = arith.index_cast %get3A_536 : i32 to index
      %get3A_538 = arith.index_cast %scan3A_444 : i32 to index
      %get3A_539 = arith.constant 80 : index
      %get3A_540 = tpu.vector_load %arg11[%get3A_537, %get3A_538, %get3A_539] {strides = array<i32>} : memref<2x128x128xf32, #tpu.memory_space<vmem>>, vector<16xf32>,
      %get3A_541 = arith.constant 1 : i32
      %get3A_542 = arith.index_cast %get3A_541 : i32 to index
      %get3A_543 = arith.index_cast %scan3A_444 : i32 to index
      %get3A_544 = arith.constant 80 : index
      %get3A_545 = tpu.vector_load %arg12[%get3A_542, %get3A_543, %get3A_544] {strides = array<i32>} : memref<2x128x128xf32, #tpu.memory_space<vmem>>, vector<16xf32>,
      %get3A_546 = arith.constant 1 : i32
      %get3A_547 = arith.index_cast %get3A_546 : i32 to index
      %get3A_548 = arith.index_cast %scan3A_444 : i32 to index
      %get3A_549 = arith.constant 80 : index
      %get3A_550 = tpu.vector_load %arg13[%get3A_547, %get3A_548, %get3A_549] {strides = array<i32>} : memref<2x128x128xf32, #tpu.memory_space<vmem>>, vector<16xf32>,
      %add3A_551 = arith.addf %get3A_540, %get3A_545 : vector<16xf32>
      %sub3A_552 = arith.subf %add3A_551, %get3A_550 : vector<16xf32>
      %abs3A_553 = math.absf %sub3A_552 : vector<16xf32>
      %add3A_554 = arith.addf %add3A_535, %abs3A_553 : vector<16xf32>
      %get3A_555 = arith.constant 1 : i32
      %get3A_556 = arith.index_cast %get3A_555 : i32 to index
      %get3A_557 = arith.index_cast %scan3A_444 : i32 to index
      %get3A_558 = arith.constant 96 : index
      %get3A_559 = tpu.vector_load %arg11[%get3A_556, %get3A_557, %get3A_558] {strides = array<i32>} : memref<2x128x128xf32, #tpu.memory_space<vmem>>, vector<16xf32>,
      %get3A_560 = arith.constant 1 : i32
      %get3A_561 = arith.index_cast %get3A_560 : i32 to index
      %get3A_562 = arith.index_cast %scan3A_444 : i32 to index
      %get3A_563 = arith.constant 96 : index
      %get3A_564 = tpu.vector_load %arg12[%get3A_561, %get3A_562, %get3A_563] {strides = array<i32>} : memref<2x128x128xf32, #tpu.memory_space<vmem>>, vector<16xf32>,
      %get3A_565 = arith.constant 1 : i32
      %get3A_566 = arith.index_cast %get3A_565 : i32 to index
      %get3A_567 = arith.index_cast %scan3A_444 : i32 to index
      %get3A_568 = arith.constant 96 : index
      %get3A_569 = tpu.vector_load %arg13[%get3A_566, %get3A_567, %get3A_568] {strides = array<i32>} : memref<2x128x128xf32, #tpu.memory_space<vmem>>, vector<16xf32>,
      %add3A_570 = arith.addf %get3A_559, %get3A_564 : vector<16xf32>
      %sub3A_571 = arith.subf %add3A_570, %get3A_569 : vector<16xf32>
      %abs3A_572 = math.absf %sub3A_571 : vector<16xf32>
      %add3A_573 = arith.addf %add3A_554, %abs3A_572 : vector<16xf32>
      %get3A_574 = arith.constant 1 : i32
      %get3A_575 = arith.index_cast %get3A_574 : i32 to index
      %get3A_576 = arith.index_cast %scan3A_444 : i32 to index
      %get3A_577 = arith.constant 112 : index
      %get3A_578 = tpu.vector_load %arg11[%get3A_575, %get3A_576, %get3A_577] {strides = array<i32>} : memref<2x128x128xf32, #tpu.memory_space<vmem>>, vector<16xf32>,
      %get3A_579 = arith.constant 1 : i32
      %get3A_580 = arith.index_cast %get3A_579 : i32 to index
      %get3A_581 = arith.index_cast %scan3A_444 : i32 to index
      %get3A_582 = arith.constant 112 : index
      %get3A_583 = tpu.vector_load %arg12[%get3A_580, %get3A_581, %get3A_582] {strides = array<i32>} : memref<2x128x128xf32, #tpu.memory_space<vmem>>, vector<16xf32>,
      %get3A_584 = arith.constant 1 : i32
      %get3A_585 = arith.index_cast %get3A_584 : i32 to index
      %get3A_586 = arith.index_cast %scan3A_444 : i32 to index
      %get3A_587 = arith.constant 112 : index
      %get3A_588 = tpu.vector_load %arg13[%get3A_585, %get3A_586, %get3A_587] {strides = array<i32>} : memref<2x128x128xf32, #tpu.memory_space<vmem>>, vector<16xf32>,
      %add3A_589 = arith.addf %get3A_578, %get3A_583 : vector<16xf32>
      %sub3A_590 = arith.subf %add3A_589, %get3A_588 : vector<16xf32>
      %abs3A_591 = math.absf %sub3A_590 : vector<16xf32>
      %add3A_592 = arith.addf %add3A_573, %abs3A_591 : vector<16xf32>
      %mul3A_593 = arith.constant 16 : i32
      %mul3A_594 = arith.muli %scan3A_444, %mul3A_593 : i32
      %swap3A = arith.index_cast %mul3A_594 : i32 to index
      %swap3A_595 = tpu.vector_load %arg14[%swap3A] {strides = array<i32>} : memref<2048xf32, #tpu.memory_space<vmem>>, vector<16xf32>,
      tpu.vector_store %arg14[%swap3A], %add3A_592 {strides = array<i32>} : memref<2048xf32, #tpu.memory_space<vmem>>, vector<16xf32>,
    }
    %scan3A_323 = arith.constant 128 : i32
    %scan3A_324 = arith.constant 0 : i32
    %scan3A_325 = arith.constant 0 : i32
    %scan3A_326 = arith.constant 8 : i32
    %scan3A_327 = arith.addi %scan3A_325, %scan3A_326 : i32
    %scan3A_328 = arith.constant 1 : i32
    scf.for %scan3A_444 = %scan3A_325 to %scan3A_327 step %scan3A_328  : i32 {
      %broadcast_in_dim3A = arith.constant 0.000000e+00 : f32
      %broadcast_in_dim3A_445 = vector.broadcast %broadcast_in_dim3A : f32 to vector<16xf32>
      %mul3A_446 = arith.constant 256 : i32
      %mul3A_447 = arith.muli %scan3A_444, %mul3A_446 : i32
      %add3A_448 = arith.constant 0 : i32
      %add3A_449 = arith.addi %mul3A_447, %add3A_448 : i32
      %get3A = arith.index_cast %add3A_449 : i32 to index
      %get3A_450 = tpu.vector_load %arg14[%get3A] {strides = array<i32>} : memref<2048xf32, #tpu.memory_space<vmem>>, vector<16xf32>,
      %reduce_sum3A = arith.constant true
      %reduce_sum3A_451 = vector.broadcast %reduce_sum3A : i1 to vector<16xi1>
      %reduce_sum3A_452 = tpu.scan <sum>, %get3A_450 masked %reduce_sum3A_451 : vector<16xf32>, vector<16xi1> -> vector<16xf32>
      %reduce_sum3A_453 = vector.extract %reduce_sum3A_452[15] : f32 from vector<16xf32>
      %eq3A = arith.constant 0 : i32
      %eq3A_454 = vector.broadcast %eq3A : i32 to vector<16xi32>
      %eq3A_455 = arith.cmpi eq, %iota3A, %eq3A_454 : vector<16xi32>
      %sub3A = arith.constant 1.200000e+01 : f32
      %sub3A_456 = arith.subf %sub3A, %reduce_sum3A_453 : f32
      %broadcast_in_dim3A_457 = vector.broadcast %sub3A_456 : f32 to vector<16xf32>
      %select_n3A = arith.select %eq3A_455, %broadcast_in_dim3A_457, %broadcast_in_dim3A_445 : vector<16xi1>, vector<16xf32>
      %mul3A_458 = arith.constant 256 : i32
      %mul3A_459 = arith.muli %scan3A_444, %mul3A_458 : i32
      %add3A_460 = arith.constant 16 : i32
      %add3A_461 = arith.addi %mul3A_459, %add3A_460 : i32
      %get3A_462 = arith.index_cast %add3A_461 : i32 to index
      %get3A_463 = tpu.vector_load %arg14[%get3A_462] {strides = array<i32>} : memref<2048xf32, #tpu.memory_space<vmem>>, vector<16xf32>,
      %reduce_sum3A_464 = arith.constant true
      %reduce_sum3A_465 = vector.broadcast %reduce_sum3A_464 : i1 to vector<16xi1>
      %reduce_sum3A_466 = tpu.scan <sum>, %get3A_463 masked %reduce_sum3A_465 : vector<16xf32>, vector<16xi1> -> vector<16xf32>
      %reduce_sum3A_467 = vector.extract %reduce_sum3A_466[15] : f32 from vector<16xf32>
      %eq3A_468 = arith.constant 1 : i32
      %eq3A_469 = vector.broadcast %eq3A_468 : i32 to vector<16xi32>
      %eq3A_470 = arith.cmpi eq, %iota3A, %eq3A_469 : vector<16xi32>
      %sub3A_471 = arith.constant 1.200000e+01 : f32
      %sub3A_472 = arith.subf %sub3A_471, %reduce_sum3A_467 : f32
      %broadcast_in_dim3A_473 = vector.broadcast %sub3A_472 : f32 to vector<16xf32>
      %select_n3A_474 = arith.select %eq3A_470, %broadcast_in_dim3A_473, %select_n3A : vector<16xi1>, vector<16xf32>
      %mul3A_475 = arith.constant 256 : i32
      %mul3A_476 = arith.muli %scan3A_444, %mul3A_475 : i32
      %add3A_477 = arith.constant 32 : i32
      %add3A_478 = arith.addi %mul3A_476, %add3A_477 : i32
      %get3A_479 = arith.index_cast %add3A_478 : i32 to index
      %get3A_480 = tpu.vector_load %arg14[%get3A_479] {strides = array<i32>} : memref<2048xf32, #tpu.memory_space<vmem>>, vector<16xf32>,
      %reduce_sum3A_481 = arith.constant true
      %reduce_sum3A_482 = vector.broadcast %reduce_sum3A_481 : i1 to vector<16xi1>
      %reduce_sum3A_483 = tpu.scan <sum>, %get3A_480 masked %reduce_sum3A_482 : vector<16xf32>, vector<16xi1> -> vector<16xf32>
      %reduce_sum3A_484 = vector.extract %reduce_sum3A_483[15] : f32 from vector<16xf32>
      %eq3A_485 = arith.constant 2 : i32
      %eq3A_486 = vector.broadcast %eq3A_485 : i32 to vector<16xi32>
      %eq3A_487 = arith.cmpi eq, %iota3A, %eq3A_486 : vector<16xi32>
      %sub3A_488 = arith.constant 1.200000e+01 : f32
      %sub3A_489 = arith.subf %sub3A_488, %reduce_sum3A_484 : f32
      %broadcast_in_dim3A_490 = vector.broadcast %sub3A_489 : f32 to vector<16xf32>
      %select_n3A_491 = arith.select %eq3A_487, %broadcast_in_dim3A_490, %select_n3A_474 : vector<16xi1>, vector<16xf32>
      %mul3A_492 = arith.constant 256 : i32
      %mul3A_493 = arith.muli %scan3A_444, %mul3A_492 : i32
      %add3A_494 = arith.constant 48 : i32
      %add3A_495 = arith.addi %mul3A_493, %add3A_494 : i32
      %get3A_496 = arith.index_cast %add3A_495 : i32 to index
      %get3A_497 = tpu.vector_load %arg14[%get3A_496] {strides = array<i32>} : memref<2048xf32, #tpu.memory_space<vmem>>, vector<16xf32>,
      %reduce_sum3A_498 = arith.constant true
      %reduce_sum3A_499 = vector.broadcast %reduce_sum3A_498 : i1 to vector<16xi1>
      %reduce_sum3A_500 = tpu.scan <sum>, %get3A_497 masked %reduce_sum3A_499 : vector<16xf32>, vector<16xi1> -> vector<16xf32>
      %reduce_sum3A_501 = vector.extract %reduce_sum3A_500[15] : f32 from vector<16xf32>
      %eq3A_502 = arith.constant 3 : i32
      %eq3A_503 = vector.broadcast %eq3A_502 : i32 to vector<16xi32>
      %eq3A_504 = arith.cmpi eq, %iota3A, %eq3A_503 : vector<16xi32>
      %sub3A_505 = arith.constant 1.200000e+01 : f32
      %sub3A_506 = arith.subf %sub3A_505, %reduce_sum3A_501 : f32
      %broadcast_in_dim3A_507 = vector.broadcast %sub3A_506 : f32 to vector<16xf32>
      %select_n3A_508 = arith.select %eq3A_504, %broadcast_in_dim3A_507, %select_n3A_491 : vector<16xi1>, vector<16xf32>
      %mul3A_509 = arith.constant 256 : i32
      %mul3A_510 = arith.muli %scan3A_444, %mul3A_509 : i32
      %add3A_511 = arith.constant 64 : i32
      %add3A_512 = arith.addi %mul3A_510, %add3A_511 : i32
      %get3A_513 = arith.index_cast %add3A_512 : i32 to index
      %get3A_514 = tpu.vector_load %arg14[%get3A_513] {strides = array<i32>} : memref<2048xf32, #tpu.memory_space<vmem>>, vector<16xf32>,
      %reduce_sum3A_515 = arith.constant true
      %reduce_sum3A_516 = vector.broadcast %reduce_sum3A_515 : i1 to vector<16xi1>
      %reduce_sum3A_517 = tpu.scan <sum>, %get3A_514 masked %reduce_sum3A_516 : vector<16xf32>, vector<16xi1> -> vector<16xf32>
      %reduce_sum3A_518 = vector.extract %reduce_sum3A_517[15] : f32 from vector<16xf32>
      %eq3A_519 = arith.constant 4 : i32
      %eq3A_520 = vector.broadcast %eq3A_519 : i32 to vector<16xi32>
      %eq3A_521 = arith.cmpi eq, %iota3A, %eq3A_520 : vector<16xi32>
      %sub3A_522 = arith.constant 1.200000e+01 : f32
      %sub3A_523 = arith.subf %sub3A_522, %reduce_sum3A_518 : f32
      %broadcast_in_dim3A_524 = vector.broadcast %sub3A_523 : f32 to vector<16xf32>
      %select_n3A_525 = arith.select %eq3A_521, %broadcast_in_dim3A_524, %select_n3A_508 : vector<16xi1>, vector<16xf32>
      %mul3A_526 = arith.constant 256 : i32
      %mul3A_527 = arith.muli %scan3A_444, %mul3A_526 : i32
      %add3A_528 = arith.constant 80 : i32
      %add3A_529 = arith.addi %mul3A_527, %add3A_528 : i32
      %get3A_530 = arith.index_cast %add3A_529 : i32 to index
      %get3A_531 = tpu.vector_load %arg14[%get3A_530] {strides = array<i32>} : memref<2048xf32, #tpu.memory_space<vmem>>, vector<16xf32>,
      %reduce_sum3A_532 = arith.constant true
      %reduce_sum3A_533 = vector.broadcast %reduce_sum3A_532 : i1 to vector<16xi1>
      %reduce_sum3A_534 = tpu.scan <sum>, %get3A_531 masked %reduce_sum3A_533 : vector<16xf32>, vector<16xi1> -> vector<16xf32>
      %reduce_sum3A_535 = vector.extract %reduce_sum3A_534[15] : f32 from vector<16xf32>
      %eq3A_536 = arith.constant 5 : i32
      %eq3A_537 = vector.broadcast %eq3A_536 : i32 to vector<16xi32>
      %eq3A_538 = arith.cmpi eq, %iota3A, %eq3A_537 : vector<16xi32>
      %sub3A_539 = arith.constant 1.200000e+01 : f32
      %sub3A_540 = arith.subf %sub3A_539, %reduce_sum3A_535 : f32
      %broadcast_in_dim3A_541 = vector.broadcast %sub3A_540 : f32 to vector<16xf32>
      %select_n3A_542 = arith.select %eq3A_538, %broadcast_in_dim3A_541, %select_n3A_525 : vector<16xi1>, vector<16xf32>
      %mul3A_543 = arith.constant 256 : i32
      %mul3A_544 = arith.muli %scan3A_444, %mul3A_543 : i32
      %add3A_545 = arith.constant 96 : i32
      %add3A_546 = arith.addi %mul3A_544, %add3A_545 : i32
      %get3A_547 = arith.index_cast %add3A_546 : i32 to index
      %get3A_548 = tpu.vector_load %arg14[%get3A_547] {strides = array<i32>} : memref<2048xf32, #tpu.memory_space<vmem>>, vector<16xf32>,
      %reduce_sum3A_549 = arith.constant true
      %reduce_sum3A_550 = vector.broadcast %reduce_sum3A_549 : i1 to vector<16xi1>
      %reduce_sum3A_551 = tpu.scan <sum>, %get3A_548 masked %reduce_sum3A_550 : vector<16xf32>, vector<16xi1> -> vector<16xf32>
      %reduce_sum3A_552 = vector.extract %reduce_sum3A_551[15] : f32 from vector<16xf32>
      %eq3A_553 = arith.constant 6 : i32
      %eq3A_554 = vector.broadcast %eq3A_553 : i32 to vector<16xi32>
      %eq3A_555 = arith.cmpi eq, %iota3A, %eq3A_554 : vector<16xi32>
      %sub3A_556 = arith.constant 1.200000e+01 : f32
      %sub3A_557 = arith.subf %sub3A_556, %reduce_sum3A_552 : f32
      %broadcast_in_dim3A_558 = vector.broadcast %sub3A_557 : f32 to vector<16xf32>
      %select_n3A_559 = arith.select %eq3A_555, %broadcast_in_dim3A_558, %select_n3A_542 : vector<16xi1>, vector<16xf32>
      %mul3A_560 = arith.constant 256 : i32
      %mul3A_561 = arith.muli %scan3A_444, %mul3A_560 : i32
      %add3A_562 = arith.constant 112 : i32
      %add3A_563 = arith.addi %mul3A_561, %add3A_562 : i32
      %get3A_564 = arith.index_cast %add3A_563 : i32 to index
      %get3A_565 = tpu.vector_load %arg14[%get3A_564] {strides = array<i32>} : memref<2048xf32, #tpu.memory_space<vmem>>, vector<16xf32>,
      %reduce_sum3A_566 = arith.constant true
      %reduce_sum3A_567 = vector.broadcast %reduce_sum3A_566 : i1 to vector<16xi1>
      %reduce_sum3A_568 = tpu.scan <sum>, %get3A_565 masked %reduce_sum3A_567 : vector<16xf32>, vector<16xi1> -> vector<16xf32>
      %reduce_sum3A_569 = vector.extract %reduce_sum3A_568[15] : f32 from vector<16xf32>
      %eq3A_570 = arith.constant 7 : i32
      %eq3A_571 = vector.broadcast %eq3A_570 : i32 to vector<16xi32>
      %eq3A_572 = arith.cmpi eq, %iota3A, %eq3A_571 : vector<16xi32>
      %sub3A_573 = arith.constant 1.200000e+01 : f32
      %sub3A_574 = arith.subf %sub3A_573, %reduce_sum3A_569 : f32
      %broadcast_in_dim3A_575 = vector.broadcast %sub3A_574 : f32 to vector<16xf32>
      %select_n3A_576 = arith.select %eq3A_572, %broadcast_in_dim3A_575, %select_n3A_559 : vector<16xi1>, vector<16xf32>
      %mul3A_577 = arith.constant 256 : i32
      %mul3A_578 = arith.muli %scan3A_444, %mul3A_577 : i32
      %add3A_579 = arith.constant 128 : i32
      %add3A_580 = arith.addi %mul3A_578, %add3A_579 : i32
      %get3A_581 = arith.index_cast %add3A_580 : i32 to index
      %get3A_582 = tpu.vector_load %arg14[%get3A_581] {strides = array<i32>} : memref<2048xf32, #tpu.memory_space<vmem>>, vector<16xf32>,
      %reduce_sum3A_583 = arith.constant true
      %reduce_sum3A_584 = vector.broadcast %reduce_sum3A_583 : i1 to vector<16xi1>
      %reduce_sum3A_585 = tpu.scan <sum>, %get3A_582 masked %reduce_sum3A_584 : vector<16xf32>, vector<16xi1> -> vector<16xf32>
      %reduce_sum3A_586 = vector.extract %reduce_sum3A_585[15] : f32 from vector<16xf32>
      %eq3A_587 = arith.constant 8 : i32
      %eq3A_588 = vector.broadcast %eq3A_587 : i32 to vector<16xi32>
      %eq3A_589 = arith.cmpi eq, %iota3A, %eq3A_588 : vector<16xi32>
      %sub3A_590 = arith.constant 1.200000e+01 : f32
      %sub3A_591 = arith.subf %sub3A_590, %reduce_sum3A_586 : f32
      %broadcast_in_dim3A_592 = vector.broadcast %sub3A_591 : f32 to vector<16xf32>
      %select_n3A_593 = arith.select %eq3A_589, %broadcast_in_dim3A_592, %select_n3A_576 : vector<16xi1>, vector<16xf32>
      %mul3A_594 = arith.constant 256 : i32
      %mul3A_595 = arith.muli %scan3A_444, %mul3A_594 : i32
      %add3A_596 = arith.constant 144 : i32
      %add3A_597 = arith.addi %mul3A_595, %add3A_596 : i32
      %get3A_598 = arith.index_cast %add3A_597 : i32 to index
      %get3A_599 = tpu.vector_load %arg14[%get3A_598] {strides = array<i32>} : memref<2048xf32, #tpu.memory_space<vmem>>, vector<16xf32>,
      %reduce_sum3A_600 = arith.constant true
      %reduce_sum3A_601 = vector.broadcast %reduce_sum3A_600 : i1 to vector<16xi1>
      %reduce_sum3A_602 = tpu.scan <sum>, %get3A_599 masked %reduce_sum3A_601 : vector<16xf32>, vector<16xi1> -> vector<16xf32>
      %reduce_sum3A_603 = vector.extract %reduce_sum3A_602[15] : f32 from vector<16xf32>
      %eq3A_604 = arith.constant 9 : i32
      %eq3A_605 = vector.broadcast %eq3A_604 : i32 to vector<16xi32>
      %eq3A_606 = arith.cmpi eq, %iota3A, %eq3A_605 : vector<16xi32>
      %sub3A_607 = arith.constant 1.200000e+01 : f32
      %sub3A_608 = arith.subf %sub3A_607, %reduce_sum3A_603 : f32
      %broadcast_in_dim3A_609 = vector.broadcast %sub3A_608 : f32 to vector<16xf32>
      %select_n3A_610 = arith.select %eq3A_606, %broadcast_in_dim3A_609, %select_n3A_593 : vector<16xi1>, vector<16xf32>
      %mul3A_611 = arith.constant 256 : i32
      %mul3A_612 = arith.muli %scan3A_444, %mul3A_611 : i32
      %add3A_613 = arith.constant 160 : i32
      %add3A_614 = arith.addi %mul3A_612, %add3A_613 : i32
      %get3A_615 = arith.index_cast %add3A_614 : i32 to index
      %get3A_616 = tpu.vector_load %arg14[%get3A_615] {strides = array<i32>} : memref<2048xf32, #tpu.memory_space<vmem>>, vector<16xf32>,
      %reduce_sum3A_617 = arith.constant true
      %reduce_sum3A_618 = vector.broadcast %reduce_sum3A_617 : i1 to vector<16xi1>
      %reduce_sum3A_619 = tpu.scan <sum>, %get3A_616 masked %reduce_sum3A_618 : vector<16xf32>, vector<16xi1> -> vector<16xf32>
      %reduce_sum3A_620 = vector.extract %reduce_sum3A_619[15] : f32 from vector<16xf32>
      %eq3A_621 = arith.constant 10 : i32
      %eq3A_622 = vector.broadcast %eq3A_621 : i32 to vector<16xi32>
      %eq3A_623 = arith.cmpi eq, %iota3A, %eq3A_622 : vector<16xi32>
      %sub3A_624 = arith.constant 1.200000e+01 : f32
      %sub3A_625 = arith.subf %sub3A_624, %reduce_sum3A_620 : f32
      %broadcast_in_dim3A_626 = vector.broadcast %sub3A_625 : f32 to vector<16xf32>
      %select_n3A_627 = arith.select %eq3A_623, %broadcast_in_dim3A_626, %select_n3A_610 : vector<16xi1>, vector<16xf32>
      %mul3A_628 = arith.constant 256 : i32
      %mul3A_629 = arith.muli %scan3A_444, %mul3A_628 : i32
      %add3A_630 = arith.constant 176 : i32
      %add3A_631 = arith.addi %mul3A_629, %add3A_630 : i32
      %get3A_632 = arith.index_cast %add3A_631 : i32 to index
      %get3A_633 = tpu.vector_load %arg14[%get3A_632] {strides = array<i32>} : memref<2048xf32, #tpu.memory_space<vmem>>, vector<16xf32>,
      %reduce_sum3A_634 = arith.constant true
      %reduce_sum3A_635 = vector.broadcast %reduce_sum3A_634 : i1 to vector<16xi1>
      %reduce_sum3A_636 = tpu.scan <sum>, %get3A_633 masked %reduce_sum3A_635 : vector<16xf32>, vector<16xi1> -> vector<16xf32>
      %reduce_sum3A_637 = vector.extract %reduce_sum3A_636[15] : f32 from vector<16xf32>
      %eq3A_638 = arith.constant 11 : i32
      %eq3A_639 = vector.broadcast %eq3A_638 : i32 to vector<16xi32>
      %eq3A_640 = arith.cmpi eq, %iota3A, %eq3A_639 : vector<16xi32>
      %sub3A_641 = arith.constant 1.200000e+01 : f32
      %sub3A_642 = arith.subf %sub3A_641, %reduce_sum3A_637 : f32
      %broadcast_in_dim3A_643 = vector.broadcast %sub3A_642 : f32 to vector<16xf32>
      %select_n3A_644 = arith.select %eq3A_640, %broadcast_in_dim3A_643, %select_n3A_627 : vector<16xi1>, vector<16xf32>
      %mul3A_645 = arith.constant 256 : i32
      %mul3A_646 = arith.muli %scan3A_444, %mul3A_645 : i32
      %add3A_647 = arith.constant 192 : i32
      %add3A_648 = arith.addi %mul3A_646, %add3A_647 : i32
      %get3A_649 = arith.index_cast %add3A_648 : i32 to index
      %get3A_650 = tpu.vector_load %arg14[%get3A_649] {strides = array<i32>} : memref<2048xf32, #tpu.memory_space<vmem>>, vector<16xf32>,
      %reduce_sum3A_651 = arith.constant true
      %reduce_sum3A_652 = vector.broadcast %reduce_sum3A_651 : i1 to vector<16xi1>
      %reduce_sum3A_653 = tpu.scan <sum>, %get3A_650 masked %reduce_sum3A_652 : vector<16xf32>, vector<16xi1> -> vector<16xf32>
      %reduce_sum3A_654 = vector.extract %reduce_sum3A_653[15] : f32 from vector<16xf32>
      %eq3A_655 = arith.constant 12 : i32
      %eq3A_656 = vector.broadcast %eq3A_655 : i32 to vector<16xi32>
      %eq3A_657 = arith.cmpi eq, %iota3A, %eq3A_656 : vector<16xi32>
      %sub3A_658 = arith.constant 1.200000e+01 : f32
      %sub3A_659 = arith.subf %sub3A_658, %reduce_sum3A_654 : f32
      %broadcast_in_dim3A_660 = vector.broadcast %sub3A_659 : f32 to vector<16xf32>
      %select_n3A_661 = arith.select %eq3A_657, %broadcast_in_dim3A_660, %select_n3A_644 : vector<16xi1>, vector<16xf32>
      %mul3A_662 = arith.constant 256 : i32
      %mul3A_663 = arith.muli %scan3A_444, %mul3A_662 : i32
      %add3A_664 = arith.constant 208 : i32
      %add3A_665 = arith.addi %mul3A_663, %add3A_664 : i32
      %get3A_666 = arith.index_cast %add3A_665 : i32 to index
      %get3A_667 = tpu.vector_load %arg14[%get3A_666] {strides = array<i32>} : memref<2048xf32, #tpu.memory_space<vmem>>, vector<16xf32>,
      %reduce_sum3A_668 = arith.constant true
      %reduce_sum3A_669 = vector.broadcast %reduce_sum3A_668 : i1 to vector<16xi1>
      %reduce_sum3A_670 = tpu.scan <sum>, %get3A_667 masked %reduce_sum3A_669 : vector<16xf32>, vector<16xi1> -> vector<16xf32>
      %reduce_sum3A_671 = vector.extract %reduce_sum3A_670[15] : f32 from vector<16xf32>
      %eq3A_672 = arith.constant 13 : i32
      %eq3A_673 = vector.broadcast %eq3A_672 : i32 to vector<16xi32>
      %eq3A_674 = arith.cmpi eq, %iota3A, %eq3A_673 : vector<16xi32>
      %sub3A_675 = arith.constant 1.200000e+01 : f32
      %sub3A_676 = arith.subf %sub3A_675, %reduce_sum3A_671 : f32
      %broadcast_in_dim3A_677 = vector.broadcast %sub3A_676 : f32 to vector<16xf32>
      %select_n3A_678 = arith.select %eq3A_674, %broadcast_in_dim3A_677, %select_n3A_661 : vector<16xi1>, vector<16xf32>
      %mul3A_679 = arith.constant 256 : i32
      %mul3A_680 = arith.muli %scan3A_444, %mul3A_679 : i32
      %add3A_681 = arith.constant 224 : i32
      %add3A_682 = arith.addi %mul3A_680, %add3A_681 : i32
      %get3A_683 = arith.index_cast %add3A_682 : i32 to index
      %get3A_684 = tpu.vector_load %arg14[%get3A_683] {strides = array<i32>} : memref<2048xf32, #tpu.memory_space<vmem>>, vector<16xf32>,
      %reduce_sum3A_685 = arith.constant true
      %reduce_sum3A_686 = vector.broadcast %reduce_sum3A_685 : i1 to vector<16xi1>
      %reduce_sum3A_687 = tpu.scan <sum>, %get3A_684 masked %reduce_sum3A_686 : vector<16xf32>, vector<16xi1> -> vector<16xf32>
      %reduce_sum3A_688 = vector.extract %reduce_sum3A_687[15] : f32 from vector<16xf32>
      %eq3A_689 = arith.constant 14 : i32
      %eq3A_690 = vector.broadcast %eq3A_689 : i32 to vector<16xi32>
      %eq3A_691 = arith.cmpi eq, %iota3A, %eq3A_690 : vector<16xi32>
      %sub3A_692 = arith.constant 1.200000e+01 : f32
      %sub3A_693 = arith.subf %sub3A_692, %reduce_sum3A_688 : f32
      %broadcast_in_dim3A_694 = vector.broadcast %sub3A_693 : f32 to vector<16xf32>
      %select_n3A_695 = arith.select %eq3A_691, %broadcast_in_dim3A_694, %select_n3A_678 : vector<16xi1>, vector<16xf32>
      %mul3A_696 = arith.constant 256 : i32
      %mul3A_697 = arith.muli %scan3A_444, %mul3A_696 : i32
      %add3A_698 = arith.constant 240 : i32
      %add3A_699 = arith.addi %mul3A_697, %add3A_698 : i32
      %get3A_700 = arith.index_cast %add3A_699 : i32 to index
      %get3A_701 = tpu.vector_load %arg14[%get3A_700] {strides = array<i32>} : memref<2048xf32, #tpu.memory_space<vmem>>, vector<16xf32>,
      %reduce_sum3A_702 = arith.constant true
      %reduce_sum3A_703 = vector.broadcast %reduce_sum3A_702 : i1 to vector<16xi1>
      %reduce_sum3A_704 = tpu.scan <sum>, %get3A_701 masked %reduce_sum3A_703 : vector<16xf32>, vector<16xi1> -> vector<16xf32>
      %reduce_sum3A_705 = vector.extract %reduce_sum3A_704[15] : f32 from vector<16xf32>
      %eq3A_706 = arith.constant 15 : i32
      %eq3A_707 = vector.broadcast %eq3A_706 : i32 to vector<16xi32>
      %eq3A_708 = arith.cmpi eq, %iota3A, %eq3A_707 : vector<16xi32>
      %sub3A_709 = arith.constant 1.200000e+01 : f32
      %sub3A_710 = arith.subf %sub3A_709, %reduce_sum3A_705 : f32
      %broadcast_in_dim3A_711 = vector.broadcast %sub3A_710 : f32 to vector<16xf32>
      %select_n3A_712 = arith.select %eq3A_708, %broadcast_in_dim3A_711, %select_n3A_695 : vector<16xi1>, vector<16xf32>
      %mul3A_713 = arith.constant 16 : i32
      %mul3A_714 = arith.muli %scan3A_444, %mul3A_713 : i32
      %add3A_715 = arith.constant 288 : i32
      %add3A_716 = arith.addi %add3A_715, %mul3A_714 : i32
      %swap3A = arith.index_cast %add3A_716 : i32 to index
      %swap3A_717 = tpu.vector_load %arg15[%swap3A] {strides = array<i32>} : memref<512xf32, #tpu.memory_space<vmem>>, vector<16xf32>,
      tpu.vector_store %arg15[%swap3A], %select_n3A_712 {strides = array<i32>} : memref<512xf32, #tpu.memory_space<vmem>>, vector<16xf32>,
    }
    %scan3A_329 = arith.constant 8 : i32
    %dma_start3A_330 = arith.constant 1 : i32
    %dma_start3A_331 = arith.constant 0 : i32
    %dma_start3A_332 = arith.constant 0 : i32
    %dma_start3A_333 = tpu.memref_slice %arg11[%dma_start3A_330, %dma_start3A_331, %dma_start3A_332] : memref<2x128x128xf32, #tpu.memory_space<vmem>> -> memref<1x32x128xf32, #tpu.memory_space<vmem>>
    %dma_start3A_334 = tpu.memref_squeeze %dma_start3A_333 : memref<1x32x128xf32, #tpu.memory_space<vmem>> -> memref<32x128xf32, #tpu.memory_space<vmem>>
    %dma_start3A_335 = arith.constant 480 : i32
    %dma_start3A_336 = tpu.memref_slice %arg8[%dma_start3A_335] : memref<512xi32, #tpu.memory_space<vmem>> -> memref<32xi32, #tpu.memory_space<vmem>>
    %dma_start3A_337 = arith.constant 0 : i32
    %dma_start3A_338 = arith.constant 0 : i32
    %dma_start3A_339 = tpu.memref_slice %arg5[%dma_start3A_337, %dma_start3A_338] : memref<1000000x128xf32, #tpu.memory_space<hbm>> -> memref<1000000x128xf32, #tpu.memory_space<hbm>>
    tpu.enqueue_indirect_dma source(%dma_start3A_339 : memref<1000000x128xf32, #tpu.memory_space<hbm>>) target(%dma_start3A_334 : memref<32x128xf32, #tpu.memory_space<vmem>>) offsets(%dma_start3A_336 : memref<32xi32, #tpu.memory_space<vmem>>) semaphore(%arg17 : memref<!tpu.dma_semaphore, #tpu.memory_space<semaphore_mem>>)
    %dma_start3A_340 = arith.constant 1 : i32
    %dma_start3A_341 = arith.constant 0 : i32
    %dma_start3A_342 = arith.constant 0 : i32
    %dma_start3A_343 = tpu.memref_slice %arg12[%dma_start3A_340, %dma_start3A_341, %dma_start3A_342] : memref<2x128x128xf32, #tpu.memory_space<vmem>> -> memref<1x32x128xf32, #tpu.memory_space<vmem>>
    %dma_start3A_344 = tpu.memref_squeeze %dma_start3A_343 : memref<1x32x128xf32, #tpu.memory_space<vmem>> -> memref<32x128xf32, #tpu.memory_space<vmem>>
    %dma_start3A_345 = arith.constant 480 : i32
    %dma_start3A_346 = tpu.memref_slice %arg9[%dma_start3A_345] : memref<512xi32, #tpu.memory_space<vmem>> -> memref<32xi32, #tpu.memory_space<vmem>>
    %dma_start3A_347 = arith.constant 0 : i32
    %dma_start3A_348 = arith.constant 0 : i32
    %dma_start3A_349 = tpu.memref_slice %arg6[%dma_start3A_347, %dma_start3A_348] : memref<100000x128xf32, #tpu.memory_space<hbm>> -> memref<100000x128xf32, #tpu.memory_space<hbm>>
    tpu.enqueue_indirect_dma source(%dma_start3A_349 : memref<100000x128xf32, #tpu.memory_space<hbm>>) target(%dma_start3A_344 : memref<32x128xf32, #tpu.memory_space<vmem>>) offsets(%dma_start3A_346 : memref<32xi32, #tpu.memory_space<vmem>>) semaphore(%arg17 : memref<!tpu.dma_semaphore, #tpu.memory_space<semaphore_mem>>)
    %dma_start3A_350 = arith.constant 1 : i32
    %dma_start3A_351 = arith.constant 0 : i32
    %dma_start3A_352 = arith.constant 0 : i32
    %dma_start3A_353 = tpu.memref_slice %arg13[%dma_start3A_350, %dma_start3A_351, %dma_start3A_352] : memref<2x128x128xf32, #tpu.memory_space<vmem>> -> memref<1x32x128xf32, #tpu.memory_space<vmem>>
    %dma_start3A_354 = tpu.memref_squeeze %dma_start3A_353 : memref<1x32x128xf32, #tpu.memory_space<vmem>> -> memref<32x128xf32, #tpu.memory_space<vmem>>
    %dma_start3A_355 = arith.constant 480 : i32
    %dma_start3A_356 = tpu.memref_slice %arg10[%dma_start3A_355] : memref<512xi32, #tpu.memory_space<vmem>> -> memref<32xi32, #tpu.memory_space<vmem>>
    %dma_start3A_357 = arith.constant 0 : i32
    %dma_start3A_358 = arith.constant 0 : i32
    %dma_start3A_359 = tpu.memref_slice %arg5[%dma_start3A_357, %dma_start3A_358] : memref<1000000x128xf32, #tpu.memory_space<hbm>> -> memref<1000000x128xf32, #tpu.memory_space<hbm>>
    tpu.enqueue_indirect_dma source(%dma_start3A_359 : memref<1000000x128xf32, #tpu.memory_space<hbm>>) target(%dma_start3A_354 : memref<32x128xf32, #tpu.memory_space<vmem>>) offsets(%dma_start3A_356 : memref<32xi32, #tpu.memory_space<vmem>>) semaphore(%arg17 : memref<!tpu.dma_semaphore, #tpu.memory_space<semaphore_mem>>)
    %dma_wait3A_360 = arith.constant 0 : i32
    %dma_wait3A_361 = arith.constant 0 : i32
    %dma_wait3A_362 = arith.constant 0 : i32
    %dma_wait3A_363 = tpu.memref_slice %arg11[%dma_wait3A_360, %dma_wait3A_361, %dma_wait3A_362] : memref<2x128x128xf32, #tpu.memory_space<vmem>> -> memref<1x64x128xf32, #tpu.memory_space<vmem>>
    %dma_wait3A_364 = tpu.memref_squeeze %dma_wait3A_363 : memref<1x64x128xf32, #tpu.memory_space<vmem>> -> memref<64x128xf32, #tpu.memory_space<vmem>>
    %dma_wait3A_365 = arith.constant 416 : i32
    %dma_wait3A_366 = tpu.memref_slice %arg8[%dma_wait3A_365] : memref<512xi32, #tpu.memory_space<vmem>> -> memref<64xi32, #tpu.memory_space<vmem>>
    %dma_wait3A_367 = arith.constant 0 : i32
    %dma_wait3A_368 = arith.constant 0 : i32
    %dma_wait3A_369 = tpu.memref_slice %arg5[%dma_wait3A_367, %dma_wait3A_368] : memref<1000000x128xf32, #tpu.memory_space<hbm>> -> memref<1000000x128xf32, #tpu.memory_space<hbm>>
    tpu.wait_indirect_dma semaphore(%arg16 : memref<!tpu.dma_semaphore, #tpu.memory_space<semaphore_mem>>) src(%dma_wait3A_369 : memref<1000000x128xf32, #tpu.memory_space<hbm>>) dst(%dma_wait3A_364 : memref<64x128xf32, #tpu.memory_space<vmem>>)
    %dma_wait3A_370 = arith.constant 0 : i32
    %dma_wait3A_371 = arith.constant 0 : i32
    %dma_wait3A_372 = arith.constant 0 : i32
    %dma_wait3A_373 = tpu.memref_slice %arg12[%dma_wait3A_370, %dma_wait3A_371, %dma_wait3A_372] : memref<2x128x128xf32, #tpu.memory_space<vmem>> -> memref<1x64x128xf32, #tpu.memory_space<vmem>>
    %dma_wait3A_374 = tpu.memref_squeeze %dma_wait3A_373 : memref<1x64x128xf32, #tpu.memory_space<vmem>> -> memref<64x128xf32, #tpu.memory_space<vmem>>
    %dma_wait3A_375 = arith.constant 416 : i32
    %dma_wait3A_376 = tpu.memref_slice %arg9[%dma_wait3A_375] : memref<512xi32, #tpu.memory_space<vmem>> -> memref<64xi32, #tpu.memory_space<vmem>>
    %dma_wait3A_377 = arith.constant 0 : i32
    %dma_wait3A_378 = arith.constant 0 : i32
    %dma_wait3A_379 = tpu.memref_slice %arg6[%dma_wait3A_377, %dma_wait3A_378] : memref<100000x128xf32, #tpu.memory_space<hbm>> -> memref<100000x128xf32, #tpu.memory_space<hbm>>
    tpu.wait_indirect_dma semaphore(%arg16 : memref<!tpu.dma_semaphore, #tpu.memory_space<semaphore_mem>>) src(%dma_wait3A_379 : memref<100000x128xf32, #tpu.memory_space<hbm>>) dst(%dma_wait3A_374 : memref<64x128xf32, #tpu.memory_space<vmem>>)
    %dma_wait3A_380 = arith.constant 0 : i32
    %dma_wait3A_381 = arith.constant 0 : i32
    %dma_wait3A_382 = arith.constant 0 : i32
    %dma_wait3A_383 = tpu.memref_slice %arg13[%dma_wait3A_380, %dma_wait3A_381, %dma_wait3A_382] : memref<2x128x128xf32, #tpu.memory_space<vmem>> -> memref<1x64x128xf32, #tpu.memory_space<vmem>>
    %dma_wait3A_384 = tpu.memref_squeeze %dma_wait3A_383 : memref<1x64x128xf32, #tpu.memory_space<vmem>> -> memref<64x128xf32, #tpu.memory_space<vmem>>
    %dma_wait3A_385 = arith.constant 416 : i32
    %dma_wait3A_386 = tpu.memref_slice %arg10[%dma_wait3A_385] : memref<512xi32, #tpu.memory_space<vmem>> -> memref<64xi32, #tpu.memory_space<vmem>>
    %dma_wait3A_387 = arith.constant 0 : i32
    %dma_wait3A_388 = arith.constant 0 : i32
    %dma_wait3A_389 = tpu.memref_slice %arg5[%dma_wait3A_387, %dma_wait3A_388] : memref<1000000x128xf32, #tpu.memory_space<hbm>> -> memref<1000000x128xf32, #tpu.memory_space<hbm>>
    tpu.wait_indirect_dma semaphore(%arg16 : memref<!tpu.dma_semaphore, #tpu.memory_space<semaphore_mem>>) src(%dma_wait3A_389 : memref<1000000x128xf32, #tpu.memory_space<hbm>>) dst(%dma_wait3A_384 : memref<64x128xf32, #tpu.memory_space<vmem>>)
    %scan3A_390 = arith.constant 0 : i32
    %scan3A_391 = arith.constant 0 : i32
    %scan3A_392 = arith.constant 64 : i32
    %scan3A_393 = arith.addi %scan3A_391, %scan3A_392 : i32
    %scan3A_394 = arith.constant 1 : i32
    scf.for %scan3A_444 = %scan3A_391 to %scan3A_393 step %scan3A_394  : i32 {
      %get3A = arith.constant 0 : i32
      %get3A_445 = arith.index_cast %get3A : i32 to index
      %get3A_446 = arith.index_cast %scan3A_444 : i32 to index
      %get3A_447 = arith.constant 0 : index
      %get3A_448 = tpu.vector_load %arg11[%get3A_445, %get3A_446, %get3A_447] {strides = array<i32>} : memref<2x128x128xf32, #tpu.memory_space<vmem>>, vector<16xf32>,
      %get3A_449 = arith.constant 0 : i32
      %get3A_450 = arith.index_cast %get3A_449 : i32 to index
      %get3A_451 = arith.index_cast %scan3A_444 : i32 to index
      %get3A_452 = arith.constant 0 : index
      %get3A_453 = tpu.vector_load %arg12[%get3A_450, %get3A_451, %get3A_452] {strides = array<i32>} : memref<2x128x128xf32, #tpu.memory_space<vmem>>, vector<16xf32>,
      %get3A_454 = arith.constant 0 : i32
      %get3A_455 = arith.index_cast %get3A_454 : i32 to index
      %get3A_456 = arith.index_cast %scan3A_444 : i32 to index
      %get3A_457 = arith.constant 0 : index
      %get3A_458 = tpu.vector_load %arg13[%get3A_455, %get3A_456, %get3A_457] {strides = array<i32>} : memref<2x128x128xf32, #tpu.memory_space<vmem>>, vector<16xf32>,
      %add3A_459 = arith.addf %get3A_448, %get3A_453 : vector<16xf32>
      %sub3A = arith.subf %add3A_459, %get3A_458 : vector<16xf32>
      %abs3A = math.absf %sub3A : vector<16xf32>
      %get3A_460 = arith.constant 0 : i32
      %get3A_461 = arith.index_cast %get3A_460 : i32 to index
      %get3A_462 = arith.index_cast %scan3A_444 : i32 to index
      %get3A_463 = arith.constant 16 : index
      %get3A_464 = tpu.vector_load %arg11[%get3A_461, %get3A_462, %get3A_463] {strides = array<i32>} : memref<2x128x128xf32, #tpu.memory_space<vmem>>, vector<16xf32>,
      %get3A_465 = arith.constant 0 : i32
      %get3A_466 = arith.index_cast %get3A_465 : i32 to index
      %get3A_467 = arith.index_cast %scan3A_444 : i32 to index
      %get3A_468 = arith.constant 16 : index
      %get3A_469 = tpu.vector_load %arg12[%get3A_466, %get3A_467, %get3A_468] {strides = array<i32>} : memref<2x128x128xf32, #tpu.memory_space<vmem>>, vector<16xf32>,
      %get3A_470 = arith.constant 0 : i32
      %get3A_471 = arith.index_cast %get3A_470 : i32 to index
      %get3A_472 = arith.index_cast %scan3A_444 : i32 to index
      %get3A_473 = arith.constant 16 : index
      %get3A_474 = tpu.vector_load %arg13[%get3A_471, %get3A_472, %get3A_473] {strides = array<i32>} : memref<2x128x128xf32, #tpu.memory_space<vmem>>, vector<16xf32>,
      %add3A_475 = arith.addf %get3A_464, %get3A_469 : vector<16xf32>
      %sub3A_476 = arith.subf %add3A_475, %get3A_474 : vector<16xf32>
      %abs3A_477 = math.absf %sub3A_476 : vector<16xf32>
      %add3A_478 = arith.addf %abs3A, %abs3A_477 : vector<16xf32>
      %get3A_479 = arith.constant 0 : i32
      %get3A_480 = arith.index_cast %get3A_479 : i32 to index
      %get3A_481 = arith.index_cast %scan3A_444 : i32 to index
      %get3A_482 = arith.constant 32 : index
      %get3A_483 = tpu.vector_load %arg11[%get3A_480, %get3A_481, %get3A_482] {strides = array<i32>} : memref<2x128x128xf32, #tpu.memory_space<vmem>>, vector<16xf32>,
      %get3A_484 = arith.constant 0 : i32
      %get3A_485 = arith.index_cast %get3A_484 : i32 to index
      %get3A_486 = arith.index_cast %scan3A_444 : i32 to index
      %get3A_487 = arith.constant 32 : index
      %get3A_488 = tpu.vector_load %arg12[%get3A_485, %get3A_486, %get3A_487] {strides = array<i32>} : memref<2x128x128xf32, #tpu.memory_space<vmem>>, vector<16xf32>,
      %get3A_489 = arith.constant 0 : i32
      %get3A_490 = arith.index_cast %get3A_489 : i32 to index
      %get3A_491 = arith.index_cast %scan3A_444 : i32 to index
      %get3A_492 = arith.constant 32 : index
      %get3A_493 = tpu.vector_load %arg13[%get3A_490, %get3A_491, %get3A_492] {strides = array<i32>} : memref<2x128x128xf32, #tpu.memory_space<vmem>>, vector<16xf32>,
      %add3A_494 = arith.addf %get3A_483, %get3A_488 : vector<16xf32>
      %sub3A_495 = arith.subf %add3A_494, %get3A_493 : vector<16xf32>
      %abs3A_496 = math.absf %sub3A_495 : vector<16xf32>
      %add3A_497 = arith.addf %add3A_478, %abs3A_496 : vector<16xf32>
      %get3A_498 = arith.constant 0 : i32
      %get3A_499 = arith.index_cast %get3A_498 : i32 to index
      %get3A_500 = arith.index_cast %scan3A_444 : i32 to index
      %get3A_501 = arith.constant 48 : index
      %get3A_502 = tpu.vector_load %arg11[%get3A_499, %get3A_500, %get3A_501] {strides = array<i32>} : memref<2x128x128xf32, #tpu.memory_space<vmem>>, vector<16xf32>,
      %get3A_503 = arith.constant 0 : i32
      %get3A_504 = arith.index_cast %get3A_503 : i32 to index
      %get3A_505 = arith.index_cast %scan3A_444 : i32 to index
      %get3A_506 = arith.constant 48 : index
      %get3A_507 = tpu.vector_load %arg12[%get3A_504, %get3A_505, %get3A_506] {strides = array<i32>} : memref<2x128x128xf32, #tpu.memory_space<vmem>>, vector<16xf32>,
      %get3A_508 = arith.constant 0 : i32
      %get3A_509 = arith.index_cast %get3A_508 : i32 to index
      %get3A_510 = arith.index_cast %scan3A_444 : i32 to index
      %get3A_511 = arith.constant 48 : index
      %get3A_512 = tpu.vector_load %arg13[%get3A_509, %get3A_510, %get3A_511] {strides = array<i32>} : memref<2x128x128xf32, #tpu.memory_space<vmem>>, vector<16xf32>,
      %add3A_513 = arith.addf %get3A_502, %get3A_507 : vector<16xf32>
      %sub3A_514 = arith.subf %add3A_513, %get3A_512 : vector<16xf32>
      %abs3A_515 = math.absf %sub3A_514 : vector<16xf32>
      %add3A_516 = arith.addf %add3A_497, %abs3A_515 : vector<16xf32>
      %get3A_517 = arith.constant 0 : i32
      %get3A_518 = arith.index_cast %get3A_517 : i32 to index
      %get3A_519 = arith.index_cast %scan3A_444 : i32 to index
      %get3A_520 = arith.constant 64 : index
      %get3A_521 = tpu.vector_load %arg11[%get3A_518, %get3A_519, %get3A_520] {strides = array<i32>} : memref<2x128x128xf32, #tpu.memory_space<vmem>>, vector<16xf32>,
      %get3A_522 = arith.constant 0 : i32
      %get3A_523 = arith.index_cast %get3A_522 : i32 to index
      %get3A_524 = arith.index_cast %scan3A_444 : i32 to index
      %get3A_525 = arith.constant 64 : index
      %get3A_526 = tpu.vector_load %arg12[%get3A_523, %get3A_524, %get3A_525] {strides = array<i32>} : memref<2x128x128xf32, #tpu.memory_space<vmem>>, vector<16xf32>,
      %get3A_527 = arith.constant 0 : i32
      %get3A_528 = arith.index_cast %get3A_527 : i32 to index
      %get3A_529 = arith.index_cast %scan3A_444 : i32 to index
      %get3A_530 = arith.constant 64 : index
      %get3A_531 = tpu.vector_load %arg13[%get3A_528, %get3A_529, %get3A_530] {strides = array<i32>} : memref<2x128x128xf32, #tpu.memory_space<vmem>>, vector<16xf32>,
      %add3A_532 = arith.addf %get3A_521, %get3A_526 : vector<16xf32>
      %sub3A_533 = arith.subf %add3A_532, %get3A_531 : vector<16xf32>
      %abs3A_534 = math.absf %sub3A_533 : vector<16xf32>
      %add3A_535 = arith.addf %add3A_516, %abs3A_534 : vector<16xf32>
      %get3A_536 = arith.constant 0 : i32
      %get3A_537 = arith.index_cast %get3A_536 : i32 to index
      %get3A_538 = arith.index_cast %scan3A_444 : i32 to index
      %get3A_539 = arith.constant 80 : index
      %get3A_540 = tpu.vector_load %arg11[%get3A_537, %get3A_538, %get3A_539] {strides = array<i32>} : memref<2x128x128xf32, #tpu.memory_space<vmem>>, vector<16xf32>,
      %get3A_541 = arith.constant 0 : i32
      %get3A_542 = arith.index_cast %get3A_541 : i32 to index
      %get3A_543 = arith.index_cast %scan3A_444 : i32 to index
      %get3A_544 = arith.constant 80 : index
      %get3A_545 = tpu.vector_load %arg12[%get3A_542, %get3A_543, %get3A_544] {strides = array<i32>} : memref<2x128x128xf32, #tpu.memory_space<vmem>>, vector<16xf32>,
      %get3A_546 = arith.constant 0 : i32
      %get3A_547 = arith.index_cast %get3A_546 : i32 to index
      %get3A_548 = arith.index_cast %scan3A_444 : i32 to index
      %get3A_549 = arith.constant 80 : index
      %get3A_550 = tpu.vector_load %arg13[%get3A_547, %get3A_548, %get3A_549] {strides = array<i32>} : memref<2x128x128xf32, #tpu.memory_space<vmem>>, vector<16xf32>,
      %add3A_551 = arith.addf %get3A_540, %get3A_545 : vector<16xf32>
      %sub3A_552 = arith.subf %add3A_551, %get3A_550 : vector<16xf32>
      %abs3A_553 = math.absf %sub3A_552 : vector<16xf32>
      %add3A_554 = arith.addf %add3A_535, %abs3A_553 : vector<16xf32>
      %get3A_555 = arith.constant 0 : i32
      %get3A_556 = arith.index_cast %get3A_555 : i32 to index
      %get3A_557 = arith.index_cast %scan3A_444 : i32 to index
      %get3A_558 = arith.constant 96 : index
      %get3A_559 = tpu.vector_load %arg11[%get3A_556, %get3A_557, %get3A_558] {strides = array<i32>} : memref<2x128x128xf32, #tpu.memory_space<vmem>>, vector<16xf32>,
      %get3A_560 = arith.constant 0 : i32
      %get3A_561 = arith.index_cast %get3A_560 : i32 to index
      %get3A_562 = arith.index_cast %scan3A_444 : i32 to index
      %get3A_563 = arith.constant 96 : index
      %get3A_564 = tpu.vector_load %arg12[%get3A_561, %get3A_562, %get3A_563] {strides = array<i32>} : memref<2x128x128xf32, #tpu.memory_space<vmem>>, vector<16xf32>,
      %get3A_565 = arith.constant 0 : i32
      %get3A_566 = arith.index_cast %get3A_565 : i32 to index
      %get3A_567 = arith.index_cast %scan3A_444 : i32 to index
      %get3A_568 = arith.constant 96 : index
      %get3A_569 = tpu.vector_load %arg13[%get3A_566, %get3A_567, %get3A_568] {strides = array<i32>} : memref<2x128x128xf32, #tpu.memory_space<vmem>>, vector<16xf32>,
      %add3A_570 = arith.addf %get3A_559, %get3A_564 : vector<16xf32>
      %sub3A_571 = arith.subf %add3A_570, %get3A_569 : vector<16xf32>
      %abs3A_572 = math.absf %sub3A_571 : vector<16xf32>
      %add3A_573 = arith.addf %add3A_554, %abs3A_572 : vector<16xf32>
      %get3A_574 = arith.constant 0 : i32
      %get3A_575 = arith.index_cast %get3A_574 : i32 to index
      %get3A_576 = arith.index_cast %scan3A_444 : i32 to index
      %get3A_577 = arith.constant 112 : index
      %get3A_578 = tpu.vector_load %arg11[%get3A_575, %get3A_576, %get3A_577] {strides = array<i32>} : memref<2x128x128xf32, #tpu.memory_space<vmem>>, vector<16xf32>,
      %get3A_579 = arith.constant 0 : i32
      %get3A_580 = arith.index_cast %get3A_579 : i32 to index
      %get3A_581 = arith.index_cast %scan3A_444 : i32 to index
      %get3A_582 = arith.constant 112 : index
      %get3A_583 = tpu.vector_load %arg12[%get3A_580, %get3A_581, %get3A_582] {strides = array<i32>} : memref<2x128x128xf32, #tpu.memory_space<vmem>>, vector<16xf32>,
      %get3A_584 = arith.constant 0 : i32
      %get3A_585 = arith.index_cast %get3A_584 : i32 to index
      %get3A_586 = arith.index_cast %scan3A_444 : i32 to index
      %get3A_587 = arith.constant 112 : index
      %get3A_588 = tpu.vector_load %arg13[%get3A_585, %get3A_586, %get3A_587] {strides = array<i32>} : memref<2x128x128xf32, #tpu.memory_space<vmem>>, vector<16xf32>,
      %add3A_589 = arith.addf %get3A_578, %get3A_583 : vector<16xf32>
      %sub3A_590 = arith.subf %add3A_589, %get3A_588 : vector<16xf32>
      %abs3A_591 = math.absf %sub3A_590 : vector<16xf32>
      %add3A_592 = arith.addf %add3A_573, %abs3A_591 : vector<16xf32>
      %mul3A_593 = arith.constant 16 : i32
      %mul3A_594 = arith.muli %scan3A_444, %mul3A_593 : i32
      %swap3A = arith.index_cast %mul3A_594 : i32 to index
      %swap3A_595 = tpu.vector_load %arg14[%swap3A] {strides = array<i32>} : memref<2048xf32, #tpu.memory_space<vmem>>, vector<16xf32>,
      tpu.vector_store %arg14[%swap3A], %add3A_592 {strides = array<i32>} : memref<2048xf32, #tpu.memory_space<vmem>>, vector<16xf32>,
    }
    %scan3A_395 = arith.constant 64 : i32
    %scan3A_396 = arith.constant 0 : i32
    %scan3A_397 = arith.constant 0 : i32
    %scan3A_398 = arith.constant 4 : i32
    %scan3A_399 = arith.addi %scan3A_397, %scan3A_398 : i32
    %scan3A_400 = arith.constant 1 : i32
    scf.for %scan3A_444 = %scan3A_397 to %scan3A_399 step %scan3A_400  : i32 {
      %broadcast_in_dim3A = arith.constant 0.000000e+00 : f32
      %broadcast_in_dim3A_445 = vector.broadcast %broadcast_in_dim3A : f32 to vector<16xf32>
      %mul3A_446 = arith.constant 256 : i32
      %mul3A_447 = arith.muli %scan3A_444, %mul3A_446 : i32
      %add3A_448 = arith.constant 0 : i32
      %add3A_449 = arith.addi %mul3A_447, %add3A_448 : i32
      %get3A = arith.index_cast %add3A_449 : i32 to index
      %get3A_450 = tpu.vector_load %arg14[%get3A] {strides = array<i32>} : memref<2048xf32, #tpu.memory_space<vmem>>, vector<16xf32>,
      %reduce_sum3A = arith.constant true
      %reduce_sum3A_451 = vector.broadcast %reduce_sum3A : i1 to vector<16xi1>
      %reduce_sum3A_452 = tpu.scan <sum>, %get3A_450 masked %reduce_sum3A_451 : vector<16xf32>, vector<16xi1> -> vector<16xf32>
      %reduce_sum3A_453 = vector.extract %reduce_sum3A_452[15] : f32 from vector<16xf32>
      %eq3A = arith.constant 0 : i32
      %eq3A_454 = vector.broadcast %eq3A : i32 to vector<16xi32>
      %eq3A_455 = arith.cmpi eq, %iota3A, %eq3A_454 : vector<16xi32>
      %sub3A = arith.constant 1.200000e+01 : f32
      %sub3A_456 = arith.subf %sub3A, %reduce_sum3A_453 : f32
      %broadcast_in_dim3A_457 = vector.broadcast %sub3A_456 : f32 to vector<16xf32>
      %select_n3A = arith.select %eq3A_455, %broadcast_in_dim3A_457, %broadcast_in_dim3A_445 : vector<16xi1>, vector<16xf32>
      %mul3A_458 = arith.constant 256 : i32
      %mul3A_459 = arith.muli %scan3A_444, %mul3A_458 : i32
      %add3A_460 = arith.constant 16 : i32
      %add3A_461 = arith.addi %mul3A_459, %add3A_460 : i32
      %get3A_462 = arith.index_cast %add3A_461 : i32 to index
      %get3A_463 = tpu.vector_load %arg14[%get3A_462] {strides = array<i32>} : memref<2048xf32, #tpu.memory_space<vmem>>, vector<16xf32>,
      %reduce_sum3A_464 = arith.constant true
      %reduce_sum3A_465 = vector.broadcast %reduce_sum3A_464 : i1 to vector<16xi1>
      %reduce_sum3A_466 = tpu.scan <sum>, %get3A_463 masked %reduce_sum3A_465 : vector<16xf32>, vector<16xi1> -> vector<16xf32>
      %reduce_sum3A_467 = vector.extract %reduce_sum3A_466[15] : f32 from vector<16xf32>
      %eq3A_468 = arith.constant 1 : i32
      %eq3A_469 = vector.broadcast %eq3A_468 : i32 to vector<16xi32>
      %eq3A_470 = arith.cmpi eq, %iota3A, %eq3A_469 : vector<16xi32>
      %sub3A_471 = arith.constant 1.200000e+01 : f32
      %sub3A_472 = arith.subf %sub3A_471, %reduce_sum3A_467 : f32
      %broadcast_in_dim3A_473 = vector.broadcast %sub3A_472 : f32 to vector<16xf32>
      %select_n3A_474 = arith.select %eq3A_470, %broadcast_in_dim3A_473, %select_n3A : vector<16xi1>, vector<16xf32>
      %mul3A_475 = arith.constant 256 : i32
      %mul3A_476 = arith.muli %scan3A_444, %mul3A_475 : i32
      %add3A_477 = arith.constant 32 : i32
      %add3A_478 = arith.addi %mul3A_476, %add3A_477 : i32
      %get3A_479 = arith.index_cast %add3A_478 : i32 to index
      %get3A_480 = tpu.vector_load %arg14[%get3A_479] {strides = array<i32>} : memref<2048xf32, #tpu.memory_space<vmem>>, vector<16xf32>,
      %reduce_sum3A_481 = arith.constant true
      %reduce_sum3A_482 = vector.broadcast %reduce_sum3A_481 : i1 to vector<16xi1>
      %reduce_sum3A_483 = tpu.scan <sum>, %get3A_480 masked %reduce_sum3A_482 : vector<16xf32>, vector<16xi1> -> vector<16xf32>
      %reduce_sum3A_484 = vector.extract %reduce_sum3A_483[15] : f32 from vector<16xf32>
      %eq3A_485 = arith.constant 2 : i32
      %eq3A_486 = vector.broadcast %eq3A_485 : i32 to vector<16xi32>
      %eq3A_487 = arith.cmpi eq, %iota3A, %eq3A_486 : vector<16xi32>
      %sub3A_488 = arith.constant 1.200000e+01 : f32
      %sub3A_489 = arith.subf %sub3A_488, %reduce_sum3A_484 : f32
      %broadcast_in_dim3A_490 = vector.broadcast %sub3A_489 : f32 to vector<16xf32>
      %select_n3A_491 = arith.select %eq3A_487, %broadcast_in_dim3A_490, %select_n3A_474 : vector<16xi1>, vector<16xf32>
      %mul3A_492 = arith.constant 256 : i32
      %mul3A_493 = arith.muli %scan3A_444, %mul3A_492 : i32
      %add3A_494 = arith.constant 48 : i32
      %add3A_495 = arith.addi %mul3A_493, %add3A_494 : i32
      %get3A_496 = arith.index_cast %add3A_495 : i32 to index
      %get3A_497 = tpu.vector_load %arg14[%get3A_496] {strides = array<i32>} : memref<2048xf32, #tpu.memory_space<vmem>>, vector<16xf32>,
      %reduce_sum3A_498 = arith.constant true
      %reduce_sum3A_499 = vector.broadcast %reduce_sum3A_498 : i1 to vector<16xi1>
      %reduce_sum3A_500 = tpu.scan <sum>, %get3A_497 masked %reduce_sum3A_499 : vector<16xf32>, vector<16xi1> -> vector<16xf32>
      %reduce_sum3A_501 = vector.extract %reduce_sum3A_500[15] : f32 from vector<16xf32>
      %eq3A_502 = arith.constant 3 : i32
      %eq3A_503 = vector.broadcast %eq3A_502 : i32 to vector<16xi32>
      %eq3A_504 = arith.cmpi eq, %iota3A, %eq3A_503 : vector<16xi32>
      %sub3A_505 = arith.constant 1.200000e+01 : f32
      %sub3A_506 = arith.subf %sub3A_505, %reduce_sum3A_501 : f32
      %broadcast_in_dim3A_507 = vector.broadcast %sub3A_506 : f32 to vector<16xf32>
      %select_n3A_508 = arith.select %eq3A_504, %broadcast_in_dim3A_507, %select_n3A_491 : vector<16xi1>, vector<16xf32>
      %mul3A_509 = arith.constant 256 : i32
      %mul3A_510 = arith.muli %scan3A_444, %mul3A_509 : i32
      %add3A_511 = arith.constant 64 : i32
      %add3A_512 = arith.addi %mul3A_510, %add3A_511 : i32
      %get3A_513 = arith.index_cast %add3A_512 : i32 to index
      %get3A_514 = tpu.vector_load %arg14[%get3A_513] {strides = array<i32>} : memref<2048xf32, #tpu.memory_space<vmem>>, vector<16xf32>,
      %reduce_sum3A_515 = arith.constant true
      %reduce_sum3A_516 = vector.broadcast %reduce_sum3A_515 : i1 to vector<16xi1>
      %reduce_sum3A_517 = tpu.scan <sum>, %get3A_514 masked %reduce_sum3A_516 : vector<16xf32>, vector<16xi1> -> vector<16xf32>
      %reduce_sum3A_518 = vector.extract %reduce_sum3A_517[15] : f32 from vector<16xf32>
      %eq3A_519 = arith.constant 4 : i32
      %eq3A_520 = vector.broadcast %eq3A_519 : i32 to vector<16xi32>
      %eq3A_521 = arith.cmpi eq, %iota3A, %eq3A_520 : vector<16xi32>
      %sub3A_522 = arith.constant 1.200000e+01 : f32
      %sub3A_523 = arith.subf %sub3A_522, %reduce_sum3A_518 : f32
      %broadcast_in_dim3A_524 = vector.broadcast %sub3A_523 : f32 to vector<16xf32>
      %select_n3A_525 = arith.select %eq3A_521, %broadcast_in_dim3A_524, %select_n3A_508 : vector<16xi1>, vector<16xf32>
      %mul3A_526 = arith.constant 256 : i32
      %mul3A_527 = arith.muli %scan3A_444, %mul3A_526 : i32
      %add3A_528 = arith.constant 80 : i32
      %add3A_529 = arith.addi %mul3A_527, %add3A_528 : i32
      %get3A_530 = arith.index_cast %add3A_529 : i32 to index
      %get3A_531 = tpu.vector_load %arg14[%get3A_530] {strides = array<i32>} : memref<2048xf32, #tpu.memory_space<vmem>>, vector<16xf32>,
      %reduce_sum3A_532 = arith.constant true
      %reduce_sum3A_533 = vector.broadcast %reduce_sum3A_532 : i1 to vector<16xi1>
      %reduce_sum3A_534 = tpu.scan <sum>, %get3A_531 masked %reduce_sum3A_533 : vector<16xf32>, vector<16xi1> -> vector<16xf32>
      %reduce_sum3A_535 = vector.extract %reduce_sum3A_534[15] : f32 from vector<16xf32>
      %eq3A_536 = arith.constant 5 : i32
      %eq3A_537 = vector.broadcast %eq3A_536 : i32 to vector<16xi32>
      %eq3A_538 = arith.cmpi eq, %iota3A, %eq3A_537 : vector<16xi32>
      %sub3A_539 = arith.constant 1.200000e+01 : f32
      %sub3A_540 = arith.subf %sub3A_539, %reduce_sum3A_535 : f32
      %broadcast_in_dim3A_541 = vector.broadcast %sub3A_540 : f32 to vector<16xf32>
      %select_n3A_542 = arith.select %eq3A_538, %broadcast_in_dim3A_541, %select_n3A_525 : vector<16xi1>, vector<16xf32>
      %mul3A_543 = arith.constant 256 : i32
      %mul3A_544 = arith.muli %scan3A_444, %mul3A_543 : i32
      %add3A_545 = arith.constant 96 : i32
      %add3A_546 = arith.addi %mul3A_544, %add3A_545 : i32
      %get3A_547 = arith.index_cast %add3A_546 : i32 to index
      %get3A_548 = tpu.vector_load %arg14[%get3A_547] {strides = array<i32>} : memref<2048xf32, #tpu.memory_space<vmem>>, vector<16xf32>,
      %reduce_sum3A_549 = arith.constant true
      %reduce_sum3A_550 = vector.broadcast %reduce_sum3A_549 : i1 to vector<16xi1>
      %reduce_sum3A_551 = tpu.scan <sum>, %get3A_548 masked %reduce_sum3A_550 : vector<16xf32>, vector<16xi1> -> vector<16xf32>
      %reduce_sum3A_552 = vector.extract %reduce_sum3A_551[15] : f32 from vector<16xf32>
      %eq3A_553 = arith.constant 6 : i32
      %eq3A_554 = vector.broadcast %eq3A_553 : i32 to vector<16xi32>
      %eq3A_555 = arith.cmpi eq, %iota3A, %eq3A_554 : vector<16xi32>
      %sub3A_556 = arith.constant 1.200000e+01 : f32
      %sub3A_557 = arith.subf %sub3A_556, %reduce_sum3A_552 : f32
      %broadcast_in_dim3A_558 = vector.broadcast %sub3A_557 : f32 to vector<16xf32>
      %select_n3A_559 = arith.select %eq3A_555, %broadcast_in_dim3A_558, %select_n3A_542 : vector<16xi1>, vector<16xf32>
      %mul3A_560 = arith.constant 256 : i32
      %mul3A_561 = arith.muli %scan3A_444, %mul3A_560 : i32
      %add3A_562 = arith.constant 112 : i32
      %add3A_563 = arith.addi %mul3A_561, %add3A_562 : i32
      %get3A_564 = arith.index_cast %add3A_563 : i32 to index
      %get3A_565 = tpu.vector_load %arg14[%get3A_564] {strides = array<i32>} : memref<2048xf32, #tpu.memory_space<vmem>>, vector<16xf32>,
      %reduce_sum3A_566 = arith.constant true
      %reduce_sum3A_567 = vector.broadcast %reduce_sum3A_566 : i1 to vector<16xi1>
      %reduce_sum3A_568 = tpu.scan <sum>, %get3A_565 masked %reduce_sum3A_567 : vector<16xf32>, vector<16xi1> -> vector<16xf32>
      %reduce_sum3A_569 = vector.extract %reduce_sum3A_568[15] : f32 from vector<16xf32>
      %eq3A_570 = arith.constant 7 : i32
      %eq3A_571 = vector.broadcast %eq3A_570 : i32 to vector<16xi32>
      %eq3A_572 = arith.cmpi eq, %iota3A, %eq3A_571 : vector<16xi32>
      %sub3A_573 = arith.constant 1.200000e+01 : f32
      %sub3A_574 = arith.subf %sub3A_573, %reduce_sum3A_569 : f32
      %broadcast_in_dim3A_575 = vector.broadcast %sub3A_574 : f32 to vector<16xf32>
      %select_n3A_576 = arith.select %eq3A_572, %broadcast_in_dim3A_575, %select_n3A_559 : vector<16xi1>, vector<16xf32>
      %mul3A_577 = arith.constant 256 : i32
      %mul3A_578 = arith.muli %scan3A_444, %mul3A_577 : i32
      %add3A_579 = arith.constant 128 : i32
      %add3A_580 = arith.addi %mul3A_578, %add3A_579 : i32
      %get3A_581 = arith.index_cast %add3A_580 : i32 to index
      %get3A_582 = tpu.vector_load %arg14[%get3A_581] {strides = array<i32>} : memref<2048xf32, #tpu.memory_space<vmem>>, vector<16xf32>,
      %reduce_sum3A_583 = arith.constant true
      %reduce_sum3A_584 = vector.broadcast %reduce_sum3A_583 : i1 to vector<16xi1>
      %reduce_sum3A_585 = tpu.scan <sum>, %get3A_582 masked %reduce_sum3A_584 : vector<16xf32>, vector<16xi1> -> vector<16xf32>
      %reduce_sum3A_586 = vector.extract %reduce_sum3A_585[15] : f32 from vector<16xf32>
      %eq3A_587 = arith.constant 8 : i32
      %eq3A_588 = vector.broadcast %eq3A_587 : i32 to vector<16xi32>
      %eq3A_589 = arith.cmpi eq, %iota3A, %eq3A_588 : vector<16xi32>
      %sub3A_590 = arith.constant 1.200000e+01 : f32
      %sub3A_591 = arith.subf %sub3A_590, %reduce_sum3A_586 : f32
      %broadcast_in_dim3A_592 = vector.broadcast %sub3A_591 : f32 to vector<16xf32>
      %select_n3A_593 = arith.select %eq3A_589, %broadcast_in_dim3A_592, %select_n3A_576 : vector<16xi1>, vector<16xf32>
      %mul3A_594 = arith.constant 256 : i32
      %mul3A_595 = arith.muli %scan3A_444, %mul3A_594 : i32
      %add3A_596 = arith.constant 144 : i32
      %add3A_597 = arith.addi %mul3A_595, %add3A_596 : i32
      %get3A_598 = arith.index_cast %add3A_597 : i32 to index
      %get3A_599 = tpu.vector_load %arg14[%get3A_598] {strides = array<i32>} : memref<2048xf32, #tpu.memory_space<vmem>>, vector<16xf32>,
      %reduce_sum3A_600 = arith.constant true
      %reduce_sum3A_601 = vector.broadcast %reduce_sum3A_600 : i1 to vector<16xi1>
      %reduce_sum3A_602 = tpu.scan <sum>, %get3A_599 masked %reduce_sum3A_601 : vector<16xf32>, vector<16xi1> -> vector<16xf32>
      %reduce_sum3A_603 = vector.extract %reduce_sum3A_602[15] : f32 from vector<16xf32>
      %eq3A_604 = arith.constant 9 : i32
      %eq3A_605 = vector.broadcast %eq3A_604 : i32 to vector<16xi32>
      %eq3A_606 = arith.cmpi eq, %iota3A, %eq3A_605 : vector<16xi32>
      %sub3A_607 = arith.constant 1.200000e+01 : f32
      %sub3A_608 = arith.subf %sub3A_607, %reduce_sum3A_603 : f32
      %broadcast_in_dim3A_609 = vector.broadcast %sub3A_608 : f32 to vector<16xf32>
      %select_n3A_610 = arith.select %eq3A_606, %broadcast_in_dim3A_609, %select_n3A_593 : vector<16xi1>, vector<16xf32>
      %mul3A_611 = arith.constant 256 : i32
      %mul3A_612 = arith.muli %scan3A_444, %mul3A_611 : i32
      %add3A_613 = arith.constant 160 : i32
      %add3A_614 = arith.addi %mul3A_612, %add3A_613 : i32
      %get3A_615 = arith.index_cast %add3A_614 : i32 to index
      %get3A_616 = tpu.vector_load %arg14[%get3A_615] {strides = array<i32>} : memref<2048xf32, #tpu.memory_space<vmem>>, vector<16xf32>,
      %reduce_sum3A_617 = arith.constant true
      %reduce_sum3A_618 = vector.broadcast %reduce_sum3A_617 : i1 to vector<16xi1>
      %reduce_sum3A_619 = tpu.scan <sum>, %get3A_616 masked %reduce_sum3A_618 : vector<16xf32>, vector<16xi1> -> vector<16xf32>
      %reduce_sum3A_620 = vector.extract %reduce_sum3A_619[15] : f32 from vector<16xf32>
      %eq3A_621 = arith.constant 10 : i32
      %eq3A_622 = vector.broadcast %eq3A_621 : i32 to vector<16xi32>
      %eq3A_623 = arith.cmpi eq, %iota3A, %eq3A_622 : vector<16xi32>
      %sub3A_624 = arith.constant 1.200000e+01 : f32
      %sub3A_625 = arith.subf %sub3A_624, %reduce_sum3A_620 : f32
      %broadcast_in_dim3A_626 = vector.broadcast %sub3A_625 : f32 to vector<16xf32>
      %select_n3A_627 = arith.select %eq3A_623, %broadcast_in_dim3A_626, %select_n3A_610 : vector<16xi1>, vector<16xf32>
      %mul3A_628 = arith.constant 256 : i32
      %mul3A_629 = arith.muli %scan3A_444, %mul3A_628 : i32
      %add3A_630 = arith.constant 176 : i32
      %add3A_631 = arith.addi %mul3A_629, %add3A_630 : i32
      %get3A_632 = arith.index_cast %add3A_631 : i32 to index
      %get3A_633 = tpu.vector_load %arg14[%get3A_632] {strides = array<i32>} : memref<2048xf32, #tpu.memory_space<vmem>>, vector<16xf32>,
      %reduce_sum3A_634 = arith.constant true
      %reduce_sum3A_635 = vector.broadcast %reduce_sum3A_634 : i1 to vector<16xi1>
      %reduce_sum3A_636 = tpu.scan <sum>, %get3A_633 masked %reduce_sum3A_635 : vector<16xf32>, vector<16xi1> -> vector<16xf32>
      %reduce_sum3A_637 = vector.extract %reduce_sum3A_636[15] : f32 from vector<16xf32>
      %eq3A_638 = arith.constant 11 : i32
      %eq3A_639 = vector.broadcast %eq3A_638 : i32 to vector<16xi32>
      %eq3A_640 = arith.cmpi eq, %iota3A, %eq3A_639 : vector<16xi32>
      %sub3A_641 = arith.constant 1.200000e+01 : f32
      %sub3A_642 = arith.subf %sub3A_641, %reduce_sum3A_637 : f32
      %broadcast_in_dim3A_643 = vector.broadcast %sub3A_642 : f32 to vector<16xf32>
      %select_n3A_644 = arith.select %eq3A_640, %broadcast_in_dim3A_643, %select_n3A_627 : vector<16xi1>, vector<16xf32>
      %mul3A_645 = arith.constant 256 : i32
      %mul3A_646 = arith.muli %scan3A_444, %mul3A_645 : i32
      %add3A_647 = arith.constant 192 : i32
      %add3A_648 = arith.addi %mul3A_646, %add3A_647 : i32
      %get3A_649 = arith.index_cast %add3A_648 : i32 to index
      %get3A_650 = tpu.vector_load %arg14[%get3A_649] {strides = array<i32>} : memref<2048xf32, #tpu.memory_space<vmem>>, vector<16xf32>,
      %reduce_sum3A_651 = arith.constant true
      %reduce_sum3A_652 = vector.broadcast %reduce_sum3A_651 : i1 to vector<16xi1>
      %reduce_sum3A_653 = tpu.scan <sum>, %get3A_650 masked %reduce_sum3A_652 : vector<16xf32>, vector<16xi1> -> vector<16xf32>
      %reduce_sum3A_654 = vector.extract %reduce_sum3A_653[15] : f32 from vector<16xf32>
      %eq3A_655 = arith.constant 12 : i32
      %eq3A_656 = vector.broadcast %eq3A_655 : i32 to vector<16xi32>
      %eq3A_657 = arith.cmpi eq, %iota3A, %eq3A_656 : vector<16xi32>
      %sub3A_658 = arith.constant 1.200000e+01 : f32
      %sub3A_659 = arith.subf %sub3A_658, %reduce_sum3A_654 : f32
      %broadcast_in_dim3A_660 = vector.broadcast %sub3A_659 : f32 to vector<16xf32>
      %select_n3A_661 = arith.select %eq3A_657, %broadcast_in_dim3A_660, %select_n3A_644 : vector<16xi1>, vector<16xf32>
      %mul3A_662 = arith.constant 256 : i32
      %mul3A_663 = arith.muli %scan3A_444, %mul3A_662 : i32
      %add3A_664 = arith.constant 208 : i32
      %add3A_665 = arith.addi %mul3A_663, %add3A_664 : i32
      %get3A_666 = arith.index_cast %add3A_665 : i32 to index
      %get3A_667 = tpu.vector_load %arg14[%get3A_666] {strides = array<i32>} : memref<2048xf32, #tpu.memory_space<vmem>>, vector<16xf32>,
      %reduce_sum3A_668 = arith.constant true
      %reduce_sum3A_669 = vector.broadcast %reduce_sum3A_668 : i1 to vector<16xi1>
      %reduce_sum3A_670 = tpu.scan <sum>, %get3A_667 masked %reduce_sum3A_669 : vector<16xf32>, vector<16xi1> -> vector<16xf32>
      %reduce_sum3A_671 = vector.extract %reduce_sum3A_670[15] : f32 from vector<16xf32>
      %eq3A_672 = arith.constant 13 : i32
      %eq3A_673 = vector.broadcast %eq3A_672 : i32 to vector<16xi32>
      %eq3A_674 = arith.cmpi eq, %iota3A, %eq3A_673 : vector<16xi32>
      %sub3A_675 = arith.constant 1.200000e+01 : f32
      %sub3A_676 = arith.subf %sub3A_675, %reduce_sum3A_671 : f32
      %broadcast_in_dim3A_677 = vector.broadcast %sub3A_676 : f32 to vector<16xf32>
      %select_n3A_678 = arith.select %eq3A_674, %broadcast_in_dim3A_677, %select_n3A_661 : vector<16xi1>, vector<16xf32>
      %mul3A_679 = arith.constant 256 : i32
      %mul3A_680 = arith.muli %scan3A_444, %mul3A_679 : i32
      %add3A_681 = arith.constant 224 : i32
      %add3A_682 = arith.addi %mul3A_680, %add3A_681 : i32
      %get3A_683 = arith.index_cast %add3A_682 : i32 to index
      %get3A_684 = tpu.vector_load %arg14[%get3A_683] {strides = array<i32>} : memref<2048xf32, #tpu.memory_space<vmem>>, vector<16xf32>,
      %reduce_sum3A_685 = arith.constant true
      %reduce_sum3A_686 = vector.broadcast %reduce_sum3A_685 : i1 to vector<16xi1>
      %reduce_sum3A_687 = tpu.scan <sum>, %get3A_684 masked %reduce_sum3A_686 : vector<16xf32>, vector<16xi1> -> vector<16xf32>
      %reduce_sum3A_688 = vector.extract %reduce_sum3A_687[15] : f32 from vector<16xf32>
      %eq3A_689 = arith.constant 14 : i32
      %eq3A_690 = vector.broadcast %eq3A_689 : i32 to vector<16xi32>
      %eq3A_691 = arith.cmpi eq, %iota3A, %eq3A_690 : vector<16xi32>
      %sub3A_692 = arith.constant 1.200000e+01 : f32
      %sub3A_693 = arith.subf %sub3A_692, %reduce_sum3A_688 : f32
      %broadcast_in_dim3A_694 = vector.broadcast %sub3A_693 : f32 to vector<16xf32>
      %select_n3A_695 = arith.select %eq3A_691, %broadcast_in_dim3A_694, %select_n3A_678 : vector<16xi1>, vector<16xf32>
      %mul3A_696 = arith.constant 256 : i32
      %mul3A_697 = arith.muli %scan3A_444, %mul3A_696 : i32
      %add3A_698 = arith.constant 240 : i32
      %add3A_699 = arith.addi %mul3A_697, %add3A_698 : i32
      %get3A_700 = arith.index_cast %add3A_699 : i32 to index
      %get3A_701 = tpu.vector_load %arg14[%get3A_700] {strides = array<i32>} : memref<2048xf32, #tpu.memory_space<vmem>>, vector<16xf32>,
      %reduce_sum3A_702 = arith.constant true
      %reduce_sum3A_703 = vector.broadcast %reduce_sum3A_702 : i1 to vector<16xi1>
      %reduce_sum3A_704 = tpu.scan <sum>, %get3A_701 masked %reduce_sum3A_703 : vector<16xf32>, vector<16xi1> -> vector<16xf32>
      %reduce_sum3A_705 = vector.extract %reduce_sum3A_704[15] : f32 from vector<16xf32>
      %eq3A_706 = arith.constant 15 : i32
      %eq3A_707 = vector.broadcast %eq3A_706 : i32 to vector<16xi32>
      %eq3A_708 = arith.cmpi eq, %iota3A, %eq3A_707 : vector<16xi32>
      %sub3A_709 = arith.constant 1.200000e+01 : f32
      %sub3A_710 = arith.subf %sub3A_709, %reduce_sum3A_705 : f32
      %broadcast_in_dim3A_711 = vector.broadcast %sub3A_710 : f32 to vector<16xf32>
      %select_n3A_712 = arith.select %eq3A_708, %broadcast_in_dim3A_711, %select_n3A_695 : vector<16xi1>, vector<16xf32>
      %mul3A_713 = arith.constant 16 : i32
      %mul3A_714 = arith.muli %scan3A_444, %mul3A_713 : i32
      %add3A_715 = arith.constant 416 : i32
      %add3A_716 = arith.addi %add3A_715, %mul3A_714 : i32
      %swap3A = arith.index_cast %add3A_716 : i32 to index
      %swap3A_717 = tpu.vector_load %arg15[%swap3A] {strides = array<i32>} : memref<512xf32, #tpu.memory_space<vmem>>, vector<16xf32>,
      tpu.vector_store %arg15[%swap3A], %select_n3A_712 {strides = array<i32>} : memref<512xf32, #tpu.memory_space<vmem>>, vector<16xf32>,
    }
    %scan3A_401 = arith.constant 4 : i32
    %dma_wait3A_402 = arith.constant 1 : i32
    %dma_wait3A_403 = arith.constant 0 : i32
    %dma_wait3A_404 = arith.constant 0 : i32
    %dma_wait3A_405 = tpu.memref_slice %arg11[%dma_wait3A_402, %dma_wait3A_403, %dma_wait3A_404] : memref<2x128x128xf32, #tpu.memory_space<vmem>> -> memref<1x32x128xf32, #tpu.memory_space<vmem>>
    %dma_wait3A_406 = tpu.memref_squeeze %dma_wait3A_405 : memref<1x32x128xf32, #tpu.memory_space<vmem>> -> memref<32x128xf32, #tpu.memory_space<vmem>>
    %dma_wait3A_407 = arith.constant 480 : i32
    %dma_wait3A_408 = tpu.memref_slice %arg8[%dma_wait3A_407] : memref<512xi32, #tpu.memory_space<vmem>> -> memref<32xi32, #tpu.memory_space<vmem>>
    %dma_wait3A_409 = arith.constant 0 : i32
    %dma_wait3A_410 = arith.constant 0 : i32
    %dma_wait3A_411 = tpu.memref_slice %arg5[%dma_wait3A_409, %dma_wait3A_410] : memref<1000000x128xf32, #tpu.memory_space<hbm>> -> memref<1000000x128xf32, #tpu.memory_space<hbm>>
    tpu.wait_indirect_dma semaphore(%arg17 : memref<!tpu.dma_semaphore, #tpu.memory_space<semaphore_mem>>) src(%dma_wait3A_411 : memref<1000000x128xf32, #tpu.memory_space<hbm>>) dst(%dma_wait3A_406 : memref<32x128xf32, #tpu.memory_space<vmem>>)
    %dma_wait3A_412 = arith.constant 1 : i32
    %dma_wait3A_413 = arith.constant 0 : i32
    %dma_wait3A_414 = arith.constant 0 : i32
    %dma_wait3A_415 = tpu.memref_slice %arg12[%dma_wait3A_412, %dma_wait3A_413, %dma_wait3A_414] : memref<2x128x128xf32, #tpu.memory_space<vmem>> -> memref<1x32x128xf32, #tpu.memory_space<vmem>>
    %dma_wait3A_416 = tpu.memref_squeeze %dma_wait3A_415 : memref<1x32x128xf32, #tpu.memory_space<vmem>> -> memref<32x128xf32, #tpu.memory_space<vmem>>
    %dma_wait3A_417 = arith.constant 480 : i32
    %dma_wait3A_418 = tpu.memref_slice %arg9[%dma_wait3A_417] : memref<512xi32, #tpu.memory_space<vmem>> -> memref<32xi32, #tpu.memory_space<vmem>>
    %dma_wait3A_419 = arith.constant 0 : i32
    %dma_wait3A_420 = arith.constant 0 : i32
    %dma_wait3A_421 = tpu.memref_slice %arg6[%dma_wait3A_419, %dma_wait3A_420] : memref<100000x128xf32, #tpu.memory_space<hbm>> -> memref<100000x128xf32, #tpu.memory_space<hbm>>
    tpu.wait_indirect_dma semaphore(%arg17 : memref<!tpu.dma_semaphore, #tpu.memory_space<semaphore_mem>>) src(%dma_wait3A_421 : memref<100000x128xf32, #tpu.memory_space<hbm>>) dst(%dma_wait3A_416 : memref<32x128xf32, #tpu.memory_space<vmem>>)
    %dma_wait3A_422 = arith.constant 1 : i32
    %dma_wait3A_423 = arith.constant 0 : i32
    %dma_wait3A_424 = arith.constant 0 : i32
    %dma_wait3A_425 = tpu.memref_slice %arg13[%dma_wait3A_422, %dma_wait3A_423, %dma_wait3A_424] : memref<2x128x128xf32, #tpu.memory_space<vmem>> -> memref<1x32x128xf32, #tpu.memory_space<vmem>>
    %dma_wait3A_426 = tpu.memref_squeeze %dma_wait3A_425 : memref<1x32x128xf32, #tpu.memory_space<vmem>> -> memref<32x128xf32, #tpu.memory_space<vmem>>
    %dma_wait3A_427 = arith.constant 480 : i32
    %dma_wait3A_428 = tpu.memref_slice %arg10[%dma_wait3A_427] : memref<512xi32, #tpu.memory_space<vmem>> -> memref<32xi32, #tpu.memory_space<vmem>>
    %dma_wait3A_429 = arith.constant 0 : i32
    %dma_wait3A_430 = arith.constant 0 : i32
    %dma_wait3A_431 = tpu.memref_slice %arg5[%dma_wait3A_429, %dma_wait3A_430] : memref<1000000x128xf32, #tpu.memory_space<hbm>> -> memref<1000000x128xf32, #tpu.memory_space<hbm>>
    tpu.wait_indirect_dma semaphore(%arg17 : memref<!tpu.dma_semaphore, #tpu.memory_space<semaphore_mem>>) src(%dma_wait3A_431 : memref<1000000x128xf32, #tpu.memory_space<hbm>>) dst(%dma_wait3A_426 : memref<32x128xf32, #tpu.memory_space<vmem>>)
    %scan3A_432 = arith.constant 0 : i32
    %scan3A_433 = arith.constant 0 : i32
    %scan3A_434 = arith.constant 32 : i32
    %scan3A_435 = arith.addi %scan3A_433, %scan3A_434 : i32
    %scan3A_436 = arith.constant 1 : i32
    scf.for %scan3A_444 = %scan3A_433 to %scan3A_435 step %scan3A_436  : i32 {
      %get3A = arith.constant 1 : i32
      %get3A_445 = arith.index_cast %get3A : i32 to index
      %get3A_446 = arith.index_cast %scan3A_444 : i32 to index
      %get3A_447 = arith.constant 0 : index
      %get3A_448 = tpu.vector_load %arg11[%get3A_445, %get3A_446, %get3A_447] {strides = array<i32>} : memref<2x128x128xf32, #tpu.memory_space<vmem>>, vector<16xf32>,
      %get3A_449 = arith.constant 1 : i32
      %get3A_450 = arith.index_cast %get3A_449 : i32 to index
      %get3A_451 = arith.index_cast %scan3A_444 : i32 to index
      %get3A_452 = arith.constant 0 : index
      %get3A_453 = tpu.vector_load %arg12[%get3A_450, %get3A_451, %get3A_452] {strides = array<i32>} : memref<2x128x128xf32, #tpu.memory_space<vmem>>, vector<16xf32>,
      %get3A_454 = arith.constant 1 : i32
      %get3A_455 = arith.index_cast %get3A_454 : i32 to index
      %get3A_456 = arith.index_cast %scan3A_444 : i32 to index
      %get3A_457 = arith.constant 0 : index
      %get3A_458 = tpu.vector_load %arg13[%get3A_455, %get3A_456, %get3A_457] {strides = array<i32>} : memref<2x128x128xf32, #tpu.memory_space<vmem>>, vector<16xf32>,
      %add3A_459 = arith.addf %get3A_448, %get3A_453 : vector<16xf32>
      %sub3A = arith.subf %add3A_459, %get3A_458 : vector<16xf32>
      %abs3A = math.absf %sub3A : vector<16xf32>
      %get3A_460 = arith.constant 1 : i32
      %get3A_461 = arith.index_cast %get3A_460 : i32 to index
      %get3A_462 = arith.index_cast %scan3A_444 : i32 to index
      %get3A_463 = arith.constant 16 : index
      %get3A_464 = tpu.vector_load %arg11[%get3A_461, %get3A_462, %get3A_463] {strides = array<i32>} : memref<2x128x128xf32, #tpu.memory_space<vmem>>, vector<16xf32>,
      %get3A_465 = arith.constant 1 : i32
      %get3A_466 = arith.index_cast %get3A_465 : i32 to index
      %get3A_467 = arith.index_cast %scan3A_444 : i32 to index
      %get3A_468 = arith.constant 16 : index
      %get3A_469 = tpu.vector_load %arg12[%get3A_466, %get3A_467, %get3A_468] {strides = array<i32>} : memref<2x128x128xf32, #tpu.memory_space<vmem>>, vector<16xf32>,
      %get3A_470 = arith.constant 1 : i32
      %get3A_471 = arith.index_cast %get3A_470 : i32 to index
      %get3A_472 = arith.index_cast %scan3A_444 : i32 to index
      %get3A_473 = arith.constant 16 : index
      %get3A_474 = tpu.vector_load %arg13[%get3A_471, %get3A_472, %get3A_473] {strides = array<i32>} : memref<2x128x128xf32, #tpu.memory_space<vmem>>, vector<16xf32>,
      %add3A_475 = arith.addf %get3A_464, %get3A_469 : vector<16xf32>
      %sub3A_476 = arith.subf %add3A_475, %get3A_474 : vector<16xf32>
      %abs3A_477 = math.absf %sub3A_476 : vector<16xf32>
      %add3A_478 = arith.addf %abs3A, %abs3A_477 : vector<16xf32>
      %get3A_479 = arith.constant 1 : i32
      %get3A_480 = arith.index_cast %get3A_479 : i32 to index
      %get3A_481 = arith.index_cast %scan3A_444 : i32 to index
      %get3A_482 = arith.constant 32 : index
      %get3A_483 = tpu.vector_load %arg11[%get3A_480, %get3A_481, %get3A_482] {strides = array<i32>} : memref<2x128x128xf32, #tpu.memory_space<vmem>>, vector<16xf32>,
      %get3A_484 = arith.constant 1 : i32
      %get3A_485 = arith.index_cast %get3A_484 : i32 to index
      %get3A_486 = arith.index_cast %scan3A_444 : i32 to index
      %get3A_487 = arith.constant 32 : index
      %get3A_488 = tpu.vector_load %arg12[%get3A_485, %get3A_486, %get3A_487] {strides = array<i32>} : memref<2x128x128xf32, #tpu.memory_space<vmem>>, vector<16xf32>,
      %get3A_489 = arith.constant 1 : i32
      %get3A_490 = arith.index_cast %get3A_489 : i32 to index
      %get3A_491 = arith.index_cast %scan3A_444 : i32 to index
      %get3A_492 = arith.constant 32 : index
      %get3A_493 = tpu.vector_load %arg13[%get3A_490, %get3A_491, %get3A_492] {strides = array<i32>} : memref<2x128x128xf32, #tpu.memory_space<vmem>>, vector<16xf32>,
      %add3A_494 = arith.addf %get3A_483, %get3A_488 : vector<16xf32>
      %sub3A_495 = arith.subf %add3A_494, %get3A_493 : vector<16xf32>
      %abs3A_496 = math.absf %sub3A_495 : vector<16xf32>
      %add3A_497 = arith.addf %add3A_478, %abs3A_496 : vector<16xf32>
      %get3A_498 = arith.constant 1 : i32
      %get3A_499 = arith.index_cast %get3A_498 : i32 to index
      %get3A_500 = arith.index_cast %scan3A_444 : i32 to index
      %get3A_501 = arith.constant 48 : index
      %get3A_502 = tpu.vector_load %arg11[%get3A_499, %get3A_500, %get3A_501] {strides = array<i32>} : memref<2x128x128xf32, #tpu.memory_space<vmem>>, vector<16xf32>,
      %get3A_503 = arith.constant 1 : i32
      %get3A_504 = arith.index_cast %get3A_503 : i32 to index
      %get3A_505 = arith.index_cast %scan3A_444 : i32 to index
      %get3A_506 = arith.constant 48 : index
      %get3A_507 = tpu.vector_load %arg12[%get3A_504, %get3A_505, %get3A_506] {strides = array<i32>} : memref<2x128x128xf32, #tpu.memory_space<vmem>>, vector<16xf32>,
      %get3A_508 = arith.constant 1 : i32
      %get3A_509 = arith.index_cast %get3A_508 : i32 to index
      %get3A_510 = arith.index_cast %scan3A_444 : i32 to index
      %get3A_511 = arith.constant 48 : index
      %get3A_512 = tpu.vector_load %arg13[%get3A_509, %get3A_510, %get3A_511] {strides = array<i32>} : memref<2x128x128xf32, #tpu.memory_space<vmem>>, vector<16xf32>,
      %add3A_513 = arith.addf %get3A_502, %get3A_507 : vector<16xf32>
      %sub3A_514 = arith.subf %add3A_513, %get3A_512 : vector<16xf32>
      %abs3A_515 = math.absf %sub3A_514 : vector<16xf32>
      %add3A_516 = arith.addf %add3A_497, %abs3A_515 : vector<16xf32>
      %get3A_517 = arith.constant 1 : i32
      %get3A_518 = arith.index_cast %get3A_517 : i32 to index
      %get3A_519 = arith.index_cast %scan3A_444 : i32 to index
      %get3A_520 = arith.constant 64 : index
      %get3A_521 = tpu.vector_load %arg11[%get3A_518, %get3A_519, %get3A_520] {strides = array<i32>} : memref<2x128x128xf32, #tpu.memory_space<vmem>>, vector<16xf32>,
      %get3A_522 = arith.constant 1 : i32
      %get3A_523 = arith.index_cast %get3A_522 : i32 to index
      %get3A_524 = arith.index_cast %scan3A_444 : i32 to index
      %get3A_525 = arith.constant 64 : index
      %get3A_526 = tpu.vector_load %arg12[%get3A_523, %get3A_524, %get3A_525] {strides = array<i32>} : memref<2x128x128xf32, #tpu.memory_space<vmem>>, vector<16xf32>,
      %get3A_527 = arith.constant 1 : i32
      %get3A_528 = arith.index_cast %get3A_527 : i32 to index
      %get3A_529 = arith.index_cast %scan3A_444 : i32 to index
      %get3A_530 = arith.constant 64 : index
      %get3A_531 = tpu.vector_load %arg13[%get3A_528, %get3A_529, %get3A_530] {strides = array<i32>} : memref<2x128x128xf32, #tpu.memory_space<vmem>>, vector<16xf32>,
      %add3A_532 = arith.addf %get3A_521, %get3A_526 : vector<16xf32>
      %sub3A_533 = arith.subf %add3A_532, %get3A_531 : vector<16xf32>
      %abs3A_534 = math.absf %sub3A_533 : vector<16xf32>
      %add3A_535 = arith.addf %add3A_516, %abs3A_534 : vector<16xf32>
      %get3A_536 = arith.constant 1 : i32
      %get3A_537 = arith.index_cast %get3A_536 : i32 to index
      %get3A_538 = arith.index_cast %scan3A_444 : i32 to index
      %get3A_539 = arith.constant 80 : index
      %get3A_540 = tpu.vector_load %arg11[%get3A_537, %get3A_538, %get3A_539] {strides = array<i32>} : memref<2x128x128xf32, #tpu.memory_space<vmem>>, vector<16xf32>,
      %get3A_541 = arith.constant 1 : i32
      %get3A_542 = arith.index_cast %get3A_541 : i32 to index
      %get3A_543 = arith.index_cast %scan3A_444 : i32 to index
      %get3A_544 = arith.constant 80 : index
      %get3A_545 = tpu.vector_load %arg12[%get3A_542, %get3A_543, %get3A_544] {strides = array<i32>} : memref<2x128x128xf32, #tpu.memory_space<vmem>>, vector<16xf32>,
      %get3A_546 = arith.constant 1 : i32
      %get3A_547 = arith.index_cast %get3A_546 : i32 to index
      %get3A_548 = arith.index_cast %scan3A_444 : i32 to index
      %get3A_549 = arith.constant 80 : index
      %get3A_550 = tpu.vector_load %arg13[%get3A_547, %get3A_548, %get3A_549] {strides = array<i32>} : memref<2x128x128xf32, #tpu.memory_space<vmem>>, vector<16xf32>,
      %add3A_551 = arith.addf %get3A_540, %get3A_545 : vector<16xf32>
      %sub3A_552 = arith.subf %add3A_551, %get3A_550 : vector<16xf32>
      %abs3A_553 = math.absf %sub3A_552 : vector<16xf32>
      %add3A_554 = arith.addf %add3A_535, %abs3A_553 : vector<16xf32>
      %get3A_555 = arith.constant 1 : i32
      %get3A_556 = arith.index_cast %get3A_555 : i32 to index
      %get3A_557 = arith.index_cast %scan3A_444 : i32 to index
      %get3A_558 = arith.constant 96 : index
      %get3A_559 = tpu.vector_load %arg11[%get3A_556, %get3A_557, %get3A_558] {strides = array<i32>} : memref<2x128x128xf32, #tpu.memory_space<vmem>>, vector<16xf32>,
      %get3A_560 = arith.constant 1 : i32
      %get3A_561 = arith.index_cast %get3A_560 : i32 to index
      %get3A_562 = arith.index_cast %scan3A_444 : i32 to index
      %get3A_563 = arith.constant 96 : index
      %get3A_564 = tpu.vector_load %arg12[%get3A_561, %get3A_562, %get3A_563] {strides = array<i32>} : memref<2x128x128xf32, #tpu.memory_space<vmem>>, vector<16xf32>,
      %get3A_565 = arith.constant 1 : i32
      %get3A_566 = arith.index_cast %get3A_565 : i32 to index
      %get3A_567 = arith.index_cast %scan3A_444 : i32 to index
      %get3A_568 = arith.constant 96 : index
      %get3A_569 = tpu.vector_load %arg13[%get3A_566, %get3A_567, %get3A_568] {strides = array<i32>} : memref<2x128x128xf32, #tpu.memory_space<vmem>>, vector<16xf32>,
      %add3A_570 = arith.addf %get3A_559, %get3A_564 : vector<16xf32>
      %sub3A_571 = arith.subf %add3A_570, %get3A_569 : vector<16xf32>
      %abs3A_572 = math.absf %sub3A_571 : vector<16xf32>
      %add3A_573 = arith.addf %add3A_554, %abs3A_572 : vector<16xf32>
      %get3A_574 = arith.constant 1 : i32
      %get3A_575 = arith.index_cast %get3A_574 : i32 to index
      %get3A_576 = arith.index_cast %scan3A_444 : i32 to index
      %get3A_577 = arith.constant 112 : index
      %get3A_578 = tpu.vector_load %arg11[%get3A_575, %get3A_576, %get3A_577] {strides = array<i32>} : memref<2x128x128xf32, #tpu.memory_space<vmem>>, vector<16xf32>,
      %get3A_579 = arith.constant 1 : i32
      %get3A_580 = arith.index_cast %get3A_579 : i32 to index
      %get3A_581 = arith.index_cast %scan3A_444 : i32 to index
      %get3A_582 = arith.constant 112 : index
      %get3A_583 = tpu.vector_load %arg12[%get3A_580, %get3A_581, %get3A_582] {strides = array<i32>} : memref<2x128x128xf32, #tpu.memory_space<vmem>>, vector<16xf32>,
      %get3A_584 = arith.constant 1 : i32
      %get3A_585 = arith.index_cast %get3A_584 : i32 to index
      %get3A_586 = arith.index_cast %scan3A_444 : i32 to index
      %get3A_587 = arith.constant 112 : index
      %get3A_588 = tpu.vector_load %arg13[%get3A_585, %get3A_586, %get3A_587] {strides = array<i32>} : memref<2x128x128xf32, #tpu.memory_space<vmem>>, vector<16xf32>,
      %add3A_589 = arith.addf %get3A_578, %get3A_583 : vector<16xf32>
      %sub3A_590 = arith.subf %add3A_589, %get3A_588 : vector<16xf32>
      %abs3A_591 = math.absf %sub3A_590 : vector<16xf32>
      %add3A_592 = arith.addf %add3A_573, %abs3A_591 : vector<16xf32>
      %mul3A_593 = arith.constant 16 : i32
      %mul3A_594 = arith.muli %scan3A_444, %mul3A_593 : i32
      %swap3A = arith.index_cast %mul3A_594 : i32 to index
      %swap3A_595 = tpu.vector_load %arg14[%swap3A] {strides = array<i32>} : memref<2048xf32, #tpu.memory_space<vmem>>, vector<16xf32>,
      tpu.vector_store %arg14[%swap3A], %add3A_592 {strides = array<i32>} : memref<2048xf32, #tpu.memory_space<vmem>>, vector<16xf32>,
    }
    %scan3A_437 = arith.constant 32 : i32
    %scan3A_438 = arith.constant 0 : i32
    %scan3A_439 = arith.constant 0 : i32
    %scan3A_440 = arith.constant 2 : i32
    %scan3A_441 = arith.addi %scan3A_439, %scan3A_440 : i32
    %scan3A_442 = arith.constant 1 : i32
    scf.for %scan3A_444 = %scan3A_439 to %scan3A_441 step %scan3A_442  : i32 {
      %broadcast_in_dim3A = arith.constant 0.000000e+00 : f32
      %broadcast_in_dim3A_445 = vector.broadcast %broadcast_in_dim3A : f32 to vector<16xf32>
      %mul3A_446 = arith.constant 256 : i32
      %mul3A_447 = arith.muli %scan3A_444, %mul3A_446 : i32
      %add3A_448 = arith.constant 0 : i32
      %add3A_449 = arith.addi %mul3A_447, %add3A_448 : i32
      %get3A = arith.index_cast %add3A_449 : i32 to index
      %get3A_450 = tpu.vector_load %arg14[%get3A] {strides = array<i32>} : memref<2048xf32, #tpu.memory_space<vmem>>, vector<16xf32>,
      %reduce_sum3A = arith.constant true
      %reduce_sum3A_451 = vector.broadcast %reduce_sum3A : i1 to vector<16xi1>
      %reduce_sum3A_452 = tpu.scan <sum>, %get3A_450 masked %reduce_sum3A_451 : vector<16xf32>, vector<16xi1> -> vector<16xf32>
      %reduce_sum3A_453 = vector.extract %reduce_sum3A_452[15] : f32 from vector<16xf32>
      %eq3A = arith.constant 0 : i32
      %eq3A_454 = vector.broadcast %eq3A : i32 to vector<16xi32>
      %eq3A_455 = arith.cmpi eq, %iota3A, %eq3A_454 : vector<16xi32>
      %sub3A = arith.constant 1.200000e+01 : f32
      %sub3A_456 = arith.subf %sub3A, %reduce_sum3A_453 : f32
      %broadcast_in_dim3A_457 = vector.broadcast %sub3A_456 : f32 to vector<16xf32>
      %select_n3A = arith.select %eq3A_455, %broadcast_in_dim3A_457, %broadcast_in_dim3A_445 : vector<16xi1>, vector<16xf32>
      %mul3A_458 = arith.constant 256 : i32
      %mul3A_459 = arith.muli %scan3A_444, %mul3A_458 : i32
      %add3A_460 = arith.constant 16 : i32
      %add3A_461 = arith.addi %mul3A_459, %add3A_460 : i32
      %get3A_462 = arith.index_cast %add3A_461 : i32 to index
      %get3A_463 = tpu.vector_load %arg14[%get3A_462] {strides = array<i32>} : memref<2048xf32, #tpu.memory_space<vmem>>, vector<16xf32>,
      %reduce_sum3A_464 = arith.constant true
      %reduce_sum3A_465 = vector.broadcast %reduce_sum3A_464 : i1 to vector<16xi1>
      %reduce_sum3A_466 = tpu.scan <sum>, %get3A_463 masked %reduce_sum3A_465 : vector<16xf32>, vector<16xi1> -> vector<16xf32>
      %reduce_sum3A_467 = vector.extract %reduce_sum3A_466[15] : f32 from vector<16xf32>
      %eq3A_468 = arith.constant 1 : i32
      %eq3A_469 = vector.broadcast %eq3A_468 : i32 to vector<16xi32>
      %eq3A_470 = arith.cmpi eq, %iota3A, %eq3A_469 : vector<16xi32>
      %sub3A_471 = arith.constant 1.200000e+01 : f32
      %sub3A_472 = arith.subf %sub3A_471, %reduce_sum3A_467 : f32
      %broadcast_in_dim3A_473 = vector.broadcast %sub3A_472 : f32 to vector<16xf32>
      %select_n3A_474 = arith.select %eq3A_470, %broadcast_in_dim3A_473, %select_n3A : vector<16xi1>, vector<16xf32>
      %mul3A_475 = arith.constant 256 : i32
      %mul3A_476 = arith.muli %scan3A_444, %mul3A_475 : i32
      %add3A_477 = arith.constant 32 : i32
      %add3A_478 = arith.addi %mul3A_476, %add3A_477 : i32
      %get3A_479 = arith.index_cast %add3A_478 : i32 to index
      %get3A_480 = tpu.vector_load %arg14[%get3A_479] {strides = array<i32>} : memref<2048xf32, #tpu.memory_space<vmem>>, vector<16xf32>,
      %reduce_sum3A_481 = arith.constant true
      %reduce_sum3A_482 = vector.broadcast %reduce_sum3A_481 : i1 to vector<16xi1>
      %reduce_sum3A_483 = tpu.scan <sum>, %get3A_480 masked %reduce_sum3A_482 : vector<16xf32>, vector<16xi1> -> vector<16xf32>
      %reduce_sum3A_484 = vector.extract %reduce_sum3A_483[15] : f32 from vector<16xf32>
      %eq3A_485 = arith.constant 2 : i32
      %eq3A_486 = vector.broadcast %eq3A_485 : i32 to vector<16xi32>
      %eq3A_487 = arith.cmpi eq, %iota3A, %eq3A_486 : vector<16xi32>
      %sub3A_488 = arith.constant 1.200000e+01 : f32
      %sub3A_489 = arith.subf %sub3A_488, %reduce_sum3A_484 : f32
      %broadcast_in_dim3A_490 = vector.broadcast %sub3A_489 : f32 to vector<16xf32>
      %select_n3A_491 = arith.select %eq3A_487, %broadcast_in_dim3A_490, %select_n3A_474 : vector<16xi1>, vector<16xf32>
      %mul3A_492 = arith.constant 256 : i32
      %mul3A_493 = arith.muli %scan3A_444, %mul3A_492 : i32
      %add3A_494 = arith.constant 48 : i32
      %add3A_495 = arith.addi %mul3A_493, %add3A_494 : i32
      %get3A_496 = arith.index_cast %add3A_495 : i32 to index
      %get3A_497 = tpu.vector_load %arg14[%get3A_496] {strides = array<i32>} : memref<2048xf32, #tpu.memory_space<vmem>>, vector<16xf32>,
      %reduce_sum3A_498 = arith.constant true
      %reduce_sum3A_499 = vector.broadcast %reduce_sum3A_498 : i1 to vector<16xi1>
      %reduce_sum3A_500 = tpu.scan <sum>, %get3A_497 masked %reduce_sum3A_499 : vector<16xf32>, vector<16xi1> -> vector<16xf32>
      %reduce_sum3A_501 = vector.extract %reduce_sum3A_500[15] : f32 from vector<16xf32>
      %eq3A_502 = arith.constant 3 : i32
      %eq3A_503 = vector.broadcast %eq3A_502 : i32 to vector<16xi32>
      %eq3A_504 = arith.cmpi eq, %iota3A, %eq3A_503 : vector<16xi32>
      %sub3A_505 = arith.constant 1.200000e+01 : f32
      %sub3A_506 = arith.subf %sub3A_505, %reduce_sum3A_501 : f32
      %broadcast_in_dim3A_507 = vector.broadcast %sub3A_506 : f32 to vector<16xf32>
      %select_n3A_508 = arith.select %eq3A_504, %broadcast_in_dim3A_507, %select_n3A_491 : vector<16xi1>, vector<16xf32>
      %mul3A_509 = arith.constant 256 : i32
      %mul3A_510 = arith.muli %scan3A_444, %mul3A_509 : i32
      %add3A_511 = arith.constant 64 : i32
      %add3A_512 = arith.addi %mul3A_510, %add3A_511 : i32
      %get3A_513 = arith.index_cast %add3A_512 : i32 to index
      %get3A_514 = tpu.vector_load %arg14[%get3A_513] {strides = array<i32>} : memref<2048xf32, #tpu.memory_space<vmem>>, vector<16xf32>,
      %reduce_sum3A_515 = arith.constant true
      %reduce_sum3A_516 = vector.broadcast %reduce_sum3A_515 : i1 to vector<16xi1>
      %reduce_sum3A_517 = tpu.scan <sum>, %get3A_514 masked %reduce_sum3A_516 : vector<16xf32>, vector<16xi1> -> vector<16xf32>
      %reduce_sum3A_518 = vector.extract %reduce_sum3A_517[15] : f32 from vector<16xf32>
      %eq3A_519 = arith.constant 4 : i32
      %eq3A_520 = vector.broadcast %eq3A_519 : i32 to vector<16xi32>
      %eq3A_521 = arith.cmpi eq, %iota3A, %eq3A_520 : vector<16xi32>
      %sub3A_522 = arith.constant 1.200000e+01 : f32
      %sub3A_523 = arith.subf %sub3A_522, %reduce_sum3A_518 : f32
      %broadcast_in_dim3A_524 = vector.broadcast %sub3A_523 : f32 to vector<16xf32>
      %select_n3A_525 = arith.select %eq3A_521, %broadcast_in_dim3A_524, %select_n3A_508 : vector<16xi1>, vector<16xf32>
      %mul3A_526 = arith.constant 256 : i32
      %mul3A_527 = arith.muli %scan3A_444, %mul3A_526 : i32
      %add3A_528 = arith.constant 80 : i32
      %add3A_529 = arith.addi %mul3A_527, %add3A_528 : i32
      %get3A_530 = arith.index_cast %add3A_529 : i32 to index
      %get3A_531 = tpu.vector_load %arg14[%get3A_530] {strides = array<i32>} : memref<2048xf32, #tpu.memory_space<vmem>>, vector<16xf32>,
      %reduce_sum3A_532 = arith.constant true
      %reduce_sum3A_533 = vector.broadcast %reduce_sum3A_532 : i1 to vector<16xi1>
      %reduce_sum3A_534 = tpu.scan <sum>, %get3A_531 masked %reduce_sum3A_533 : vector<16xf32>, vector<16xi1> -> vector<16xf32>
      %reduce_sum3A_535 = vector.extract %reduce_sum3A_534[15] : f32 from vector<16xf32>
      %eq3A_536 = arith.constant 5 : i32
      %eq3A_537 = vector.broadcast %eq3A_536 : i32 to vector<16xi32>
      %eq3A_538 = arith.cmpi eq, %iota3A, %eq3A_537 : vector<16xi32>
      %sub3A_539 = arith.constant 1.200000e+01 : f32
      %sub3A_540 = arith.subf %sub3A_539, %reduce_sum3A_535 : f32
      %broadcast_in_dim3A_541 = vector.broadcast %sub3A_540 : f32 to vector<16xf32>
      %select_n3A_542 = arith.select %eq3A_538, %broadcast_in_dim3A_541, %select_n3A_525 : vector<16xi1>, vector<16xf32>
      %mul3A_543 = arith.constant 256 : i32
      %mul3A_544 = arith.muli %scan3A_444, %mul3A_543 : i32
      %add3A_545 = arith.constant 96 : i32
      %add3A_546 = arith.addi %mul3A_544, %add3A_545 : i32
      %get3A_547 = arith.index_cast %add3A_546 : i32 to index
      %get3A_548 = tpu.vector_load %arg14[%get3A_547] {strides = array<i32>} : memref<2048xf32, #tpu.memory_space<vmem>>, vector<16xf32>,
      %reduce_sum3A_549 = arith.constant true
      %reduce_sum3A_550 = vector.broadcast %reduce_sum3A_549 : i1 to vector<16xi1>
      %reduce_sum3A_551 = tpu.scan <sum>, %get3A_548 masked %reduce_sum3A_550 : vector<16xf32>, vector<16xi1> -> vector<16xf32>
      %reduce_sum3A_552 = vector.extract %reduce_sum3A_551[15] : f32 from vector<16xf32>
      %eq3A_553 = arith.constant 6 : i32
      %eq3A_554 = vector.broadcast %eq3A_553 : i32 to vector<16xi32>
      %eq3A_555 = arith.cmpi eq, %iota3A, %eq3A_554 : vector<16xi32>
      %sub3A_556 = arith.constant 1.200000e+01 : f32
      %sub3A_557 = arith.subf %sub3A_556, %reduce_sum3A_552 : f32
      %broadcast_in_dim3A_558 = vector.broadcast %sub3A_557 : f32 to vector<16xf32>
      %select_n3A_559 = arith.select %eq3A_555, %broadcast_in_dim3A_558, %select_n3A_542 : vector<16xi1>, vector<16xf32>
      %mul3A_560 = arith.constant 256 : i32
      %mul3A_561 = arith.muli %scan3A_444, %mul3A_560 : i32
      %add3A_562 = arith.constant 112 : i32
      %add3A_563 = arith.addi %mul3A_561, %add3A_562 : i32
      %get3A_564 = arith.index_cast %add3A_563 : i32 to index
      %get3A_565 = tpu.vector_load %arg14[%get3A_564] {strides = array<i32>} : memref<2048xf32, #tpu.memory_space<vmem>>, vector<16xf32>,
      %reduce_sum3A_566 = arith.constant true
      %reduce_sum3A_567 = vector.broadcast %reduce_sum3A_566 : i1 to vector<16xi1>
      %reduce_sum3A_568 = tpu.scan <sum>, %get3A_565 masked %reduce_sum3A_567 : vector<16xf32>, vector<16xi1> -> vector<16xf32>
      %reduce_sum3A_569 = vector.extract %reduce_sum3A_568[15] : f32 from vector<16xf32>
      %eq3A_570 = arith.constant 7 : i32
      %eq3A_571 = vector.broadcast %eq3A_570 : i32 to vector<16xi32>
      %eq3A_572 = arith.cmpi eq, %iota3A, %eq3A_571 : vector<16xi32>
      %sub3A_573 = arith.constant 1.200000e+01 : f32
      %sub3A_574 = arith.subf %sub3A_573, %reduce_sum3A_569 : f32
      %broadcast_in_dim3A_575 = vector.broadcast %sub3A_574 : f32 to vector<16xf32>
      %select_n3A_576 = arith.select %eq3A_572, %broadcast_in_dim3A_575, %select_n3A_559 : vector<16xi1>, vector<16xf32>
      %mul3A_577 = arith.constant 256 : i32
      %mul3A_578 = arith.muli %scan3A_444, %mul3A_577 : i32
      %add3A_579 = arith.constant 128 : i32
      %add3A_580 = arith.addi %mul3A_578, %add3A_579 : i32
      %get3A_581 = arith.index_cast %add3A_580 : i32 to index
      %get3A_582 = tpu.vector_load %arg14[%get3A_581] {strides = array<i32>} : memref<2048xf32, #tpu.memory_space<vmem>>, vector<16xf32>,
      %reduce_sum3A_583 = arith.constant true
      %reduce_sum3A_584 = vector.broadcast %reduce_sum3A_583 : i1 to vector<16xi1>
      %reduce_sum3A_585 = tpu.scan <sum>, %get3A_582 masked %reduce_sum3A_584 : vector<16xf32>, vector<16xi1> -> vector<16xf32>
      %reduce_sum3A_586 = vector.extract %reduce_sum3A_585[15] : f32 from vector<16xf32>
      %eq3A_587 = arith.constant 8 : i32
      %eq3A_588 = vector.broadcast %eq3A_587 : i32 to vector<16xi32>
      %eq3A_589 = arith.cmpi eq, %iota3A, %eq3A_588 : vector<16xi32>
      %sub3A_590 = arith.constant 1.200000e+01 : f32
      %sub3A_591 = arith.subf %sub3A_590, %reduce_sum3A_586 : f32
      %broadcast_in_dim3A_592 = vector.broadcast %sub3A_591 : f32 to vector<16xf32>
      %select_n3A_593 = arith.select %eq3A_589, %broadcast_in_dim3A_592, %select_n3A_576 : vector<16xi1>, vector<16xf32>
      %mul3A_594 = arith.constant 256 : i32
      %mul3A_595 = arith.muli %scan3A_444, %mul3A_594 : i32
      %add3A_596 = arith.constant 144 : i32
      %add3A_597 = arith.addi %mul3A_595, %add3A_596 : i32
      %get3A_598 = arith.index_cast %add3A_597 : i32 to index
      %get3A_599 = tpu.vector_load %arg14[%get3A_598] {strides = array<i32>} : memref<2048xf32, #tpu.memory_space<vmem>>, vector<16xf32>,
      %reduce_sum3A_600 = arith.constant true
      %reduce_sum3A_601 = vector.broadcast %reduce_sum3A_600 : i1 to vector<16xi1>
      %reduce_sum3A_602 = tpu.scan <sum>, %get3A_599 masked %reduce_sum3A_601 : vector<16xf32>, vector<16xi1> -> vector<16xf32>
      %reduce_sum3A_603 = vector.extract %reduce_sum3A_602[15] : f32 from vector<16xf32>
      %eq3A_604 = arith.constant 9 : i32
      %eq3A_605 = vector.broadcast %eq3A_604 : i32 to vector<16xi32>
      %eq3A_606 = arith.cmpi eq, %iota3A, %eq3A_605 : vector<16xi32>
      %sub3A_607 = arith.constant 1.200000e+01 : f32
      %sub3A_608 = arith.subf %sub3A_607, %reduce_sum3A_603 : f32
      %broadcast_in_dim3A_609 = vector.broadcast %sub3A_608 : f32 to vector<16xf32>
      %select_n3A_610 = arith.select %eq3A_606, %broadcast_in_dim3A_609, %select_n3A_593 : vector<16xi1>, vector<16xf32>
      %mul3A_611 = arith.constant 256 : i32
      %mul3A_612 = arith.muli %scan3A_444, %mul3A_611 : i32
      %add3A_613 = arith.constant 160 : i32
      %add3A_614 = arith.addi %mul3A_612, %add3A_613 : i32
      %get3A_615 = arith.index_cast %add3A_614 : i32 to index
      %get3A_616 = tpu.vector_load %arg14[%get3A_615] {strides = array<i32>} : memref<2048xf32, #tpu.memory_space<vmem>>, vector<16xf32>,
      %reduce_sum3A_617 = arith.constant true
      %reduce_sum3A_618 = vector.broadcast %reduce_sum3A_617 : i1 to vector<16xi1>
      %reduce_sum3A_619 = tpu.scan <sum>, %get3A_616 masked %reduce_sum3A_618 : vector<16xf32>, vector<16xi1> -> vector<16xf32>
      %reduce_sum3A_620 = vector.extract %reduce_sum3A_619[15] : f32 from vector<16xf32>
      %eq3A_621 = arith.constant 10 : i32
      %eq3A_622 = vector.broadcast %eq3A_621 : i32 to vector<16xi32>
      %eq3A_623 = arith.cmpi eq, %iota3A, %eq3A_622 : vector<16xi32>
      %sub3A_624 = arith.constant 1.200000e+01 : f32
      %sub3A_625 = arith.subf %sub3A_624, %reduce_sum3A_620 : f32
      %broadcast_in_dim3A_626 = vector.broadcast %sub3A_625 : f32 to vector<16xf32>
      %select_n3A_627 = arith.select %eq3A_623, %broadcast_in_dim3A_626, %select_n3A_610 : vector<16xi1>, vector<16xf32>
      %mul3A_628 = arith.constant 256 : i32
      %mul3A_629 = arith.muli %scan3A_444, %mul3A_628 : i32
      %add3A_630 = arith.constant 176 : i32
      %add3A_631 = arith.addi %mul3A_629, %add3A_630 : i32
      %get3A_632 = arith.index_cast %add3A_631 : i32 to index
      %get3A_633 = tpu.vector_load %arg14[%get3A_632] {strides = array<i32>} : memref<2048xf32, #tpu.memory_space<vmem>>, vector<16xf32>,
      %reduce_sum3A_634 = arith.constant true
      %reduce_sum3A_635 = vector.broadcast %reduce_sum3A_634 : i1 to vector<16xi1>
      %reduce_sum3A_636 = tpu.scan <sum>, %get3A_633 masked %reduce_sum3A_635 : vector<16xf32>, vector<16xi1> -> vector<16xf32>
      %reduce_sum3A_637 = vector.extract %reduce_sum3A_636[15] : f32 from vector<16xf32>
      %eq3A_638 = arith.constant 11 : i32
      %eq3A_639 = vector.broadcast %eq3A_638 : i32 to vector<16xi32>
      %eq3A_640 = arith.cmpi eq, %iota3A, %eq3A_639 : vector<16xi32>
      %sub3A_641 = arith.constant 1.200000e+01 : f32
      %sub3A_642 = arith.subf %sub3A_641, %reduce_sum3A_637 : f32
      %broadcast_in_dim3A_643 = vector.broadcast %sub3A_642 : f32 to vector<16xf32>
      %select_n3A_644 = arith.select %eq3A_640, %broadcast_in_dim3A_643, %select_n3A_627 : vector<16xi1>, vector<16xf32>
      %mul3A_645 = arith.constant 256 : i32
      %mul3A_646 = arith.muli %scan3A_444, %mul3A_645 : i32
      %add3A_647 = arith.constant 192 : i32
      %add3A_648 = arith.addi %mul3A_646, %add3A_647 : i32
      %get3A_649 = arith.index_cast %add3A_648 : i32 to index
      %get3A_650 = tpu.vector_load %arg14[%get3A_649] {strides = array<i32>} : memref<2048xf32, #tpu.memory_space<vmem>>, vector<16xf32>,
      %reduce_sum3A_651 = arith.constant true
      %reduce_sum3A_652 = vector.broadcast %reduce_sum3A_651 : i1 to vector<16xi1>
      %reduce_sum3A_653 = tpu.scan <sum>, %get3A_650 masked %reduce_sum3A_652 : vector<16xf32>, vector<16xi1> -> vector<16xf32>
      %reduce_sum3A_654 = vector.extract %reduce_sum3A_653[15] : f32 from vector<16xf32>
      %eq3A_655 = arith.constant 12 : i32
      %eq3A_656 = vector.broadcast %eq3A_655 : i32 to vector<16xi32>
      %eq3A_657 = arith.cmpi eq, %iota3A, %eq3A_656 : vector<16xi32>
      %sub3A_658 = arith.constant 1.200000e+01 : f32
      %sub3A_659 = arith.subf %sub3A_658, %reduce_sum3A_654 : f32
      %broadcast_in_dim3A_660 = vector.broadcast %sub3A_659 : f32 to vector<16xf32>
      %select_n3A_661 = arith.select %eq3A_657, %broadcast_in_dim3A_660, %select_n3A_644 : vector<16xi1>, vector<16xf32>
      %mul3A_662 = arith.constant 256 : i32
      %mul3A_663 = arith.muli %scan3A_444, %mul3A_662 : i32
      %add3A_664 = arith.constant 208 : i32
      %add3A_665 = arith.addi %mul3A_663, %add3A_664 : i32
      %get3A_666 = arith.index_cast %add3A_665 : i32 to index
      %get3A_667 = tpu.vector_load %arg14[%get3A_666] {strides = array<i32>} : memref<2048xf32, #tpu.memory_space<vmem>>, vector<16xf32>,
      %reduce_sum3A_668 = arith.constant true
      %reduce_sum3A_669 = vector.broadcast %reduce_sum3A_668 : i1 to vector<16xi1>
      %reduce_sum3A_670 = tpu.scan <sum>, %get3A_667 masked %reduce_sum3A_669 : vector<16xf32>, vector<16xi1> -> vector<16xf32>
      %reduce_sum3A_671 = vector.extract %reduce_sum3A_670[15] : f32 from vector<16xf32>
      %eq3A_672 = arith.constant 13 : i32
      %eq3A_673 = vector.broadcast %eq3A_672 : i32 to vector<16xi32>
      %eq3A_674 = arith.cmpi eq, %iota3A, %eq3A_673 : vector<16xi32>
      %sub3A_675 = arith.constant 1.200000e+01 : f32
      %sub3A_676 = arith.subf %sub3A_675, %reduce_sum3A_671 : f32
      %broadcast_in_dim3A_677 = vector.broadcast %sub3A_676 : f32 to vector<16xf32>
      %select_n3A_678 = arith.select %eq3A_674, %broadcast_in_dim3A_677, %select_n3A_661 : vector<16xi1>, vector<16xf32>
      %mul3A_679 = arith.constant 256 : i32
      %mul3A_680 = arith.muli %scan3A_444, %mul3A_679 : i32
      %add3A_681 = arith.constant 224 : i32
      %add3A_682 = arith.addi %mul3A_680, %add3A_681 : i32
      %get3A_683 = arith.index_cast %add3A_682 : i32 to index
      %get3A_684 = tpu.vector_load %arg14[%get3A_683] {strides = array<i32>} : memref<2048xf32, #tpu.memory_space<vmem>>, vector<16xf32>,
      %reduce_sum3A_685 = arith.constant true
      %reduce_sum3A_686 = vector.broadcast %reduce_sum3A_685 : i1 to vector<16xi1>
      %reduce_sum3A_687 = tpu.scan <sum>, %get3A_684 masked %reduce_sum3A_686 : vector<16xf32>, vector<16xi1> -> vector<16xf32>
      %reduce_sum3A_688 = vector.extract %reduce_sum3A_687[15] : f32 from vector<16xf32>
      %eq3A_689 = arith.constant 14 : i32
      %eq3A_690 = vector.broadcast %eq3A_689 : i32 to vector<16xi32>
      %eq3A_691 = arith.cmpi eq, %iota3A, %eq3A_690 : vector<16xi32>
      %sub3A_692 = arith.constant 1.200000e+01 : f32
      %sub3A_693 = arith.subf %sub3A_692, %reduce_sum3A_688 : f32
      %broadcast_in_dim3A_694 = vector.broadcast %sub3A_693 : f32 to vector<16xf32>
      %select_n3A_695 = arith.select %eq3A_691, %broadcast_in_dim3A_694, %select_n3A_678 : vector<16xi1>, vector<16xf32>
      %mul3A_696 = arith.constant 256 : i32
      %mul3A_697 = arith.muli %scan3A_444, %mul3A_696 : i32
      %add3A_698 = arith.constant 240 : i32
      %add3A_699 = arith.addi %mul3A_697, %add3A_698 : i32
      %get3A_700 = arith.index_cast %add3A_699 : i32 to index
      %get3A_701 = tpu.vector_load %arg14[%get3A_700] {strides = array<i32>} : memref<2048xf32, #tpu.memory_space<vmem>>, vector<16xf32>,
      %reduce_sum3A_702 = arith.constant true
      %reduce_sum3A_703 = vector.broadcast %reduce_sum3A_702 : i1 to vector<16xi1>
      %reduce_sum3A_704 = tpu.scan <sum>, %get3A_701 masked %reduce_sum3A_703 : vector<16xf32>, vector<16xi1> -> vector<16xf32>
      %reduce_sum3A_705 = vector.extract %reduce_sum3A_704[15] : f32 from vector<16xf32>
      %eq3A_706 = arith.constant 15 : i32
      %eq3A_707 = vector.broadcast %eq3A_706 : i32 to vector<16xi32>
      %eq3A_708 = arith.cmpi eq, %iota3A, %eq3A_707 : vector<16xi32>
      %sub3A_709 = arith.constant 1.200000e+01 : f32
      %sub3A_710 = arith.subf %sub3A_709, %reduce_sum3A_705 : f32
      %broadcast_in_dim3A_711 = vector.broadcast %sub3A_710 : f32 to vector<16xf32>
      %select_n3A_712 = arith.select %eq3A_708, %broadcast_in_dim3A_711, %select_n3A_695 : vector<16xi1>, vector<16xf32>
      %mul3A_713 = arith.constant 16 : i32
      %mul3A_714 = arith.muli %scan3A_444, %mul3A_713 : i32
      %add3A_715 = arith.constant 480 : i32
      %add3A_716 = arith.addi %add3A_715, %mul3A_714 : i32
      %swap3A = arith.index_cast %add3A_716 : i32 to index
      %swap3A_717 = tpu.vector_load %arg15[%swap3A] {strides = array<i32>} : memref<512xf32, #tpu.memory_space<vmem>>, vector<16xf32>,
      tpu.vector_store %arg15[%swap3A], %select_n3A_712 {strides = array<i32>} : memref<512xf32, #tpu.memory_space<vmem>>, vector<16xf32>,
    }
    %scan3A_443 = arith.constant 2 : i32
    "tpu.region"() ({
      %run_scoped3A = tpu.sem_alloc : memref<!tpu.dma_semaphore, #tpu.memory_space<semaphore_mem>>
      %dma_start3A_444 = tpu.memref_slice %arg7[%mul3A_2] : memref<16384xf32, #tpu.memory_space<hbm>> -> memref<512xf32, #tpu.memory_space<hbm>>
      %dma_start3A_445 = tpu.memref_slice %arg7[%mul3A_2] : memref<16384xf32, #tpu.memory_space<hbm>> -> memref<512xf32, #tpu.memory_space<hbm>>
      tpu.enqueue_dma source(%arg15 : memref<512xf32, #tpu.memory_space<vmem>>) target(%dma_start3A_445 : memref<512xf32, #tpu.memory_space<hbm>>) target_semaphore(%run_scoped3A : memref<!tpu.dma_semaphore, #tpu.memory_space<semaphore_mem>>)
      %dma_wait3A_446 = tpu.memref_slice %arg7[%mul3A_2] : memref<16384xf32, #tpu.memory_space<hbm>> -> memref<512xf32, #tpu.memory_space<hbm>>
      %dma_wait3A_447 = tpu.memref_slice %arg7[%mul3A_2] : memref<16384xf32, #tpu.memory_space<hbm>> -> memref<512xf32, #tpu.memory_space<hbm>>
      tpu.wait_dma2 semaphore(%run_scoped3A : memref<!tpu.dma_semaphore, #tpu.memory_space<semaphore_mem>>) src(%arg15 : memref<512xf32, #tpu.memory_space<vmem>>) dst(%dma_wait3A_447 : memref<512xf32, #tpu.memory_space<hbm>>)
      tpu.yield
    }) : () -> ()
    return
  }
}

</mosaic_0001>

<sc_bundles>
// kernel: _run.3.cloned.1.call-start
scs
__scs_entry_jumppad:
0x0: {  	(pc) =	sbr.rel $0x88, $3  }
0x1: {  	(tag) =	ssettag $0x0;
	lr =	simm.s32 $0x1  }
0x2: {  	[smem:$0x3F9E] =	sst lr;
	_ =	strace $0xD0000000  }
0x3: {  	_ = 	snop  }
0x4: {  	_ = 	snop  }
0x5: {  	_ = 	snop  }
0x6: {  	_ = 	snop  }
0x7: {  	_ = 	snop  }
__scs_overlays_trampoline_lowered:
0x8: {  	[smem:$0x3FAD] =	sst s0  }
0x9: {  	[smem:$0x3FAE] =	sst s1  }
0xa: {  	[smem:$0x3FAF] =	sst s2  }
0xb: {  	[smem:$0x3FB0] =	sst s3  }
0xc: {  	[smem:$0x3FB1] =	sst s4  }
0xd: {  	[smem:$0x3FB2] =	sst s5  }
0xe: {  	[smem:$0x3FB3] =	sst s6  }
0xf: {  	[smem:$0x3FB4] =	sst s7  }
0x10: {  	[smem:$0x3FB5] =	sst s8  }
0x11: {  	[smem:$0x3FB6] =	sst s9;
	s0 =	simm.s32 @!p0 $0x0  }
0x12: {  	s1 =	sld [smem:$0x3F9C];
	s0 =	simm.s32 @p0 $0x1  }
0x13: {  	[smem:$0x3FB7] =	sst s0;
	s0 =	simm.s32 @!p1 $0x0  }
0x14: {  	s2 =	sld [smem:$0x3F9B];
	s0 =	simm.s32 @p1 $0x1  }
0x15: {  	[smem:$0x3FB8] =	sst s0;
	s0 =	simm.s32 @!p2 $0x0  }
0x16: {  	s3 =	sld [smem:$0x3FDB];
	s0 =	simm.s32 @p2 $0x1  }
0x17: {  	s4 =	simm.s32 $0x1BF5;
	[smem:$0x3FBA] =	sst s0  }
0x18: {  	s0 =	sld [smem:$0x3F9D];
	_ =	swait.ge [sflag:s4], $0x0  }
0x19: {  	s7 =	sld [smem:$0x3F9E]  }
0x1a: {  	s8 =	sadd.s32 $0xFFFFE003, lr  }
0x1b: {  	s9 =	sadd.s32 $0xFFFFFEF7, lr;
	s5 =	simm.s32 $0xFFFFFFFF;
	p2 =	slt.u32 s8, $0xFFFFF086  }
0x1c: {  	p1 =	slt.u32 s9, $0xF7A;
	s5 =	simm.s32 @!p2 $0x0  }
0x1d: {  	s5 =	simm.s32 @p1 $0x1;
	p0 =	seq.s32 s7, s2  }
0x1e: {  	s7 =	smul.u32 @!p0 $0xF7A, s2;
	p2 =	seq.s32 @!p0 s5, $0x0  }
0x1f: {  	s9 =	smul.u32 $0xF7A, s1;
	s8 =	simm.s32 @!p0 $0x1BF5;
	p2 =	por !p2, p0  }
0x20: {  	[sflag:s8] =	ssyncset.s32 @!p0 $0xFFFFF086;
	s6 =	sadd.s32 @!p0 s3, s7;
	s7 =	simm.s32 @!p0 $0x108  }
0x21: {  	s3 =	sadd.s32 s3, s9;
	s6 =	sadd.s32 @!p0 $0x88, s6;
	s7 =	simm.s32 @p2 $0x1082  }
0x22: {  	[simem:s7], [sflag:s8] =	dma.local @!p0 [hbm:s6], $0xF7A  }
0x23: {  	s9 =	sor.u32 $0xD0000000, s2;
	s6 =	simm.s32 $0x108;
	_ =	swait.ge @!p0 [sflag:s8], $0x0  }
0x24: {  	s3 =	sadd.s32 $0x88, s3;
	s6 =	simm.s32 @!p1 $0x1082;
	[sflag:s4] =	ssyncset.s32 $0xFFFFF086  }
0x25: {  	[simem:s6], [sflag:s4] =	dma.local [hbm:s3], $0xF7A  }
0x26: {  	[smem:$0x3F9E] =	sst s1;
	(tag) =	ssettag s2;
	_ =	strace s9  }
0x27: {  	s1 =	sld [smem:$0x3FAE]  }
0x28: {  	s2 =	sld [smem:$0x3FAF]  }
0x29: {  	s4 =	sld [smem:$0x3FB1]  }
0x2a: {  	p0 =	seq.s32 s5, $0x0;
	s5 =	sld [smem:$0x3FB2]  }
0x2b: {  	s6 =	sld [smem:$0x3FB3]  }
0x2c: {  	s7 =	sld [smem:$0x3FB4]  }
0x2d: {  	s3 =	simm.s32 $0x108;
	s8 =	sld [smem:$0x3FB5]  }
0x2e: {  	s3 =	simm.s32 @!p0 $0x1082;
	s9 =	sld [smem:$0x3FB6]  }
0x2f: {  	lr =	sadd.s32 s0, s3;
	s0 =	sld [smem:$0x3FAD]  }
0x30: {  	s3 =	sld [smem:$0x3FB0]  }
0x31: {  	[smem:$0x3FB9] =	sst s10  }
0x32: {  	s10 =	sld [smem:$0x3FB7];
	_ =	sdelay $0x3  }
0x33: {  	p0 =	seq.s32 s10, $0x1;
	s10 =	sld [smem:$0x3FB9];
	_ =	sdelay $0x3  }
0x34: {  	[smem:$0x3FB9] =	sst s10  }
0x35: {  	s10 =	sld [smem:$0x3FB8];
	_ =	sdelay $0x3  }
0x36: {  	p1 =	seq.s32 s10, $0x1;
	s10 =	sld [smem:$0x3FB9];
	_ =	sdelay $0x3  }
0x37: {  	[smem:$0x3FB9] =	sst s10  }
0x38: {  	s10 =	sld [smem:$0x3FBA]  }
0x39: {  	_ = 	snop;
	(pc) =	sbr.ind lr, $3  }
0x3a: {  	_ = 	snop  }
0x3b: {  	_ = 	snop  }
0x3c: {  	p2 =	seq.s32 s10, $0x1;
	s10 =	sld [smem:$0x3FB9]  }
0x3d: {  	_ =	shalt  }
0x3e: {  	_ =	shalt  }
0x3f: {  	_ =	shalt  }
0x40: {  	_ =	shalt  }
0x41: {  	_ =	shalt  }
0x42: {  	_ =	shalt  }
0x43: {  	_ =	shalt  }
0x44: {  	_ =	shalt  }
0x45: {  	_ =	shalt  }
0x46: {  	_ =	shalt  }
0x47: {  	_ =	shalt  }
0x48: {  	_ =	shalt  }
0x49: {  	_ =	shalt  }
0x4a: {  	_ =	shalt  }
0x4b: {  	_ =	shalt  }
0x4c: {  	_ =	shalt  }
0x4d: {  	_ =	shalt  }
0x4e: {  	_ =	shalt  }
0x4f: {  	_ =	shalt  }
0x50: {  	_ =	shalt  }
0x51: {  	_ =	shalt  }
0x52: {  	_ =	shalt  }
0x53: {  	_ =	shalt  }
0x54: {  	_ =	shalt  }
0x55: {  	_ =	shalt  }
0x56: {  	_ =	shalt  }
0x57: {  	_ =	shalt  }
0x58: {  	_ =	shalt  }
0x59: {  	_ =	shalt  }
0x5a: {  	_ =	shalt  }
0x5b: {  	_ =	shalt  }
0x5c: {  	_ =	shalt  }
0x5d: {  	_ =	shalt  }
0x5e: {  	_ =	shalt  }
0x5f: {  	_ =	shalt  }
0x60: {  	_ =	shalt  }
0x61: {  	_ =	shalt  }
0x62: {  	_ =	shalt  }
0x63: {  	_ =	shalt  }
0x64: {  	_ =	shalt  }
0x65: {  	_ =	shalt  }
0x66: {  	_ =	shalt  }
0x67: {  	_ =	shalt  }
0x68: {  	_ =	shalt  }
0x69: {  	_ =	shalt  }
0x6a: {  	_ =	shalt  }
0x6b: {  	_ =	shalt  }
0x6c: {  	_ =	shalt  }
0x6d: {  	_ =	shalt  }
0x6e: {  	_ =	shalt  }
0x6f: {  	_ =	shalt  }
0x70: {  	_ =	shalt  }
0x71: {  	_ =	shalt  }
0x72: {  	_ =	shalt  }
0x73: {  	_ =	shalt  }
0x74: {  	_ =	shalt  }
0x75: {  	_ =	shalt  }
0x76: {  	_ =	shalt  }
0x77: {  	_ =	shalt  }
0x78: {  	_ =	shalt  }
0x79: {  	_ =	shalt  }
0x7a: {  	_ =	shalt  }
0x7b: {  	_ =	shalt  }
0x7c: {  	_ =	shalt  }
0x7d: {  	_ =	shalt  }
0x7e: {  	_ =	shalt  }
0x7f: {  	_ =	shalt  }
0x80: {  	_ =	shalt  }
0x81: {  	_ =	shalt  }
0x82: {  	_ =	shalt  }
0x83: {  	_ =	shalt  }
0x84: {  	_ =	shalt  }
0x85: {  	_ =	shalt  }
0x86: {  	_ =	shalt  }
0x87: {  	_ =	shalt  }
.Lfunc_end0:
.L_simem_size_0:
called_computation_lowered:
.L_overlay_start_0:
0x88: {  	s2 =	sld [smem:$0x3FD9]  }
0x89: {  	s3 =	sld [smem:$0x3FFE];
	_ =	sdelay $0x1  }
0x8a: {  	s1 =	srdreg.scid  }
0x8b: {  	s0 =	sand.u32 $0x1, s1  }
0x8c: {  	s17 =	sshll.u32 s0, $0xA;
	s2 =	sadd.s32 s3, s2  }
0x8d: {  	s2 =	sadd.s32 s2, s17  }
0x8e: {  	[smem:$0x3FC5] =	sst s2  }
0x8f: {  	_ = 	snop  }
0x90: {  	s2 =	sld [smem:$0x3FC8]  }
0x91: {  	s18 =	sld [smem:$0x3FC7]  }
0x92: {  	s4 =	sld [smem:$0x3FD0];
	(tm) =	ssettm $0x1  }
0x93: {  	s5 =	sld [smem:$0x3FFB];
	_ =	sdelay $0x3  }
0x94: {  	_ =	strace s5  }
0x95: {  	s5 =	sld [smem:$0x3FFC];
	_ =	sdelay $0x3  }
0x96: {  	_ =	strace s5  }
0x97: {  	s5 =	sld [smem:$0x3FFD];
	_ =	sdelay $0x3  }
0x98: {  	_ =	strace s5  }
0x99: {  	_ =	strace $0x8FFFFFFF  }
0x9a: {  	s19 =	sld [smem:$0x3FDB];
	_ =	sdelay $0x1  }
0x9b: {  	s6 =	simm.s32 $_scs_section_size  }
0x9c: {  	s7 =	simm.s32 $_size__tile_overlayer_lowered;
	s8 =	simm.s32 $_tile_overlayer_lowered  }
0x9d: {  	s22 =	simm.s32 $0x1BFF;
	s21 =	sshll.u32 s8, $0x1;
	s5 =	sadd.s32 s6, s19  }
0x9e: {  	s9 =	simm.s32 $0x0;
	s20 =	sshll.u32 s7, $0x1;
	s7 =	sadd.s32 s21, s5  }
0x9f: {  	[timem:s9], [sflag:s22] =	dma.local [hbm:s7], s20  }
0xa0: {  	_ =	swait.ge [sflag:s22], s20  }
0xa1: {  	s6 =	ssub.s32 $0x0, s20;
	[sflag:s22] =	ssyncset.done $0x0  }
0xa2: {  	[sflag:s22] =	ssyncadd.s32 s6;
	_ =	sdelay $0x1  }
0xa3: {  	s23 =	simm.s32 $0x1B8B  }
0xa4: {  	_ =	swait.ge [sflag:s23], $0x1  }
0xa5: {  	[sflag:s23] =	ssyncset.done $0x0  }
0xa6: {  	s25 =	simm.s32 $0x1B8E;
	s24 =	sld [smem:$0x3FFE];
	[sflag:s23] =	ssyncadd.s32 $0xFFFFFFFF  }
0xa7: {  	s26 =	simm.s32 $execute0_lowered;
	[smem:$0x3FD2] =	sst s25  }
0xa8: {  	s7 =	sshll.u32 s26, $0x1;
	_ =	strace $0x80000046;
	[dreg:$0x1] =	wrdreg $0xFFFFFFFF  }
0xa9: {  	s28 =	simm.s32 $_size_execute0_lowered;
	s5 =	sadd.s32 s5, s7;
	[dreg:$0x0] =	wrdreg $0x0  }
0xaa: {  	s7 =	sshll.u32 s28, $0x1;
	[dreg:$0x2] =	wrdreg s5  }
0xab: {  	[dreg:$0x3] =	wrdreg s7  }
0xac: {  	[dreg:$0x4] =	wrdreg $0xC0  }
0xad: {  	_ =	task [dreg:s9], $0x5FFFF  }
0xae: {  	[dreg:$0x1] =	wrdreg $0xFFFFFFFF  }
0xaf: {  	[dreg:$0x0] =	wrdreg $0x60  }
0xb0: {  	[dreg:$0x2] =	wrdreg s24  }
0xb1: {  	[dreg:$0x3] =	wrdreg s2  }
0xb2: {  	[dreg:$0x4] =	wrdreg s18  }
0xb3: {  	[dreg:$0x5] =	wrdreg s4  }
0xb4: {  	[dreg:$0x6] =	wrdreg $0x9  }
0xb5: {  	_ =	task.clear_ibuf [dreg:s9], $0x7FFFF;
	_ =	strace $0x90000046  }
0xb6: {  	s29 =	simm.s32 $0x9;
	_ =	strace $0x80000048  }
0xb7: {  	_ =	swait.ge [sflag:s29], $0x1  }
0xb8: {  	[sflag:s29] =	ssyncadd.s32 $0xFFFFFFFF  }
0xb9: {  	_ =	strace $0x90000048  }
0xba: {  	_ =	sfence  }
0xbb: {  	s30 =	sld [smem:$0x0];
	_ =	sdelay $0x2  }
0xbc: {  	s31 =	sshll.u32 s1, $0xD;
	s1 =	sshrl.u32 s1, $0x2  }
0xbd: {  	s3 =	sand.u32 $0x4000, s31;
	s1 =	sadd.s32 s1, s30  }
0xbe: {  	s0 =	sor.u32 s3, s0;
	s1 =	sshll.u32 s1, $0x11  }
0xbf: {  	s0 =	sor.u32 s1, s0  }
0xc0: {  	s0 =	sadd.s32 $0x8F2B, s0  }
0xc1: {  	[sflag:s0] =	ssyncadd.remote.s32 $0x1  }
0xc2: {  	_ =	sfence.sel $0xFFFF  }
0xc3: {  	[dreg:$0x0] =	wrdreg $0xFFFFFFFF;
	(pc) =	sbr.abs _section_cstart, $3  }
0xc4: {  	[dreg:$0x1] =	wrdreg $0xFFFFFFFF  }
0xc5: {  	_ =	task.clear_ibuf [dreg:s9], $0x2FFFF;
	_ =	strace $0x9FFFFFFF  }
0xc6: {  	(tm) =	ssettm $0x7FFFFFFF  }
0xc7: {  	_ =	shalt  }
tec
execute0_lowered:
.L_overlay_start_1:
0x0: {  	(tag) =	ssettag $0x1  }
0x1: {  	s0 =	rddreg [dreg:$0x0]  }
0x2: {  	s1 =	rddreg [dreg:$0x1]  }
0x3: {  	s3 =	rddreg [dreg:$0x2]  }
0x4: {  	s2 =	rddreg [dreg:$0x3]  }
0x5: {  	s4 =	srdreg.scid;
	s6 =	stileid.u32;
	s12 =	simm.s32 $0x1  }
0x6: {  	s13 =	simm.s32 $0x20;
	s17 =	simm.s32 $0x80;
	s18 =	simm.s32 $0x4600  }
0x7: {  	s20 =	simm.s32 $0xC600;
	s22 =	simm.s32 $0x14600;
	s5 =	sand.u32 $0x1, s4  }
0x8: {  	s4 =	simm.s32 $0x0;
	s6 =	sshll.u32 s6, $0x7;
	s7 =	sshll.u32 s5, $0x6  }
0x9: {  	s31 =	simm.s32 $0x40;
	[smem:$0x7FF] =	sst s4;
	s8 =	sor.u32 s7, s6  }
0xa: {  	s5 =	ssub.s32 $0x2, s5;
	s0 =	sadd.s32 s8, s0;
	s26 =	sadd.s32 s2, s8  }
0xb: {  	vm0 =	vcmask $0x300;
	vm1 =	vcmask $0x704;
	vm2 =	vcmask $0xB08;
	_ =	strace $0x80000047;
	s24 =	sadd.s32 $0x1600, s0;
	[dreg:$0x8] =	wrdreg s26  }
0xc: {  	vm3 =	vcmask $0xF0C;
	vm4 =	vcmask $0x1310;
	vm5 =	vcmask $0x1714;
	s23 =	sshrl.u32 s5, $0x1;
	s25 =	sadd.s32 $0xE00, s0;
	[dreg:$0x5] =	wrdreg s24  }
0xd: {  	vm6 =	vcmask $0x1B18;
	vm7 =	vcmask $0x1F1C;
	vm8 =	vcmask $0x2320;
	s9 =	ssub.s32 s5, s23;
	s0 =	sadd.s32 $0x600, s0;
	[dreg:$0x6] =	wrdreg s25  }
0xe: {  	vm9 =	vcmask $0x2724;
	vm10 =	vcmask $0x2B28;
	vm11 =	vcmask $0x2F2C;
	s28 =	simm.s32 $0x3;
	s30 =	smax.u32 s9, $0x1;
	[dreg:$0x7] =	wrdreg s0  }
0xf: {  	vm12 =	vcmask $0x3330;
	vm13 =	vcmask $0x3734;
	vm14 =	vcmask $0x3B38;
	s29 =	simm.s32 $0x0;
	s26 =	simm.s32 $0x2;
	[dreg:$0x9] =	wrdreg s30  }
.LBB2_1:
0x10: {  	s0 =	rddreg [dreg:$0x5]  }
0x11: {  	[tilespmem:s4], [sflag:$0x1] =	stream.linear.gather [hbm4b:s0+s4], $0x200, $0x38;
	[tilespmem:$0x19000] =	vst v63  }
0x12: {  	s14 =	rddreg [dreg:$0x6];
	s2 =	simm.s32 $0x200  }
0x13: {  	[tilespmem:s2], [sflag:$0x1] =	stream.linear.gather [hbm4b:s14+s4], $0x200, $0x38;
	[tilespmem:$0x19000] =	vst v63  }
0x14: {  	s15 =	rddreg [dreg:$0x7];
	s5 =	simm.s32 $0x400  }
0x15: {  	[tilespmem:s5], [sflag:$0x1] =	stream.linear.gather [hbm4b:s15+s4], $0x200, $0x38;
	[tilespmem:$0x19000] =	vst v63  }
0x16: {  	_ =	swait.ge [sflag:s12], $0x200  }
0x17: {  	[sflag:s12] =	ssyncset.done $0x0  }
0x18: {  	[sflag:s12] =	ssyncadd.s32 $0xFFFFFE00  }
0x19: {  	_ =	swait.ge [sflag:s12], $0x200  }
0x1a: {  	[sflag:s12] =	ssyncset.done $0x0  }
0x1b: {  	[sflag:s12] =	ssyncadd.s32 $0xFFFFFE00  }
0x1c: {  	_ =	swait.ge [sflag:s12], $0x200  }
0x1d: {  	[sflag:s12] =	ssyncset.done $0x0  }
0x1e: {  	s16 =	simm.s32 $0x600;
	[sflag:s12] =	ssyncadd.s32 $0xFFFFFE00  }
0x1f: {  	[tilespmem:s16], [sflag:$0x1] =	stream.indirect.gather [hbm4b:s1+s13], $0x80, s4, s13, $0xb8;
	[tilespmem:$0x19000] =	vst v63  }
0x20: {  	s19 =	simm.s32 $0x8600  }
0x21: {  	[tilespmem:s19], [sflag:$0x1] =	stream.indirect.gather [hbm4b:s3+s13], $0x80, s2, s13, $0xb8;
	[tilespmem:$0x19000] =	vst v63  }
0x22: {  	s21 =	simm.s32 $0x10600  }
0x23: {  	[tilespmem:s21], [sflag:$0x1] =	stream.indirect.gather [hbm4b:s1+s13], $0x80, s5, s13, $0xb8;
	[tilespmem:$0x19000] =	vst v63  }
0x24: {  	_ = 	snop  }
0x25: {  	[tilespmem:s18], [sflag:$0x2] =	stream.indirect.gather [hbm4b:s1+s17], $0x80, s13, s17, $0xb8;
	[tilespmem:$0x19000] =	vst v63  }
0x26: {  	s23 =	simm.s32 $0x220  }
0x27: {  	[tilespmem:s20], [sflag:$0x2] =	stream.indirect.gather [hbm4b:s3+s17], $0x80, s23, s17, $0xb8;
	[tilespmem:$0x19000] =	vst v63  }
0x28: {  	s24 =	simm.s32 $0x420  }
0x29: {  	[tilespmem:s22], [sflag:$0x2] =	stream.indirect.gather [hbm4b:s1+s17], $0x80, s24, s17, $0xb8;
	[tilespmem:$0x19000] =	vst v63  }
0x2a: {  	_ =	swait.ge [sflag:s12], $0x1000  }
0x2b: {  	[sflag:s12] =	ssyncset.done $0x0  }
0x2c: {  	[sflag:s12] =	ssyncadd.s32 $0xFFFFF000  }
0x2d: {  	_ =	swait.ge [sflag:s12], $0x1000  }
0x2e: {  	[sflag:s12] =	ssyncset.done $0x0  }
0x2f: {  	[sflag:s12] =	ssyncadd.s32 $0xFFFFF000  }
0x30: {  	_ =	swait.ge [sflag:s12], $0x1000  }
0x31: {  	[sflag:s12] =	ssyncset.done $0x0  }
0x32: {  	s25 =	simm.s32 $0x0;
	[sflag:s12] =	ssyncadd.s32 $0xFFFFF000  }
0x33: {  	v0 =	vld [tilespmem:s25+$0x10660]  }
0x34: {  	v1 =	vld [tilespmem:s25+$0x10650]  }
0x35: {  	v2 =	vld [tilespmem:s25+$0x10640]  }
0x36: {  	v3 =	vld [tilespmem:s25+$0x10630]  }
0x37: {  	v4 =	vld [tilespmem:s25+$0x630]  }
0x38: {  	v5 =	vld [tilespmem:s25+$0x10600]  }
0x39: {  	v6 =	vld [tilespmem:s25+$0x620]  }
0x3a: {  	v7 =	vld [tilespmem:s25+$0x8600]  }
0x3b: {  	v8 =	vld [tilespmem:s25+$0x600]  }
0x3c: {  	v9 =	vld [tilespmem:s25+$0x610]  }
0x3d: {  	v10 =	vld [tilespmem:s25+$0x8610]  }
0x3e: {  	v11 =	vld [tilespmem:s25+$0x8620]  }
0x3f: {  	v12 =	vld [tilespmem:s25+$0x10610]  }
0x40: {  	v13 =	vld [tilespmem:s25+$0x8630]  }
0x41: {  	v14 =	vld [tilespmem:s25+$0x10620]  }
0x42: {  	v7 =	vadd.f32 v7, v8;
	v8 =	vadd.f32 v10, v9;
	v9 =	vld [tilespmem:s25+$0x640]  }
0x43: {  	v6 =	vadd.f32 v11, v6;
	v10 =	vld [tilespmem:s25+$0x8640]  }
0x44: {  	v11 =	vld [tilespmem:s25+$0x8650];
	v5 =	vsub.f32 v7, v5;
	v7 =	vsub.f32 v8, v12  }
0x45: {  	v4 =	vadd.f32 v13, v4;
	v8 =	vld [tilespmem:s25+$0x650]  }
0x46: {  	v63 =	vld [tilespmem:s25+$0x660];
	v6 =	vsub.f32 v6, v14;
	v5 =	vand.u32 $0x7FFFFFFF, v5;
	v7 =	vand.u32 $0x7FFFFFFF, v7  }
0x47: {  	v5 =	vadd.f32 v7, v5;
	v7 =	vld [tilespmem:s25+$0x8660]  }
0x48: {  	v3 =	vsub.f32 v4, v3;
	v6 =	vand.u32 $0x7FFFFFFF, v6;
	v4 =	vadd.f32 v10, v9;
	v9 =	vld [tilespmem:s25+$0x670]  }
0x49: {  	v5 =	vadd.f32 v6, v5;
	v6 =	vld [tilespmem:s25+$0x8670]  }
0x4a: {  	v3 =	vand.u32 $0x7FFFFFFF, v3;
	v2 =	vsub.f32 v4, v2;
	v4 =	vadd.f32 v11, v8  }
0x4b: {  	v3 =	vadd.f32 v3, v5;
	v5 =	vld [tilespmem:s25+$0x10670]  }
0x4c: {  	v2 =	vand.u32 $0x7FFFFFFF, v2;
	v1 =	vsub.f32 v4, v1;
	v4 =	vadd.f32 v7, v63  }
0x4d: {  	v2 =	vadd.f32 v2, v3  }
0x4e: {  	v1 =	vand.u32 $0x7FFFFFFF, v1;
	v0 =	vsub.f32 v4, v0;
	v3 =	vadd.f32 v6, v9  }
0x4f: {  	v1 =	vadd.f32 v1, v2  }
0x50: {  	v0 =	vand.u32 $0x7FFFFFFF, v0;
	v2 =	vsub.f32 v3, v5  }
0x51: {  	v0 =	vadd.f32 v0, v1  }
0x52: {  	v1 =	vand.u32 $0x7FFFFFFF, v2  }
0x53: {  	v0 =	vadd.f32 v1, v0  }
0x54: {  	s0 =	simm.s32 $0x18600  }
0x55: {  	s2 =	simm.s32 $0x80;
	[tilespmem:s0+$0x0] =	vst v0  }
0x56: {  	v0 =	vld [tilespmem:s2+$0x10660]  }
0x57: {  	v1 =	vld [tilespmem:s2+$0x10650]  }
0x58: {  	v2 =	vld [tilespmem:s2+$0x10640]  }
0x59: {  	v3 =	vld [tilespmem:s2+$0x10630]  }
0x5a: {  	v4 =	vld [tilespmem:s2+$0x630]  }
0x5b: {  	v5 =	vld [tilespmem:s2+$0x10600]  }
0x5c: {  	v6 =	vld [tilespmem:s2+$0x620]  }
0x5d: {  	v7 =	vld [tilespmem:s2+$0x8600]  }
0x5e: {  	v8 =	vld [tilespmem:s2+$0x600]  }
0x5f: {  	s30 =	simm.s32 $0x400;
	v9 =	vld [tilespmem:s2+$0x610]  }
.LBB2_2:
0x60: {  	p0 =	sne.s32 s30, $0x3E00;
	v10 =	vld [tilespmem:s2+$0x8610]  }
0x61: {  	v11 =	vld [tilespmem:s2+$0x8620]  }
0x62: {  	v12 =	vld [tilespmem:s2+$0x10610]  }
0x63: {  	v13 =	vld [tilespmem:s2+$0x8630]  }
0x64: {  	v14 =	vld [tilespmem:s2+$0x10620]  }
0x65: {  	v7 =	vadd.f32 v7, v8;
	v8 =	vadd.f32 v10, v9;
	v9 =	vld [tilespmem:s2+$0x640]  }
0x66: {  	v6 =	vadd.f32 v11, v6;
	v10 =	vld [tilespmem:s2+$0x8640]  }
0x67: {  	v5 =	vsub.f32 v7, v5;
	v7 =	vsub.f32 v8, v12;
	v8 =	vld [tilespmem:s2+$0x650]  }
0x68: {  	v4 =	vadd.f32 v13, v4;
	v11 =	vld [tilespmem:s2+$0x8650]  }
0x69: {  	v5 =	vand.u32 $0x7FFFFFFF, v5;
	v7 =	vand.u32 $0x7FFFFFFF, v7;
	v6 =	vsub.f32 v6, v14;
	v12 =	vld [tilespmem:s2+$0x660]  }
0x6a: {  	v5 =	vadd.f32 v7, v5;
	v7 =	vld [tilespmem:s2+$0x8660]  }
0x6b: {  	v3 =	vsub.f32 v4, v3;
	v6 =	vand.u32 $0x7FFFFFFF, v6;
	v4 =	vadd.f32 v10, v9;
	v9 =	vld [tilespmem:s2+$0x670]  }
0x6c: {  	v5 =	vadd.f32 v6, v5;
	v6 =	vld [tilespmem:s2+$0x8670]  }
0x6d: {  	v3 =	vand.u32 $0x7FFFFFFF, v3;
	v2 =	vsub.f32 v4, v2;
	v4 =	vadd.f32 v11, v8  }
0x6e: {  	v3 =	vadd.f32 v3, v5;
	v5 =	vld [tilespmem:s2+$0x10670]  }
0x6f: {  	v2 =	vand.u32 $0x7FFFFFFF, v2;
	v1 =	vsub.f32 v4, v1;
	v4 =	vadd.f32 v7, v12  }
0x70: {  	v2 =	vadd.f32 v2, v3  }
0x71: {  	v1 =	vand.u32 $0x7FFFFFFF, v1;
	v0 =	vsub.f32 v4, v0;
	v3 =	vadd.f32 v6, v9  }
0x72: {  	v1 =	vadd.f32 v1, v2  }
0x73: {  	v0 =	vand.u32 $0x7FFFFFFF, v0;
	v2 =	vsub.f32 v3, v5  }
0x74: {  	v0 =	vadd.f32 v0, v1  }
0x75: {  	v1 =	vand.u32 $0x7FFFFFFF, v2  }
0x76: {  	v0 =	vadd.f32 v1, v0  }
0x77: {  	s0 =	sadd.s32 $0x10, s0  }
0x78: {  	s2 =	sshra.s32 s30, $0x2;
	[tilespmem:s0+$0x0] =	vst v0  }
0x79: {  	v0 =	vld [tilespmem:s2+$0x10660]  }
0x7a: {  	v1 =	vld [tilespmem:s2+$0x10650]  }
0x7b: {  	v2 =	vld [tilespmem:s2+$0x10640]  }
0x7c: {  	v3 =	vld [tilespmem:s2+$0x10630]  }
0x7d: {  	v4 =	vld [tilespmem:s2+$0x630]  }
.Ltmp0:
0x7e: {  	v5 =	vld [tilespmem:s2+$0x10600];
	(pc) =	sbr.rel @p0 .LBB2_2-.Ltmp0, $4  }
0x7f: {  	v6 =	vld [tilespmem:s2+$0x620]  }
0x80: {  	v7 =	vld [tilespmem:s2+$0x8600]  }
0x81: {  	v8 =	vld [tilespmem:s2+$0x600]  }
0x82: {  	s30 =	sadd.s32 $0x200, s30;
	v9 =	vld [tilespmem:s2+$0x610]  }
0x83: {  	v10 =	vld [tilespmem:s2+$0x8610]  }
0x84: {  	v11 =	vld [tilespmem:s2+$0x8620]  }
0x85: {  	v12 =	vld [tilespmem:s2+$0x10610]  }
0x86: {  	v13 =	vld [tilespmem:s2+$0x8630]  }
0x87: {  	v14 =	vld [tilespmem:s2+$0x10620]  }
0x88: {  	v48 =	vld [tilespmem:s2+$0x640];
	v7 =	vadd.f32 v7, v8;
	v47 =	vadd.f32 v10, v9  }
0x89: {  	v49 =	vld [tilespmem:s2+$0x8640];
	v6 =	vadd.f32 v11, v6  }
0x8a: {  	v51 =	vld [tilespmem:s2+$0x650];
	v5 =	vsub.f32 v7, v5;
	v50 =	vsub.f32 v47, v12  }
0x8b: {  	v52 =	vld [tilespmem:s2+$0x8650];
	v4 =	vadd.f32 v13, v4  }
0x8c: {  	v53 =	vld [tilespmem:s2+$0x660];
	v5 =	vand.u32 $0x7FFFFFFF, v5;
	v6 =	vsub.f32 v6, v14;
	v7 =	vand.u32 $0x7FFFFFFF, v50  }
0x8d: {  	v54 =	vld [tilespmem:s2+$0x8660];
	v5 =	vadd.f32 v7, v5  }
0x8e: {  	v56 =	vld [tilespmem:s2+$0x670];
	v55 =	vadd.f32 v49, v48;
	v3 =	vsub.f32 v4, v3;
	v6 =	vand.u32 $0x7FFFFFFF, v6  }
0x8f: {  	v57 =	vld [tilespmem:s2+$0x8670];
	v5 =	vadd.f32 v6, v5  }
0x90: {  	v58 =	vadd.f32 v52, v51;
	v2 =	vsub.f32 v55, v2;
	v3 =	vand.u32 $0x7FFFFFFF, v3  }
0x91: {  	v59 =	vld [tilespmem:s2+$0x10670];
	v3 =	vadd.f32 v3, v5  }
0x92: {  	v60 =	vadd.f32 v54, v53;
	v1 =	vsub.f32 v58, v1;
	v2 =	vand.u32 $0x7FFFFFFF, v2  }
0x93: {  	v2 =	vadd.f32 v2, v3  }
0x94: {  	v61 =	vadd.f32 v57, v56;
	v0 =	vsub.f32 v60, v0;
	v1 =	vand.u32 $0x7FFFFFFF, v1  }
0x95: {  	v1 =	vadd.f32 v1, v2  }
0x96: {  	v62 =	vsub.f32 v61, v59;
	v0 =	vand.u32 $0x7FFFFFFF, v0  }
0x97: {  	v0 =	vadd.f32 v0, v1  }
0x98: {  	v63 =	vand.u32 $0x7FFFFFFF, v62  }
0x99: {  	v0 =	vadd.f32 v63, v0  }
0x9a: {  	s0 =	sadd.s32 $0x10, s0  }
0x9b: {  	p0 =	por $0x1, $0x1;
	[tilespmem:s0+$0x0] =	vst v0;
	s0 =	simm.s32 $0x0  }
.LBB2_4:
0x9c: {  	s2 =	sshll.u32 s0, $0x8  }
0x9d: {  	s2 =	sand.u32 $0x3FFFFF00, s2  }
0x9e: {  	v0 =	vld [tilespmem:s2+$0x18600]  }
0x9f: {  	v1 =	vld [tilespmem:s2+$0x18610]  }
0xa0: {  	v2 =	vld [tilespmem:s2+$0x18620]  }
0xa1: {  	v3 =	vld [tilespmem:s2+$0x18630]  }
0xa2: {  	v4 =	vld [tilespmem:s2+$0x18640]  }
0xa3: {  	v37 =	vld [tilespmem:s2+$0x18650];
	(xrf2) =	vadd.scan.msk.f32 $0xffff, v0  }
0xa4: {  	v38 =	vld [tilespmem:s2+$0x18660];
	(xrf2) =	vadd.scan.msk.f32 $0xffff, v1  }
0xa5: {  	v39 =	vld [tilespmem:s2+$0x18670];
	(xrf2) =	vadd.scan.msk.f32 $0xffff, v2  }
0xa6: {  	v40 =	vld [tilespmem:s2+$0x18680];
	(xrf2) =	vadd.scan.msk.f32 $0xffff, v3  }
0xa7: {  	v41 =	vld [tilespmem:s2+$0x18690];
	(xrf2) =	vadd.scan.msk.f32 $0xffff, v4  }
0xa8: {  	v42 =	vld [tilespmem:s2+$0x186A0];
	(xrf2) =	vadd.scan.msk.f32 $0xffff, v37  }
0xa9: {  	v43 =	vld [tilespmem:s2+$0x186B0];
	(xrf2) =	vadd.scan.msk.f32 $0xffff, v38  }
0xaa: {  	v44 =	vld [tilespmem:s2+$0x186C0];
	(xrf2) =	vadd.scan.msk.f32 $0xffff, v39  }
0xab: {  	v45 =	vld [tilespmem:s2+$0x186D0];
	(xrf2) =	vadd.scan.msk.f32 $0xffff, v40  }
0xac: {  	v46 =	vld [tilespmem:s2+$0x186E0];
	(xrf2) =	vadd.scan.msk.f32 $0xffff, v41  }
0xad: {  	v47 =	vld [tilespmem:s2+$0x186F0];
	v5, _, _ =	vpop (xrf2);
	(xrf2) =	vadd.scan.msk.f32 $0xffff, v42  }
0xae: {  	(v2sf) =	vpush v5, $0xF;
	v48, _, _ =	vpop (xrf2);
	(xrf2) =	vadd.scan.msk.f32 $0xffff, v43  }
0xaf: {  	(v2sf) =	vpush v48, $0xF;
	v49, _, _ =	vpop (xrf2);
	(xrf2) =	vadd.scan.msk.f32 $0xffff, v44  }
0xb0: {  	(v2sf) =	vpush v49, $0xF;
	v50, _, _ =	vpop (xrf2);
	(xrf2) =	vadd.scan.msk.f32 $0xffff, v45  }
0xb1: {  	(v2sf) =	vpush v50, $0xF;
	v51, _, _ =	vpop (xrf2);
	(xrf2) =	vadd.scan.msk.f32 $0xffff, v46  }
0xb2: {  	(v2sf) =	vpush v51, $0xF;
	v52, _, _ =	vpop (xrf2);
	(xrf2) =	vadd.scan.msk.f32 $0xffff, v47  }
0xb3: {  	v53, _, _ =	vpop (xrf2);
	(v2sf) =	vpush v52, $0xF  }
0xb4: {  	v54, _, _ =	vpop (xrf2);
	(v2sf) =	vpush v53, $0xF  }
0xb5: {  	v55, _, _ =	vpop (xrf2);
	(v2sf) =	vpush v54, $0xF  }
0xb6: {  	v56, _, _ =	vpop (xrf2);
	(v2sf) =	vpush v55, $0xF  }
0xb7: {  	v57, _, _ =	vpop (xrf2);
	(v2sf) =	vpush v56, $0xF  }
0xb8: {  	v58, _, _ =	vpop (xrf2);
	(v2sf) =	vpush v57, $0xF  }
0xb9: {  	v59, _, _ =	vpop (xrf2);
	(v2sf) =	vpush v58, $0xF  }
0xba: {  	v60, _, _ =	vpop (xrf2);
	(v2sf) =	vpush v59, $0xF  }
0xbb: {  	v61, _, _ =	vpop (xrf2);
	(v2sf) =	vpush v60, $0xF  }
0xbc: {  	(v2sf) =	vpush v61, $0xF;
	v62, _, _ =	vpop (xrf2)  }
0xbd: {  	s16 =	spop (v2sf);
	(v2sf) =	vpush v62, $0xF  }
0xbe: {  	s19 =	spop (v2sf)  }
0xbf: {  	s30 =	spop (v2sf)  }
0xc0: {  	s21 =	spop (v2sf)  }
0xc1: {  	s23 =	spop (v2sf)  }
0xc2: {  	s24 =	spop (v2sf)  }
0xc3: {  	s25 =	spop (v2sf)  }
0xc4: {  	s10 =	spop (v2sf)  }
0xc5: {  	s11 =	spop (v2sf)  }
0xc6: {  	s5 =	spop (v2sf)  }
0xc7: {  	s6 =	spop (v2sf)  }
0xc8: {  	s7 =	spop (v2sf)  }
0xc9: {  	s8 =	spop (v2sf)  }
0xca: {  	s9 =	spop (v2sf)  }
0xcb: {  	s14 =	spop (v2sf)  }
0xcc: {  	s15 =	spop (v2sf)  }
0xcd: {  	s15 =	ssub.f32 $1.200000000e+01, s15  }
0xce: {  	s2 =	ssub.f32 $1.200000000e+01, s16  }
0xcf: {  	s19 =	ssub.f32 $1.200000000e+01, s19;
	v63 =	vmov s15  }
0xd0: {  	s16 =	ssub.f32 $1.200000000e+01, s30;
	v0 =	vsel vm0, s2, v63  }
0xd1: {  	s21 =	ssub.f32 $1.200000000e+01, s21;
	v0 =	vsel vm1, s19, v0  }
0xd2: {  	s23 =	ssub.f32 $1.200000000e+01, s23;
	v0 =	vsel vm2, s16, v0  }
0xd3: {  	s24 =	ssub.f32 $1.200000000e+01, s24;
	v0 =	vsel vm3, s21, v0  }
0xd4: {  	s30 =	ssub.f32 $1.200000000e+01, s25;
	v0 =	vsel vm4, s23, v0  }
0xd5: {  	s10 =	ssub.f32 $1.200000000e+01, s10;
	v0 =	vsel vm5, s24, v0  }
0xd6: {  	s11 =	ssub.f32 $1.200000000e+01, s11;
	v0 =	vsel vm6, s30, v0  }
0xd7: {  	s16 =	ssub.f32 $1.200000000e+01, s5;
	v0 =	vsel vm7, s10, v0  }
0xd8: {  	s19 =	ssub.f32 $1.200000000e+01, s6;
	v0 =	vsel vm8, s11, v0  }
0xd9: {  	s21 =	ssub.f32 $1.200000000e+01, s7;
	v0 =	vsel vm9, s16, v0  }
0xda: {  	p1 =	por p0, p0;
	s23 =	ssub.f32 $1.200000000e+01, s8;
	v0 =	vsel vm10, s19, v0  }
.Ltmp1:
0xdb: {  	s24 =	ssub.f32 $1.200000000e+01, s9;
	v0 =	vsel vm11, s21, v0;
	(pc) =	sbr.rel @p1 .LBB2_4-.Ltmp1, $4  }
0xdc: {  	s25 =	ssub.f32 $1.200000000e+01, s14;
	v0 =	vsel vm12, s23, v0  }
0xdd: {  	s30 =	sshll.u32 s0, $0x4;
	v0 =	vsel vm13, s24, v0  }
0xde: {  	s0 =	sand.u32 $0x3FFFFFF0, s30;
	v0 =	vsel vm14, s25, v0  }
0xdf: {  	p0 =	por $0x0, $0x0;
	[tilespmem:s0+$0x18E00] =	vst v0;
	s0 =	simm.s32 $0x1  }
0xe0: {  	s0 =	simm.s32 $0x600;
	s2 =	simm.s32 $0xA0  }
0xe1: {  	[tilespmem:s0], [sflag:$0x1] =	stream.indirect.gather [hbm4b:s1+s17], $0x80, s2, s17, $0xb8;
	[tilespmem:$0x19000] =	vst v63  }
0xe2: {  	s19 =	simm.s32 $0x8600;
	s21 =	simm.s32 $0x2A0  }
0xe3: {  	[tilespmem:s19], [sflag:$0x1] =	stream.indirect.gather [hbm4b:s3+s17], $0x80, s21, s17, $0xb8;
	[tilespmem:$0x19000] =	vst v63  }
0xe4: {  	s23 =	simm.s32 $0x10600;
	s24 =	simm.s32 $0x4A0  }
0xe5: {  	[tilespmem:s23], [sflag:$0x1] =	stream.indirect.gather [hbm4b:s1+s17], $0x80, s24, s17, $0xb8;
	[tilespmem:$0x19000] =	vst v63  }
0xe6: {  	_ =	swait.ge [sflag:s26], $0x4000  }
0xe7: {  	[sflag:s26] =	ssyncset.done $0x0  }
0xe8: {  	[sflag:s26] =	ssyncadd.s32 $0xFFFFC000  }
0xe9: {  	_ =	swait.ge [sflag:s26], $0x4000  }
0xea: {  	[sflag:s26] =	ssyncset.done $0x0  }
0xeb: {  	[sflag:s26] =	ssyncadd.s32 $0xFFFFC000  }
0xec: {  	_ =	swait.ge [sflag:s26], $0x4000  }
0xed: {  	[sflag:s26] =	ssyncset.done $0x0  }
0xee: {  	s25 =	simm.s32 $0x0;
	[sflag:s26] =	ssyncadd.s32 $0xFFFFC000  }
0xef: {  	v0 =	vld [tilespmem:s25+$0x14660]  }
0xf0: {  	v1 =	vld [tilespmem:s25+$0x14650]  }
0xf1: {  	v2 =	vld [tilespmem:s25+$0x14640]  }
0xf2: {  	v3 =	vld [tilespmem:s25+$0x14630]  }
0xf3: {  	v4 =	vld [tilespmem:s25+$0x4630]  }
0xf4: {  	v5 =	vld [tilespmem:s25+$0x14600]  }
0xf5: {  	v6 =	vld [tilespmem:s25+$0x4620]  }
0xf6: {  	v7 =	vld [tilespmem:s25+$0xC600]  }
0xf7: {  	v8 =	vld [tilespmem:s25+$0x4600]  }
0xf8: {  	v9 =	vld [tilespmem:s25+$0x4610]  }
0xf9: {  	v10 =	vld [tilespmem:s25+$0xC610]  }
0xfa: {  	v11 =	vld [tilespmem:s25+$0xC620]  }
0xfb: {  	v12 =	vld [tilespmem:s25+$0x14610]  }
0xfc: {  	v13 =	vld [tilespmem:s25+$0xC630]  }
0xfd: {  	v14 =	vld [tilespmem:s25+$0x14620]  }
0xfe: {  	v7 =	vadd.f32 v7, v8;
	v8 =	vadd.f32 v10, v9;
	v9 =	vld [tilespmem:s25+$0x4640]  }
0xff: {  	v6 =	vadd.f32 v11, v6;
	v10 =	vld [tilespmem:s25+$0xC640]  }
0x100: {  	v11 =	vld [tilespmem:s25+$0xC650];
	v5 =	vsub.f32 v7, v5;
	v7 =	vsub.f32 v8, v12  }
0x101: {  	v4 =	vadd.f32 v13, v4;
	v8 =	vld [tilespmem:s25+$0x4650]  }
0x102: {  	v63 =	vld [tilespmem:s25+$0x4660];
	v6 =	vsub.f32 v6, v14;
	v5 =	vand.u32 $0x7FFFFFFF, v5;
	v7 =	vand.u32 $0x7FFFFFFF, v7  }
0x103: {  	v5 =	vadd.f32 v7, v5;
	v7 =	vld [tilespmem:s25+$0xC660]  }
0x104: {  	v3 =	vsub.f32 v4, v3;
	v6 =	vand.u32 $0x7FFFFFFF, v6;
	v4 =	vadd.f32 v10, v9;
	v9 =	vld [tilespmem:s25+$0x4670]  }
0x105: {  	v5 =	vadd.f32 v6, v5;
	v6 =	vld [tilespmem:s25+$0xC670]  }
0x106: {  	v3 =	vand.u32 $0x7FFFFFFF, v3;
	v2 =	vsub.f32 v4, v2;
	v4 =	vadd.f32 v11, v8  }
0x107: {  	v3 =	vadd.f32 v3, v5;
	v5 =	vld [tilespmem:s25+$0x14670]  }
0x108: {  	v2 =	vand.u32 $0x7FFFFFFF, v2;
	v1 =	vsub.f32 v4, v1;
	v4 =	vadd.f32 v7, v63  }
0x109: {  	v2 =	vadd.f32 v2, v3  }
0x10a: {  	v1 =	vand.u32 $0x7FFFFFFF, v1;
	v0 =	vsub.f32 v4, v0;
	v3 =	vadd.f32 v6, v9  }
0x10b: {  	v1 =	vadd.f32 v1, v2  }
0x10c: {  	v0 =	vand.u32 $0x7FFFFFFF, v0;
	v2 =	vsub.f32 v3, v5  }
0x10d: {  	v0 =	vadd.f32 v0, v1  }
0x10e: {  	v1 =	vand.u32 $0x7FFFFFFF, v2  }
0x10f: {  	v0 =	vadd.f32 v1, v0  }
0x110: {  	s0 =	simm.s32 $0x18600  }
0x111: {  	s2 =	simm.s32 $0x80;
	[tilespmem:s0+$0x0] =	vst v0  }
0x112: {  	v0 =	vld [tilespmem:s2+$0x14660]  }
0x113: {  	v1 =	vld [tilespmem:s2+$0x14650]  }
0x114: {  	v2 =	vld [tilespmem:s2+$0x14640]  }
0x115: {  	v3 =	vld [tilespmem:s2+$0x14630]  }
0x116: {  	v4 =	vld [tilespmem:s2+$0x4630]  }
0x117: {  	v5 =	vld [tilespmem:s2+$0x14600]  }
0x118: {  	v6 =	vld [tilespmem:s2+$0x4620]  }
0x119: {  	v7 =	vld [tilespmem:s2+$0xC600]  }
0x11a: {  	v8 =	vld [tilespmem:s2+$0x4600]  }
0x11b: {  	s30 =	simm.s32 $0x0;
	s19 =	simm.s32 $0x400;
	v9 =	vld [tilespmem:s2+$0x4610]  }
.LBB2_6:
0x11c: {  	p0 =	sne.s32 s19, $0xFE00;
	v10 =	vld [tilespmem:s2+$0xC610]  }
0x11d: {  	v11 =	vld [tilespmem:s2+$0xC620]  }
0x11e: {  	v12 =	vld [tilespmem:s2+$0x14610]  }
0x11f: {  	v13 =	vld [tilespmem:s2+$0xC630]  }
0x120: {  	v14 =	vld [tilespmem:s2+$0x14620]  }
0x121: {  	v7 =	vadd.f32 v7, v8;
	v8 =	vadd.f32 v10, v9;
	v9 =	vld [tilespmem:s2+$0x4640]  }
0x122: {  	v6 =	vadd.f32 v11, v6;
	v10 =	vld [tilespmem:s2+$0xC640]  }
0x123: {  	v5 =	vsub.f32 v7, v5;
	v7 =	vsub.f32 v8, v12;
	v8 =	vld [tilespmem:s2+$0x4650]  }
0x124: {  	v4 =	vadd.f32 v13, v4;
	v11 =	vld [tilespmem:s2+$0xC650]  }
0x125: {  	v5 =	vand.u32 $0x7FFFFFFF, v5;
	v7 =	vand.u32 $0x7FFFFFFF, v7;
	v6 =	vsub.f32 v6, v14;
	v12 =	vld [tilespmem:s2+$0x4660]  }
0x126: {  	v5 =	vadd.f32 v7, v5;
	v7 =	vld [tilespmem:s2+$0xC660]  }
0x127: {  	v3 =	vsub.f32 v4, v3;
	v6 =	vand.u32 $0x7FFFFFFF, v6;
	v4 =	vadd.f32 v10, v9;
	v9 =	vld [tilespmem:s2+$0x4670]  }
0x128: {  	v5 =	vadd.f32 v6, v5;
	v6 =	vld [tilespmem:s2+$0xC670]  }
0x129: {  	v3 =	vand.u32 $0x7FFFFFFF, v3;
	v2 =	vsub.f32 v4, v2;
	v4 =	vadd.f32 v11, v8  }
0x12a: {  	v3 =	vadd.f32 v3, v5;
	v5 =	vld [tilespmem:s2+$0x14670]  }
0x12b: {  	v2 =	vand.u32 $0x7FFFFFFF, v2;
	v1 =	vsub.f32 v4, v1;
	v4 =	vadd.f32 v7, v12  }
0x12c: {  	v2 =	vadd.f32 v2, v3  }
0x12d: {  	v1 =	vand.u32 $0x7FFFFFFF, v1;
	v0 =	vsub.f32 v4, v0;
	v3 =	vadd.f32 v6, v9  }
0x12e: {  	v1 =	vadd.f32 v1, v2  }
0x12f: {  	v0 =	vand.u32 $0x7FFFFFFF, v0;
	v2 =	vsub.f32 v3, v5  }
0x130: {  	v0 =	vadd.f32 v0, v1  }
0x131: {  	v1 =	vand.u32 $0x7FFFFFFF, v2  }
0x132: {  	v0 =	vadd.f32 v1, v0  }
0x133: {  	s0 =	sadd.s32 $0x10, s0  }
0x134: {  	s2 =	sshra.s32 s19, $0x2;
	[tilespmem:s0+$0x0] =	vst v0  }
0x135: {  	v0 =	vld [tilespmem:s2+$0x14660]  }
0x136: {  	v1 =	vld [tilespmem:s2+$0x14650]  }
0x137: {  	v2 =	vld [tilespmem:s2+$0x14640]  }
0x138: {  	v3 =	vld [tilespmem:s2+$0x14630]  }
0x139: {  	v4 =	vld [tilespmem:s2+$0x4630]  }
.Ltmp2:
0x13a: {  	v5 =	vld [tilespmem:s2+$0x14600];
	(pc) =	sbr.rel @p0 .LBB2_6-.Ltmp2, $4  }
0x13b: {  	v6 =	vld [tilespmem:s2+$0x4620]  }
0x13c: {  	v7 =	vld [tilespmem:s2+$0xC600]  }
0x13d: {  	v8 =	vld [tilespmem:s2+$0x4600]  }
0x13e: {  	s19 =	sadd.s32 $0x200, s19;
	v9 =	vld [tilespmem:s2+$0x4610]  }
0x13f: {  	v10 =	vld [tilespmem:s2+$0xC610]  }
0x140: {  	v11 =	vld [tilespmem:s2+$0xC620]  }
0x141: {  	v12 =	vld [tilespmem:s2+$0x14610]  }
0x142: {  	v13 =	vld [tilespmem:s2+$0xC630]  }
0x143: {  	v14 =	vld [tilespmem:s2+$0x14620]  }
0x144: {  	v48 =	vld [tilespmem:s2+$0x4640];
	v7 =	vadd.f32 v7, v8;
	v47 =	vadd.f32 v10, v9  }
0x145: {  	v49 =	vld [tilespmem:s2+$0xC640];
	v6 =	vadd.f32 v11, v6  }
0x146: {  	v51 =	vld [tilespmem:s2+$0x4650];
	v5 =	vsub.f32 v7, v5;
	v50 =	vsub.f32 v47, v12  }
0x147: {  	v52 =	vld [tilespmem:s2+$0xC650];
	v4 =	vadd.f32 v13, v4  }
0x148: {  	v53 =	vld [tilespmem:s2+$0x4660];
	v5 =	vand.u32 $0x7FFFFFFF, v5;
	v6 =	vsub.f32 v6, v14;
	v7 =	vand.u32 $0x7FFFFFFF, v50  }
0x149: {  	v54 =	vld [tilespmem:s2+$0xC660];
	v5 =	vadd.f32 v7, v5  }
0x14a: {  	v56 =	vld [tilespmem:s2+$0x4670];
	v55 =	vadd.f32 v49, v48;
	v3 =	vsub.f32 v4, v3;
	v6 =	vand.u32 $0x7FFFFFFF, v6  }
0x14b: {  	v57 =	vld [tilespmem:s2+$0xC670];
	v5 =	vadd.f32 v6, v5  }
0x14c: {  	v58 =	vadd.f32 v52, v51;
	v2 =	vsub.f32 v55, v2;
	v3 =	vand.u32 $0x7FFFFFFF, v3  }
0x14d: {  	v59 =	vld [tilespmem:s2+$0x14670];
	v3 =	vadd.f32 v3, v5  }
0x14e: {  	v60 =	vadd.f32 v54, v53;
	v1 =	vsub.f32 v58, v1;
	v2 =	vand.u32 $0x7FFFFFFF, v2  }
0x14f: {  	v2 =	vadd.f32 v2, v3  }
0x150: {  	v61 =	vadd.f32 v57, v56;
	v0 =	vsub.f32 v60, v0;
	v1 =	vand.u32 $0x7FFFFFFF, v1  }
0x151: {  	v1 =	vadd.f32 v1, v2  }
0x152: {  	v62 =	vsub.f32 v61, v59;
	v0 =	vand.u32 $0x7FFFFFFF, v0  }
0x153: {  	v0 =	vadd.f32 v0, v1  }
0x154: {  	v63 =	vand.u32 $0x7FFFFFFF, v62  }
0x155: {  	v0 =	vadd.f32 v63, v0  }
0x156: {  	s0 =	sadd.s32 $0x10, s0  }
0x157: {  	[tilespmem:s0+$0x0] =	vst v0;
	s0 =	simm.s32 $0x18680  }
.LBB2_8:
0x158: {  	v0 =	vld [tilespmem:s0+$0xFFFFFF80]  }
0x159: {  	v1 =	vld [tilespmem:s0+$0xFFFFFF90]  }
0x15a: {  	v2 =	vld [tilespmem:s0+$0xFFFFFFA0]  }
0x15b: {  	v3 =	vld [tilespmem:s0+$0xFFFFFFB0]  }
0x15c: {  	v4 =	vld [tilespmem:s0+$0xFFFFFFC0]  }
0x15d: {  	v37 =	vld [tilespmem:s0+$0xFFFFFFD0];
	(xrf2) =	vadd.scan.msk.f32 $0xffff, v0  }
0x15e: {  	v38 =	vld [tilespmem:s0+$0xFFFFFFE0];
	(xrf2) =	vadd.scan.msk.f32 $0xffff, v1  }
0x15f: {  	v39 =	vld [tilespmem:s0+$0xFFFFFFF0];
	(xrf2) =	vadd.scan.msk.f32 $0xffff, v2  }
0x160: {  	v40 =	vld [tilespmem:s0+$0x0];
	(xrf2) =	vadd.scan.msk.f32 $0xffff, v3  }
0x161: {  	v41 =	vld [tilespmem:s0+$0x10];
	(xrf2) =	vadd.scan.msk.f32 $0xffff, v4  }
0x162: {  	v42 =	vld [tilespmem:s0+$0x20];
	(xrf2) =	vadd.scan.msk.f32 $0xffff, v37  }
0x163: {  	v43 =	vld [tilespmem:s0+$0x30];
	(xrf2) =	vadd.scan.msk.f32 $0xffff, v38  }
0x164: {  	v44 =	vld [tilespmem:s0+$0x40];
	(xrf2) =	vadd.scan.msk.f32 $0xffff, v39  }
0x165: {  	v45 =	vld [tilespmem:s0+$0x50];
	(xrf2) =	vadd.scan.msk.f32 $0xffff, v40  }
0x166: {  	v46 =	vld [tilespmem:s0+$0x60];
	(xrf2) =	vadd.scan.msk.f32 $0xffff, v41  }
0x167: {  	v47 =	vld [tilespmem:s0+$0x70];
	v5, _, _ =	vpop (xrf2);
	(xrf2) =	vadd.scan.msk.f32 $0xffff, v42  }
0x168: {  	(v2sf) =	vpush v5, $0xF;
	v48, _, _ =	vpop (xrf2);
	(xrf2) =	vadd.scan.msk.f32 $0xffff, v43  }
0x169: {  	(v2sf) =	vpush v48, $0xF;
	v49, _, _ =	vpop (xrf2);
	(xrf2) =	vadd.scan.msk.f32 $0xffff, v44  }
0x16a: {  	(v2sf) =	vpush v49, $0xF;
	v50, _, _ =	vpop (xrf2);
	(xrf2) =	vadd.scan.msk.f32 $0xffff, v45  }
0x16b: {  	(v2sf) =	vpush v50, $0xF;
	v51, _, _ =	vpop (xrf2);
	(xrf2) =	vadd.scan.msk.f32 $0xffff, v46  }
0x16c: {  	(v2sf) =	vpush v51, $0xF;
	v52, _, _ =	vpop (xrf2);
	(xrf2) =	vadd.scan.msk.f32 $0xffff, v47  }
0x16d: {  	v53, _, _ =	vpop (xrf2);
	(v2sf) =	vpush v52, $0xF  }
0x16e: {  	v54, _, _ =	vpop (xrf2);
	(v2sf) =	vpush v53, $0xF  }
0x16f: {  	v55, _, _ =	vpop (xrf2);
	(v2sf) =	vpush v54, $0xF  }
0x170: {  	v56, _, _ =	vpop (xrf2);
	(v2sf) =	vpush v55, $0xF  }
0x171: {  	v57, _, _ =	vpop (xrf2);
	(v2sf) =	vpush v56, $0xF  }
0x172: {  	v58, _, _ =	vpop (xrf2);
	(v2sf) =	vpush v57, $0xF  }
0x173: {  	v59, _, _ =	vpop (xrf2);
	(v2sf) =	vpush v58, $0xF  }
0x174: {  	v60, _, _ =	vpop (xrf2);
	(v2sf) =	vpush v59, $0xF  }
0x175: {  	v61, _, _ =	vpop (xrf2);
	(v2sf) =	vpush v60, $0xF  }
0x176: {  	(v2sf) =	vpush v61, $0xF;
	v62, _, _ =	vpop (xrf2)  }
0x177: {  	s2 =	spop (v2sf);
	(v2sf) =	vpush v62, $0xF  }
0x178: {  	s5 =	spop (v2sf)  }
0x179: {  	s6 =	spop (v2sf)  }
0x17a: {  	s7 =	spop (v2sf)  }
0x17b: {  	s8 =	spop (v2sf)  }
0x17c: {  	s9 =	spop (v2sf)  }
0x17d: {  	s10 =	spop (v2sf)  }
0x17e: {  	s11 =	spop (v2sf)  }
0x17f: {  	s14 =	spop (v2sf)  }
0x180: {  	s15 =	spop (v2sf)  }
0x181: {  	s19 =	spop (v2sf)  }
0x182: {  	s21 =	spop (v2sf)  }
0x183: {  	s23 =	spop (v2sf)  }
0x184: {  	s24 =	spop (v2sf)  }
0x185: {  	s25 =	spop (v2sf)  }
0x186: {  	s16 =	spop (v2sf)  }
0x187: {  	s16 =	ssub.f32 $1.200000000e+01, s16  }
0x188: {  	s2 =	ssub.f32 $1.200000000e+01, s2  }
0x189: {  	s5 =	ssub.f32 $1.200000000e+01, s5;
	v63 =	vmov s16  }
0x18a: {  	s6 =	ssub.f32 $1.200000000e+01, s6;
	v0 =	vsel vm0, s2, v63  }
0x18b: {  	s7 =	ssub.f32 $1.200000000e+01, s7;
	v0 =	vsel vm1, s5, v0  }
0x18c: {  	s8 =	ssub.f32 $1.200000000e+01, s8;
	v0 =	vsel vm2, s6, v0  }
0x18d: {  	s9 =	ssub.f32 $1.200000000e+01, s9;
	v0 =	vsel vm3, s7, v0  }
0x18e: {  	s10 =	ssub.f32 $1.200000000e+01, s10;
	v0 =	vsel vm4, s8, v0  }
0x18f: {  	s11 =	ssub.f32 $1.200000000e+01, s11;
	v0 =	vsel vm5, s9, v0  }
0x190: {  	s14 =	ssub.f32 $1.200000000e+01, s14;
	v0 =	vsel vm6, s10, v0  }
0x191: {  	s15 =	ssub.f32 $1.200000000e+01, s15;
	v0 =	vsel vm7, s11, v0  }
0x192: {  	s16 =	ssub.f32 $1.200000000e+01, s19;
	v0 =	vsel vm8, s14, v0  }
0x193: {  	s19 =	ssub.f32 $1.200000000e+01, s21;
	v0 =	vsel vm9, s15, v0  }
0x194: {  	p0 =	sne.s32 s30, $0x1C0;
	s21 =	ssub.f32 $1.200000000e+01, s23;
	v0 =	vsel vm10, s16, v0  }
.Ltmp3:
0x195: {  	s23 =	ssub.f32 $1.200000000e+01, s24;
	v0 =	vsel vm11, s19, v0;
	(pc) =	sbr.rel @p0 .LBB2_8-.Ltmp3, $4  }
0x196: {  	s24 =	ssub.f32 $1.200000000e+01, s25;
	v0 =	vsel vm12, s21, v0  }
0x197: {  	v0 =	vsel vm13, s23, v0  }
0x198: {  	s25 =	sshra.s32 s30, $0x2;
	v0 =	vsel vm14, s24, v0  }
0x199: {  	s0 =	sadd.s32 $0x100, s0;
	s30 =	sadd.s32 $0x40, s30;
	[tilespmem:s25+$0x18E20] =	vst v0  }
0x19a: {  	s0 =	simm.s32 $0x120  }
0x19b: {  	[tilespmem:s18], [sflag:$0x2] =	stream.indirect.gather [hbm4b:s1+s17], $0x80, s0, s17, $0xb8;
	[tilespmem:$0x19000] =	vst v63  }
0x19c: {  	s23 =	simm.s32 $0x320  }
0x19d: {  	[tilespmem:s20], [sflag:$0x2] =	stream.indirect.gather [hbm4b:s3+s17], $0x80, s23, s17, $0xb8;
	[tilespmem:$0x19000] =	vst v63  }
0x19e: {  	s24 =	simm.s32 $0x520  }
0x19f: {  	[tilespmem:s22], [sflag:$0x2] =	stream.indirect.gather [hbm4b:s1+s17], $0x80, s24, s17, $0xb8;
	[tilespmem:$0x19000] =	vst v63  }
0x1a0: {  	_ =	swait.ge [sflag:s12], $0x4000  }
0x1a1: {  	[sflag:s12] =	ssyncset.done $0x0  }
0x1a2: {  	[sflag:s12] =	ssyncadd.s32 $0xFFFFC000  }
0x1a3: {  	_ =	swait.ge [sflag:s12], $0x4000  }
0x1a4: {  	[sflag:s12] =	ssyncset.done $0x0  }
0x1a5: {  	[sflag:s12] =	ssyncadd.s32 $0xFFFFC000  }
0x1a6: {  	_ =	swait.ge [sflag:s12], $0x4000  }
0x1a7: {  	[sflag:s12] =	ssyncset.done $0x0  }
0x1a8: {  	s25 =	simm.s32 $0x0;
	[sflag:s12] =	ssyncadd.s32 $0xFFFFC000  }
0x1a9: {  	v0 =	vld [tilespmem:s25+$0x10660]  }
0x1aa: {  	v1 =	vld [tilespmem:s25+$0x10650]  }
0x1ab: {  	v2 =	vld [tilespmem:s25+$0x10640]  }
0x1ac: {  	v3 =	vld [tilespmem:s25+$0x10630]  }
0x1ad: {  	v4 =	vld [tilespmem:s25+$0x630]  }
0x1ae: {  	v5 =	vld [tilespmem:s25+$0x10600]  }
0x1af: {  	v6 =	vld [tilespmem:s25+$0x620]  }
0x1b0: {  	v7 =	vld [tilespmem:s25+$0x8600]  }
0x1b1: {  	v8 =	vld [tilespmem:s25+$0x600]  }
0x1b2: {  	v9 =	vld [tilespmem:s25+$0x610]  }
0x1b3: {  	v10 =	vld [tilespmem:s25+$0x8610]  }
0x1b4: {  	v11 =	vld [tilespmem:s25+$0x8620]  }
0x1b5: {  	v12 =	vld [tilespmem:s25+$0x10610]  }
0x1b6: {  	v13 =	vld [tilespmem:s25+$0x8630]  }
0x1b7: {  	v14 =	vld [tilespmem:s25+$0x10620]  }
0x1b8: {  	v7 =	vadd.f32 v7, v8;
	v8 =	vadd.f32 v10, v9;
	v9 =	vld [tilespmem:s25+$0x640]  }
0x1b9: {  	v6 =	vadd.f32 v11, v6;
	v10 =	vld [tilespmem:s25+$0x8640]  }
0x1ba: {  	v11 =	vld [tilespmem:s25+$0x8650];
	v5 =	vsub.f32 v7, v5;
	v7 =	vsub.f32 v8, v12  }
0x1bb: {  	v4 =	vadd.f32 v13, v4;
	v8 =	vld [tilespmem:s25+$0x650]  }
0x1bc: {  	v63 =	vld [tilespmem:s25+$0x660];
	v6 =	vsub.f32 v6, v14;
	v5 =	vand.u32 $0x7FFFFFFF, v5;
	v7 =	vand.u32 $0x7FFFFFFF, v7  }
0x1bd: {  	v5 =	vadd.f32 v7, v5;
	v7 =	vld [tilespmem:s25+$0x8660]  }
0x1be: {  	v3 =	vsub.f32 v4, v3;
	v6 =	vand.u32 $0x7FFFFFFF, v6;
	v4 =	vadd.f32 v10, v9;
	v9 =	vld [tilespmem:s25+$0x670]  }
0x1bf: {  	v5 =	vadd.f32 v6, v5;
	v6 =	vld [tilespmem:s25+$0x8670]  }
0x1c0: {  	v3 =	vand.u32 $0x7FFFFFFF, v3;
	v2 =	vsub.f32 v4, v2;
	v4 =	vadd.f32 v11, v8  }
0x1c1: {  	v3 =	vadd.f32 v3, v5;
	v5 =	vld [tilespmem:s25+$0x10670]  }
0x1c2: {  	v2 =	vand.u32 $0x7FFFFFFF, v2;
	v1 =	vsub.f32 v4, v1;
	v4 =	vadd.f32 v7, v63  }
0x1c3: {  	v2 =	vadd.f32 v2, v3  }
0x1c4: {  	v1 =	vand.u32 $0x7FFFFFFF, v1;
	v0 =	vsub.f32 v4, v0;
	v3 =	vadd.f32 v6, v9  }
0x1c5: {  	v1 =	vadd.f32 v1, v2  }
0x1c6: {  	v0 =	vand.u32 $0x7FFFFFFF, v0;
	v2 =	vsub.f32 v3, v5  }
0x1c7: {  	v0 =	vadd.f32 v0, v1  }
0x1c8: {  	v1 =	vand.u32 $0x7FFFFFFF, v2  }
0x1c9: {  	v0 =	vadd.f32 v1, v0  }
0x1ca: {  	s0 =	simm.s32 $0x18600  }
0x1cb: {  	s2 =	simm.s32 $0x80;
	[tilespmem:s0+$0x0] =	vst v0  }
0x1cc: {  	v0 =	vld [tilespmem:s2+$0x10660]  }
0x1cd: {  	v1 =	vld [tilespmem:s2+$0x10650]  }
0x1ce: {  	v2 =	vld [tilespmem:s2+$0x10640]  }
0x1cf: {  	v3 =	vld [tilespmem:s2+$0x10630]  }
0x1d0: {  	v4 =	vld [tilespmem:s2+$0x630]  }
0x1d1: {  	v5 =	vld [tilespmem:s2+$0x10600]  }
0x1d2: {  	v6 =	vld [tilespmem:s2+$0x620]  }
0x1d3: {  	v7 =	vld [tilespmem:s2+$0x8600]  }
0x1d4: {  	v8 =	vld [tilespmem:s2+$0x600]  }
0x1d5: {  	s30 =	simm.s32 $0x0;
	s19 =	simm.s32 $0x400;
	v9 =	vld [tilespmem:s2+$0x610]  }
.LBB2_10:
0x1d6: {  	p0 =	sne.s32 s19, $0xFE00;
	v10 =	vld [tilespmem:s2+$0x8610]  }
0x1d7: {  	v11 =	vld [tilespmem:s2+$0x8620]  }
0x1d8: {  	v12 =	vld [tilespmem:s2+$0x10610]  }
0x1d9: {  	v13 =	vld [tilespmem:s2+$0x8630]  }
0x1da: {  	v14 =	vld [tilespmem:s2+$0x10620]  }
0x1db: {  	v7 =	vadd.f32 v7, v8;
	v8 =	vadd.f32 v10, v9;
	v9 =	vld [tilespmem:s2+$0x640]  }
0x1dc: {  	v6 =	vadd.f32 v11, v6;
	v10 =	vld [tilespmem:s2+$0x8640]  }
0x1dd: {  	v5 =	vsub.f32 v7, v5;
	v7 =	vsub.f32 v8, v12;
	v8 =	vld [tilespmem:s2+$0x650]  }
0x1de: {  	v4 =	vadd.f32 v13, v4;
	v11 =	vld [tilespmem:s2+$0x8650]  }
0x1df: {  	v5 =	vand.u32 $0x7FFFFFFF, v5;
	v7 =	vand.u32 $0x7FFFFFFF, v7;
	v6 =	vsub.f32 v6, v14;
	v12 =	vld [tilespmem:s2+$0x660]  }
0x1e0: {  	v5 =	vadd.f32 v7, v5;
	v7 =	vld [tilespmem:s2+$0x8660]  }
0x1e1: {  	v3 =	vsub.f32 v4, v3;
	v6 =	vand.u32 $0x7FFFFFFF, v6;
	v4 =	vadd.f32 v10, v9;
	v9 =	vld [tilespmem:s2+$0x670]  }
0x1e2: {  	v5 =	vadd.f32 v6, v5;
	v6 =	vld [tilespmem:s2+$0x8670]  }
0x1e3: {  	v3 =	vand.u32 $0x7FFFFFFF, v3;
	v2 =	vsub.f32 v4, v2;
	v4 =	vadd.f32 v11, v8  }
0x1e4: {  	v3 =	vadd.f32 v3, v5;
	v5 =	vld [tilespmem:s2+$0x10670]  }
0x1e5: {  	v2 =	vand.u32 $0x7FFFFFFF, v2;
	v1 =	vsub.f32 v4, v1;
	v4 =	vadd.f32 v7, v12  }
0x1e6: {  	v2 =	vadd.f32 v2, v3  }
0x1e7: {  	v1 =	vand.u32 $0x7FFFFFFF, v1;
	v0 =	vsub.f32 v4, v0;
	v3 =	vadd.f32 v6, v9  }
0x1e8: {  	v1 =	vadd.f32 v1, v2  }
0x1e9: {  	v0 =	vand.u32 $0x7FFFFFFF, v0;
	v2 =	vsub.f32 v3, v5  }
0x1ea: {  	v0 =	vadd.f32 v0, v1  }
0x1eb: {  	v1 =	vand.u32 $0x7FFFFFFF, v2  }
0x1ec: {  	v0 =	vadd.f32 v1, v0  }
0x1ed: {  	s0 =	sadd.s32 $0x10, s0  }
0x1ee: {  	s2 =	sshra.s32 s19, $0x2;
	[tilespmem:s0+$0x0] =	vst v0  }
0x1ef: {  	v0 =	vld [tilespmem:s2+$0x10660]  }
0x1f0: {  	v1 =	vld [tilespmem:s2+$0x10650]  }
0x1f1: {  	v2 =	vld [tilespmem:s2+$0x10640]  }
0x1f2: {  	v3 =	vld [tilespmem:s2+$0x10630]  }
0x1f3: {  	v4 =	vld [tilespmem:s2+$0x630]  }
.Ltmp4:
0x1f4: {  	v5 =	vld [tilespmem:s2+$0x10600];
	(pc) =	sbr.rel @p0 .LBB2_10-.Ltmp4, $4  }
0x1f5: {  	v6 =	vld [tilespmem:s2+$0x620]  }
0x1f6: {  	v7 =	vld [tilespmem:s2+$0x8600]  }
0x1f7: {  	v8 =	vld [tilespmem:s2+$0x600]  }
0x1f8: {  	s19 =	sadd.s32 $0x200, s19;
	v9 =	vld [tilespmem:s2+$0x610]  }
0x1f9: {  	v10 =	vld [tilespmem:s2+$0x8610]  }
0x1fa: {  	v11 =	vld [tilespmem:s2+$0x8620]  }
0x1fb: {  	v12 =	vld [tilespmem:s2+$0x10610]  }
0x1fc: {  	v13 =	vld [tilespmem:s2+$0x8630]  }
0x1fd: {  	v14 =	vld [tilespmem:s2+$0x10620]  }
0x1fe: {  	v48 =	vld [tilespmem:s2+$0x640];
	v7 =	vadd.f32 v7, v8;
	v47 =	vadd.f32 v10, v9  }
0x1ff: {  	v49 =	vld [tilespmem:s2+$0x8640];
	v6 =	vadd.f32 v11, v6  }
0x200: {  	v51 =	vld [tilespmem:s2+$0x650];
	v5 =	vsub.f32 v7, v5;
	v50 =	vsub.f32 v47, v12  }
0x201: {  	v52 =	vld [tilespmem:s2+$0x8650];
	v4 =	vadd.f32 v13, v4  }
0x202: {  	v53 =	vld [tilespmem:s2+$0x660];
	v5 =	vand.u32 $0x7FFFFFFF, v5;
	v6 =	vsub.f32 v6, v14;
	v7 =	vand.u32 $0x7FFFFFFF, v50  }
0x203: {  	v54 =	vld [tilespmem:s2+$0x8660];
	v5 =	vadd.f32 v7, v5  }
0x204: {  	v56 =	vld [tilespmem:s2+$0x670];
	v55 =	vadd.f32 v49, v48;
	v3 =	vsub.f32 v4, v3;
	v6 =	vand.u32 $0x7FFFFFFF, v6  }
0x205: {  	v57 =	vld [tilespmem:s2+$0x8670];
	v5 =	vadd.f32 v6, v5  }
0x206: {  	v58 =	vadd.f32 v52, v51;
	v2 =	vsub.f32 v55, v2;
	v3 =	vand.u32 $0x7FFFFFFF, v3  }
0x207: {  	v59 =	vld [tilespmem:s2+$0x10670];
	v3 =	vadd.f32 v3, v5  }
0x208: {  	v60 =	vadd.f32 v54, v53;
	v1 =	vsub.f32 v58, v1;
	v2 =	vand.u32 $0x7FFFFFFF, v2  }
0x209: {  	v2 =	vadd.f32 v2, v3  }
0x20a: {  	v61 =	vadd.f32 v57, v56;
	v0 =	vsub.f32 v60, v0;
	v1 =	vand.u32 $0x7FFFFFFF, v1  }
0x20b: {  	v1 =	vadd.f32 v1, v2  }
0x20c: {  	v62 =	vsub.f32 v61, v59;
	v0 =	vand.u32 $0x7FFFFFFF, v0  }
0x20d: {  	v0 =	vadd.f32 v0, v1  }
0x20e: {  	v63 =	vand.u32 $0x7FFFFFFF, v62  }
0x20f: {  	v0 =	vadd.f32 v63, v0  }
0x210: {  	s0 =	sadd.s32 $0x10, s0  }
0x211: {  	[tilespmem:s0+$0x0] =	vst v0;
	s0 =	simm.s32 $0x18680  }
.LBB2_12:
0x212: {  	v0 =	vld [tilespmem:s0+$0xFFFFFF80]  }
0x213: {  	v1 =	vld [tilespmem:s0+$0xFFFFFF90]  }
0x214: {  	v2 =	vld [tilespmem:s0+$0xFFFFFFA0]  }
0x215: {  	v3 =	vld [tilespmem:s0+$0xFFFFFFB0]  }
0x216: {  	v4 =	vld [tilespmem:s0+$0xFFFFFFC0]  }
0x217: {  	v37 =	vld [tilespmem:s0+$0xFFFFFFD0];
	(xrf2) =	vadd.scan.msk.f32 $0xffff, v0  }
0x218: {  	v38 =	vld [tilespmem:s0+$0xFFFFFFE0];
	(xrf2) =	vadd.scan.msk.f32 $0xffff, v1  }
0x219: {  	v39 =	vld [tilespmem:s0+$0xFFFFFFF0];
	(xrf2) =	vadd.scan.msk.f32 $0xffff, v2  }
0x21a: {  	v40 =	vld [tilespmem:s0+$0x0];
	(xrf2) =	vadd.scan.msk.f32 $0xffff, v3  }
0x21b: {  	v41 =	vld [tilespmem:s0+$0x10];
	(xrf2) =	vadd.scan.msk.f32 $0xffff, v4  }
0x21c: {  	v42 =	vld [tilespmem:s0+$0x20];
	(xrf2) =	vadd.scan.msk.f32 $0xffff, v37  }
0x21d: {  	v43 =	vld [tilespmem:s0+$0x30];
	(xrf2) =	vadd.scan.msk.f32 $0xffff, v38  }
0x21e: {  	v44 =	vld [tilespmem:s0+$0x40];
	(xrf2) =	vadd.scan.msk.f32 $0xffff, v39  }
0x21f: {  	v45 =	vld [tilespmem:s0+$0x50];
	(xrf2) =	vadd.scan.msk.f32 $0xffff, v40  }
0x220: {  	v46 =	vld [tilespmem:s0+$0x60];
	(xrf2) =	vadd.scan.msk.f32 $0xffff, v41  }
0x221: {  	v47 =	vld [tilespmem:s0+$0x70];
	v5, _, _ =	vpop (xrf2);
	(xrf2) =	vadd.scan.msk.f32 $0xffff, v42  }
0x222: {  	(v2sf) =	vpush v5, $0xF;
	v48, _, _ =	vpop (xrf2);
	(xrf2) =	vadd.scan.msk.f32 $0xffff, v43  }
0x223: {  	(v2sf) =	vpush v48, $0xF;
	v49, _, _ =	vpop (xrf2);
	(xrf2) =	vadd.scan.msk.f32 $0xffff, v44  }
0x224: {  	(v2sf) =	vpush v49, $0xF;
	v50, _, _ =	vpop (xrf2);
	(xrf2) =	vadd.scan.msk.f32 $0xffff, v45  }
0x225: {  	(v2sf) =	vpush v50, $0xF;
	v51, _, _ =	vpop (xrf2);
	(xrf2) =	vadd.scan.msk.f32 $0xffff, v46  }
0x226: {  	(v2sf) =	vpush v51, $0xF;
	v52, _, _ =	vpop (xrf2);
	(xrf2) =	vadd.scan.msk.f32 $0xffff, v47  }
0x227: {  	v53, _, _ =	vpop (xrf2);
	(v2sf) =	vpush v52, $0xF  }
0x228: {  	v54, _, _ =	vpop (xrf2);
	(v2sf) =	vpush v53, $0xF  }
0x229: {  	v55, _, _ =	vpop (xrf2);
	(v2sf) =	vpush v54, $0xF  }
0x22a: {  	v56, _, _ =	vpop (xrf2);
	(v2sf) =	vpush v55, $0xF  }
0x22b: {  	v57, _, _ =	vpop (xrf2);
	(v2sf) =	vpush v56, $0xF  }
0x22c: {  	v58, _, _ =	vpop (xrf2);
	(v2sf) =	vpush v57, $0xF  }
0x22d: {  	v59, _, _ =	vpop (xrf2);
	(v2sf) =	vpush v58, $0xF  }
0x22e: {  	v60, _, _ =	vpop (xrf2);
	(v2sf) =	vpush v59, $0xF  }
0x22f: {  	v61, _, _ =	vpop (xrf2);
	(v2sf) =	vpush v60, $0xF  }
0x230: {  	(v2sf) =	vpush v61, $0xF;
	v62, _, _ =	vpop (xrf2)  }
0x231: {  	s2 =	spop (v2sf);
	(v2sf) =	vpush v62, $0xF  }
0x232: {  	s5 =	spop (v2sf)  }
0x233: {  	s6 =	spop (v2sf)  }
0x234: {  	s7 =	spop (v2sf)  }
0x235: {  	s8 =	spop (v2sf)  }
0x236: {  	s9 =	spop (v2sf)  }
0x237: {  	s10 =	spop (v2sf)  }
0x238: {  	s11 =	spop (v2sf)  }
0x239: {  	s14 =	spop (v2sf)  }
0x23a: {  	s15 =	spop (v2sf)  }
0x23b: {  	s16 =	spop (v2sf)  }
0x23c: {  	s19 =	spop (v2sf)  }
0x23d: {  	s21 =	spop (v2sf)  }
0x23e: {  	s23 =	spop (v2sf)  }
0x23f: {  	s24 =	spop (v2sf)  }
0x240: {  	s25 =	spop (v2sf)  }
0x241: {  	s25 =	ssub.f32 $1.200000000e+01, s25  }
0x242: {  	s2 =	ssub.f32 $1.200000000e+01, s2  }
0x243: {  	s5 =	ssub.f32 $1.200000000e+01, s5;
	v63 =	vmov s25  }
0x244: {  	s6 =	ssub.f32 $1.200000000e+01, s6;
	v0 =	vsel vm0, s2, v63  }
0x245: {  	s7 =	ssub.f32 $1.200000000e+01, s7;
	v0 =	vsel vm1, s5, v0  }
0x246: {  	s8 =	ssub.f32 $1.200000000e+01, s8;
	v0 =	vsel vm2, s6, v0  }
0x247: {  	s9 =	ssub.f32 $1.200000000e+01, s9;
	v0 =	vsel vm3, s7, v0  }
0x248: {  	s10 =	ssub.f32 $1.200000000e+01, s10;
	v0 =	vsel vm4, s8, v0  }
0x249: {  	s11 =	ssub.f32 $1.200000000e+01, s11;
	v0 =	vsel vm5, s9, v0  }
0x24a: {  	s14 =	ssub.f32 $1.200000000e+01, s14;
	v0 =	vsel vm6, s10, v0  }
0x24b: {  	s15 =	ssub.f32 $1.200000000e+01, s15;
	v0 =	vsel vm7, s11, v0  }
0x24c: {  	s16 =	ssub.f32 $1.200000000e+01, s16;
	v0 =	vsel vm8, s14, v0  }
0x24d: {  	s19 =	ssub.f32 $1.200000000e+01, s19;
	v0 =	vsel vm9, s15, v0  }
0x24e: {  	p0 =	sne.s32 s30, $0x1C0;
	s21 =	ssub.f32 $1.200000000e+01, s21;
	v0 =	vsel vm10, s16, v0  }
.Ltmp5:
0x24f: {  	s23 =	ssub.f32 $1.200000000e+01, s23;
	v0 =	vsel vm11, s19, v0;
	(pc) =	sbr.rel @p0 .LBB2_12-.Ltmp5, $4  }
0x250: {  	s24 =	ssub.f32 $1.200000000e+01, s24;
	v0 =	vsel vm12, s21, v0  }
0x251: {  	v0 =	vsel vm13, s23, v0  }
0x252: {  	s25 =	sshra.s32 s30, $0x2;
	v0 =	vsel vm14, s24, v0  }
0x253: {  	s0 =	sadd.s32 $0x100, s0;
	s30 =	sadd.s32 $0x40, s30;
	[tilespmem:s25+$0x18EA0] =	vst v0  }
0x254: {  	s0 =	simm.s32 $0x600;
	s2 =	simm.s32 $0x1A0  }
0x255: {  	[tilespmem:s0], [sflag:$0x1] =	stream.indirect.gather [hbm4b:s1+s31], $0x80, s2, s31, $0xb8;
	[tilespmem:$0x19000] =	vst v63  }
0x256: {  	s19 =	simm.s32 $0x8600;
	s21 =	simm.s32 $0x3A0  }
0x257: {  	[tilespmem:s19], [sflag:$0x1] =	stream.indirect.gather [hbm4b:s3+s31], $0x80, s21, s31, $0xb8;
	[tilespmem:$0x19000] =	vst v63  }
0x258: {  	s23 =	simm.s32 $0x10600;
	s24 =	simm.s32 $0x5A0  }
0x259: {  	[tilespmem:s23], [sflag:$0x1] =	stream.indirect.gather [hbm4b:s1+s31], $0x80, s24, s31, $0xb8;
	[tilespmem:$0x19000] =	vst v63  }
0x25a: {  	_ =	swait.ge [sflag:s26], $0x4000  }
0x25b: {  	[sflag:s26] =	ssyncset.done $0x0  }
0x25c: {  	[sflag:s26] =	ssyncadd.s32 $0xFFFFC000  }
0x25d: {  	_ =	swait.ge [sflag:s26], $0x4000  }
0x25e: {  	[sflag:s26] =	ssyncset.done $0x0  }
0x25f: {  	[sflag:s26] =	ssyncadd.s32 $0xFFFFC000  }
0x260: {  	_ =	swait.ge [sflag:s26], $0x4000  }
0x261: {  	[sflag:s26] =	ssyncset.done $0x0  }
0x262: {  	s25 =	simm.s32 $0x0;
	[sflag:s26] =	ssyncadd.s32 $0xFFFFC000  }
0x263: {  	v0 =	vld [tilespmem:s25+$0x14660]  }
0x264: {  	v1 =	vld [tilespmem:s25+$0x14650]  }
0x265: {  	v2 =	vld [tilespmem:s25+$0x14640]  }
0x266: {  	v3 =	vld [tilespmem:s25+$0x14630]  }
0x267: {  	v4 =	vld [tilespmem:s25+$0x4630]  }
0x268: {  	v5 =	vld [tilespmem:s25+$0x14600]  }
0x269: {  	v6 =	vld [tilespmem:s25+$0x4620]  }
0x26a: {  	v7 =	vld [tilespmem:s25+$0xC600]  }
0x26b: {  	v8 =	vld [tilespmem:s25+$0x4600]  }
0x26c: {  	v9 =	vld [tilespmem:s25+$0x4610]  }
0x26d: {  	v10 =	vld [tilespmem:s25+$0xC610]  }
0x26e: {  	v11 =	vld [tilespmem:s25+$0xC620]  }
0x26f: {  	v12 =	vld [tilespmem:s25+$0x14610]  }
0x270: {  	v13 =	vld [tilespmem:s25+$0xC630]  }
0x271: {  	v14 =	vld [tilespmem:s25+$0x14620]  }
0x272: {  	v7 =	vadd.f32 v7, v8;
	v8 =	vadd.f32 v10, v9;
	v9 =	vld [tilespmem:s25+$0x4640]  }
0x273: {  	v6 =	vadd.f32 v11, v6;
	v10 =	vld [tilespmem:s25+$0xC640]  }
0x274: {  	v11 =	vld [tilespmem:s25+$0xC650];
	v5 =	vsub.f32 v7, v5;
	v7 =	vsub.f32 v8, v12  }
0x275: {  	v4 =	vadd.f32 v13, v4;
	v8 =	vld [tilespmem:s25+$0x4650]  }
0x276: {  	v63 =	vld [tilespmem:s25+$0x4660];
	v6 =	vsub.f32 v6, v14;
	v5 =	vand.u32 $0x7FFFFFFF, v5;
	v7 =	vand.u32 $0x7FFFFFFF, v7  }
0x277: {  	v5 =	vadd.f32 v7, v5;
	v7 =	vld [tilespmem:s25+$0xC660]  }
0x278: {  	v3 =	vsub.f32 v4, v3;
	v6 =	vand.u32 $0x7FFFFFFF, v6;
	v4 =	vadd.f32 v10, v9;
	v9 =	vld [tilespmem:s25+$0x4670]  }
0x279: {  	v5 =	vadd.f32 v6, v5;
	v6 =	vld [tilespmem:s25+$0xC670]  }
0x27a: {  	v3 =	vand.u32 $0x7FFFFFFF, v3;
	v2 =	vsub.f32 v4, v2;
	v4 =	vadd.f32 v11, v8  }
0x27b: {  	v3 =	vadd.f32 v3, v5;
	v5 =	vld [tilespmem:s25+$0x14670]  }
0x27c: {  	v2 =	vand.u32 $0x7FFFFFFF, v2;
	v1 =	vsub.f32 v4, v1;
	v4 =	vadd.f32 v7, v63  }
0x27d: {  	v2 =	vadd.f32 v2, v3  }
0x27e: {  	v1 =	vand.u32 $0x7FFFFFFF, v1;
	v0 =	vsub.f32 v4, v0;
	v3 =	vadd.f32 v6, v9  }
0x27f: {  	v1 =	vadd.f32 v1, v2  }
0x280: {  	v0 =	vand.u32 $0x7FFFFFFF, v0;
	v2 =	vsub.f32 v3, v5  }
0x281: {  	v0 =	vadd.f32 v0, v1  }
0x282: {  	v1 =	vand.u32 $0x7FFFFFFF, v2  }
0x283: {  	v0 =	vadd.f32 v1, v0  }
0x284: {  	s0 =	simm.s32 $0x18600  }
0x285: {  	s2 =	simm.s32 $0x80;
	[tilespmem:s0+$0x0] =	vst v0  }
0x286: {  	v0 =	vld [tilespmem:s2+$0x14660]  }
0x287: {  	v1 =	vld [tilespmem:s2+$0x14650]  }
0x288: {  	v2 =	vld [tilespmem:s2+$0x14640]  }
0x289: {  	v3 =	vld [tilespmem:s2+$0x14630]  }
0x28a: {  	v4 =	vld [tilespmem:s2+$0x4630]  }
0x28b: {  	v5 =	vld [tilespmem:s2+$0x14600]  }
0x28c: {  	v6 =	vld [tilespmem:s2+$0x4620]  }
0x28d: {  	v7 =	vld [tilespmem:s2+$0xC600]  }
0x28e: {  	v8 =	vld [tilespmem:s2+$0x4600]  }
0x28f: {  	s30 =	simm.s32 $0x0;
	s19 =	simm.s32 $0x400;
	v9 =	vld [tilespmem:s2+$0x4610]  }
.LBB2_14:
0x290: {  	p0 =	sne.s32 s19, $0xFE00;
	v10 =	vld [tilespmem:s2+$0xC610]  }
0x291: {  	v11 =	vld [tilespmem:s2+$0xC620]  }
0x292: {  	v12 =	vld [tilespmem:s2+$0x14610]  }
0x293: {  	v13 =	vld [tilespmem:s2+$0xC630]  }
0x294: {  	v14 =	vld [tilespmem:s2+$0x14620]  }
0x295: {  	v7 =	vadd.f32 v7, v8;
	v8 =	vadd.f32 v10, v9;
	v9 =	vld [tilespmem:s2+$0x4640]  }
0x296: {  	v6 =	vadd.f32 v11, v6;
	v10 =	vld [tilespmem:s2+$0xC640]  }
0x297: {  	v5 =	vsub.f32 v7, v5;
	v7 =	vsub.f32 v8, v12;
	v8 =	vld [tilespmem:s2+$0x4650]  }
0x298: {  	v4 =	vadd.f32 v13, v4;
	v11 =	vld [tilespmem:s2+$0xC650]  }
0x299: {  	v5 =	vand.u32 $0x7FFFFFFF, v5;
	v7 =	vand.u32 $0x7FFFFFFF, v7;
	v6 =	vsub.f32 v6, v14;
	v12 =	vld [tilespmem:s2+$0x4660]  }
0x29a: {  	v5 =	vadd.f32 v7, v5;
	v7 =	vld [tilespmem:s2+$0xC660]  }
0x29b: {  	v3 =	vsub.f32 v4, v3;
	v6 =	vand.u32 $0x7FFFFFFF, v6;
	v4 =	vadd.f32 v10, v9;
	v9 =	vld [tilespmem:s2+$0x4670]  }
0x29c: {  	v5 =	vadd.f32 v6, v5;
	v6 =	vld [tilespmem:s2+$0xC670]  }
0x29d: {  	v3 =	vand.u32 $0x7FFFFFFF, v3;
	v2 =	vsub.f32 v4, v2;
	v4 =	vadd.f32 v11, v8  }
0x29e: {  	v3 =	vadd.f32 v3, v5;
	v5 =	vld [tilespmem:s2+$0x14670]  }
0x29f: {  	v2 =	vand.u32 $0x7FFFFFFF, v2;
	v1 =	vsub.f32 v4, v1;
	v4 =	vadd.f32 v7, v12  }
0x2a0: {  	v2 =	vadd.f32 v2, v3  }
0x2a1: {  	v1 =	vand.u32 $0x7FFFFFFF, v1;
	v0 =	vsub.f32 v4, v0;
	v3 =	vadd.f32 v6, v9  }
0x2a2: {  	v1 =	vadd.f32 v1, v2  }
0x2a3: {  	v0 =	vand.u32 $0x7FFFFFFF, v0;
	v2 =	vsub.f32 v3, v5  }
0x2a4: {  	v0 =	vadd.f32 v0, v1  }
0x2a5: {  	v1 =	vand.u32 $0x7FFFFFFF, v2  }
0x2a6: {  	v0 =	vadd.f32 v1, v0  }
0x2a7: {  	s0 =	sadd.s32 $0x10, s0  }
0x2a8: {  	s2 =	sshra.s32 s19, $0x2;
	[tilespmem:s0+$0x0] =	vst v0  }
0x2a9: {  	v0 =	vld [tilespmem:s2+$0x14660]  }
0x2aa: {  	v1 =	vld [tilespmem:s2+$0x14650]  }
0x2ab: {  	v2 =	vld [tilespmem:s2+$0x14640]  }
0x2ac: {  	v3 =	vld [tilespmem:s2+$0x14630]  }
0x2ad: {  	v4 =	vld [tilespmem:s2+$0x4630]  }
.Ltmp6:
0x2ae: {  	v5 =	vld [tilespmem:s2+$0x14600];
	(pc) =	sbr.rel @p0 .LBB2_14-.Ltmp6, $4  }
0x2af: {  	v6 =	vld [tilespmem:s2+$0x4620]  }
0x2b0: {  	v7 =	vld [tilespmem:s2+$0xC600]  }
0x2b1: {  	v8 =	vld [tilespmem:s2+$0x4600]  }
0x2b2: {  	s19 =	sadd.s32 $0x200, s19;
	v9 =	vld [tilespmem:s2+$0x4610]  }
0x2b3: {  	v10 =	vld [tilespmem:s2+$0xC610]  }
0x2b4: {  	v11 =	vld [tilespmem:s2+$0xC620]  }
0x2b5: {  	v12 =	vld [tilespmem:s2+$0x14610]  }
0x2b6: {  	v13 =	vld [tilespmem:s2+$0xC630]  }
0x2b7: {  	v14 =	vld [tilespmem:s2+$0x14620]  }
0x2b8: {  	v48 =	vld [tilespmem:s2+$0x4640];
	v7 =	vadd.f32 v7, v8;
	v47 =	vadd.f32 v10, v9  }
0x2b9: {  	v49 =	vld [tilespmem:s2+$0xC640];
	v6 =	vadd.f32 v11, v6  }
0x2ba: {  	v51 =	vld [tilespmem:s2+$0x4650];
	v5 =	vsub.f32 v7, v5;
	v50 =	vsub.f32 v47, v12  }
0x2bb: {  	v52 =	vld [tilespmem:s2+$0xC650];
	v4 =	vadd.f32 v13, v4  }
0x2bc: {  	v53 =	vld [tilespmem:s2+$0x4660];
	v5 =	vand.u32 $0x7FFFFFFF, v5;
	v6 =	vsub.f32 v6, v14;
	v7 =	vand.u32 $0x7FFFFFFF, v50  }
0x2bd: {  	v54 =	vld [tilespmem:s2+$0xC660];
	v5 =	vadd.f32 v7, v5  }
0x2be: {  	v56 =	vld [tilespmem:s2+$0x4670];
	v55 =	vadd.f32 v49, v48;
	v3 =	vsub.f32 v4, v3;
	v6 =	vand.u32 $0x7FFFFFFF, v6  }
0x2bf: {  	v57 =	vld [tilespmem:s2+$0xC670];
	v5 =	vadd.f32 v6, v5  }
0x2c0: {  	v58 =	vadd.f32 v52, v51;
	v2 =	vsub.f32 v55, v2;
	v3 =	vand.u32 $0x7FFFFFFF, v3  }
0x2c1: {  	v59 =	vld [tilespmem:s2+$0x14670];
	v3 =	vadd.f32 v3, v5  }
0x2c2: {  	v60 =	vadd.f32 v54, v53;
	v1 =	vsub.f32 v58, v1;
	v2 =	vand.u32 $0x7FFFFFFF, v2  }
0x2c3: {  	v2 =	vadd.f32 v2, v3  }
0x2c4: {  	v61 =	vadd.f32 v57, v56;
	v0 =	vsub.f32 v60, v0;
	v1 =	vand.u32 $0x7FFFFFFF, v1  }
0x2c5: {  	v1 =	vadd.f32 v1, v2  }
0x2c6: {  	v62 =	vsub.f32 v61, v59;
	v0 =	vand.u32 $0x7FFFFFFF, v0  }
0x2c7: {  	v0 =	vadd.f32 v0, v1  }
0x2c8: {  	v63 =	vand.u32 $0x7FFFFFFF, v62  }
0x2c9: {  	v0 =	vadd.f32 v63, v0  }
0x2ca: {  	s0 =	sadd.s32 $0x10, s0  }
0x2cb: {  	[tilespmem:s0+$0x0] =	vst v0;
	s0 =	simm.s32 $0x18680  }
.LBB2_16:
0x2cc: {  	v0 =	vld [tilespmem:s0+$0xFFFFFF80]  }
0x2cd: {  	v1 =	vld [tilespmem:s0+$0xFFFFFF90]  }
0x2ce: {  	v2 =	vld [tilespmem:s0+$0xFFFFFFA0]  }
0x2cf: {  	v3 =	vld [tilespmem:s0+$0xFFFFFFB0]  }
0x2d0: {  	v4 =	vld [tilespmem:s0+$0xFFFFFFC0]  }
0x2d1: {  	v37 =	vld [tilespmem:s0+$0xFFFFFFD0];
	(xrf2) =	vadd.scan.msk.f32 $0xffff, v0  }
0x2d2: {  	v38 =	vld [tilespmem:s0+$0xFFFFFFE0];
	(xrf2) =	vadd.scan.msk.f32 $0xffff, v1  }
0x2d3: {  	v39 =	vld [tilespmem:s0+$0xFFFFFFF0];
	(xrf2) =	vadd.scan.msk.f32 $0xffff, v2  }
0x2d4: {  	v40 =	vld [tilespmem:s0+$0x0];
	(xrf2) =	vadd.scan.msk.f32 $0xffff, v3  }
0x2d5: {  	v41 =	vld [tilespmem:s0+$0x10];
	(xrf2) =	vadd.scan.msk.f32 $0xffff, v4  }
0x2d6: {  	v42 =	vld [tilespmem:s0+$0x20];
	(xrf2) =	vadd.scan.msk.f32 $0xffff, v37  }
0x2d7: {  	v43 =	vld [tilespmem:s0+$0x30];
	(xrf2) =	vadd.scan.msk.f32 $0xffff, v38  }
0x2d8: {  	v44 =	vld [tilespmem:s0+$0x40];
	(xrf2) =	vadd.scan.msk.f32 $0xffff, v39  }
0x2d9: {  	v45 =	vld [tilespmem:s0+$0x50];
	(xrf2) =	vadd.scan.msk.f32 $0xffff, v40  }
0x2da: {  	v46 =	vld [tilespmem:s0+$0x60];
	(xrf2) =	vadd.scan.msk.f32 $0xffff, v41  }
0x2db: {  	v47 =	vld [tilespmem:s0+$0x70];
	v5, _, _ =	vpop (xrf2);
	(xrf2) =	vadd.scan.msk.f32 $0xffff, v42  }
0x2dc: {  	(v2sf) =	vpush v5, $0xF;
	v48, _, _ =	vpop (xrf2);
	(xrf2) =	vadd.scan.msk.f32 $0xffff, v43  }
0x2dd: {  	(v2sf) =	vpush v48, $0xF;
	v49, _, _ =	vpop (xrf2);
	(xrf2) =	vadd.scan.msk.f32 $0xffff, v44  }
0x2de: {  	(v2sf) =	vpush v49, $0xF;
	v50, _, _ =	vpop (xrf2);
	(xrf2) =	vadd.scan.msk.f32 $0xffff, v45  }
0x2df: {  	(v2sf) =	vpush v50, $0xF;
	v51, _, _ =	vpop (xrf2);
	(xrf2) =	vadd.scan.msk.f32 $0xffff, v46  }
0x2e0: {  	(v2sf) =	vpush v51, $0xF;
	v52, _, _ =	vpop (xrf2);
	(xrf2) =	vadd.scan.msk.f32 $0xffff, v47  }
0x2e1: {  	v53, _, _ =	vpop (xrf2);
	(v2sf) =	vpush v52, $0xF  }
0x2e2: {  	v54, _, _ =	vpop (xrf2);
	(v2sf) =	vpush v53, $0xF  }
0x2e3: {  	v55, _, _ =	vpop (xrf2);
	(v2sf) =	vpush v54, $0xF  }
0x2e4: {  	v56, _, _ =	vpop (xrf2);
	(v2sf) =	vpush v55, $0xF  }
0x2e5: {  	v57, _, _ =	vpop (xrf2);
	(v2sf) =	vpush v56, $0xF  }
0x2e6: {  	v58, _, _ =	vpop (xrf2);
	(v2sf) =	vpush v57, $0xF  }
0x2e7: {  	v59, _, _ =	vpop (xrf2);
	(v2sf) =	vpush v58, $0xF  }
0x2e8: {  	v60, _, _ =	vpop (xrf2);
	(v2sf) =	vpush v59, $0xF  }
0x2e9: {  	v61, _, _ =	vpop (xrf2);
	(v2sf) =	vpush v60, $0xF  }
0x2ea: {  	(v2sf) =	vpush v61, $0xF;
	v62, _, _ =	vpop (xrf2)  }
0x2eb: {  	s2 =	spop (v2sf);
	(v2sf) =	vpush v62, $0xF  }
0x2ec: {  	s5 =	spop (v2sf)  }
0x2ed: {  	s6 =	spop (v2sf)  }
0x2ee: {  	s7 =	spop (v2sf)  }
0x2ef: {  	s8 =	spop (v2sf)  }
0x2f0: {  	s9 =	spop (v2sf)  }
0x2f1: {  	s10 =	spop (v2sf)  }
0x2f2: {  	s11 =	spop (v2sf)  }
0x2f3: {  	s14 =	spop (v2sf)  }
0x2f4: {  	s15 =	spop (v2sf)  }
0x2f5: {  	s16 =	spop (v2sf)  }
0x2f6: {  	s19 =	spop (v2sf)  }
0x2f7: {  	s21 =	spop (v2sf)  }
0x2f8: {  	s23 =	spop (v2sf)  }
0x2f9: {  	s24 =	spop (v2sf)  }
0x2fa: {  	s25 =	spop (v2sf)  }
0x2fb: {  	s25 =	ssub.f32 $1.200000000e+01, s25  }
0x2fc: {  	s2 =	ssub.f32 $1.200000000e+01, s2  }
0x2fd: {  	s5 =	ssub.f32 $1.200000000e+01, s5;
	v63 =	vmov s25  }
0x2fe: {  	s6 =	ssub.f32 $1.200000000e+01, s6;
	v0 =	vsel vm0, s2, v63  }
0x2ff: {  	s7 =	ssub.f32 $1.200000000e+01, s7;
	v0 =	vsel vm1, s5, v0  }
0x300: {  	s8 =	ssub.f32 $1.200000000e+01, s8;
	v0 =	vsel vm2, s6, v0  }
0x301: {  	s9 =	ssub.f32 $1.200000000e+01, s9;
	v0 =	vsel vm3, s7, v0  }
0x302: {  	s10 =	ssub.f32 $1.200000000e+01, s10;
	v0 =	vsel vm4, s8, v0  }
0x303: {  	s11 =	ssub.f32 $1.200000000e+01, s11;
	v0 =	vsel vm5, s9, v0  }
0x304: {  	s14 =	ssub.f32 $1.200000000e+01, s14;
	v0 =	vsel vm6, s10, v0  }
0x305: {  	s15 =	ssub.f32 $1.200000000e+01, s15;
	v0 =	vsel vm7, s11, v0  }
0x306: {  	s16 =	ssub.f32 $1.200000000e+01, s16;
	v0 =	vsel vm8, s14, v0  }
0x307: {  	s19 =	ssub.f32 $1.200000000e+01, s19;
	v0 =	vsel vm9, s15, v0  }
0x308: {  	p0 =	sne.s32 s30, $0x1C0;
	s21 =	ssub.f32 $1.200000000e+01, s21;
	v0 =	vsel vm10, s16, v0  }
.Ltmp7:
0x309: {  	s23 =	ssub.f32 $1.200000000e+01, s23;
	v0 =	vsel vm11, s19, v0;
	(pc) =	sbr.rel @p0 .LBB2_16-.Ltmp7, $4  }
0x30a: {  	s24 =	ssub.f32 $1.200000000e+01, s24;
	v0 =	vsel vm12, s21, v0  }
0x30b: {  	v0 =	vsel vm13, s23, v0  }
0x30c: {  	s25 =	sshra.s32 s30, $0x2;
	v0 =	vsel vm14, s24, v0  }
0x30d: {  	s0 =	sadd.s32 $0x100, s0;
	s30 =	sadd.s32 $0x40, s30;
	[tilespmem:s25+$0x18F20] =	vst v0  }
0x30e: {  	s0 =	simm.s32 $0x1E0  }
0x30f: {  	[tilespmem:s18], [sflag:$0x2] =	stream.indirect.gather [hbm4b:s1+s13], $0x80, s0, s13, $0xb8;
	[tilespmem:$0x19000] =	vst v63  }
0x310: {  	s23 =	simm.s32 $0x3E0  }
0x311: {  	[tilespmem:s20], [sflag:$0x2] =	stream.indirect.gather [hbm4b:s3+s13], $0x80, s23, s13, $0xb8;
	[tilespmem:$0x19000] =	vst v63  }
0x312: {  	s24 =	simm.s32 $0x5E0  }
0x313: {  	[tilespmem:s22], [sflag:$0x2] =	stream.indirect.gather [hbm4b:s1+s13], $0x80, s24, s13, $0xb8;
	[tilespmem:$0x19000] =	vst v63  }
0x314: {  	_ =	swait.ge [sflag:s12], $0x2000  }
0x315: {  	[sflag:s12] =	ssyncset.done $0x0  }
0x316: {  	[sflag:s12] =	ssyncadd.s32 $0xFFFFE000  }
0x317: {  	_ =	swait.ge [sflag:s12], $0x2000  }
0x318: {  	[sflag:s12] =	ssyncset.done $0x0  }
0x319: {  	[sflag:s12] =	ssyncadd.s32 $0xFFFFE000  }
0x31a: {  	_ =	swait.ge [sflag:s12], $0x2000  }
0x31b: {  	[sflag:s12] =	ssyncset.done $0x0  }
0x31c: {  	s25 =	simm.s32 $0x0;
	[sflag:s12] =	ssyncadd.s32 $0xFFFFE000  }
0x31d: {  	v0 =	vld [tilespmem:s25+$0x10660]  }
0x31e: {  	v1 =	vld [tilespmem:s25+$0x10650]  }
0x31f: {  	v2 =	vld [tilespmem:s25+$0x10640]  }
0x320: {  	v3 =	vld [tilespmem:s25+$0x10630]  }
0x321: {  	v4 =	vld [tilespmem:s25+$0x630]  }
0x322: {  	v5 =	vld [tilespmem:s25+$0x10600]  }
0x323: {  	v6 =	vld [tilespmem:s25+$0x620]  }
0x324: {  	v7 =	vld [tilespmem:s25+$0x8600]  }
0x325: {  	v8 =	vld [tilespmem:s25+$0x600]  }
0x326: {  	v9 =	vld [tilespmem:s25+$0x610]  }
0x327: {  	v10 =	vld [tilespmem:s25+$0x8610]  }
0x328: {  	v11 =	vld [tilespmem:s25+$0x8620]  }
0x329: {  	v12 =	vld [tilespmem:s25+$0x10610]  }
0x32a: {  	v13 =	vld [tilespmem:s25+$0x8630]  }
0x32b: {  	v14 =	vld [tilespmem:s25+$0x10620]  }
0x32c: {  	v7 =	vadd.f32 v7, v8;
	v8 =	vadd.f32 v10, v9;
	v9 =	vld [tilespmem:s25+$0x640]  }
0x32d: {  	v6 =	vadd.f32 v11, v6;
	v10 =	vld [tilespmem:s25+$0x8640]  }
0x32e: {  	v11 =	vld [tilespmem:s25+$0x8650];
	v5 =	vsub.f32 v7, v5;
	v7 =	vsub.f32 v8, v12  }
0x32f: {  	v4 =	vadd.f32 v13, v4;
	v8 =	vld [tilespmem:s25+$0x650]  }
0x330: {  	v63 =	vld [tilespmem:s25+$0x660];
	v6 =	vsub.f32 v6, v14;
	v5 =	vand.u32 $0x7FFFFFFF, v5;
	v7 =	vand.u32 $0x7FFFFFFF, v7  }
0x331: {  	v5 =	vadd.f32 v7, v5;
	v7 =	vld [tilespmem:s25+$0x8660]  }
0x332: {  	v3 =	vsub.f32 v4, v3;
	v6 =	vand.u32 $0x7FFFFFFF, v6;
	v4 =	vadd.f32 v10, v9;
	v9 =	vld [tilespmem:s25+$0x670]  }
0x333: {  	v5 =	vadd.f32 v6, v5;
	v6 =	vld [tilespmem:s25+$0x8670]  }
0x334: {  	v3 =	vand.u32 $0x7FFFFFFF, v3;
	v2 =	vsub.f32 v4, v2;
	v4 =	vadd.f32 v11, v8  }
0x335: {  	v3 =	vadd.f32 v3, v5;
	v5 =	vld [tilespmem:s25+$0x10670]  }
0x336: {  	v2 =	vand.u32 $0x7FFFFFFF, v2;
	v1 =	vsub.f32 v4, v1;
	v4 =	vadd.f32 v7, v63  }
0x337: {  	v2 =	vadd.f32 v2, v3  }
0x338: {  	v1 =	vand.u32 $0x7FFFFFFF, v1;
	v0 =	vsub.f32 v4, v0;
	v3 =	vadd.f32 v6, v9  }
0x339: {  	v1 =	vadd.f32 v1, v2  }
0x33a: {  	v0 =	vand.u32 $0x7FFFFFFF, v0;
	v2 =	vsub.f32 v3, v5  }
0x33b: {  	v0 =	vadd.f32 v0, v1  }
0x33c: {  	v1 =	vand.u32 $0x7FFFFFFF, v2  }
0x33d: {  	v0 =	vadd.f32 v1, v0  }
0x33e: {  	s0 =	simm.s32 $0x18600  }
0x33f: {  	s2 =	simm.s32 $0x80;
	[tilespmem:s0+$0x0] =	vst v0  }
0x340: {  	v0 =	vld [tilespmem:s2+$0x10660]  }
0x341: {  	v1 =	vld [tilespmem:s2+$0x10650]  }
0x342: {  	v2 =	vld [tilespmem:s2+$0x10640]  }
0x343: {  	v3 =	vld [tilespmem:s2+$0x10630]  }
0x344: {  	v4 =	vld [tilespmem:s2+$0x630]  }
0x345: {  	v5 =	vld [tilespmem:s2+$0x10600]  }
0x346: {  	v6 =	vld [tilespmem:s2+$0x620]  }
0x347: {  	v7 =	vld [tilespmem:s2+$0x8600]  }
0x348: {  	v8 =	vld [tilespmem:s2+$0x600]  }
0x349: {  	s30 =	simm.s32 $0x0;
	s19 =	simm.s32 $0x400;
	v9 =	vld [tilespmem:s2+$0x610]  }
.LBB2_18:
0x34a: {  	p0 =	sne.s32 s19, $0x7E00;
	v10 =	vld [tilespmem:s2+$0x8610]  }
0x34b: {  	v11 =	vld [tilespmem:s2+$0x8620]  }
0x34c: {  	v12 =	vld [tilespmem:s2+$0x10610]  }
0x34d: {  	v13 =	vld [tilespmem:s2+$0x8630]  }
0x34e: {  	v14 =	vld [tilespmem:s2+$0x10620]  }
0x34f: {  	v7 =	vadd.f32 v7, v8;
	v8 =	vadd.f32 v10, v9;
	v9 =	vld [tilespmem:s2+$0x640]  }
0x350: {  	v6 =	vadd.f32 v11, v6;
	v10 =	vld [tilespmem:s2+$0x8640]  }
0x351: {  	v5 =	vsub.f32 v7, v5;
	v7 =	vsub.f32 v8, v12;
	v8 =	vld [tilespmem:s2+$0x650]  }
0x352: {  	v4 =	vadd.f32 v13, v4;
	v11 =	vld [tilespmem:s2+$0x8650]  }
0x353: {  	v5 =	vand.u32 $0x7FFFFFFF, v5;
	v7 =	vand.u32 $0x7FFFFFFF, v7;
	v6 =	vsub.f32 v6, v14;
	v12 =	vld [tilespmem:s2+$0x660]  }
0x354: {  	v5 =	vadd.f32 v7, v5;
	v7 =	vld [tilespmem:s2+$0x8660]  }
0x355: {  	v3 =	vsub.f32 v4, v3;
	v6 =	vand.u32 $0x7FFFFFFF, v6;
	v4 =	vadd.f32 v10, v9;
	v9 =	vld [tilespmem:s2+$0x670]  }
0x356: {  	v5 =	vadd.f32 v6, v5;
	v6 =	vld [tilespmem:s2+$0x8670]  }
0x357: {  	v3 =	vand.u32 $0x7FFFFFFF, v3;
	v2 =	vsub.f32 v4, v2;
	v4 =	vadd.f32 v11, v8  }
0x358: {  	v3 =	vadd.f32 v3, v5;
	v5 =	vld [tilespmem:s2+$0x10670]  }
0x359: {  	v2 =	vand.u32 $0x7FFFFFFF, v2;
	v1 =	vsub.f32 v4, v1;
	v4 =	vadd.f32 v7, v12  }
0x35a: {  	v2 =	vadd.f32 v2, v3  }
0x35b: {  	v1 =	vand.u32 $0x7FFFFFFF, v1;
	v0 =	vsub.f32 v4, v0;
	v3 =	vadd.f32 v6, v9  }
0x35c: {  	v1 =	vadd.f32 v1, v2  }
0x35d: {  	v0 =	vand.u32 $0x7FFFFFFF, v0;
	v2 =	vsub.f32 v3, v5  }
0x35e: {  	v0 =	vadd.f32 v0, v1  }
0x35f: {  	v1 =	vand.u32 $0x7FFFFFFF, v2  }
0x360: {  	v0 =	vadd.f32 v1, v0  }
0x361: {  	s0 =	sadd.s32 $0x10, s0  }
0x362: {  	s2 =	sshra.s32 s19, $0x2;
	[tilespmem:s0+$0x0] =	vst v0  }
0x363: {  	v0 =	vld [tilespmem:s2+$0x10660]  }
0x364: {  	v1 =	vld [tilespmem:s2+$0x10650]  }
0x365: {  	v2 =	vld [tilespmem:s2+$0x10640]  }
0x366: {  	v3 =	vld [tilespmem:s2+$0x10630]  }
0x367: {  	v4 =	vld [tilespmem:s2+$0x630]  }
.Ltmp8:
0x368: {  	v5 =	vld [tilespmem:s2+$0x10600];
	(pc) =	sbr.rel @p0 .LBB2_18-.Ltmp8, $4  }
0x369: {  	v6 =	vld [tilespmem:s2+$0x620]  }
0x36a: {  	v7 =	vld [tilespmem:s2+$0x8600]  }
0x36b: {  	v8 =	vld [tilespmem:s2+$0x600]  }
0x36c: {  	s19 =	sadd.s32 $0x200, s19;
	v9 =	vld [tilespmem:s2+$0x610]  }
0x36d: {  	v10 =	vld [tilespmem:s2+$0x8610]  }
0x36e: {  	v11 =	vld [tilespmem:s2+$0x8620]  }
0x36f: {  	v12 =	vld [tilespmem:s2+$0x10610]  }
0x370: {  	v13 =	vld [tilespmem:s2+$0x8630]  }
0x371: {  	v14 =	vld [tilespmem:s2+$0x10620]  }
0x372: {  	v48 =	vld [tilespmem:s2+$0x640];
	v7 =	vadd.f32 v7, v8;
	v47 =	vadd.f32 v10, v9  }
0x373: {  	v49 =	vld [tilespmem:s2+$0x8640];
	v6 =	vadd.f32 v11, v6  }
0x374: {  	v51 =	vld [tilespmem:s2+$0x650];
	v5 =	vsub.f32 v7, v5;
	v50 =	vsub.f32 v47, v12  }
0x375: {  	v52 =	vld [tilespmem:s2+$0x8650];
	v4 =	vadd.f32 v13, v4  }
0x376: {  	v53 =	vld [tilespmem:s2+$0x660];
	v5 =	vand.u32 $0x7FFFFFFF, v5;
	v6 =	vsub.f32 v6, v14;
	v7 =	vand.u32 $0x7FFFFFFF, v50  }
0x377: {  	v54 =	vld [tilespmem:s2+$0x8660];
	v5 =	vadd.f32 v7, v5  }
0x378: {  	v56 =	vld [tilespmem:s2+$0x670];
	v55 =	vadd.f32 v49, v48;
	v3 =	vsub.f32 v4, v3;
	v6 =	vand.u32 $0x7FFFFFFF, v6  }
0x379: {  	v57 =	vld [tilespmem:s2+$0x8670];
	v5 =	vadd.f32 v6, v5  }
0x37a: {  	v58 =	vadd.f32 v52, v51;
	v2 =	vsub.f32 v55, v2;
	v3 =	vand.u32 $0x7FFFFFFF, v3  }
0x37b: {  	v59 =	vld [tilespmem:s2+$0x10670];
	v3 =	vadd.f32 v3, v5  }
0x37c: {  	v60 =	vadd.f32 v54, v53;
	v1 =	vsub.f32 v58, v1;
	v2 =	vand.u32 $0x7FFFFFFF, v2  }
0x37d: {  	v2 =	vadd.f32 v2, v3  }
0x37e: {  	v61 =	vadd.f32 v57, v56;
	v0 =	vsub.f32 v60, v0;
	v1 =	vand.u32 $0x7FFFFFFF, v1  }
0x37f: {  	v1 =	vadd.f32 v1, v2  }
0x380: {  	v62 =	vsub.f32 v61, v59;
	v0 =	vand.u32 $0x7FFFFFFF, v0  }
0x381: {  	v0 =	vadd.f32 v0, v1  }
0x382: {  	v63 =	vand.u32 $0x7FFFFFFF, v62  }
0x383: {  	v0 =	vadd.f32 v63, v0  }
0x384: {  	s0 =	sadd.s32 $0x10, s0  }
0x385: {  	[tilespmem:s0+$0x0] =	vst v0;
	s0 =	simm.s32 $0x18680  }
.LBB2_20:
0x386: {  	v0 =	vld [tilespmem:s0+$0xFFFFFF80]  }
0x387: {  	v1 =	vld [tilespmem:s0+$0xFFFFFF90]  }
0x388: {  	v2 =	vld [tilespmem:s0+$0xFFFFFFA0]  }
0x389: {  	v3 =	vld [tilespmem:s0+$0xFFFFFFB0]  }
0x38a: {  	v4 =	vld [tilespmem:s0+$0xFFFFFFC0]  }
0x38b: {  	v37 =	vld [tilespmem:s0+$0xFFFFFFD0];
	(xrf2) =	vadd.scan.msk.f32 $0xffff, v0  }
0x38c: {  	v38 =	vld [tilespmem:s0+$0xFFFFFFE0];
	(xrf2) =	vadd.scan.msk.f32 $0xffff, v1  }
0x38d: {  	v39 =	vld [tilespmem:s0+$0xFFFFFFF0];
	(xrf2) =	vadd.scan.msk.f32 $0xffff, v2  }
0x38e: {  	v40 =	vld [tilespmem:s0+$0x0];
	(xrf2) =	vadd.scan.msk.f32 $0xffff, v3  }
0x38f: {  	v41 =	vld [tilespmem:s0+$0x10];
	(xrf2) =	vadd.scan.msk.f32 $0xffff, v4  }
0x390: {  	v42 =	vld [tilespmem:s0+$0x20];
	(xrf2) =	vadd.scan.msk.f32 $0xffff, v37  }
0x391: {  	v43 =	vld [tilespmem:s0+$0x30];
	(xrf2) =	vadd.scan.msk.f32 $0xffff, v38  }
0x392: {  	v44 =	vld [tilespmem:s0+$0x40];
	(xrf2) =	vadd.scan.msk.f32 $0xffff, v39  }
0x393: {  	v45 =	vld [tilespmem:s0+$0x50];
	(xrf2) =	vadd.scan.msk.f32 $0xffff, v40  }
0x394: {  	v46 =	vld [tilespmem:s0+$0x60];
	(xrf2) =	vadd.scan.msk.f32 $0xffff, v41  }
0x395: {  	v47 =	vld [tilespmem:s0+$0x70];
	v5, _, _ =	vpop (xrf2);
	(xrf2) =	vadd.scan.msk.f32 $0xffff, v42  }
0x396: {  	(v2sf) =	vpush v5, $0xF;
	v48, _, _ =	vpop (xrf2);
	(xrf2) =	vadd.scan.msk.f32 $0xffff, v43  }
0x397: {  	(v2sf) =	vpush v48, $0xF;
	v49, _, _ =	vpop (xrf2);
	(xrf2) =	vadd.scan.msk.f32 $0xffff, v44  }
0x398: {  	(v2sf) =	vpush v49, $0xF;
	v50, _, _ =	vpop (xrf2);
	(xrf2) =	vadd.scan.msk.f32 $0xffff, v45  }
0x399: {  	(v2sf) =	vpush v50, $0xF;
	v51, _, _ =	vpop (xrf2);
	(xrf2) =	vadd.scan.msk.f32 $0xffff, v46  }
0x39a: {  	(v2sf) =	vpush v51, $0xF;
	v52, _, _ =	vpop (xrf2);
	(xrf2) =	vadd.scan.msk.f32 $0xffff, v47  }
0x39b: {  	v53, _, _ =	vpop (xrf2);
	(v2sf) =	vpush v52, $0xF  }
0x39c: {  	v54, _, _ =	vpop (xrf2);
	(v2sf) =	vpush v53, $0xF  }
0x39d: {  	v55, _, _ =	vpop (xrf2);
	(v2sf) =	vpush v54, $0xF  }
0x39e: {  	v56, _, _ =	vpop (xrf2);
	(v2sf) =	vpush v55, $0xF  }
0x39f: {  	v57, _, _ =	vpop (xrf2);
	(v2sf) =	vpush v56, $0xF  }
0x3a0: {  	v58, _, _ =	vpop (xrf2);
	(v2sf) =	vpush v57, $0xF  }
0x3a1: {  	v59, _, _ =	vpop (xrf2);
	(v2sf) =	vpush v58, $0xF  }
0x3a2: {  	v60, _, _ =	vpop (xrf2);
	(v2sf) =	vpush v59, $0xF  }
0x3a3: {  	v61, _, _ =	vpop (xrf2);
	(v2sf) =	vpush v60, $0xF  }
0x3a4: {  	(v2sf) =	vpush v61, $0xF;
	v62, _, _ =	vpop (xrf2)  }
0x3a5: {  	s2 =	spop (v2sf);
	(v2sf) =	vpush v62, $0xF  }
0x3a6: {  	s5 =	spop (v2sf)  }
0x3a7: {  	s6 =	spop (v2sf)  }
0x3a8: {  	s7 =	spop (v2sf)  }
0x3a9: {  	s8 =	spop (v2sf)  }
0x3aa: {  	s9 =	spop (v2sf)  }
0x3ab: {  	s10 =	spop (v2sf)  }
0x3ac: {  	s11 =	spop (v2sf)  }
0x3ad: {  	s14 =	spop (v2sf)  }
0x3ae: {  	s15 =	spop (v2sf)  }
0x3af: {  	s16 =	spop (v2sf)  }
0x3b0: {  	s19 =	spop (v2sf)  }
0x3b1: {  	s21 =	spop (v2sf)  }
0x3b2: {  	s23 =	spop (v2sf)  }
0x3b3: {  	s24 =	spop (v2sf)  }
0x3b4: {  	s25 =	spop (v2sf)  }
0x3b5: {  	s25 =	ssub.f32 $1.200000000e+01, s25  }
0x3b6: {  	s2 =	ssub.f32 $1.200000000e+01, s2  }
0x3b7: {  	s5 =	ssub.f32 $1.200000000e+01, s5;
	v63 =	vmov s25  }
0x3b8: {  	s6 =	ssub.f32 $1.200000000e+01, s6;
	v0 =	vsel vm0, s2, v63  }
0x3b9: {  	s7 =	ssub.f32 $1.200000000e+01, s7;
	v0 =	vsel vm1, s5, v0  }
0x3ba: {  	s8 =	ssub.f32 $1.200000000e+01, s8;
	v0 =	vsel vm2, s6, v0  }
0x3bb: {  	s9 =	ssub.f32 $1.200000000e+01, s9;
	v0 =	vsel vm3, s7, v0  }
0x3bc: {  	s10 =	ssub.f32 $1.200000000e+01, s10;
	v0 =	vsel vm4, s8, v0  }
0x3bd: {  	s11 =	ssub.f32 $1.200000000e+01, s11;
	v0 =	vsel vm5, s9, v0  }
0x3be: {  	s14 =	ssub.f32 $1.200000000e+01, s14;
	v0 =	vsel vm6, s10, v0  }
0x3bf: {  	s15 =	ssub.f32 $1.200000000e+01, s15;
	v0 =	vsel vm7, s11, v0  }
0x3c0: {  	s16 =	ssub.f32 $1.200000000e+01, s16;
	v0 =	vsel vm8, s14, v0  }
0x3c1: {  	s19 =	ssub.f32 $1.200000000e+01, s19;
	v0 =	vsel vm9, s15, v0  }
0x3c2: {  	p0 =	sne.s32 s30, $0xC0;
	s21 =	ssub.f32 $1.200000000e+01, s21;
	v0 =	vsel vm10, s16, v0  }
.Ltmp9:
0x3c3: {  	s23 =	ssub.f32 $1.200000000e+01, s23;
	v0 =	vsel vm11, s19, v0;
	(pc) =	sbr.rel @p0 .LBB2_20-.Ltmp9, $4  }
0x3c4: {  	s24 =	ssub.f32 $1.200000000e+01, s24;
	v0 =	vsel vm12, s21, v0  }
0x3c5: {  	v0 =	vsel vm13, s23, v0  }
0x3c6: {  	s25 =	sshra.s32 s30, $0x2;
	v0 =	vsel vm14, s24, v0  }
0x3c7: {  	s0 =	sadd.s32 $0x100, s0;
	s30 =	sadd.s32 $0x40, s30;
	[tilespmem:s25+$0x18FA0] =	vst v0  }
0x3c8: {  	_ =	swait.ge [sflag:s26], $0x1000  }
0x3c9: {  	[sflag:s26] =	ssyncset.done $0x0  }
0x3ca: {  	[sflag:s26] =	ssyncadd.s32 $0xFFFFF000  }
0x3cb: {  	_ =	swait.ge [sflag:s26], $0x1000  }
0x3cc: {  	[sflag:s26] =	ssyncset.done $0x0  }
0x3cd: {  	[sflag:s26] =	ssyncadd.s32 $0xFFFFF000  }
0x3ce: {  	_ =	swait.ge [sflag:s26], $0x1000  }
0x3cf: {  	[sflag:s26] =	ssyncset.done $0x0  }
0x3d0: {  	s0 =	simm.s32 $0x0;
	[sflag:s26] =	ssyncadd.s32 $0xFFFFF000  }
0x3d1: {  	v0 =	vld [tilespmem:s0+$0x14660]  }
0x3d2: {  	v1 =	vld [tilespmem:s0+$0x14650]  }
0x3d3: {  	v2 =	vld [tilespmem:s0+$0x14640]  }
0x3d4: {  	v3 =	vld [tilespmem:s0+$0x14630]  }
0x3d5: {  	v4 =	vld [tilespmem:s0+$0x4630]  }
0x3d6: {  	v5 =	vld [tilespmem:s0+$0x14600]  }
0x3d7: {  	v6 =	vld [tilespmem:s0+$0x4620]  }
0x3d8: {  	v7 =	vld [tilespmem:s0+$0xC600]  }
0x3d9: {  	v8 =	vld [tilespmem:s0+$0x4600]  }
0x3da: {  	v9 =	vld [tilespmem:s0+$0x4610]  }
0x3db: {  	v10 =	vld [tilespmem:s0+$0xC610]  }
0x3dc: {  	v11 =	vld [tilespmem:s0+$0xC620]  }
0x3dd: {  	v12 =	vld [tilespmem:s0+$0x14610]  }
0x3de: {  	v13 =	vld [tilespmem:s0+$0xC630]  }
0x3df: {  	v14 =	vld [tilespmem:s0+$0x14620]  }
0x3e0: {  	v7 =	vadd.f32 v7, v8;
	v8 =	vadd.f32 v10, v9;
	v9 =	vld [tilespmem:s0+$0x4640]  }
0x3e1: {  	v6 =	vadd.f32 v11, v6;
	v10 =	vld [tilespmem:s0+$0xC640]  }
0x3e2: {  	v11 =	vld [tilespmem:s0+$0xC650];
	v5 =	vsub.f32 v7, v5;
	v7 =	vsub.f32 v8, v12  }
0x3e3: {  	v4 =	vadd.f32 v13, v4;
	v8 =	vld [tilespmem:s0+$0x4650]  }
0x3e4: {  	v63 =	vld [tilespmem:s0+$0x4660];
	v6 =	vsub.f32 v6, v14;
	v5 =	vand.u32 $0x7FFFFFFF, v5;
	v7 =	vand.u32 $0x7FFFFFFF, v7  }
0x3e5: {  	v5 =	vadd.f32 v7, v5;
	v7 =	vld [tilespmem:s0+$0xC660]  }
0x3e6: {  	v3 =	vsub.f32 v4, v3;
	v6 =	vand.u32 $0x7FFFFFFF, v6;
	v4 =	vadd.f32 v10, v9;
	v9 =	vld [tilespmem:s0+$0x4670]  }
0x3e7: {  	v5 =	vadd.f32 v6, v5;
	v6 =	vld [tilespmem:s0+$0xC670]  }
0x3e8: {  	v3 =	vand.u32 $0x7FFFFFFF, v3;
	v2 =	vsub.f32 v4, v2;
	v4 =	vadd.f32 v11, v8  }
0x3e9: {  	v3 =	vadd.f32 v3, v5;
	v5 =	vld [tilespmem:s0+$0x14670]  }
0x3ea: {  	v2 =	vand.u32 $0x7FFFFFFF, v2;
	v1 =	vsub.f32 v4, v1;
	v4 =	vadd.f32 v7, v63  }
0x3eb: {  	v2 =	vadd.f32 v2, v3  }
0x3ec: {  	v1 =	vand.u32 $0x7FFFFFFF, v1;
	v0 =	vsub.f32 v4, v0;
	v3 =	vadd.f32 v6, v9  }
0x3ed: {  	v1 =	vadd.f32 v1, v2  }
0x3ee: {  	v0 =	vand.u32 $0x7FFFFFFF, v0;
	v2 =	vsub.f32 v3, v5  }
0x3ef: {  	v0 =	vadd.f32 v0, v1  }
0x3f0: {  	v1 =	vand.u32 $0x7FFFFFFF, v2  }
0x3f1: {  	v0 =	vadd.f32 v1, v0  }
0x3f2: {  	s0 =	simm.s32 $0x18600  }
0x3f3: {  	s2 =	simm.s32 $0x80;
	[tilespmem:s0+$0x0] =	vst v0  }
0x3f4: {  	v0 =	vld [tilespmem:s2+$0x14660]  }
0x3f5: {  	v1 =	vld [tilespmem:s2+$0x14650]  }
0x3f6: {  	v2 =	vld [tilespmem:s2+$0x14640]  }
0x3f7: {  	v3 =	vld [tilespmem:s2+$0x14630]  }
0x3f8: {  	v4 =	vld [tilespmem:s2+$0x4630]  }
0x3f9: {  	v5 =	vld [tilespmem:s2+$0x14600]  }
0x3fa: {  	v6 =	vld [tilespmem:s2+$0x4620]  }
0x3fb: {  	v7 =	vld [tilespmem:s2+$0xC600]  }
0x3fc: {  	v8 =	vld [tilespmem:s2+$0x4600]  }
0x3fd: {  	s30 =	simm.s32 $0x0;
	s19 =	simm.s32 $0x400;
	v9 =	vld [tilespmem:s2+$0x4610]  }
.LBB2_22:
0x3fe: {  	p0 =	sne.s32 s19, $0x3E00;
	v10 =	vld [tilespmem:s2+$0xC610]  }
0x3ff: {  	v11 =	vld [tilespmem:s2+$0xC620]  }
0x400: {  	v12 =	vld [tilespmem:s2+$0x14610]  }
0x401: {  	v13 =	vld [tilespmem:s2+$0xC630]  }
0x402: {  	v14 =	vld [tilespmem:s2+$0x14620]  }
0x403: {  	v7 =	vadd.f32 v7, v8;
	v8 =	vadd.f32 v10, v9;
	v9 =	vld [tilespmem:s2+$0x4640]  }
0x404: {  	v6 =	vadd.f32 v11, v6;
	v10 =	vld [tilespmem:s2+$0xC640]  }
0x405: {  	v5 =	vsub.f32 v7, v5;
	v7 =	vsub.f32 v8, v12;
	v8 =	vld [tilespmem:s2+$0x4650]  }
0x406: {  	v4 =	vadd.f32 v13, v4;
	v11 =	vld [tilespmem:s2+$0xC650]  }
0x407: {  	v5 =	vand.u32 $0x7FFFFFFF, v5;
	v7 =	vand.u32 $0x7FFFFFFF, v7;
	v6 =	vsub.f32 v6, v14;
	v12 =	vld [tilespmem:s2+$0x4660]  }
0x408: {  	v5 =	vadd.f32 v7, v5;
	v7 =	vld [tilespmem:s2+$0xC660]  }
0x409: {  	v3 =	vsub.f32 v4, v3;
	v6 =	vand.u32 $0x7FFFFFFF, v6;
	v4 =	vadd.f32 v10, v9;
	v9 =	vld [tilespmem:s2+$0x4670]  }
0x40a: {  	v5 =	vadd.f32 v6, v5;
	v6 =	vld [tilespmem:s2+$0xC670]  }
0x40b: {  	v3 =	vand.u32 $0x7FFFFFFF, v3;
	v2 =	vsub.f32 v4, v2;
	v4 =	vadd.f32 v11, v8  }
0x40c: {  	v3 =	vadd.f32 v3, v5;
	v5 =	vld [tilespmem:s2+$0x14670]  }
0x40d: {  	v2 =	vand.u32 $0x7FFFFFFF, v2;
	v1 =	vsub.f32 v4, v1;
	v4 =	vadd.f32 v7, v12  }
0x40e: {  	v2 =	vadd.f32 v2, v3  }
0x40f: {  	v1 =	vand.u32 $0x7FFFFFFF, v1;
	v0 =	vsub.f32 v4, v0;
	v3 =	vadd.f32 v6, v9  }
0x410: {  	v1 =	vadd.f32 v1, v2  }
0x411: {  	v0 =	vand.u32 $0x7FFFFFFF, v0;
	v2 =	vsub.f32 v3, v5  }
0x412: {  	v0 =	vadd.f32 v0, v1  }
0x413: {  	v1 =	vand.u32 $0x7FFFFFFF, v2  }
0x414: {  	v0 =	vadd.f32 v1, v0  }
0x415: {  	s0 =	sadd.s32 $0x10, s0  }
0x416: {  	s2 =	sshra.s32 s19, $0x2;
	[tilespmem:s0+$0x0] =	vst v0  }
0x417: {  	v0 =	vld [tilespmem:s2+$0x14660]  }
0x418: {  	v1 =	vld [tilespmem:s2+$0x14650]  }
0x419: {  	v2 =	vld [tilespmem:s2+$0x14640]  }
0x41a: {  	v3 =	vld [tilespmem:s2+$0x14630]  }
0x41b: {  	v4 =	vld [tilespmem:s2+$0x4630]  }
.Ltmp10:
0x41c: {  	v5 =	vld [tilespmem:s2+$0x14600];
	(pc) =	sbr.rel @p0 .LBB2_22-.Ltmp10, $4  }
0x41d: {  	v6 =	vld [tilespmem:s2+$0x4620]  }
0x41e: {  	v7 =	vld [tilespmem:s2+$0xC600]  }
0x41f: {  	v8 =	vld [tilespmem:s2+$0x4600]  }
0x420: {  	s19 =	sadd.s32 $0x200, s19;
	v9 =	vld [tilespmem:s2+$0x4610]  }
0x421: {  	v10 =	vld [tilespmem:s2+$0xC610]  }
0x422: {  	v11 =	vld [tilespmem:s2+$0xC620]  }
0x423: {  	v12 =	vld [tilespmem:s2+$0x14610]  }
0x424: {  	v13 =	vld [tilespmem:s2+$0xC630]  }
0x425: {  	v14 =	vld [tilespmem:s2+$0x14620]  }
0x426: {  	v48 =	vld [tilespmem:s2+$0x4640];
	v7 =	vadd.f32 v7, v8;
	v47 =	vadd.f32 v10, v9  }
0x427: {  	v49 =	vld [tilespmem:s2+$0xC640];
	v6 =	vadd.f32 v11, v6  }
0x428: {  	v51 =	vld [tilespmem:s2+$0x4650];
	v5 =	vsub.f32 v7, v5;
	v50 =	vsub.f32 v47, v12  }
0x429: {  	v52 =	vld [tilespmem:s2+$0xC650];
	v4 =	vadd.f32 v13, v4  }
0x42a: {  	v53 =	vld [tilespmem:s2+$0x4660];
	v5 =	vand.u32 $0x7FFFFFFF, v5;
	v6 =	vsub.f32 v6, v14;
	v7 =	vand.u32 $0x7FFFFFFF, v50  }
0x42b: {  	v54 =	vld [tilespmem:s2+$0xC660];
	v5 =	vadd.f32 v7, v5  }
0x42c: {  	v56 =	vld [tilespmem:s2+$0x4670];
	v55 =	vadd.f32 v49, v48;
	v3 =	vsub.f32 v4, v3;
	v6 =	vand.u32 $0x7FFFFFFF, v6  }
0x42d: {  	v57 =	vld [tilespmem:s2+$0xC670];
	v5 =	vadd.f32 v6, v5  }
0x42e: {  	v58 =	vadd.f32 v52, v51;
	v2 =	vsub.f32 v55, v2;
	v3 =	vand.u32 $0x7FFFFFFF, v3  }
0x42f: {  	v59 =	vld [tilespmem:s2+$0x14670];
	v3 =	vadd.f32 v3, v5  }
0x430: {  	v60 =	vadd.f32 v54, v53;
	v1 =	vsub.f32 v58, v1;
	v2 =	vand.u32 $0x7FFFFFFF, v2  }
0x431: {  	v2 =	vadd.f32 v2, v3  }
0x432: {  	v61 =	vadd.f32 v57, v56;
	v0 =	vsub.f32 v60, v0;
	v1 =	vand.u32 $0x7FFFFFFF, v1  }
0x433: {  	v1 =	vadd.f32 v1, v2  }
0x434: {  	v62 =	vsub.f32 v61, v59;
	v0 =	vand.u32 $0x7FFFFFFF, v0  }
0x435: {  	v0 =	vadd.f32 v0, v1  }
0x436: {  	v63 =	vand.u32 $0x7FFFFFFF, v62  }
0x437: {  	v0 =	vadd.f32 v63, v0  }
0x438: {  	s0 =	sadd.s32 $0x10, s0  }
0x439: {  	p0 =	por $0x1, $0x1;
	[tilespmem:s0+$0x0] =	vst v0  }
.LBB2_24:
0x43a: {  	s0 =	sshll.u32 s30, $0x8  }
0x43b: {  	s0 =	sand.u32 $0x3FFFFF00, s0  }
0x43c: {  	v0 =	vld [tilespmem:s0+$0x18600]  }
0x43d: {  	v1 =	vld [tilespmem:s0+$0x18610]  }
0x43e: {  	v2 =	vld [tilespmem:s0+$0x18620]  }
0x43f: {  	v3 =	vld [tilespmem:s0+$0x18630]  }
0x440: {  	v4 =	vld [tilespmem:s0+$0x18640]  }
0x441: {  	v37 =	vld [tilespmem:s0+$0x18650];
	(xrf2) =	vadd.scan.msk.f32 $0xffff, v0  }
0x442: {  	v38 =	vld [tilespmem:s0+$0x18660];
	(xrf2) =	vadd.scan.msk.f32 $0xffff, v1  }
0x443: {  	v39 =	vld [tilespmem:s0+$0x18670];
	(xrf2) =	vadd.scan.msk.f32 $0xffff, v2  }
0x444: {  	v40 =	vld [tilespmem:s0+$0x18680];
	(xrf2) =	vadd.scan.msk.f32 $0xffff, v3  }
0x445: {  	v41 =	vld [tilespmem:s0+$0x18690];
	(xrf2) =	vadd.scan.msk.f32 $0xffff, v4  }
0x446: {  	v42 =	vld [tilespmem:s0+$0x186A0];
	(xrf2) =	vadd.scan.msk.f32 $0xffff, v37  }
0x447: {  	v43 =	vld [tilespmem:s0+$0x186B0];
	(xrf2) =	vadd.scan.msk.f32 $0xffff, v38  }
0x448: {  	v44 =	vld [tilespmem:s0+$0x186C0];
	(xrf2) =	vadd.scan.msk.f32 $0xffff, v39  }
0x449: {  	v45 =	vld [tilespmem:s0+$0x186D0];
	(xrf2) =	vadd.scan.msk.f32 $0xffff, v40  }
0x44a: {  	v46 =	vld [tilespmem:s0+$0x186E0];
	(xrf2) =	vadd.scan.msk.f32 $0xffff, v41  }
0x44b: {  	v47 =	vld [tilespmem:s0+$0x186F0];
	v5, _, _ =	vpop (xrf2);
	(xrf2) =	vadd.scan.msk.f32 $0xffff, v42  }
0x44c: {  	(v2sf) =	vpush v5, $0xF;
	v48, _, _ =	vpop (xrf2);
	(xrf2) =	vadd.scan.msk.f32 $0xffff, v43  }
0x44d: {  	(v2sf) =	vpush v48, $0xF;
	v49, _, _ =	vpop (xrf2);
	(xrf2) =	vadd.scan.msk.f32 $0xffff, v44  }
0x44e: {  	(v2sf) =	vpush v49, $0xF;
	v50, _, _ =	vpop (xrf2);
	(xrf2) =	vadd.scan.msk.f32 $0xffff, v45  }
0x44f: {  	(v2sf) =	vpush v50, $0xF;
	v51, _, _ =	vpop (xrf2);
	(xrf2) =	vadd.scan.msk.f32 $0xffff, v46  }
0x450: {  	(v2sf) =	vpush v51, $0xF;
	v52, _, _ =	vpop (xrf2);
	(xrf2) =	vadd.scan.msk.f32 $0xffff, v47  }
0x451: {  	v53, _, _ =	vpop (xrf2);
	(v2sf) =	vpush v52, $0xF  }
0x452: {  	v54, _, _ =	vpop (xrf2);
	(v2sf) =	vpush v53, $0xF  }
0x453: {  	v55, _, _ =	vpop (xrf2);
	(v2sf) =	vpush v54, $0xF  }
0x454: {  	v56, _, _ =	vpop (xrf2);
	(v2sf) =	vpush v55, $0xF  }
0x455: {  	v57, _, _ =	vpop (xrf2);
	(v2sf) =	vpush v56, $0xF  }
0x456: {  	v58, _, _ =	vpop (xrf2);
	(v2sf) =	vpush v57, $0xF  }
0x457: {  	v59, _, _ =	vpop (xrf2);
	(v2sf) =	vpush v58, $0xF  }
0x458: {  	v60, _, _ =	vpop (xrf2);
	(v2sf) =	vpush v59, $0xF  }
0x459: {  	v61, _, _ =	vpop (xrf2);
	(v2sf) =	vpush v60, $0xF  }
0x45a: {  	(v2sf) =	vpush v61, $0xF;
	v62, _, _ =	vpop (xrf2)  }
0x45b: {  	s25 =	spop (v2sf);
	(v2sf) =	vpush v62, $0xF  }
0x45c: {  	s2 =	spop (v2sf)  }
0x45d: {  	s5 =	spop (v2sf)  }
0x45e: {  	s6 =	spop (v2sf)  }
0x45f: {  	s7 =	spop (v2sf)  }
0x460: {  	s8 =	spop (v2sf)  }
0x461: {  	s9 =	spop (v2sf)  }
0x462: {  	s10 =	spop (v2sf)  }
0x463: {  	s11 =	spop (v2sf)  }
0x464: {  	s14 =	spop (v2sf)  }
0x465: {  	s15 =	spop (v2sf)  }
0x466: {  	s16 =	spop (v2sf)  }
0x467: {  	s19 =	spop (v2sf)  }
0x468: {  	s21 =	spop (v2sf)  }
0x469: {  	s23 =	spop (v2sf)  }
0x46a: {  	s24 =	spop (v2sf)  }
0x46b: {  	s24 =	ssub.f32 $1.200000000e+01, s24  }
0x46c: {  	s0 =	ssub.f32 $1.200000000e+01, s25  }
0x46d: {  	s2 =	ssub.f32 $1.200000000e+01, s2;
	v63 =	vmov s24  }
0x46e: {  	s5 =	ssub.f32 $1.200000000e+01, s5;
	v0 =	vsel vm0, s0, v63  }
0x46f: {  	s6 =	ssub.f32 $1.200000000e+01, s6;
	v0 =	vsel vm1, s2, v0  }
0x470: {  	s7 =	ssub.f32 $1.200000000e+01, s7;
	v0 =	vsel vm2, s5, v0  }
0x471: {  	s8 =	ssub.f32 $1.200000000e+01, s8;
	v0 =	vsel vm3, s6, v0  }
0x472: {  	s9 =	ssub.f32 $1.200000000e+01, s9;
	v0 =	vsel vm4, s7, v0  }
0x473: {  	s10 =	ssub.f32 $1.200000000e+01, s10;
	v0 =	vsel vm5, s8, v0  }
0x474: {  	s11 =	ssub.f32 $1.200000000e+01, s11;
	v0 =	vsel vm6, s9, v0  }
0x475: {  	s14 =	ssub.f32 $1.200000000e+01, s14;
	v0 =	vsel vm7, s10, v0  }
0x476: {  	s15 =	ssub.f32 $1.200000000e+01, s15;
	v0 =	vsel vm8, s11, v0  }
0x477: {  	s16 =	ssub.f32 $1.200000000e+01, s16;
	v0 =	vsel vm9, s14, v0  }
0x478: {  	p1 =	por p0, p0;
	s19 =	ssub.f32 $1.200000000e+01, s19;
	v0 =	vsel vm10, s15, v0  }
.Ltmp11:
0x479: {  	s21 =	ssub.f32 $1.200000000e+01, s21;
	v0 =	vsel vm11, s16, v0;
	(pc) =	sbr.rel @p1 .LBB2_24-.Ltmp11, $4  }
0x47a: {  	s24 =	ssub.f32 $1.200000000e+01, s23;
	v0 =	vsel vm12, s19, v0  }
0x47b: {  	s25 =	sshll.u32 s30, $0x4;
	v0 =	vsel vm13, s21, v0  }
0x47c: {  	s0 =	sand.u32 $0x3FFFFFF0, s25;
	v0 =	vsel vm14, s24, v0  }
0x47d: {  	p0 =	por $0x0, $0x0;
	s30 =	simm.s32 $0x1;
	[tilespmem:s0+$0x18FE0] =	vst v0  }
0x47e: {  	s0 =	rddreg [dreg:$0x8];
	s2 =	simm.s32 $0x18E00  }
0x47f: {  	[hbm4b:s0+s4] =	stream.linear.scatter [tilespmem:s2], [sflag:$0x3], $0x200, $0x38;
	[tilespmem:$0x19000] =	vst v63  }
0x480: {  	_ =	swait.ge [sflag:s28], $0x200  }
0x481: {  	s29 =	sadd.s32 $0x1, s29;
	s30 =	rddreg [dreg:$0x9]  }
0x482: {  	p0 =	sne.s32 s29, s30  }
.Ltmp12:
0x483: {  	_ = 	snop;
	(pc) =	sbr.rel @p0 .LBB2_1-.Ltmp12, $3  }
0x484: {  	_ =	sdelay $0x1  }
0x485: {  	[sflag:s28] =	ssyncset.done $0x0  }
0x486: {  	[sflag:s28] =	ssyncadd.s32 $0xFFFFFE00  }
0x487: {  	_ =	sfence.sel $0x180000  }
0x488: {  	[bflag:$0x0] =	sbarrier.arrive $0xFFFF  }
0x489: {  	_ =	strace $0x90000047  }
0x48a: {  	s0 =	stileid.u32;
	[bflag:$0x2] =	sbarrier.arrive $0xFFFF  }
0x48b: {  	p0 =	sne.s32 s0, $0x0;
	s0 =	rddreg [dreg:$0x4]  }
0x48c: {  	s0 =	sadd.s32 @!p0 $0x100000, s0  }
0x48d: {  	[sflag:s0] =	ssyncadd.tile.s32 @!p0 $0x1;
	_ =	shalt  }
.Lfunc_end2:
_tile_overlayer_lowered:
.L_overlay_start_2:
0x48e: {  	(tag) =	ssettag $0x2  }
0x48f: {  	s0 =	rddreg [dreg:$0x0];
	s2 =	stileid.u32  }
0x490: {  	s1 =	rddreg [dreg:$0x1];
	p0 =	sne.s32 s2, $0x0  }
0x491: {  	s3 =	rddreg [dreg:$0x2];
	[bflag:$0x3] =	sbarrier.arrive $0xFFFF;
	s2 =	simm.s32 @!p0 $0x1C03  }
0x492: {  	[timem:s3], [sflag:s2] =	dma.local @!p0 [hbm:s0], s1  }
0x493: {  	s0 =	simm.s32 @!p0 $0x3  }
0x494: {  	_ =	swait.ge @!p0 [sflag:s0], s1  }
0x495: {  	s1 =	ssub.s32 @!p0 $0x0, s1;
	[sflag:s0] =	ssyncset.done @!p0 $0x0  }
0x496: {  	[sflag:s0] =	ssyncadd.s32 @!p0 s1  }
0x497: {  	[bflag:$0x3] =	sbarrier.arrive $0xFFFF  }
0x498: {  	_ =	shalt  }

</sc_bundles>
